<compile_context>
chip_gen: v7x
topology: tpu7x:2x2x1
jax: 0.10.2.dev20260603
libtpu: 0.0.44.dev20260713+nightly
codegen_flags: <defaults>
</compile_context>

<pallas_src>
import functools

import jax
import jax.numpy as jnp
from jax import lax
from jax.experimental import pallas as pl
from jax.experimental.pallas import tpu as pltpu
from jax.experimental.pallas import tpu_sc as plsc

N = 10000
E = 320000
NC = 2
NS = 16
NW = NC * NS
EPW = E // NW
CH = 80
NCH = EPW // CH
SG = 25
NSG = NCH // SG
SGR = SG * CH
NPS = N // NS
E4 = E // 4

_MESH = plsc.VectorSubcoreMesh(core_axis_name="c", subcore_axis_name="s")
_SC_PARAMS = pltpu.CompilerParams(use_tc_tiling_on_sc=False)



def _make_gather(n_tab):

  @functools.partial(
      pl.kernel,
      out_type=[jax.ShapeDtypeStruct((E, 32), jnp.float32)] * n_tab,
      mesh=_MESH,
      compiler_params=_SC_PARAMS,
      scratch_types=(
          [pltpu.VMEM((NCH, CH), jnp.int32)] * n_tab
          + [pltpu.VMEM((SGR, 32), jnp.float32), pltpu.SemaphoreType.DMA]
      ),
  )
  def gather_kernel(*refs):
    tabs = refs[0:n_tab]
    idxs_hbm = refs[n_tab:2 * n_tab]
    outs = refs[2 * n_tab:3 * n_tab]
    idx_vs = refs[3 * n_tab:4 * n_tab]
    rows_v = refs[4 * n_tab]
    sem = refs[4 * n_tab + 1]

    cid = lax.axis_index("c")
    sid = lax.axis_index("s")
    wid = cid * NS + sid

    for t in range(n_tab):
      pltpu.sync_copy(idxs_hbm[t].at[wid], idx_vs[t])

    for t in range(n_tab):
      @pl.loop(0, NSG)
      def _super(s, t=t):
        @pl.loop(0, SG)
        def _fire(c):
          pltpu.async_copy(
              tabs[t].at[idx_vs[t].at[s * SG + c]],
              rows_v.at[pl.ds(c * CH, CH)],
              sem,
          )
        pltpu.make_async_copy(tabs[t].at[pl.ds(0, SGR)], rows_v, sem).wait()
        pltpu.sync_copy(rows_v, outs[t].at[pl.ds(wid * EPW + s * SGR, SGR)])

  return gather_kernel


_gather1 = _make_gather(1)
_gather2 = _make_gather(2)



@functools.partial(
    pl.kernel,
    out_type=[
        jax.ShapeDtypeStruct((NC, N, 32), jnp.float32),
        jax.ShapeDtypeStruct((NC, N, 16), jnp.float32),
    ],
    mesh=_MESH,
    compiler_params=_SC_PARAMS,
    scratch_types=[
        pltpu.VMEM((SG, CH), jnp.int32),
        pltpu.VMEM((SGR, 32), jnp.float32),
        pltpu.VMEM((SGR, 16), jnp.float32),
        pltpu.VMEM_SHARED((N, 32), jnp.float32),
        pltpu.VMEM_SHARED((N, 16), jnp.float32),
        pltpu.SemaphoreType.DMA,
    ],
)
def _scatter_add(m_hbm, dsti_hbm, sums_hbm, cnts_hbm,
                 idx_v, rows_v, ones_v, acc, acc_c, sem):
  cid = lax.axis_index("c")
  sid = lax.axis_index("s")
  wid = cid * NS + sid

  z16 = jnp.zeros((16,), jnp.float32)
  o16 = jnp.ones((16,), jnp.float32)

  @pl.loop(0, NPS)
  def _zero(i):
    rows_v[i, pl.ds(0, 16)] = z16
    rows_v[i, pl.ds(16, 16)] = z16
    ones_v[i, pl.ds(0, 16)] = z16

  pltpu.sync_copy(rows_v.at[pl.ds(0, NPS)], acc.at[pl.ds(sid * NPS, NPS)])
  pltpu.sync_copy(ones_v.at[pl.ds(0, NPS)], acc_c.at[pl.ds(sid * NPS, NPS)])

  @pl.loop(0, SGR)
  def _ones(i):
    ones_v[i, pl.ds(0, 16)] = o16

  plsc.subcore_barrier()

  @pl.loop(0, NSG)
  def _super(s):
    pltpu.sync_copy(dsti_hbm.at[wid, pl.ds(s * SG, SG)], idx_v)
    pltpu.sync_copy(m_hbm.at[pl.ds(wid * EPW + s * SGR, SGR)], rows_v)

    @pl.loop(0, SG)
    def _fire(c):
      irow = idx_v.at[c]
      pltpu.async_copy(rows_v.at[pl.ds(c * CH, CH)], acc.at[irow], sem,
                       add=True)
      pltpu.async_copy(ones_v.at[pl.ds(c * CH, CH)], acc_c.at[irow], sem,
                       add=True)
    pltpu.make_async_copy(m_hbm.at[pl.ds(0, SGR)], rows_v, sem).wait()
    pltpu.make_async_copy(m_hbm.at[pl.ds(0, SGR), pl.ds(0, 16)], ones_v,
                          sem).wait()

  plsc.subcore_barrier()
  sl = pl.ds(sid * NPS, NPS)
  pltpu.sync_copy(acc.at[sl], sums_hbm.at[cid, sl])
  pltpu.sync_copy(acc_c.at[sl], cnts_hbm.at[cid, sl])



def _node_pre_body(x_ref, mem_ref, w1x_ref, w1m_ref, b1_ref, o_ref):
  o_ref[...] = (
      jnp.dot(x_ref[...], w1x_ref[...], preferred_element_type=jnp.float32)
      + jnp.dot(mem_ref[...], w1m_ref[...], preferred_element_type=jnp.float32)
      + b1_ref[...]
  )


def _node_pre(x, mem, w1x, w1m, b1):
  bn = 2000
  return pl.pallas_call(
      _node_pre_body,
      grid=(N // bn,),
      in_specs=[
          pl.BlockSpec((bn, 128), lambda i: (i, 0)),
          pl.BlockSpec((bn, 32), lambda i: (i, 0)),
          pl.BlockSpec((128, 32), lambda i: (0, 0)),
          pl.BlockSpec((32, 32), lambda i: (0, 0)),
          pl.BlockSpec((1, 32), lambda i: (0, 0)),
      ],
      out_specs=pl.BlockSpec((bn, 32), lambda i: (i, 0)),
      out_shape=jax.ShapeDtypeStruct((N, 32), jnp.float32),
  )(x, mem, w1x, w1m, b1)


BE4 = 3200


def _edge_mlp_body(g_ref, ea_ref, w1e_ref, w2_ref, b2_ref, w3_ref, b3_ref,
                   o_ref):
  ew = jnp.dot(ea_ref[...], w1e_ref[...], preferred_element_type=jnp.float32)
  t = jnp.maximum(g_ref[...] + ew, 0.0)
  t = jnp.dot(t, w2_ref[...], preferred_element_type=jnp.float32) + b2_ref[...]
  t = jnp.maximum(t, 0.0)
  o_ref[...] = (
      jnp.dot(t, w3_ref[...], preferred_element_type=jnp.float32) + b3_ref[...]
  )


def _edge_mlp(g4, ea4p, w1e_bd, w2_bd, b2_4, w3_bd, b3_4):
  return pl.pallas_call(
      _edge_mlp_body,
      grid=(E4 // BE4,),
      in_specs=[
          pl.BlockSpec((BE4, 128), lambda i: (i, 0)),
          pl.BlockSpec((BE4, 128), lambda i: (i, 0)),
          pl.BlockSpec((128, 128), lambda i: (0, 0)),
          pl.BlockSpec((128, 128), lambda i: (0, 0)),
          pl.BlockSpec((1, 128), lambda i: (0, 0)),
          pl.BlockSpec((128, 128), lambda i: (0, 0)),
          pl.BlockSpec((1, 128), lambda i: (0, 0)),
      ],
      out_specs=pl.BlockSpec((BE4, 128), lambda i: (i, 0)),
      out_shape=jax.ShapeDtypeStruct((E4, 128), jnp.float32),
  )(g4, ea4p, w1e_bd, w2_bd, b2_4, w3_bd, b3_4)


def _node_upd_body(p0_ref, p1_ref, c0_ref, c1_ref, x_ref, mem_ref,
                   wux_ref, wum_ref, wua_ref, bu_ref,
                   wca_ref, wcb_ref, bc1_ref, ha_ref, hb_ref):
  cnt = jnp.maximum(c0_ref[...] + c1_ref[...], 1.0)
  agg = (p0_ref[...] + p1_ref[...]) / cnt
  h = (
      jnp.dot(x_ref[...], wux_ref[...], preferred_element_type=jnp.float32)
      + jnp.dot(mem_ref[...], wum_ref[...], preferred_element_type=jnp.float32)
      + jnp.dot(agg, wua_ref[...], preferred_element_type=jnp.float32)
      + bu_ref[...]
  )
  h = jnp.maximum(h, 0.0)
  ha_ref[...] = (
      jnp.dot(h, wca_ref[...], preferred_element_type=jnp.float32)
      + bc1_ref[...]
  )
  hb_ref[...] = jnp.dot(h, wcb_ref[...], preferred_element_type=jnp.float32)


def _node_upd(p0, p1, c0, c1, x, mem, wux, wum, wua, bu, wca, wcb, bc1):
  bn = 2000
  return pl.pallas_call(
      _node_upd_body,
      grid=(N // bn,),
      in_specs=[
          pl.BlockSpec((bn, 32), lambda i: (i, 0)),
          pl.BlockSpec((bn, 32), lambda i: (i, 0)),
          pl.BlockSpec((bn, 1), lambda i: (i, 0)),
          pl.BlockSpec((bn, 1), lambda i: (i, 0)),
          pl.BlockSpec((bn, 128), lambda i: (i, 0)),
          pl.BlockSpec((bn, 32), lambda i: (i, 0)),
          pl.BlockSpec((128, 32), lambda i: (0, 0)),
          pl.BlockSpec((32, 32), lambda i: (0, 0)),
          pl.BlockSpec((32, 32), lambda i: (0, 0)),
          pl.BlockSpec((1, 32), lambda i: (0, 0)),
          pl.BlockSpec((32, 32), lambda i: (0, 0)),
          pl.BlockSpec((32, 32), lambda i: (0, 0)),
          pl.BlockSpec((1, 32), lambda i: (0, 0)),
      ],
      out_specs=[
          pl.BlockSpec((bn, 32), lambda i: (i, 0)),
          pl.BlockSpec((bn, 32), lambda i: (i, 0)),
      ],
      out_shape=[
          jax.ShapeDtypeStruct((N, 32), jnp.float32),
          jax.ShapeDtypeStruct((N, 32), jnp.float32),
      ],
  )(p0, p1, c0, c1, x, mem, wux, wum, wua, bu, wca, wcb, bc1)


def _head_body(a_ref, b_ref, wc2_ref, bc2_ref, o_ref):
  z = jnp.maximum(a_ref[...] + b_ref[...], 0.0)
  o_ref[...] = jax.nn.sigmoid(
      jnp.dot(z, wc2_ref[...], preferred_element_type=jnp.float32)
      + bc2_ref[0, 0]
  )


def _head(a4, b4, wc2_bd, bc2):
  bg4 = 3200
  return pl.pallas_call(
      _head_body,
      grid=(E4 // bg4,),
      in_specs=[
          pl.BlockSpec((bg4, 128), lambda i: (i, 0)),
          pl.BlockSpec((bg4, 128), lambda i: (i, 0)),
          pl.BlockSpec((128, 4), lambda i: (0, 0)),
          pl.BlockSpec((1, 1), lambda i: (0, 0)),
      ],
      out_specs=pl.BlockSpec((bg4, 4), lambda i: (i, 0)),
      out_shape=jax.ShapeDtypeStruct((E4, 4), jnp.float32),
  )(a4, b4, wc2_bd, bc2)



def kernel(x, edge_index, edge_attr, y, memory,
           W1, b1, W2, b2, W3, b3, Wu, bu, Wc1, bc1, Wc2, bc2):
  del y
  src_r = edge_index[0].reshape(NW, NCH, CH)
  dst_r = edge_index[1].reshape(NW, NCH, CH)
  ea4p = jnp.concatenate(
      [edge_attr, jnp.zeros((E, 16), jnp.float32)], axis=1).reshape(E4, 128)

  eye4 = jnp.eye(4, dtype=jnp.float32)
  w1e_ext = jnp.concatenate([W1[160:176], jnp.zeros((16, 32), jnp.float32)])
  w1e_bd = jnp.kron(eye4, w1e_ext)
  w2_bd = jnp.kron(eye4, W2)
  w3_bd = jnp.kron(eye4, W3)
  b2_4 = jnp.tile(b2, 4).reshape(1, 128)
  b3_4 = jnp.tile(b3, 4).reshape(1, 128)
  wc2_bd = jnp.kron(eye4, Wc2)

  b1r = b1.reshape(1, 32)
  bur = bu.reshape(1, 32)
  bc1r = bc1.reshape(1, 32)
  bc2r = bc2.reshape(1, 1)

  node_pre = _node_pre(x, memory, W1[:128], W1[128:160], b1r)
  (g_src,) = _gather1(node_pre, src_r)
  m4 = _edge_mlp(g_src.reshape(E4, 128), ea4p,
                 w1e_bd, w2_bd, b2_4, w3_bd, b3_4)
  sums, cnts = _scatter_add(m4.reshape(E, 32), dst_r)
  ha, hb = _node_upd(
      sums[0], sums[1], cnts[0, :, 0:1], cnts[1, :, 0:1],
      x, memory, Wu[:128], Wu[128:160], Wu[160:192], bur,
      Wc1[:32], Wc1[32:64], bc1r,
  )
  a_src, b_dst = _gather2(ha, hb, src_r, dst_r)
  out4 = _head(a_src.reshape(E4, 128), b_dst.reshape(E4, 128), wc2_bd, bc2r)
  return out4.reshape(E, 1)

# --- scband reference (transcript-rebuilt; emitter-appended) ---
"""Pipeline reference for scband-tgnlink-predictor-43885975831025 (READ-ONLY COPY).

The authoritative reference and input builder live on the scoring server;
editing this copy changes nothing except your own understanding.
"""

import jax, jax.numpy as jnp
import numpy as np

N = 10000
E = 320000
D_FEAT = 128
D_EDGE = 16
MEM_DIM = 32
MSG_DIM = 32
H_DIM = 32


def setup_inputs(seed: int = 0) -> dict:
    key = jax.random.key(seed)
    ks = jax.random.split(key, 20)
    x = jax.random.normal(ks[0], (N, D_FEAT), dtype=jnp.float32)
    edge_index = jax.random.randint(ks[1], (2, E), 0, N, dtype=jnp.int32)
    edge_attr = jax.random.normal(ks[2], (E, D_EDGE), dtype=jnp.float32)
    y = jax.random.uniform(ks[3], (E,), dtype=jnp.float32)
    memory = jax.random.normal(ks[4], (N, MEM_DIM), dtype=jnp.float32)
    msg_in = D_FEAT + MEM_DIM + D_EDGE  # 176: [x_src, mem_src, edge_attr]
    upd_in = D_FEAT + MEM_DIM + MSG_DIM  # 192: [x, mem, agg]
    s = 0.1
    W1 = jax.random.normal(ks[5], (msg_in, 32), dtype=jnp.float32) * s
    b1 = jnp.zeros((32,), jnp.float32)
    W2 = jax.random.normal(ks[6], (32, 32), dtype=jnp.float32) * s
    b2 = jnp.zeros((32,), jnp.float32)
    W3 = jax.random.normal(ks[7], (32, MSG_DIM), dtype=jnp.float32) * s
    b3 = jnp.zeros((MSG_DIM,), jnp.float32)
    Wu = jax.random.normal(ks[8], (upd_in, H_DIM), dtype=jnp.float32) * s
    bu = jnp.zeros((H_DIM,), jnp.float32)
    Wc1 = jax.random.normal(ks[9], (2 * H_DIM, 32), dtype=jnp.float32) * s
    bc1 = jnp.zeros((32,), jnp.float32)
    Wc2 = jax.random.normal(ks[10], (32, 1), dtype=jnp.float32) * s
    bc2 = jnp.zeros((1,), jnp.float32)
    return {"x": x, "edge_index": edge_index, "edge_attr": edge_attr, "y": y,
            "memory": memory, "W1": W1, "b1": b1, "W2": W2, "b2": b2,
            "W3": W3, "b3": b3, "Wu": Wu, "bu": bu,
            "Wc1": Wc1, "bc1": bc1, "Wc2": Wc2, "bc2": bc2}


def reference(x, edge_index, edge_attr, y, memory,
              W1, b1, W2, b2, W3, b3, Wu, bu, Wc1, bc1, Wc2, bc2):
    src = edge_index[0]
    dst = edge_index[1]
    # TGNN: message MLP (mlp_hidden_dims=[32,32], message_dim=32) over [x_src, mem_src, edge_attr]
    msg_in = jnp.concatenate([jnp.take(x, src, axis=0),
                              jnp.take(memory, src, axis=0),
                              edge_attr], axis=1)
    m = jax.nn.relu(msg_in @ W1 + b1)
    m = jax.nn.relu(m @ W2 + b2)
    m = m @ W3 + b3
    # aggregator='mean': scatter-add messages to dst then divide by degree
    sums = jax.ops.segment_sum(m, dst, num_segments=N)
    cnt = jax.ops.segment_sum(jnp.ones((E, 1), jnp.float32), dst, num_segments=N)
    agg = sums / jnp.maximum(cnt, 1.0)
    # node update -> h: [N, 32]
    h = jax.nn.relu(jnp.concatenate([x, memory, agg], axis=1) @ Wu + bu)
    # link predictor head
    h_src = jnp.take(h, src, axis=0)
    h_dst = jnp.take(h, dst, axis=0)
    h_combined = jnp.concatenate([h_src, h_dst], axis=1)
    z = jax.nn.relu(h_combined @ Wc1 + bc1)
    out = jax.nn.sigmoid(z @ Wc2 + bc2)
    return out

if __name__ == "__main__":
    import jax
    _d = setup_inputs()
    print(jax.jit(kernel)(*tuple(_d.values())))

</pallas_src>

<mosaic_0001>
#map = affine_map<(d0, d1) -> (0, 0)>
#map1 = affine_map<(d0, d1) -> (0, 0, 0)>
module attributes {stable_mosaic.version = 14 : i64} {
  func.func @gather_kernel(%arg0: i32, %arg1: i32, %arg2: memref<10000x32xf32, #tpu.memory_space<hbm>>, %arg3: memref<32x125x80xi32, #tpu.memory_space<hbm>>, %arg4: memref<320000x32xf32, #tpu.memory_space<hbm>>, %arg5: memref<125x80xi32, #tpu.memory_space<vmem>>, %arg6: memref<2000x32xf32, #tpu.memory_space<vmem>>, %arg7: memref<!tpu.dma_semaphore, #tpu.memory_space<semaphore_mem>>) attributes {dimension_semantics = [#tpu.dimension_semantics<core_parallel>, #tpu.dimension_semantics<subcore_parallel>], iteration_bounds = array<i64: 2, 16>, scalar_prefetch = 0 : i64, scratch_operands = 3 : i64, tpu.core_type = #tpu.core_type<sc_vector_subcore>, window_params = [{transform_indices = #map}, {transform_indices = #map1}, {transform_indices = #map}]} {
    %mul3A = arith.constant 16 : i32
    %mul3A_0 = arith.muli %arg0, %mul3A : i32
    %add3A = arith.addi %mul3A_0, %arg1 : i32
    "tpu.region"() ({
      %run_scoped3A = tpu.sem_alloc : memref<!tpu.dma_semaphore, #tpu.memory_space<semaphore_mem>>
      %dma_start3A = arith.constant 0 : i32
      %dma_start3A_5 = arith.constant 0 : i32
      %dma_start3A_6 = tpu.memref_slice %arg3[%add3A, %dma_start3A, %dma_start3A_5] : memref<32x125x80xi32, #tpu.memory_space<hbm>> -> memref<1x125x80xi32, #tpu.memory_space<hbm>>
      %dma_start3A_7 = tpu.memref_squeeze %dma_start3A_6 : memref<1x125x80xi32, #tpu.memory_space<hbm>> -> memref<125x80xi32, #tpu.memory_space<hbm>>
      %dma_start3A_8 = arith.constant 0 : i32
      %dma_start3A_9 = arith.constant 0 : i32
      %dma_start3A_10 = tpu.memref_slice %arg3[%add3A, %dma_start3A_8, %dma_start3A_9] : memref<32x125x80xi32, #tpu.memory_space<hbm>> -> memref<1x125x80xi32, #tpu.memory_space<hbm>>
      %dma_start3A_11 = tpu.memref_squeeze %dma_start3A_10 : memref<1x125x80xi32, #tpu.memory_space<hbm>> -> memref<125x80xi32, #tpu.memory_space<hbm>>
      tpu.enqueue_dma source(%dma_start3A_11 : memref<125x80xi32, #tpu.memory_space<hbm>>) target(%arg5 : memref<125x80xi32, #tpu.memory_space<vmem>>) target_semaphore(%run_scoped3A : memref<!tpu.dma_semaphore, #tpu.memory_space<semaphore_mem>>)
      %dma_wait3A = arith.constant 0 : i32
      %dma_wait3A_12 = arith.constant 0 : i32
      %dma_wait3A_13 = tpu.memref_slice %arg3[%add3A, %dma_wait3A, %dma_wait3A_12] : memref<32x125x80xi32, #tpu.memory_space<hbm>> -> memref<1x125x80xi32, #tpu.memory_space<hbm>>
      %dma_wait3A_14 = tpu.memref_squeeze %dma_wait3A_13 : memref<1x125x80xi32, #tpu.memory_space<hbm>> -> memref<125x80xi32, #tpu.memory_space<hbm>>
      %dma_wait3A_15 = arith.constant 0 : i32
      %dma_wait3A_16 = arith.constant 0 : i32
      %dma_wait3A_17 = tpu.memref_slice %arg3[%add3A, %dma_wait3A_15, %dma_wait3A_16] : memref<32x125x80xi32, #tpu.memory_space<hbm>> -> memref<1x125x80xi32, #tpu.memory_space<hbm>>
      %dma_wait3A_18 = tpu.memref_squeeze %dma_wait3A_17 : memref<1x125x80xi32, #tpu.memory_space<hbm>> -> memref<125x80xi32, #tpu.memory_space<hbm>>
      tpu.wait_dma2 semaphore(%run_scoped3A : memref<!tpu.dma_semaphore, #tpu.memory_space<semaphore_mem>>) src(%dma_wait3A_18 : memref<125x80xi32, #tpu.memory_space<hbm>>) dst(%arg5 : memref<125x80xi32, #tpu.memory_space<vmem>>)
      tpu.yield
    }) : () -> ()
    %scan3A = arith.constant 0 : i32
    %scan3A_1 = arith.constant 5 : i32
    %scan3A_2 = arith.addi %scan3A, %scan3A_1 : i32
    %scan3A_3 = arith.constant 1 : i32
    scf.for %scan3A_5 = %scan3A to %scan3A_2 step %scan3A_3  : i32 {
      %mul3A_6 = arith.constant 1 : i32
      %mul3A_7 = arith.muli %scan3A_5, %mul3A_6 : i32
      %add3A_8 = arith.constant 0 : i32
      %add3A_9 = arith.addi %add3A_8, %mul3A_7 : i32
      %scan3A_10 = arith.constant 0 : i32
      %scan3A_11 = arith.constant 25 : i32
      %scan3A_12 = arith.addi %scan3A_10, %scan3A_11 : i32
      %scan3A_13 = arith.constant 1 : i32
      scf.for %scan3A_25 = %scan3A_10 to %scan3A_12 step %scan3A_13  : i32 {
        %mul3A_26 = arith.constant 1 : i32
        %mul3A_27 = arith.muli %scan3A_25, %mul3A_26 : i32
        %add3A_28 = arith.constant 0 : i32
        %add3A_29 = arith.addi %add3A_28, %mul3A_27 : i32
        %mul3A_30 = arith.constant 25 : i32
        %mul3A_31 = arith.muli %add3A_9, %mul3A_30 : i32
        %add3A_32 = arith.addi %mul3A_31, %add3A_29 : i32
        %mul3A_33 = arith.constant 80 : i32
        %mul3A_34 = arith.muli %add3A_29, %mul3A_33 : i32
        %dma_start3A = arith.constant 0 : i32
        %dma_start3A_35 = tpu.memref_slice %arg6[%mul3A_34, %dma_start3A] : memref<2000x32xf32, #tpu.memory_space<vmem>> -> memref<80x32xf32, #tpu.memory_space<vmem>>
        %dma_start3A_36 = arith.constant 0 : i32
        %dma_start3A_37 = tpu.memref_slice %arg5[%add3A_32, %dma_start3A_36] : memref<125x80xi32, #tpu.memory_space<vmem>> -> memref<1x80xi32, #tpu.memory_space<vmem>>
        %dma_start3A_38 = tpu.memref_squeeze %dma_start3A_37 : memref<1x80xi32, #tpu.memory_space<vmem>> -> memref<80xi32, #tpu.memory_space<vmem>>
        %dma_start3A_39 = arith.constant 0 : i32
        %dma_start3A_40 = arith.constant 0 : i32
        %dma_start3A_41 = tpu.memref_slice %arg2[%dma_start3A_39, %dma_start3A_40] : memref<10000x32xf32, #tpu.memory_space<hbm>> -> memref<10000x32xf32, #tpu.memory_space<hbm>>
        tpu.enqueue_indirect_dma source(%dma_start3A_41 : memref<10000x32xf32, #tpu.memory_space<hbm>>) target(%dma_start3A_35 : memref<80x32xf32, #tpu.memory_space<vmem>>) offsets(%dma_start3A_38 : memref<80xi32, #tpu.memory_space<vmem>>) semaphore(%arg7 : memref<!tpu.dma_semaphore, #tpu.memory_space<semaphore_mem>>)
      }
      %scan3A_14 = arith.constant 25 : i32
      %dma_wait3A = arith.constant 0 : i32
      %dma_wait3A_15 = arith.constant 0 : i32
      %dma_wait3A_16 = tpu.memref_slice %arg2[%dma_wait3A, %dma_wait3A_15] : memref<10000x32xf32, #tpu.memory_space<hbm>> -> memref<2000x32xf32, #tpu.memory_space<hbm>>
      %dma_wait3A_17 = arith.constant 0 : i32
      %dma_wait3A_18 = arith.constant 0 : i32
      %dma_wait3A_19 = tpu.memref_slice %arg2[%dma_wait3A_17, %dma_wait3A_18] : memref<10000x32xf32, #tpu.memory_space<hbm>> -> memref<2000x32xf32, #tpu.memory_space<hbm>>
      tpu.wait_dma2 semaphore(%arg7 : memref<!tpu.dma_semaphore, #tpu.memory_space<semaphore_mem>>) src(%dma_wait3A_19 : memref<2000x32xf32, #tpu.memory_space<hbm>>) dst(%arg6 : memref<2000x32xf32, #tpu.memory_space<vmem>>)
      %mul3A_20 = arith.constant 10000 : i32
      %mul3A_21 = arith.muli %add3A, %mul3A_20 : i32
      %mul3A_22 = arith.constant 2000 : i32
      %mul3A_23 = arith.muli %add3A_9, %mul3A_22 : i32
      %add3A_24 = arith.addi %mul3A_21, %mul3A_23 : i32
      "tpu.region"() ({
        %run_scoped3A = tpu.sem_alloc : memref<!tpu.dma_semaphore, #tpu.memory_space<semaphore_mem>>
        %dma_start3A = arith.constant 0 : i32
        %dma_start3A_25 = tpu.memref_slice %arg4[%add3A_24, %dma_start3A] : memref<320000x32xf32, #tpu.memory_space<hbm>> -> memref<2000x32xf32, #tpu.memory_space<hbm>>
        %dma_start3A_26 = arith.constant 0 : i32
        %dma_start3A_27 = tpu.memref_slice %arg4[%add3A_24, %dma_start3A_26] : memref<320000x32xf32, #tpu.memory_space<hbm>> -> memref<2000x32xf32, #tpu.memory_space<hbm>>
        tpu.enqueue_dma source(%arg6 : memref<2000x32xf32, #tpu.memory_space<vmem>>) target(%dma_start3A_27 : memref<2000x32xf32, #tpu.memory_space<hbm>>) target_semaphore(%run_scoped3A : memref<!tpu.dma_semaphore, #tpu.memory_space<semaphore_mem>>)
        %dma_wait3A_28 = arith.constant 0 : i32
        %dma_wait3A_29 = tpu.memref_slice %arg4[%add3A_24, %dma_wait3A_28] : memref<320000x32xf32, #tpu.memory_space<hbm>> -> memref<2000x32xf32, #tpu.memory_space<hbm>>
        %dma_wait3A_30 = arith.constant 0 : i32
        %dma_wait3A_31 = tpu.memref_slice %arg4[%add3A_24, %dma_wait3A_30] : memref<320000x32xf32, #tpu.memory_space<hbm>> -> memref<2000x32xf32, #tpu.memory_space<hbm>>
        tpu.wait_dma2 semaphore(%run_scoped3A : memref<!tpu.dma_semaphore, #tpu.memory_space<semaphore_mem>>) src(%arg6 : memref<2000x32xf32, #tpu.memory_space<vmem>>) dst(%dma_wait3A_31 : memref<2000x32xf32, #tpu.memory_space<hbm>>)
        tpu.yield
      }) : () -> ()
    }
    %scan3A_4 = arith.constant 5 : i32
    return
  }
}

#map = affine_map<(d0, d1) -> (0, 0)>
#map1 = affine_map<(d0, d1) -> (0, 0, 0)>
module attributes {stable_mosaic.version = 14 : i64} {
  func.func @_scatter_add(%arg0: i32, %arg1: i32, %arg2: memref<320000x32xf32, #tpu.memory_space<hbm>>, %arg3: memref<32x125x80xi32, #tpu.memory_space<hbm>>, %arg4: memref<2x10000x32xf32, #tpu.memory_space<hbm>>, %arg5: memref<2x10000x16xf32, #tpu.memory_space<hbm>>, %arg6: memref<25x80xi32, #tpu.memory_space<vmem>>, %arg7: memref<2000x32xf32, #tpu.memory_space<vmem>>, %arg8: memref<2000x16xf32, #tpu.memory_space<vmem>>, %arg9: memref<10000x32xf32, #tpu.memory_space<vmem_shared>>, %arg10: memref<10000x16xf32, #tpu.memory_space<vmem_shared>>, %arg11: memref<!tpu.dma_semaphore, #tpu.memory_space<semaphore_mem>>) attributes {dimension_semantics = [#tpu.dimension_semantics<core_parallel>, #tpu.dimension_semantics<subcore_parallel>], iteration_bounds = array<i64: 2, 16>, scalar_prefetch = 0 : i64, scratch_operands = 6 : i64, tpu.core_type = #tpu.core_type<sc_vector_subcore>, window_params = [{transform_indices = #map}, {transform_indices = #map1}, {transform_indices = #map1}, {transform_indices = #map1}]} {
    %mul3A = arith.constant 16 : i32
    %mul3A_0 = arith.muli %arg0, %mul3A : i32
    %add3A = arith.addi %mul3A_0, %arg1 : i32
    %broadcast_in_dim3A = arith.constant 0.000000e+00 : f32
    %broadcast_in_dim3A_1 = vector.broadcast %broadcast_in_dim3A : f32 to vector<16xf32>
    %broadcast_in_dim3A_2 = arith.constant 1.000000e+00 : f32
    %broadcast_in_dim3A_3 = vector.broadcast %broadcast_in_dim3A_2 : f32 to vector<16xf32>
    %scan3A = arith.constant 0 : i32
    %scan3A_4 = arith.constant 625 : i32
    %scan3A_5 = arith.addi %scan3A, %scan3A_4 : i32
    %scan3A_6 = arith.constant 1 : i32
    scf.for %scan3A_25 = %scan3A to %scan3A_5 step %scan3A_6  : i32 {
      %mul3A_26 = arith.constant 1 : i32
      %mul3A_27 = arith.muli %scan3A_25, %mul3A_26 : i32
      %add3A_28 = arith.constant 0 : i32
      %add3A_29 = arith.addi %add3A_28, %mul3A_27 : i32
      %swap3A = arith.index_cast %add3A_29 : i32 to index
      %swap3A_30 = arith.constant 0 : index
      %swap3A_31 = tpu.vector_load %arg7[%swap3A, %swap3A_30] {strides = array<i32>} : memref<2000x32xf32, #tpu.memory_space<vmem>>, vector<1x16xf32>,
      %swap3A_32 = vector.shape_cast %swap3A_31 : vector<1x16xf32> to vector<16xf32>
      %swap3A_33 = vector.shape_cast %broadcast_in_dim3A_1 : vector<16xf32> to vector<1x16xf32>
      tpu.vector_store %arg7[%swap3A, %swap3A_30], %swap3A_33 {strides = array<i32>} : memref<2000x32xf32, #tpu.memory_space<vmem>>, vector<1x16xf32>,
      %swap3A_34 = arith.index_cast %add3A_29 : i32 to index
      %swap3A_35 = arith.constant 16 : index
      %swap3A_36 = tpu.vector_load %arg7[%swap3A_34, %swap3A_35] {strides = array<i32>} : memref<2000x32xf32, #tpu.memory_space<vmem>>, vector<1x16xf32>,
      %swap3A_37 = vector.shape_cast %swap3A_36 : vector<1x16xf32> to vector<16xf32>
      %swap3A_38 = vector.shape_cast %broadcast_in_dim3A_1 : vector<16xf32> to vector<1x16xf32>
      tpu.vector_store %arg7[%swap3A_34, %swap3A_35], %swap3A_38 {strides = array<i32>} : memref<2000x32xf32, #tpu.memory_space<vmem>>, vector<1x16xf32>,
      %swap3A_39 = arith.index_cast %add3A_29 : i32 to index
      %swap3A_40 = arith.constant 0 : index
      %swap3A_41 = tpu.vector_load %arg8[%swap3A_39, %swap3A_40] {strides = array<i32>} : memref<2000x16xf32, #tpu.memory_space<vmem>>, vector<1x16xf32>,
      %swap3A_42 = vector.shape_cast %swap3A_41 : vector<1x16xf32> to vector<16xf32>
      %swap3A_43 = vector.shape_cast %broadcast_in_dim3A_1 : vector<16xf32> to vector<1x16xf32>
      tpu.vector_store %arg8[%swap3A_39, %swap3A_40], %swap3A_43 {strides = array<i32>} : memref<2000x16xf32, #tpu.memory_space<vmem>>, vector<1x16xf32>,
    }
    %scan3A_7 = arith.constant 625 : i32
    %mul3A_8 = arith.constant 625 : i32
    %mul3A_9 = arith.muli %arg1, %mul3A_8 : i32
    "tpu.region"() ({
      %run_scoped3A = tpu.sem_alloc : memref<!tpu.dma_semaphore, #tpu.memory_space<semaphore_mem>>
      %dma_start3A = arith.constant 0 : i32
      %dma_start3A_25 = arith.constant 0 : i32
      %dma_start3A_26 = tpu.memref_slice %arg7[%dma_start3A, %dma_start3A_25] : memref<2000x32xf32, #tpu.memory_space<vmem>> -> memref<625x32xf32, #tpu.memory_space<vmem>>
      %dma_start3A_27 = arith.constant 0 : i32
      %dma_start3A_28 = tpu.memref_slice %arg9[%mul3A_9, %dma_start3A_27] : memref<10000x32xf32, #tpu.memory_space<vmem_shared>> -> memref<625x32xf32, #tpu.memory_space<vmem_shared>>
      %dma_start3A_29 = arith.constant 0 : i32
      %dma_start3A_30 = tpu.memref_slice %arg9[%mul3A_9, %dma_start3A_29] : memref<10000x32xf32, #tpu.memory_space<vmem_shared>> -> memref<625x32xf32, #tpu.memory_space<vmem_shared>>
      %dma_start3A_31 = arith.constant 0 : i32
      %dma_start3A_32 = arith.constant 0 : i32
      %dma_start3A_33 = tpu.memref_slice %arg7[%dma_start3A_31, %dma_start3A_32] : memref<2000x32xf32, #tpu.memory_space<vmem>> -> memref<625x32xf32, #tpu.memory_space<vmem>>
      tpu.enqueue_dma source(%dma_start3A_33 : memref<625x32xf32, #tpu.memory_space<vmem>>) target(%dma_start3A_30 : memref<625x32xf32, #tpu.memory_space<vmem_shared>>) target_semaphore(%run_scoped3A : memref<!tpu.dma_semaphore, #tpu.memory_space<semaphore_mem>>)
      %dma_wait3A = arith.constant 0 : i32
      %dma_wait3A_34 = arith.constant 0 : i32
      %dma_wait3A_35 = tpu.memref_slice %arg7[%dma_wait3A, %dma_wait3A_34] : memref<2000x32xf32, #tpu.memory_space<vmem>> -> memref<625x32xf32, #tpu.memory_space<vmem>>
      %dma_wait3A_36 = arith.constant 0 : i32
      %dma_wait3A_37 = tpu.memref_slice %arg9[%mul3A_9, %dma_wait3A_36] : memref<10000x32xf32, #tpu.memory_space<vmem_shared>> -> memref<625x32xf32, #tpu.memory_space<vmem_shared>>
      %dma_wait3A_38 = arith.constant 0 : i32
      %dma_wait3A_39 = tpu.memref_slice %arg9[%mul3A_9, %dma_wait3A_38] : memref<10000x32xf32, #tpu.memory_space<vmem_shared>> -> memref<625x32xf32, #tpu.memory_space<vmem_shared>>
      %dma_wait3A_40 = arith.constant 0 : i32
      %dma_wait3A_41 = arith.constant 0 : i32
      %dma_wait3A_42 = tpu.memref_slice %arg7[%dma_wait3A_40, %dma_wait3A_41] : memref<2000x32xf32, #tpu.memory_space<vmem>> -> memref<625x32xf32, #tpu.memory_space<vmem>>
      tpu.wait_dma2 semaphore(%run_scoped3A : memref<!tpu.dma_semaphore, #tpu.memory_space<semaphore_mem>>) src(%dma_wait3A_42 : memref<625x32xf32, #tpu.memory_space<vmem>>) dst(%dma_wait3A_39 : memref<625x32xf32, #tpu.memory_space<vmem_shared>>)
      tpu.yield
    }) : () -> ()
    %mul3A_10 = arith.constant 625 : i32
    %mul3A_11 = arith.muli %arg1, %mul3A_10 : i32
    "tpu.region"() ({
      %run_scoped3A = tpu.sem_alloc : memref<!tpu.dma_semaphore, #tpu.memory_space<semaphore_mem>>
      %dma_start3A = arith.constant 0 : i32
      %dma_start3A_25 = arith.constant 0 : i32
      %dma_start3A_26 = tpu.memref_slice %arg8[%dma_start3A, %dma_start3A_25] : memref<2000x16xf32, #tpu.memory_space<vmem>> -> memref<625x16xf32, #tpu.memory_space<vmem>>
      %dma_start3A_27 = arith.constant 0 : i32
      %dma_start3A_28 = tpu.memref_slice %arg10[%mul3A_11, %dma_start3A_27] : memref<10000x16xf32, #tpu.memory_space<vmem_shared>> -> memref<625x16xf32, #tpu.memory_space<vmem_shared>>
      %dma_start3A_29 = arith.constant 0 : i32
      %dma_start3A_30 = tpu.memref_slice %arg10[%mul3A_11, %dma_start3A_29] : memref<10000x16xf32, #tpu.memory_space<vmem_shared>> -> memref<625x16xf32, #tpu.memory_space<vmem_shared>>
      %dma_start3A_31 = arith.constant 0 : i32
      %dma_start3A_32 = arith.constant 0 : i32
      %dma_start3A_33 = tpu.memref_slice %arg8[%dma_start3A_31, %dma_start3A_32] : memref<2000x16xf32, #tpu.memory_space<vmem>> -> memref<625x16xf32, #tpu.memory_space<vmem>>
      tpu.enqueue_dma source(%dma_start3A_33 : memref<625x16xf32, #tpu.memory_space<vmem>>) target(%dma_start3A_30 : memref<625x16xf32, #tpu.memory_space<vmem_shared>>) target_semaphore(%run_scoped3A : memref<!tpu.dma_semaphore, #tpu.memory_space<semaphore_mem>>)
      %dma_wait3A = arith.constant 0 : i32
      %dma_wait3A_34 = arith.constant 0 : i32
      %dma_wait3A_35 = tpu.memref_slice %arg8[%dma_wait3A, %dma_wait3A_34] : memref<2000x16xf32, #tpu.memory_space<vmem>> -> memref<625x16xf32, #tpu.memory_space<vmem>>
      %dma_wait3A_36 = arith.constant 0 : i32
      %dma_wait3A_37 = tpu.memref_slice %arg10[%mul3A_11, %dma_wait3A_36] : memref<10000x16xf32, #tpu.memory_space<vmem_shared>> -> memref<625x16xf32, #tpu.memory_space<vmem_shared>>
      %dma_wait3A_38 = arith.constant 0 : i32
      %dma_wait3A_39 = tpu.memref_slice %arg10[%mul3A_11, %dma_wait3A_38] : memref<10000x16xf32, #tpu.memory_space<vmem_shared>> -> memref<625x16xf32, #tpu.memory_space<vmem_shared>>
      %dma_wait3A_40 = arith.constant 0 : i32
      %dma_wait3A_41 = arith.constant 0 : i32
      %dma_wait3A_42 = tpu.memref_slice %arg8[%dma_wait3A_40, %dma_wait3A_41] : memref<2000x16xf32, #tpu.memory_space<vmem>> -> memref<625x16xf32, #tpu.memory_space<vmem>>
      tpu.wait_dma2 semaphore(%run_scoped3A : memref<!tpu.dma_semaphore, #tpu.memory_space<semaphore_mem>>) src(%dma_wait3A_42 : memref<625x16xf32, #tpu.memory_space<vmem>>) dst(%dma_wait3A_39 : memref<625x16xf32, #tpu.memory_space<vmem_shared>>)
      tpu.yield
    }) : () -> ()
    %scan3A_12 = arith.constant 0 : i32
    %scan3A_13 = arith.constant 2000 : i32
    %scan3A_14 = arith.addi %scan3A_12, %scan3A_13 : i32
    %scan3A_15 = arith.constant 1 : i32
    scf.for %scan3A_25 = %scan3A_12 to %scan3A_14 step %scan3A_15  : i32 {
      %mul3A_26 = arith.constant 1 : i32
      %mul3A_27 = arith.muli %scan3A_25, %mul3A_26 : i32
      %add3A_28 = arith.constant 0 : i32
      %add3A_29 = arith.addi %add3A_28, %mul3A_27 : i32
      %swap3A = arith.index_cast %add3A_29 : i32 to index
      %swap3A_30 = arith.constant 0 : index
      %swap3A_31 = tpu.vector_load %arg8[%swap3A, %swap3A_30] {strides = array<i32>} : memref<2000x16xf32, #tpu.memory_space<vmem>>, vector<1x16xf32>,
      %swap3A_32 = vector.shape_cast %swap3A_31 : vector<1x16xf32> to vector<16xf32>
      %swap3A_33 = vector.shape_cast %broadcast_in_dim3A_3 : vector<16xf32> to vector<1x16xf32>
      tpu.vector_store %arg8[%swap3A, %swap3A_30], %swap3A_33 {strides = array<i32>} : memref<2000x16xf32, #tpu.memory_space<vmem>>, vector<1x16xf32>,
    }
    %scan3A_16 = arith.constant 2000 : i32
    %barrier3A = arith.constant 0 : index
    tpu.barrier barrier_id(%barrier3A)
    %scan3A_17 = arith.constant 0 : i32
    %scan3A_18 = arith.constant 5 : i32
    %scan3A_19 = arith.addi %scan3A_17, %scan3A_18 : i32
    %scan3A_20 = arith.constant 1 : i32
    scf.for %scan3A_25 = %scan3A_17 to %scan3A_19 step %scan3A_20  : i32 {
      %mul3A_26 = arith.constant 1 : i32
      %mul3A_27 = arith.muli %scan3A_25, %mul3A_26 : i32
      %add3A_28 = arith.constant 0 : i32
      %add3A_29 = arith.addi %add3A_28, %mul3A_27 : i32
      %mul3A_30 = arith.constant 25 : i32
      %mul3A_31 = arith.muli %add3A_29, %mul3A_30 : i32
      "tpu.region"() ({
        %run_scoped3A = tpu.sem_alloc : memref<!tpu.dma_semaphore, #tpu.memory_space<semaphore_mem>>
        %dma_start3A = arith.constant 0 : i32
        %dma_start3A_53 = tpu.memref_slice %arg3[%add3A, %mul3A_31, %dma_start3A] : memref<32x125x80xi32, #tpu.memory_space<hbm>> -> memref<1x25x80xi32, #tpu.memory_space<hbm>>
        %dma_start3A_54 = tpu.memref_squeeze %dma_start3A_53 : memref<1x25x80xi32, #tpu.memory_space<hbm>> -> memref<25x80xi32, #tpu.memory_space<hbm>>
        %dma_start3A_55 = arith.constant 0 : i32
        %dma_start3A_56 = tpu.memref_slice %arg3[%add3A, %mul3A_31, %dma_start3A_55] : memref<32x125x80xi32, #tpu.memory_space<hbm>> -> memref<1x25x80xi32, #tpu.memory_space<hbm>>
        %dma_start3A_57 = tpu.memref_squeeze %dma_start3A_56 : memref<1x25x80xi32, #tpu.memory_space<hbm>> -> memref<25x80xi32, #tpu.memory_space<hbm>>
        tpu.enqueue_dma source(%dma_start3A_57 : memref<25x80xi32, #tpu.memory_space<hbm>>) target(%arg6 : memref<25x80xi32, #tpu.memory_space<vmem>>) target_semaphore(%run_scoped3A : memref<!tpu.dma_semaphore, #tpu.memory_space<semaphore_mem>>)
        %dma_wait3A_58 = arith.constant 0 : i32
        %dma_wait3A_59 = tpu.memref_slice %arg3[%add3A, %mul3A_31, %dma_wait3A_58] : memref<32x125x80xi32, #tpu.memory_space<hbm>> -> memref<1x25x80xi32, #tpu.memory_space<hbm>>
        %dma_wait3A_60 = tpu.memref_squeeze %dma_wait3A_59 : memref<1x25x80xi32, #tpu.memory_space<hbm>> -> memref<25x80xi32, #tpu.memory_space<hbm>>
        %dma_wait3A_61 = arith.constant 0 : i32
        %dma_wait3A_62 = tpu.memref_slice %arg3[%add3A, %mul3A_31, %dma_wait3A_61] : memref<32x125x80xi32, #tpu.memory_space<hbm>> -> memref<1x25x80xi32, #tpu.memory_space<hbm>>
        %dma_wait3A_63 = tpu.memref_squeeze %dma_wait3A_62 : memref<1x25x80xi32, #tpu.memory_space<hbm>> -> memref<25x80xi32, #tpu.memory_space<hbm>>
        tpu.wait_dma2 semaphore(%run_scoped3A : memref<!tpu.dma_semaphore, #tpu.memory_space<semaphore_mem>>) src(%dma_wait3A_63 : memref<25x80xi32, #tpu.memory_space<hbm>>) dst(%arg6 : memref<25x80xi32, #tpu.memory_space<vmem>>)
        tpu.yield
      }) : () -> ()
      %mul3A_32 = arith.constant 10000 : i32
      %mul3A_33 = arith.muli %add3A, %mul3A_32 : i32
      %mul3A_34 = arith.constant 2000 : i32
      %mul3A_35 = arith.muli %add3A_29, %mul3A_34 : i32
      %add3A_36 = arith.addi %mul3A_33, %mul3A_35 : i32
      "tpu.region"() ({
        %run_scoped3A = tpu.sem_alloc : memref<!tpu.dma_semaphore, #tpu.memory_space<semaphore_mem>>
        %dma_start3A = arith.constant 0 : i32
        %dma_start3A_53 = tpu.memref_slice %arg2[%add3A_36, %dma_start3A] : memref<320000x32xf32, #tpu.memory_space<hbm>> -> memref<2000x32xf32, #tpu.memory_space<hbm>>
        %dma_start3A_54 = arith.constant 0 : i32
        %dma_start3A_55 = tpu.memref_slice %arg2[%add3A_36, %dma_start3A_54] : memref<320000x32xf32, #tpu.memory_space<hbm>> -> memref<2000x32xf32, #tpu.memory_space<hbm>>
        tpu.enqueue_dma source(%dma_start3A_55 : memref<2000x32xf32, #tpu.memory_space<hbm>>) target(%arg7 : memref<2000x32xf32, #tpu.memory_space<vmem>>) target_semaphore(%run_scoped3A : memref<!tpu.dma_semaphore, #tpu.memory_space<semaphore_mem>>)
        %dma_wait3A_56 = arith.constant 0 : i32
        %dma_wait3A_57 = tpu.memref_slice %arg2[%add3A_36, %dma_wait3A_56] : memref<320000x32xf32, #tpu.memory_space<hbm>> -> memref<2000x32xf32, #tpu.memory_space<hbm>>
        %dma_wait3A_58 = arith.constant 0 : i32
        %dma_wait3A_59 = tpu.memref_slice %arg2[%add3A_36, %dma_wait3A_58] : memref<320000x32xf32, #tpu.memory_space<hbm>> -> memref<2000x32xf32, #tpu.memory_space<hbm>>
        tpu.wait_dma2 semaphore(%run_scoped3A : memref<!tpu.dma_semaphore, #tpu.memory_space<semaphore_mem>>) src(%dma_wait3A_59 : memref<2000x32xf32, #tpu.memory_space<hbm>>) dst(%arg7 : memref<2000x32xf32, #tpu.memory_space<vmem>>)
        tpu.yield
      }) : () -> ()
      %scan3A_37 = arith.constant 0 : i32
      %scan3A_38 = arith.constant 25 : i32
      %scan3A_39 = arith.addi %scan3A_37, %scan3A_38 : i32
      %scan3A_40 = arith.constant 1 : i32
      scf.for %scan3A_53 = %scan3A_37 to %scan3A_39 step %scan3A_40  : i32 {
        %mul3A_54 = arith.constant 1 : i32
        %mul3A_55 = arith.muli %scan3A_53, %mul3A_54 : i32
        %add3A_56 = arith.constant 0 : i32
        %add3A_57 = arith.addi %add3A_56, %mul3A_55 : i32
        %mul3A_58 = arith.constant 80 : i32
        %mul3A_59 = arith.muli %add3A_57, %mul3A_58 : i32
        %dma_start3A = arith.constant 0 : i32
        %dma_start3A_60 = tpu.memref_slice %arg7[%mul3A_59, %dma_start3A] : memref<2000x32xf32, #tpu.memory_space<vmem>> -> memref<80x32xf32, #tpu.memory_space<vmem>>
        %dma_start3A_61 = arith.constant 0 : i32
        %dma_start3A_62 = tpu.memref_slice %arg6[%add3A_57, %dma_start3A_61] : memref<25x80xi32, #tpu.memory_space<vmem>> -> memref<1x80xi32, #tpu.memory_space<vmem>>
        %dma_start3A_63 = tpu.memref_squeeze %dma_start3A_62 : memref<1x80xi32, #tpu.memory_space<vmem>> -> memref<80xi32, #tpu.memory_space<vmem>>
        %dma_start3A_64 = arith.constant 0 : i32
        %dma_start3A_65 = arith.constant 0 : i32
        %dma_start3A_66 = tpu.memref_slice %arg9[%dma_start3A_64, %dma_start3A_65] : memref<10000x32xf32, #tpu.memory_space<vmem_shared>> -> memref<10000x32xf32, #tpu.memory_space<vmem_shared>>
        tpu.enqueue_indirect_dma source(%dma_start3A_60 : memref<80x32xf32, #tpu.memory_space<vmem>>) target(%dma_start3A_66 : memref<10000x32xf32, #tpu.memory_space<vmem_shared>>) offsets(%dma_start3A_63 : memref<80xi32, #tpu.memory_space<vmem>>) semaphore(%arg11 : memref<!tpu.dma_semaphore, #tpu.memory_space<semaphore_mem>>) {add = true}
        %mul3A_67 = arith.constant 80 : i32
        %mul3A_68 = arith.muli %add3A_57, %mul3A_67 : i32
        %dma_start3A_69 = arith.constant 0 : i32
        %dma_start3A_70 = tpu.memref_slice %arg8[%mul3A_68, %dma_start3A_69] : memref<2000x16xf32, #tpu.memory_space<vmem>> -> memref<80x16xf32, #tpu.memory_space<vmem>>
        %dma_start3A_71 = arith.constant 0 : i32
        %dma_start3A_72 = tpu.memref_slice %arg6[%add3A_57, %dma_start3A_71] : memref<25x80xi32, #tpu.memory_space<vmem>> -> memref<1x80xi32, #tpu.memory_space<vmem>>
        %dma_start3A_73 = tpu.memref_squeeze %dma_start3A_72 : memref<1x80xi32, #tpu.memory_space<vmem>> -> memref<80xi32, #tpu.memory_space<vmem>>
        %dma_start3A_74 = arith.constant 0 : i32
        %dma_start3A_75 = arith.constant 0 : i32
        %dma_start3A_76 = tpu.memref_slice %arg10[%dma_start3A_74, %dma_start3A_75] : memref<10000x16xf32, #tpu.memory_space<vmem_shared>> -> memref<10000x16xf32, #tpu.memory_space<vmem_shared>>
        tpu.enqueue_indirect_dma source(%dma_start3A_70 : memref<80x16xf32, #tpu.memory_space<vmem>>) target(%dma_start3A_76 : memref<10000x16xf32, #tpu.memory_space<vmem_shared>>) offsets(%dma_start3A_73 : memref<80xi32, #tpu.memory_space<vmem>>) semaphore(%arg11 : memref<!tpu.dma_semaphore, #tpu.memory_space<semaphore_mem>>) {add = true}
      }
      %scan3A_41 = arith.constant 25 : i32
      %dma_wait3A = arith.constant 0 : i32
      %dma_wait3A_42 = arith.constant 0 : i32
      %dma_wait3A_43 = tpu.memref_slice %arg2[%dma_wait3A, %dma_wait3A_42] : memref<320000x32xf32, #tpu.memory_space<hbm>> -> memref<2000x32xf32, #tpu.memory_space<hbm>>
      %dma_wait3A_44 = arith.constant 0 : i32
      %dma_wait3A_45 = arith.constant 0 : i32
      %dma_wait3A_46 = tpu.memref_slice %arg2[%dma_wait3A_44, %dma_wait3A_45] : memref<320000x32xf32, #tpu.memory_space<hbm>> -> memref<2000x32xf32, #tpu.memory_space<hbm>>
      tpu.wait_dma2 semaphore(%arg11 : memref<!tpu.dma_semaphore, #tpu.memory_space<semaphore_mem>>) src(%dma_wait3A_46 : memref<2000x32xf32, #tpu.memory_space<hbm>>) dst(%arg7 : memref<2000x32xf32, #tpu.memory_space<vmem>>)
      %dma_wait3A_47 = arith.constant 0 : i32
      %dma_wait3A_48 = arith.constant 0 : i32
      %dma_wait3A_49 = tpu.memref_slice %arg2[%dma_wait3A_47, %dma_wait3A_48] : memref<320000x32xf32, #tpu.memory_space<hbm>> -> memref<2000x16xf32, #tpu.memory_space<hbm>>
      %dma_wait3A_50 = arith.constant 0 : i32
      %dma_wait3A_51 = arith.constant 0 : i32
      %dma_wait3A_52 = tpu.memref_slice %arg2[%dma_wait3A_50, %dma_wait3A_51] : memref<320000x32xf32, #tpu.memory_space<hbm>> -> memref<2000x16xf32, #tpu.memory_space<hbm>>
      tpu.wait_dma2 semaphore(%arg11 : memref<!tpu.dma_semaphore, #tpu.memory_space<semaphore_mem>>) src(%dma_wait3A_52 : memref<2000x16xf32, #tpu.memory_space<hbm>>) dst(%arg8 : memref<2000x16xf32, #tpu.memory_space<vmem>>)
    }
    %scan3A_21 = arith.constant 5 : i32
    %barrier3A_22 = arith.constant 0 : index
    tpu.barrier barrier_id(%barrier3A_22)
    %mul3A_23 = arith.constant 625 : i32
    %mul3A_24 = arith.muli %arg1, %mul3A_23 : i32
    "tpu.region"() ({
      %run_scoped3A = tpu.sem_alloc : memref<!tpu.dma_semaphore, #tpu.memory_space<semaphore_mem>>
      %dma_start3A = arith.constant 0 : i32
      %dma_start3A_25 = tpu.memref_slice %arg4[%arg0, %mul3A_24, %dma_start3A] : memref<2x10000x32xf32, #tpu.memory_space<hbm>> -> memref<1x625x32xf32, #tpu.memory_space<hbm>>
      %dma_start3A_26 = tpu.memref_squeeze %dma_start3A_25 : memref<1x625x32xf32, #tpu.memory_space<hbm>> -> memref<625x32xf32, #tpu.memory_space<hbm>>
      %dma_start3A_27 = arith.constant 0 : i32
      %dma_start3A_28 = tpu.memref_slice %arg9[%mul3A_24, %dma_start3A_27] : memref<10000x32xf32, #tpu.memory_space<vmem_shared>> -> memref<625x32xf32, #tpu.memory_space<vmem_shared>>
      tpu.enqueue_dma source(%dma_start3A_28 : memref<625x32xf32, #tpu.memory_space<vmem_shared>>) target(%dma_start3A_26 : memref<625x32xf32, #tpu.memory_space<hbm>>) target_semaphore(%run_scoped3A : memref<!tpu.dma_semaphore, #tpu.memory_space<semaphore_mem>>)
      %dma_wait3A = arith.constant 0 : i32
      %dma_wait3A_29 = tpu.memref_slice %arg4[%arg0, %mul3A_24, %dma_wait3A] : memref<2x10000x32xf32, #tpu.memory_space<hbm>> -> memref<1x625x32xf32, #tpu.memory_space<hbm>>
      %dma_wait3A_30 = tpu.memref_squeeze %dma_wait3A_29 : memref<1x625x32xf32, #tpu.memory_space<hbm>> -> memref<625x32xf32, #tpu.memory_space<hbm>>
      %dma_wait3A_31 = arith.constant 0 : i32
      %dma_wait3A_32 = tpu.memref_slice %arg9[%mul3A_24, %dma_wait3A_31] : memref<10000x32xf32, #tpu.memory_space<vmem_shared>> -> memref<625x32xf32, #tpu.memory_space<vmem_shared>>
      tpu.wait_dma2 semaphore(%run_scoped3A : memref<!tpu.dma_semaphore, #tpu.memory_space<semaphore_mem>>) src(%dma_wait3A_32 : memref<625x32xf32, #tpu.memory_space<vmem_shared>>) dst(%dma_wait3A_30 : memref<625x32xf32, #tpu.memory_space<hbm>>)
      tpu.yield
    }) : () -> ()
    "tpu.region"() ({
      %run_scoped3A = tpu.sem_alloc : memref<!tpu.dma_semaphore, #tpu.memory_space<semaphore_mem>>
      %dma_start3A = arith.constant 0 : i32
      %dma_start3A_25 = tpu.memref_slice %arg5[%arg0, %mul3A_24, %dma_start3A] : memref<2x10000x16xf32, #tpu.memory_space<hbm>> -> memref<1x625x16xf32, #tpu.memory_space<hbm>>
      %dma_start3A_26 = tpu.memref_squeeze %dma_start3A_25 : memref<1x625x16xf32, #tpu.memory_space<hbm>> -> memref<625x16xf32, #tpu.memory_space<hbm>>
      %dma_start3A_27 = arith.constant 0 : i32
      %dma_start3A_28 = tpu.memref_slice %arg10[%mul3A_24, %dma_start3A_27] : memref<10000x16xf32, #tpu.memory_space<vmem_shared>> -> memref<625x16xf32, #tpu.memory_space<vmem_shared>>
      tpu.enqueue_dma source(%dma_start3A_28 : memref<625x16xf32, #tpu.memory_space<vmem_shared>>) target(%dma_start3A_26 : memref<625x16xf32, #tpu.memory_space<hbm>>) target_semaphore(%run_scoped3A : memref<!tpu.dma_semaphore, #tpu.memory_space<semaphore_mem>>)
      %dma_wait3A = arith.constant 0 : i32
      %dma_wait3A_29 = tpu.memref_slice %arg5[%arg0, %mul3A_24, %dma_wait3A] : memref<2x10000x16xf32, #tpu.memory_space<hbm>> -> memref<1x625x16xf32, #tpu.memory_space<hbm>>
      %dma_wait3A_30 = tpu.memref_squeeze %dma_wait3A_29 : memref<1x625x16xf32, #tpu.memory_space<hbm>> -> memref<625x16xf32, #tpu.memory_space<hbm>>
      %dma_wait3A_31 = arith.constant 0 : i32
      %dma_wait3A_32 = tpu.memref_slice %arg10[%mul3A_24, %dma_wait3A_31] : memref<10000x16xf32, #tpu.memory_space<vmem_shared>> -> memref<625x16xf32, #tpu.memory_space<vmem_shared>>
      tpu.wait_dma2 semaphore(%run_scoped3A : memref<!tpu.dma_semaphore, #tpu.memory_space<semaphore_mem>>) src(%dma_wait3A_32 : memref<625x16xf32, #tpu.memory_space<vmem_shared>>) dst(%dma_wait3A_30 : memref<625x16xf32, #tpu.memory_space<hbm>>)
      tpu.yield
    }) : () -> ()
    return
  }
}

#map = affine_map<(d0, d1) -> (0, 0)>
#map1 = affine_map<(d0, d1) -> (0, 0, 0)>
module attributes {stable_mosaic.version = 14 : i64} {
  func.func @gather_kernel(%arg0: i32, %arg1: i32, %arg2: memref<10000x32xf32, #tpu.memory_space<hbm>>, %arg3: memref<10000x32xf32, #tpu.memory_space<hbm>>, %arg4: memref<32x125x80xi32, #tpu.memory_space<hbm>>, %arg5: memref<32x125x80xi32, #tpu.memory_space<hbm>>, %arg6: memref<320000x32xf32, #tpu.memory_space<hbm>>, %arg7: memref<320000x32xf32, #tpu.memory_space<hbm>>, %arg8: memref<125x80xi32, #tpu.memory_space<vmem>>, %arg9: memref<125x80xi32, #tpu.memory_space<vmem>>, %arg10: memref<2000x32xf32, #tpu.memory_space<vmem>>, %arg11: memref<!tpu.dma_semaphore, #tpu.memory_space<semaphore_mem>>) attributes {dimension_semantics = [#tpu.dimension_semantics<core_parallel>, #tpu.dimension_semantics<subcore_parallel>], iteration_bounds = array<i64: 2, 16>, scalar_prefetch = 0 : i64, scratch_operands = 4 : i64, tpu.core_type = #tpu.core_type<sc_vector_subcore>, window_params = [{transform_indices = #map}, {transform_indices = #map}, {transform_indices = #map1}, {transform_indices = #map1}, {transform_indices = #map}, {transform_indices = #map}]} {
    %mul3A = arith.constant 16 : i32
    %mul3A_0 = arith.muli %arg0, %mul3A : i32
    %add3A = arith.addi %mul3A_0, %arg1 : i32
    "tpu.region"() ({
      %run_scoped3A = tpu.sem_alloc : memref<!tpu.dma_semaphore, #tpu.memory_space<semaphore_mem>>
      %dma_start3A = arith.constant 0 : i32
      %dma_start3A_10 = arith.constant 0 : i32
      %dma_start3A_11 = tpu.memref_slice %arg4[%add3A, %dma_start3A, %dma_start3A_10] : memref<32x125x80xi32, #tpu.memory_space<hbm>> -> memref<1x125x80xi32, #tpu.memory_space<hbm>>
      %dma_start3A_12 = tpu.memref_squeeze %dma_start3A_11 : memref<1x125x80xi32, #tpu.memory_space<hbm>> -> memref<125x80xi32, #tpu.memory_space<hbm>>
      %dma_start3A_13 = arith.constant 0 : i32
      %dma_start3A_14 = arith.constant 0 : i32
      %dma_start3A_15 = tpu.memref_slice %arg4[%add3A, %dma_start3A_13, %dma_start3A_14] : memref<32x125x80xi32, #tpu.memory_space<hbm>> -> memref<1x125x80xi32, #tpu.memory_space<hbm>>
      %dma_start3A_16 = tpu.memref_squeeze %dma_start3A_15 : memref<1x125x80xi32, #tpu.memory_space<hbm>> -> memref<125x80xi32, #tpu.memory_space<hbm>>
      tpu.enqueue_dma source(%dma_start3A_16 : memref<125x80xi32, #tpu.memory_space<hbm>>) target(%arg8 : memref<125x80xi32, #tpu.memory_space<vmem>>) target_semaphore(%run_scoped3A : memref<!tpu.dma_semaphore, #tpu.memory_space<semaphore_mem>>)
      %dma_wait3A = arith.constant 0 : i32
      %dma_wait3A_17 = arith.constant 0 : i32
      %dma_wait3A_18 = tpu.memref_slice %arg4[%add3A, %dma_wait3A, %dma_wait3A_17] : memref<32x125x80xi32, #tpu.memory_space<hbm>> -> memref<1x125x80xi32, #tpu.memory_space<hbm>>
      %dma_wait3A_19 = tpu.memref_squeeze %dma_wait3A_18 : memref<1x125x80xi32, #tpu.memory_space<hbm>> -> memref<125x80xi32, #tpu.memory_space<hbm>>
      %dma_wait3A_20 = arith.constant 0 : i32
      %dma_wait3A_21 = arith.constant 0 : i32
      %dma_wait3A_22 = tpu.memref_slice %arg4[%add3A, %dma_wait3A_20, %dma_wait3A_21] : memref<32x125x80xi32, #tpu.memory_space<hbm>> -> memref<1x125x80xi32, #tpu.memory_space<hbm>>
      %dma_wait3A_23 = tpu.memref_squeeze %dma_wait3A_22 : memref<1x125x80xi32, #tpu.memory_space<hbm>> -> memref<125x80xi32, #tpu.memory_space<hbm>>
      tpu.wait_dma2 semaphore(%run_scoped3A : memref<!tpu.dma_semaphore, #tpu.memory_space<semaphore_mem>>) src(%dma_wait3A_23 : memref<125x80xi32, #tpu.memory_space<hbm>>) dst(%arg8 : memref<125x80xi32, #tpu.memory_space<vmem>>)
      tpu.yield
    }) : () -> ()
    "tpu.region"() ({
      %run_scoped3A = tpu.sem_alloc : memref<!tpu.dma_semaphore, #tpu.memory_space<semaphore_mem>>
      %dma_start3A = arith.constant 0 : i32
      %dma_start3A_10 = arith.constant 0 : i32
      %dma_start3A_11 = tpu.memref_slice %arg5[%add3A, %dma_start3A, %dma_start3A_10] : memref<32x125x80xi32, #tpu.memory_space<hbm>> -> memref<1x125x80xi32, #tpu.memory_space<hbm>>
      %dma_start3A_12 = tpu.memref_squeeze %dma_start3A_11 : memref<1x125x80xi32, #tpu.memory_space<hbm>> -> memref<125x80xi32, #tpu.memory_space<hbm>>
      %dma_start3A_13 = arith.constant 0 : i32
      %dma_start3A_14 = arith.constant 0 : i32
      %dma_start3A_15 = tpu.memref_slice %arg5[%add3A, %dma_start3A_13, %dma_start3A_14] : memref<32x125x80xi32, #tpu.memory_space<hbm>> -> memref<1x125x80xi32, #tpu.memory_space<hbm>>
      %dma_start3A_16 = tpu.memref_squeeze %dma_start3A_15 : memref<1x125x80xi32, #tpu.memory_space<hbm>> -> memref<125x80xi32, #tpu.memory_space<hbm>>
      tpu.enqueue_dma source(%dma_start3A_16 : memref<125x80xi32, #tpu.memory_space<hbm>>) target(%arg9 : memref<125x80xi32, #tpu.memory_space<vmem>>) target_semaphore(%run_scoped3A : memref<!tpu.dma_semaphore, #tpu.memory_space<semaphore_mem>>)
      %dma_wait3A = arith.constant 0 : i32
      %dma_wait3A_17 = arith.constant 0 : i32
      %dma_wait3A_18 = tpu.memref_slice %arg5[%add3A, %dma_wait3A, %dma_wait3A_17] : memref<32x125x80xi32, #tpu.memory_space<hbm>> -> memref<1x125x80xi32, #tpu.memory_space<hbm>>
      %dma_wait3A_19 = tpu.memref_squeeze %dma_wait3A_18 : memref<1x125x80xi32, #tpu.memory_space<hbm>> -> memref<125x80xi32, #tpu.memory_space<hbm>>
      %dma_wait3A_20 = arith.constant 0 : i32
      %dma_wait3A_21 = arith.constant 0 : i32
      %dma_wait3A_22 = tpu.memref_slice %arg5[%add3A, %dma_wait3A_20, %dma_wait3A_21] : memref<32x125x80xi32, #tpu.memory_space<hbm>> -> memref<1x125x80xi32, #tpu.memory_space<hbm>>
      %dma_wait3A_23 = tpu.memref_squeeze %dma_wait3A_22 : memref<1x125x80xi32, #tpu.memory_space<hbm>> -> memref<125x80xi32, #tpu.memory_space<hbm>>
      tpu.wait_dma2 semaphore(%run_scoped3A : memref<!tpu.dma_semaphore, #tpu.memory_space<semaphore_mem>>) src(%dma_wait3A_23 : memref<125x80xi32, #tpu.memory_space<hbm>>) dst(%arg9 : memref<125x80xi32, #tpu.memory_space<vmem>>)
      tpu.yield
    }) : () -> ()
    %scan3A = arith.constant 0 : i32
    %scan3A_1 = arith.constant 5 : i32
    %scan3A_2 = arith.addi %scan3A, %scan3A_1 : i32
    %scan3A_3 = arith.constant 1 : i32
    scf.for %scan3A_10 = %scan3A to %scan3A_2 step %scan3A_3  : i32 {
      %mul3A_11 = arith.constant 1 : i32
      %mul3A_12 = arith.muli %scan3A_10, %mul3A_11 : i32
      %add3A_13 = arith.constant 0 : i32
      %add3A_14 = arith.addi %add3A_13, %mul3A_12 : i32
      %scan3A_15 = arith.constant 0 : i32
      %scan3A_16 = arith.constant 25 : i32
      %scan3A_17 = arith.addi %scan3A_15, %scan3A_16 : i32
      %scan3A_18 = arith.constant 1 : i32
      scf.for %scan3A_30 = %scan3A_15 to %scan3A_17 step %scan3A_18  : i32 {
        %mul3A_31 = arith.constant 1 : i32
        %mul3A_32 = arith.muli %scan3A_30, %mul3A_31 : i32
        %add3A_33 = arith.constant 0 : i32
        %add3A_34 = arith.addi %add3A_33, %mul3A_32 : i32
        %mul3A_35 = arith.constant 25 : i32
        %mul3A_36 = arith.muli %add3A_14, %mul3A_35 : i32
        %add3A_37 = arith.addi %mul3A_36, %add3A_34 : i32
        %mul3A_38 = arith.constant 80 : i32
        %mul3A_39 = arith.muli %add3A_34, %mul3A_38 : i32
        %dma_start3A = arith.constant 0 : i32
        %dma_start3A_40 = tpu.memref_slice %arg10[%mul3A_39, %dma_start3A] : memref<2000x32xf32, #tpu.memory_space<vmem>> -> memref<80x32xf32, #tpu.memory_space<vmem>>
        %dma_start3A_41 = arith.constant 0 : i32
        %dma_start3A_42 = tpu.memref_slice %arg8[%add3A_37, %dma_start3A_41] : memref<125x80xi32, #tpu.memory_space<vmem>> -> memref<1x80xi32, #tpu.memory_space<vmem>>
        %dma_start3A_43 = tpu.memref_squeeze %dma_start3A_42 : memref<1x80xi32, #tpu.memory_space<vmem>> -> memref<80xi32, #tpu.memory_space<vmem>>
        %dma_start3A_44 = arith.constant 0 : i32
        %dma_start3A_45 = arith.constant 0 : i32
        %dma_start3A_46 = tpu.memref_slice %arg2[%dma_start3A_44, %dma_start3A_45] : memref<10000x32xf32, #tpu.memory_space<hbm>> -> memref<10000x32xf32, #tpu.memory_space<hbm>>
        tpu.enqueue_indirect_dma source(%dma_start3A_46 : memref<10000x32xf32, #tpu.memory_space<hbm>>) target(%dma_start3A_40 : memref<80x32xf32, #tpu.memory_space<vmem>>) offsets(%dma_start3A_43 : memref<80xi32, #tpu.memory_space<vmem>>) semaphore(%arg11 : memref<!tpu.dma_semaphore, #tpu.memory_space<semaphore_mem>>)
      }
      %scan3A_19 = arith.constant 25 : i32
      %dma_wait3A = arith.constant 0 : i32
      %dma_wait3A_20 = arith.constant 0 : i32
      %dma_wait3A_21 = tpu.memref_slice %arg2[%dma_wait3A, %dma_wait3A_20] : memref<10000x32xf32, #tpu.memory_space<hbm>> -> memref<2000x32xf32, #tpu.memory_space<hbm>>
      %dma_wait3A_22 = arith.constant 0 : i32
      %dma_wait3A_23 = arith.constant 0 : i32
      %dma_wait3A_24 = tpu.memref_slice %arg2[%dma_wait3A_22, %dma_wait3A_23] : memref<10000x32xf32, #tpu.memory_space<hbm>> -> memref<2000x32xf32, #tpu.memory_space<hbm>>
      tpu.wait_dma2 semaphore(%arg11 : memref<!tpu.dma_semaphore, #tpu.memory_space<semaphore_mem>>) src(%dma_wait3A_24 : memref<2000x32xf32, #tpu.memory_space<hbm>>) dst(%arg10 : memref<2000x32xf32, #tpu.memory_space<vmem>>)
      %mul3A_25 = arith.constant 10000 : i32
      %mul3A_26 = arith.muli %add3A, %mul3A_25 : i32
      %mul3A_27 = arith.constant 2000 : i32
      %mul3A_28 = arith.muli %add3A_14, %mul3A_27 : i32
      %add3A_29 = arith.addi %mul3A_26, %mul3A_28 : i32
      "tpu.region"() ({
        %run_scoped3A = tpu.sem_alloc : memref<!tpu.dma_semaphore, #tpu.memory_space<semaphore_mem>>
        %dma_start3A = arith.constant 0 : i32
        %dma_start3A_30 = tpu.memref_slice %arg6[%add3A_29, %dma_start3A] : memref<320000x32xf32, #tpu.memory_space<hbm>> -> memref<2000x32xf32, #tpu.memory_space<hbm>>
        %dma_start3A_31 = arith.constant 0 : i32
        %dma_start3A_32 = tpu.memref_slice %arg6[%add3A_29, %dma_start3A_31] : memref<320000x32xf32, #tpu.memory_space<hbm>> -> memref<2000x32xf32, #tpu.memory_space<hbm>>
        tpu.enqueue_dma source(%arg10 : memref<2000x32xf32, #tpu.memory_space<vmem>>) target(%dma_start3A_32 : memref<2000x32xf32, #tpu.memory_space<hbm>>) target_semaphore(%run_scoped3A : memref<!tpu.dma_semaphore, #tpu.memory_space<semaphore_mem>>)
        %dma_wait3A_33 = arith.constant 0 : i32
        %dma_wait3A_34 = tpu.memref_slice %arg6[%add3A_29, %dma_wait3A_33] : memref<320000x32xf32, #tpu.memory_space<hbm>> -> memref<2000x32xf32, #tpu.memory_space<hbm>>
        %dma_wait3A_35 = arith.constant 0 : i32
        %dma_wait3A_36 = tpu.memref_slice %arg6[%add3A_29, %dma_wait3A_35] : memref<320000x32xf32, #tpu.memory_space<hbm>> -> memref<2000x32xf32, #tpu.memory_space<hbm>>
        tpu.wait_dma2 semaphore(%run_scoped3A : memref<!tpu.dma_semaphore, #tpu.memory_space<semaphore_mem>>) src(%arg10 : memref<2000x32xf32, #tpu.memory_space<vmem>>) dst(%dma_wait3A_36 : memref<2000x32xf32, #tpu.memory_space<hbm>>)
        tpu.yield
      }) : () -> ()
    }
    %scan3A_4 = arith.constant 5 : i32
    %scan3A_5 = arith.constant 0 : i32
    %scan3A_6 = arith.constant 5 : i32
    %scan3A_7 = arith.addi %scan3A_5, %scan3A_6 : i32
    %scan3A_8 = arith.constant 1 : i32
    scf.for %scan3A_10 = %scan3A_5 to %scan3A_7 step %scan3A_8  : i32 {
      %mul3A_11 = arith.constant 1 : i32
      %mul3A_12 = arith.muli %scan3A_10, %mul3A_11 : i32
      %add3A_13 = arith.constant 0 : i32
      %add3A_14 = arith.addi %add3A_13, %mul3A_12 : i32
      %scan3A_15 = arith.constant 0 : i32
      %scan3A_16 = arith.constant 25 : i32
      %scan3A_17 = arith.addi %scan3A_15, %scan3A_16 : i32
      %scan3A_18 = arith.constant 1 : i32
      scf.for %scan3A_30 = %scan3A_15 to %scan3A_17 step %scan3A_18  : i32 {
        %mul3A_31 = arith.constant 1 : i32
        %mul3A_32 = arith.muli %scan3A_30, %mul3A_31 : i32
        %add3A_33 = arith.constant 0 : i32
        %add3A_34 = arith.addi %add3A_33, %mul3A_32 : i32
        %mul3A_35 = arith.constant 25 : i32
        %mul3A_36 = arith.muli %add3A_14, %mul3A_35 : i32
        %add3A_37 = arith.addi %mul3A_36, %add3A_34 : i32
        %mul3A_38 = arith.constant 80 : i32
        %mul3A_39 = arith.muli %add3A_34, %mul3A_38 : i32
        %dma_start3A = arith.constant 0 : i32
        %dma_start3A_40 = tpu.memref_slice %arg10[%mul3A_39, %dma_start3A] : memref<2000x32xf32, #tpu.memory_space<vmem>> -> memref<80x32xf32, #tpu.memory_space<vmem>>
        %dma_start3A_41 = arith.constant 0 : i32
        %dma_start3A_42 = tpu.memref_slice %arg9[%add3A_37, %dma_start3A_41] : memref<125x80xi32, #tpu.memory_space<vmem>> -> memref<1x80xi32, #tpu.memory_space<vmem>>
        %dma_start3A_43 = tpu.memref_squeeze %dma_start3A_42 : memref<1x80xi32, #tpu.memory_space<vmem>> -> memref<80xi32, #tpu.memory_space<vmem>>
        %dma_start3A_44 = arith.constant 0 : i32
        %dma_start3A_45 = arith.constant 0 : i32
        %dma_start3A_46 = tpu.memref_slice %arg3[%dma_start3A_44, %dma_start3A_45] : memref<10000x32xf32, #tpu.memory_space<hbm>> -> memref<10000x32xf32, #tpu.memory_space<hbm>>
        tpu.enqueue_indirect_dma source(%dma_start3A_46 : memref<10000x32xf32, #tpu.memory_space<hbm>>) target(%dma_start3A_40 : memref<80x32xf32, #tpu.memory_space<vmem>>) offsets(%dma_start3A_43 : memref<80xi32, #tpu.memory_space<vmem>>) semaphore(%arg11 : memref<!tpu.dma_semaphore, #tpu.memory_space<semaphore_mem>>)
      }
      %scan3A_19 = arith.constant 25 : i32
      %dma_wait3A = arith.constant 0 : i32
      %dma_wait3A_20 = arith.constant 0 : i32
      %dma_wait3A_21 = tpu.memref_slice %arg3[%dma_wait3A, %dma_wait3A_20] : memref<10000x32xf32, #tpu.memory_space<hbm>> -> memref<2000x32xf32, #tpu.memory_space<hbm>>
      %dma_wait3A_22 = arith.constant 0 : i32
      %dma_wait3A_23 = arith.constant 0 : i32
      %dma_wait3A_24 = tpu.memref_slice %arg3[%dma_wait3A_22, %dma_wait3A_23] : memref<10000x32xf32, #tpu.memory_space<hbm>> -> memref<2000x32xf32, #tpu.memory_space<hbm>>
      tpu.wait_dma2 semaphore(%arg11 : memref<!tpu.dma_semaphore, #tpu.memory_space<semaphore_mem>>) src(%dma_wait3A_24 : memref<2000x32xf32, #tpu.memory_space<hbm>>) dst(%arg10 : memref<2000x32xf32, #tpu.memory_space<vmem>>)
      %mul3A_25 = arith.constant 10000 : i32
      %mul3A_26 = arith.muli %add3A, %mul3A_25 : i32
      %mul3A_27 = arith.constant 2000 : i32
      %mul3A_28 = arith.muli %add3A_14, %mul3A_27 : i32
      %add3A_29 = arith.addi %mul3A_26, %mul3A_28 : i32
      "tpu.region"() ({
        %run_scoped3A = tpu.sem_alloc : memref<!tpu.dma_semaphore, #tpu.memory_space<semaphore_mem>>
        %dma_start3A = arith.constant 0 : i32
        %dma_start3A_30 = tpu.memref_slice %arg7[%add3A_29, %dma_start3A] : memref<320000x32xf32, #tpu.memory_space<hbm>> -> memref<2000x32xf32, #tpu.memory_space<hbm>>
        %dma_start3A_31 = arith.constant 0 : i32
        %dma_start3A_32 = tpu.memref_slice %arg7[%add3A_29, %dma_start3A_31] : memref<320000x32xf32, #tpu.memory_space<hbm>> -> memref<2000x32xf32, #tpu.memory_space<hbm>>
        tpu.enqueue_dma source(%arg10 : memref<2000x32xf32, #tpu.memory_space<vmem>>) target(%dma_start3A_32 : memref<2000x32xf32, #tpu.memory_space<hbm>>) target_semaphore(%run_scoped3A : memref<!tpu.dma_semaphore, #tpu.memory_space<semaphore_mem>>)
        %dma_wait3A_33 = arith.constant 0 : i32
        %dma_wait3A_34 = tpu.memref_slice %arg7[%add3A_29, %dma_wait3A_33] : memref<320000x32xf32, #tpu.memory_space<hbm>> -> memref<2000x32xf32, #tpu.memory_space<hbm>>
        %dma_wait3A_35 = arith.constant 0 : i32
        %dma_wait3A_36 = tpu.memref_slice %arg7[%add3A_29, %dma_wait3A_35] : memref<320000x32xf32, #tpu.memory_space<hbm>> -> memref<2000x32xf32, #tpu.memory_space<hbm>>
        tpu.wait_dma2 semaphore(%run_scoped3A : memref<!tpu.dma_semaphore, #tpu.memory_space<semaphore_mem>>) src(%arg10 : memref<2000x32xf32, #tpu.memory_space<vmem>>) dst(%dma_wait3A_36 : memref<2000x32xf32, #tpu.memory_space<hbm>>)
        tpu.yield
      }) : () -> ()
    }
    %scan3A_9 = arith.constant 5 : i32
    return
  }
}

module attributes {stable_mosaic.version = 14 : i64} {
  func.func @_node_pre_body(%arg0: i32, %arg1: memref<2000x128xf32, #tpu.memory_space<vmem>>, %arg2: memref<2000x32xf32, #tpu.memory_space<vmem>>, %arg3: memref<128x32xf32, #tpu.memory_space<vmem>>, %arg4: memref<32x32xf32, #tpu.memory_space<vmem>>, %arg5: memref<1x32xf32, #tpu.memory_space<vmem>>, %arg6: memref<2000x32xf32, #tpu.memory_space<vmem>>) attributes {dimension_semantics = [#tpu.dimension_semantics<arbitrary>], iteration_bounds = array<i64: 5>, scalar_prefetch = 0 : i64, scratch_operands = 0 : i64, tpu.core_type = #tpu.core_type<tc>, window_params = [{transform_indices = @transform_0, window_bounds = array<i64: 2000, 128>}, {transform_indices = @transform_1, window_bounds = array<i64: 2000, 32>}, {pipeline_mode = #tpu.pipeline_mode<synchronous>, transform_indices = @transform_2, window_bounds = array<i64: 128, 32>}, {pipeline_mode = #tpu.pipeline_mode<synchronous>, transform_indices = @transform_3, window_bounds = array<i64: 32, 32>}, {pipeline_mode = #tpu.pipeline_mode<synchronous>, transform_indices = @transform_4, window_bounds = array<i64: 1, 32>}, {transform_indices = @transform_5, window_bounds = array<i64: 2000, 32>}]} {
    %get3A = arith.constant 0 : index
    %get3A_0 = arith.constant 0 : index
    %get3A_1 = vector.load %arg1[%get3A, %get3A_0] : memref<2000x128xf32, #tpu.memory_space<vmem>>, vector<2000x128xf32>
    %get3A_2 = arith.constant 0 : index
    %get3A_3 = arith.constant 0 : index
    %get3A_4 = vector.load %arg3[%get3A_2, %get3A_3] : memref<128x32xf32, #tpu.memory_space<vmem>>, vector<128x32xf32>
    %dot_general3A = arith.constant dense<0.000000e+00> : vector<2000x32xf32>
    %dot_general3A_5 = tpu.matmul %get3A_1, %get3A_4, %dot_general3A {dimension_numbers = #tpu.dot_dimension_numbers<[1], [0], [0], [1], [0, 0, 1, 1], [], []>, transpose_lhs_hint = false} : vector<2000x128xf32>, vector<128x32xf32>, vector<2000x32xf32> -> vector<2000x32xf32>
    %get3A_6 = arith.constant 0 : index
    %get3A_7 = arith.constant 0 : index
    %get3A_8 = vector.load %arg2[%get3A_6, %get3A_7] : memref<2000x32xf32, #tpu.memory_space<vmem>>, vector<2000x32xf32>
    %get3A_9 = arith.constant 0 : index
    %get3A_10 = arith.constant 0 : index
    %get3A_11 = vector.load %arg4[%get3A_9, %get3A_10] : memref<32x32xf32, #tpu.memory_space<vmem>>, vector<32x32xf32>
    %dot_general3A_12 = arith.constant dense<0.000000e+00> : vector<2000x32xf32>
    %dot_general3A_13 = tpu.matmul %get3A_8, %get3A_11, %dot_general3A_12 {dimension_numbers = #tpu.dot_dimension_numbers<[1], [0], [0], [1], [0, 0, 1, 1], [], []>, transpose_lhs_hint = false} : vector<2000x32xf32>, vector<32x32xf32>, vector<2000x32xf32> -> vector<2000x32xf32>
    %add3A = arith.addf %dot_general3A_5, %dot_general3A_13 : vector<2000x32xf32>
    %get3A_14 = arith.constant 0 : index
    %get3A_15 = arith.constant 0 : index
    %get3A_16 = vector.load %arg5[%get3A_14, %get3A_15] : memref<1x32xf32, #tpu.memory_space<vmem>>, vector<1x32xf32>
    %add3A_17 = vector.broadcast %get3A_16 : vector<1x32xf32> to vector<2000x32xf32>
    %add3A_18 = arith.addf %add3A, %add3A_17 : vector<2000x32xf32>
    %swap3A = arith.constant 0 : index
    %swap3A_19 = arith.constant 0 : index
    %swap3A_20 = vector.load %arg6[%swap3A, %swap3A_19] : memref<2000x32xf32, #tpu.memory_space<vmem>>, vector<2000x32xf32>
    tpu.vector_store %arg6[%swap3A, %swap3A_19], %add3A_18 {strides = array<i32>} : memref<2000x32xf32, #tpu.memory_space<vmem>>, vector<2000x32xf32>,
    return
  }
  func.func @transform_0(%arg0: i32) -> (i32, i32) {
    %c0_i32 = arith.constant 0 : i32
    %c0_i32_0 = arith.constant 0 : i32
    return %arg0, %c0_i32 : i32, i32
  }
  func.func @transform_1(%arg0: i32) -> (i32, i32) {
    %c0_i32 = arith.constant 0 : i32
    %c0_i32_0 = arith.constant 0 : i32
    return %arg0, %c0_i32 : i32, i32
  }
  func.func @transform_2(%arg0: i32) -> (i32, i32) {
    %c0_i32 = arith.constant 0 : i32
    %c0_i32_0 = arith.constant 0 : i32
    %c0_i32_1 = arith.constant 0 : i32
    return %c0_i32, %c0_i32_0 : i32, i32
  }
  func.func @transform_3(%arg0: i32) -> (i32, i32) {
    %c0_i32 = arith.constant 0 : i32
    %c0_i32_0 = arith.constant 0 : i32
    %c0_i32_1 = arith.constant 0 : i32
    return %c0_i32, %c0_i32_0 : i32, i32
  }
  func.func @transform_4(%arg0: i32) -> (i32, i32) {
    %c0_i32 = arith.constant 0 : i32
    %c0_i32_0 = arith.constant 0 : i32
    %c0_i32_1 = arith.constant 0 : i32
    return %c0_i32, %c0_i32_0 : i32, i32
  }
  func.func @transform_5(%arg0: i32) -> (i32, i32) {
    %c0_i32 = arith.constant 0 : i32
    %c0_i32_0 = arith.constant 0 : i32
    return %arg0, %c0_i32 : i32, i32
  }
}

module attributes {stable_mosaic.version = 14 : i64} {
  func.func @_edge_mlp_body(%arg0: i32, %arg1: memref<3200x128xf32, #tpu.memory_space<vmem>>, %arg2: memref<3200x128xf32, #tpu.memory_space<vmem>>, %arg3: memref<128x128xf32, #tpu.memory_space<vmem>>, %arg4: memref<128x128xf32, #tpu.memory_space<vmem>>, %arg5: memref<1x128xf32, #tpu.memory_space<vmem>>, %arg6: memref<128x128xf32, #tpu.memory_space<vmem>>, %arg7: memref<1x128xf32, #tpu.memory_space<vmem>>, %arg8: memref<3200x128xf32, #tpu.memory_space<vmem>>) attributes {dimension_semantics = [#tpu.dimension_semantics<arbitrary>], iteration_bounds = array<i64: 25>, scalar_prefetch = 0 : i64, scratch_operands = 0 : i64, tpu.core_type = #tpu.core_type<tc>, window_params = [{transform_indices = @transform_0, window_bounds = array<i64: 3200, 128>}, {transform_indices = @transform_1, window_bounds = array<i64: 3200, 128>}, {pipeline_mode = #tpu.pipeline_mode<synchronous>, transform_indices = @transform_2, window_bounds = array<i64: 128, 128>}, {pipeline_mode = #tpu.pipeline_mode<synchronous>, transform_indices = @transform_3, window_bounds = array<i64: 128, 128>}, {pipeline_mode = #tpu.pipeline_mode<synchronous>, transform_indices = @transform_4, window_bounds = array<i64: 1, 128>}, {pipeline_mode = #tpu.pipeline_mode<synchronous>, transform_indices = @transform_5, window_bounds = array<i64: 128, 128>}, {pipeline_mode = #tpu.pipeline_mode<synchronous>, transform_indices = @transform_6, window_bounds = array<i64: 1, 128>}, {transform_indices = @transform_7, window_bounds = array<i64: 3200, 128>}]} {
    %get3A = arith.constant 0 : index
    %get3A_0 = arith.constant 0 : index
    %get3A_1 = vector.load %arg2[%get3A, %get3A_0] : memref<3200x128xf32, #tpu.memory_space<vmem>>, vector<3200x128xf32>
    %get3A_2 = arith.constant 0 : index
    %get3A_3 = arith.constant 0 : index
    %get3A_4 = vector.load %arg3[%get3A_2, %get3A_3] : memref<128x128xf32, #tpu.memory_space<vmem>>, vector<128x128xf32>
    %dot_general3A = arith.constant dense<0.000000e+00> : vector<3200x128xf32>
    %dot_general3A_5 = tpu.matmul %get3A_1, %get3A_4, %dot_general3A {dimension_numbers = #tpu.dot_dimension_numbers<[1], [0], [0], [1], [0, 0, 1, 1], [], []>, transpose_lhs_hint = false} : vector<3200x128xf32>, vector<128x128xf32>, vector<3200x128xf32> -> vector<3200x128xf32>
    %get3A_6 = arith.constant 0 : index
    %get3A_7 = arith.constant 0 : index
    %get3A_8 = vector.load %arg1[%get3A_6, %get3A_7] : memref<3200x128xf32, #tpu.memory_space<vmem>>, vector<3200x128xf32>
    %add3A = arith.addf %get3A_8, %dot_general3A_5 : vector<3200x128xf32>
    %max3A = arith.constant 0.000000e+00 : f32
    %max3A_9 = vector.broadcast %max3A : f32 to vector<3200x128xf32>
    %max3A_10 = arith.maximumf %add3A, %max3A_9 : vector<3200x128xf32>
    %get3A_11 = arith.constant 0 : index
    %get3A_12 = arith.constant 0 : index
    %get3A_13 = vector.load %arg4[%get3A_11, %get3A_12] : memref<128x128xf32, #tpu.memory_space<vmem>>, vector<128x128xf32>
    %dot_general3A_14 = arith.constant dense<0.000000e+00> : vector<3200x128xf32>
    %dot_general3A_15 = tpu.matmul %max3A_10, %get3A_13, %dot_general3A_14 {dimension_numbers = #tpu.dot_dimension_numbers<[1], [0], [0], [1], [0, 0, 1, 1], [], []>, transpose_lhs_hint = false} : vector<3200x128xf32>, vector<128x128xf32>, vector<3200x128xf32> -> vector<3200x128xf32>
    %get3A_16 = arith.constant 0 : index
    %get3A_17 = arith.constant 0 : index
    %get3A_18 = vector.load %arg5[%get3A_16, %get3A_17] : memref<1x128xf32, #tpu.memory_space<vmem>>, vector<1x128xf32>
    %add3A_19 = vector.broadcast %get3A_18 : vector<1x128xf32> to vector<3200x128xf32>
    %add3A_20 = arith.addf %dot_general3A_15, %add3A_19 : vector<3200x128xf32>
    %max3A_21 = arith.constant 0.000000e+00 : f32
    %max3A_22 = vector.broadcast %max3A_21 : f32 to vector<3200x128xf32>
    %max3A_23 = arith.maximumf %add3A_20, %max3A_22 : vector<3200x128xf32>
    %get3A_24 = arith.constant 0 : index
    %get3A_25 = arith.constant 0 : index
    %get3A_26 = vector.load %arg6[%get3A_24, %get3A_25] : memref<128x128xf32, #tpu.memory_space<vmem>>, vector<128x128xf32>
    %dot_general3A_27 = arith.constant dense<0.000000e+00> : vector<3200x128xf32>
    %dot_general3A_28 = tpu.matmul %max3A_23, %get3A_26, %dot_general3A_27 {dimension_numbers = #tpu.dot_dimension_numbers<[1], [0], [0], [1], [0, 0, 1, 1], [], []>, transpose_lhs_hint = false} : vector<3200x128xf32>, vector<128x128xf32>, vector<3200x128xf32> -> vector<3200x128xf32>
    %get3A_29 = arith.constant 0 : index
    %get3A_30 = arith.constant 0 : index
    %get3A_31 = vector.load %arg7[%get3A_29, %get3A_30] : memref<1x128xf32, #tpu.memory_space<vmem>>, vector<1x128xf32>
    %add3A_32 = vector.broadcast %get3A_31 : vector<1x128xf32> to vector<3200x128xf32>
    %add3A_33 = arith.addf %dot_general3A_28, %add3A_32 : vector<3200x128xf32>
    %swap3A = arith.constant 0 : index
    %swap3A_34 = arith.constant 0 : index
    %swap3A_35 = vector.load %arg8[%swap3A, %swap3A_34] : memref<3200x128xf32, #tpu.memory_space<vmem>>, vector<3200x128xf32>
    tpu.vector_store %arg8[%swap3A, %swap3A_34], %add3A_33 {strides = array<i32>} : memref<3200x128xf32, #tpu.memory_space<vmem>>, vector<3200x128xf32>,
    return
  }
  func.func @transform_0(%arg0: i32) -> (i32, i32) {
    %c0_i32 = arith.constant 0 : i32
    %c0_i32_0 = arith.constant 0 : i32
    return %arg0, %c0_i32 : i32, i32
  }
  func.func @transform_1(%arg0: i32) -> (i32, i32) {
    %c0_i32 = arith.constant 0 : i32
    %c0_i32_0 = arith.constant 0 : i32
    return %arg0, %c0_i32 : i32, i32
  }
  func.func @transform_2(%arg0: i32) -> (i32, i32) {
    %c0_i32 = arith.constant 0 : i32
    %c0_i32_0 = arith.constant 0 : i32
    %c0_i32_1 = arith.constant 0 : i32
    return %c0_i32, %c0_i32_0 : i32, i32
  }
  func.func @transform_3(%arg0: i32) -> (i32, i32) {
    %c0_i32 = arith.constant 0 : i32
    %c0_i32_0 = arith.constant 0 : i32
    %c0_i32_1 = arith.constant 0 : i32
    return %c0_i32, %c0_i32_0 : i32, i32
  }
  func.func @transform_4(%arg0: i32) -> (i32, i32) {
    %c0_i32 = arith.constant 0 : i32
    %c0_i32_0 = arith.constant 0 : i32
    %c0_i32_1 = arith.constant 0 : i32
    return %c0_i32, %c0_i32_0 : i32, i32
  }
  func.func @transform_5(%arg0: i32) -> (i32, i32) {
    %c0_i32 = arith.constant 0 : i32
    %c0_i32_0 = arith.constant 0 : i32
    %c0_i32_1 = arith.constant 0 : i32
    return %c0_i32, %c0_i32_0 : i32, i32
  }
  func.func @transform_6(%arg0: i32) -> (i32, i32) {
    %c0_i32 = arith.constant 0 : i32
    %c0_i32_0 = arith.constant 0 : i32
    %c0_i32_1 = arith.constant 0 : i32
    return %c0_i32, %c0_i32_0 : i32, i32
  }
  func.func @transform_7(%arg0: i32) -> (i32, i32) {
    %c0_i32 = arith.constant 0 : i32
    %c0_i32_0 = arith.constant 0 : i32
    return %arg0, %c0_i32 : i32, i32
  }
}

module attributes {stable_mosaic.version = 14 : i64} {
  func.func @_node_upd_body(%arg0: i32, %arg1: memref<2000x32xf32, #tpu.memory_space<vmem>>, %arg2: memref<2000x32xf32, #tpu.memory_space<vmem>>, %arg3: memref<2000x1xf32, #tpu.memory_space<vmem>>, %arg4: memref<2000x1xf32, #tpu.memory_space<vmem>>, %arg5: memref<2000x128xf32, #tpu.memory_space<vmem>>, %arg6: memref<2000x32xf32, #tpu.memory_space<vmem>>, %arg7: memref<128x32xf32, #tpu.memory_space<vmem>>, %arg8: memref<32x32xf32, #tpu.memory_space<vmem>>, %arg9: memref<32x32xf32, #tpu.memory_space<vmem>>, %arg10: memref<1x32xf32, #tpu.memory_space<vmem>>, %arg11: memref<32x32xf32, #tpu.memory_space<vmem>>, %arg12: memref<32x32xf32, #tpu.memory_space<vmem>>, %arg13: memref<1x32xf32, #tpu.memory_space<vmem>>, %arg14: memref<2000x32xf32, #tpu.memory_space<vmem>>, %arg15: memref<2000x32xf32, #tpu.memory_space<vmem>>) attributes {dimension_semantics = [#tpu.dimension_semantics<arbitrary>], iteration_bounds = array<i64: 5>, scalar_prefetch = 0 : i64, scratch_operands = 0 : i64, tpu.core_type = #tpu.core_type<tc>, window_params = [{transform_indices = @transform_0, window_bounds = array<i64: 2000, 32>}, {transform_indices = @transform_1, window_bounds = array<i64: 2000, 32>}, {transform_indices = @transform_2, window_bounds = array<i64: 2000, 1>}, {transform_indices = @transform_3, window_bounds = array<i64: 2000, 1>}, {transform_indices = @transform_4, window_bounds = array<i64: 2000, 128>}, {transform_indices = @transform_5, window_bounds = array<i64: 2000, 32>}, {pipeline_mode = #tpu.pipeline_mode<synchronous>, transform_indices = @transform_6, window_bounds = array<i64: 128, 32>}, {pipeline_mode = #tpu.pipeline_mode<synchronous>, transform_indices = @transform_7, window_bounds = array<i64: 32, 32>}, {pipeline_mode = #tpu.pipeline_mode<synchronous>, transform_indices = @transform_8, window_bounds = array<i64: 32, 32>}, {pipeline_mode = #tpu.pipeline_mode<synchronous>, transform_indices = @transform_9, window_bounds = array<i64: 1, 32>}, {pipeline_mode = #tpu.pipeline_mode<synchronous>, transform_indices = @transform_10, window_bounds = array<i64: 32, 32>}, {pipeline_mode = #tpu.pipeline_mode<synchronous>, transform_indices = @transform_11, window_bounds = array<i64: 32, 32>}, {pipeline_mode = #tpu.pipeline_mode<synchronous>, transform_indices = @transform_12, window_bounds = array<i64: 1, 32>}, {transform_indices = @transform_13, window_bounds = array<i64: 2000, 32>}, {transform_indices = @transform_14, window_bounds = array<i64: 2000, 32>}]} {
    %get3A = arith.constant 0 : index
    %get3A_0 = arith.constant 0 : index
    %get3A_1 = vector.load %arg3[%get3A, %get3A_0] : memref<2000x1xf32, #tpu.memory_space<vmem>>, vector<2000x1xf32>
    %get3A_2 = arith.constant 0 : index
    %get3A_3 = arith.constant 0 : index
    %get3A_4 = vector.load %arg4[%get3A_2, %get3A_3] : memref<2000x1xf32, #tpu.memory_space<vmem>>, vector<2000x1xf32>
    %add3A = arith.addf %get3A_1, %get3A_4 : vector<2000x1xf32>
    %max3A = arith.constant 1.000000e+00 : f32
    %max3A_5 = vector.broadcast %max3A : f32 to vector<2000x1xf32>
    %max3A_6 = arith.maximumf %add3A, %max3A_5 : vector<2000x1xf32>
    %get3A_7 = arith.constant 0 : index
    %get3A_8 = arith.constant 0 : index
    %get3A_9 = vector.load %arg1[%get3A_7, %get3A_8] : memref<2000x32xf32, #tpu.memory_space<vmem>>, vector<2000x32xf32>
    %get3A_10 = arith.constant 0 : index
    %get3A_11 = arith.constant 0 : index
    %get3A_12 = vector.load %arg2[%get3A_10, %get3A_11] : memref<2000x32xf32, #tpu.memory_space<vmem>>, vector<2000x32xf32>
    %add3A_13 = arith.addf %get3A_9, %get3A_12 : vector<2000x32xf32>
    %div3A = vector.broadcast %max3A_6 : vector<2000x1xf32> to vector<2000x32xf32>
    %div3A_14 = arith.divf %add3A_13, %div3A : vector<2000x32xf32>
    %get3A_15 = arith.constant 0 : index
    %get3A_16 = arith.constant 0 : index
    %get3A_17 = vector.load %arg5[%get3A_15, %get3A_16] : memref<2000x128xf32, #tpu.memory_space<vmem>>, vector<2000x128xf32>
    %get3A_18 = arith.constant 0 : index
    %get3A_19 = arith.constant 0 : index
    %get3A_20 = vector.load %arg7[%get3A_18, %get3A_19] : memref<128x32xf32, #tpu.memory_space<vmem>>, vector<128x32xf32>
    %dot_general3A = arith.constant dense<0.000000e+00> : vector<2000x32xf32>
    %dot_general3A_21 = tpu.matmul %get3A_17, %get3A_20, %dot_general3A {dimension_numbers = #tpu.dot_dimension_numbers<[1], [0], [0], [1], [0, 0, 1, 1], [], []>, transpose_lhs_hint = false} : vector<2000x128xf32>, vector<128x32xf32>, vector<2000x32xf32> -> vector<2000x32xf32>
    %get3A_22 = arith.constant 0 : index
    %get3A_23 = arith.constant 0 : index
    %get3A_24 = vector.load %arg6[%get3A_22, %get3A_23] : memref<2000x32xf32, #tpu.memory_space<vmem>>, vector<2000x32xf32>
    %get3A_25 = arith.constant 0 : index
    %get3A_26 = arith.constant 0 : index
    %get3A_27 = vector.load %arg8[%get3A_25, %get3A_26] : memref<32x32xf32, #tpu.memory_space<vmem>>, vector<32x32xf32>
    %dot_general3A_28 = arith.constant dense<0.000000e+00> : vector<2000x32xf32>
    %dot_general3A_29 = tpu.matmul %get3A_24, %get3A_27, %dot_general3A_28 {dimension_numbers = #tpu.dot_dimension_numbers<[1], [0], [0], [1], [0, 0, 1, 1], [], []>, transpose_lhs_hint = false} : vector<2000x32xf32>, vector<32x32xf32>, vector<2000x32xf32> -> vector<2000x32xf32>
    %add3A_30 = arith.addf %dot_general3A_21, %dot_general3A_29 : vector<2000x32xf32>
    %get3A_31 = arith.constant 0 : index
    %get3A_32 = arith.constant 0 : index
    %get3A_33 = vector.load %arg9[%get3A_31, %get3A_32] : memref<32x32xf32, #tpu.memory_space<vmem>>, vector<32x32xf32>
    %dot_general3A_34 = arith.constant dense<0.000000e+00> : vector<2000x32xf32>
    %dot_general3A_35 = tpu.matmul %div3A_14, %get3A_33, %dot_general3A_34 {dimension_numbers = #tpu.dot_dimension_numbers<[1], [0], [0], [1], [0, 0, 1, 1], [], []>, transpose_lhs_hint = false} : vector<2000x32xf32>, vector<32x32xf32>, vector<2000x32xf32> -> vector<2000x32xf32>
    %add3A_36 = arith.addf %add3A_30, %dot_general3A_35 : vector<2000x32xf32>
    %get3A_37 = arith.constant 0 : index
    %get3A_38 = arith.constant 0 : index
    %get3A_39 = vector.load %arg10[%get3A_37, %get3A_38] : memref<1x32xf32, #tpu.memory_space<vmem>>, vector<1x32xf32>
    %add3A_40 = vector.broadcast %get3A_39 : vector<1x32xf32> to vector<2000x32xf32>
    %add3A_41 = arith.addf %add3A_36, %add3A_40 : vector<2000x32xf32>
    %max3A_42 = arith.constant 0.000000e+00 : f32
    %max3A_43 = vector.broadcast %max3A_42 : f32 to vector<2000x32xf32>
    %max3A_44 = arith.maximumf %add3A_41, %max3A_43 : vector<2000x32xf32>
    %get3A_45 = arith.constant 0 : index
    %get3A_46 = arith.constant 0 : index
    %get3A_47 = vector.load %arg11[%get3A_45, %get3A_46] : memref<32x32xf32, #tpu.memory_space<vmem>>, vector<32x32xf32>
    %dot_general3A_48 = arith.constant dense<0.000000e+00> : vector<2000x32xf32>
    %dot_general3A_49 = tpu.matmul %max3A_44, %get3A_47, %dot_general3A_48 {dimension_numbers = #tpu.dot_dimension_numbers<[1], [0], [0], [1], [0, 0, 1, 1], [], []>, transpose_lhs_hint = false} : vector<2000x32xf32>, vector<32x32xf32>, vector<2000x32xf32> -> vector<2000x32xf32>
    %get3A_50 = arith.constant 0 : index
    %get3A_51 = arith.constant 0 : index
    %get3A_52 = vector.load %arg13[%get3A_50, %get3A_51] : memref<1x32xf32, #tpu.memory_space<vmem>>, vector<1x32xf32>
    %add3A_53 = vector.broadcast %get3A_52 : vector<1x32xf32> to vector<2000x32xf32>
    %add3A_54 = arith.addf %dot_general3A_49, %add3A_53 : vector<2000x32xf32>
    %swap3A = arith.constant 0 : index
    %swap3A_55 = arith.constant 0 : index
    %swap3A_56 = vector.load %arg14[%swap3A, %swap3A_55] : memref<2000x32xf32, #tpu.memory_space<vmem>>, vector<2000x32xf32>
    tpu.vector_store %arg14[%swap3A, %swap3A_55], %add3A_54 {strides = array<i32>} : memref<2000x32xf32, #tpu.memory_space<vmem>>, vector<2000x32xf32>,
    %get3A_57 = arith.constant 0 : index
    %get3A_58 = arith.constant 0 : index
    %get3A_59 = vector.load %arg12[%get3A_57, %get3A_58] : memref<32x32xf32, #tpu.memory_space<vmem>>, vector<32x32xf32>
    %dot_general3A_60 = arith.constant dense<0.000000e+00> : vector<2000x32xf32>
    %dot_general3A_61 = tpu.matmul %max3A_44, %get3A_59, %dot_general3A_60 {dimension_numbers = #tpu.dot_dimension_numbers<[1], [0], [0], [1], [0, 0, 1, 1], [], []>, transpose_lhs_hint = false} : vector<2000x32xf32>, vector<32x32xf32>, vector<2000x32xf32> -> vector<2000x32xf32>
    %swap3A_62 = arith.constant 0 : index
    %swap3A_63 = arith.constant 0 : index
    %swap3A_64 = vector.load %arg15[%swap3A_62, %swap3A_63] : memref<2000x32xf32, #tpu.memory_space<vmem>>, vector<2000x32xf32>
    tpu.vector_store %arg15[%swap3A_62, %swap3A_63], %dot_general3A_61 {strides = array<i32>} : memref<2000x32xf32, #tpu.memory_space<vmem>>, vector<2000x32xf32>,
    return
  }
  func.func @transform_0(%arg0: i32) -> (i32, i32) {
    %c0_i32 = arith.constant 0 : i32
    %c0_i32_0 = arith.constant 0 : i32
    return %arg0, %c0_i32 : i32, i32
  }
  func.func @transform_1(%arg0: i32) -> (i32, i32) {
    %c0_i32 = arith.constant 0 : i32
    %c0_i32_0 = arith.constant 0 : i32
    return %arg0, %c0_i32 : i32, i32
  }
  func.func @transform_2(%arg0: i32) -> (i32, i32) {
    %c0_i32 = arith.constant 0 : i32
    %c0_i32_0 = arith.constant 0 : i32
    return %arg0, %c0_i32 : i32, i32
  }
  func.func @transform_3(%arg0: i32) -> (i32, i32) {
    %c0_i32 = arith.constant 0 : i32
    %c0_i32_0 = arith.constant 0 : i32
    return %arg0, %c0_i32 : i32, i32
  }
  func.func @transform_4(%arg0: i32) -> (i32, i32) {
    %c0_i32 = arith.constant 0 : i32
    %c0_i32_0 = arith.constant 0 : i32
    return %arg0, %c0_i32 : i32, i32
  }
  func.func @transform_5(%arg0: i32) -> (i32, i32) {
    %c0_i32 = arith.constant 0 : i32
    %c0_i32_0 = arith.constant 0 : i32
    return %arg0, %c0_i32 : i32, i32
  }
  func.func @transform_6(%arg0: i32) -> (i32, i32) {
    %c0_i32 = arith.constant 0 : i32
    %c0_i32_0 = arith.constant 0 : i32
    %c0_i32_1 = arith.constant 0 : i32
    return %c0_i32, %c0_i32_0 : i32, i32
  }
  func.func @transform_7(%arg0: i32) -> (i32, i32) {
    %c0_i32 = arith.constant 0 : i32
    %c0_i32_0 = arith.constant 0 : i32
    %c0_i32_1 = arith.constant 0 : i32
    return %c0_i32, %c0_i32_0 : i32, i32
  }
  func.func @transform_8(%arg0: i32) -> (i32, i32) {
    %c0_i32 = arith.constant 0 : i32
    %c0_i32_0 = arith.constant 0 : i32
    %c0_i32_1 = arith.constant 0 : i32
    return %c0_i32, %c0_i32_0 : i32, i32
  }
  func.func @transform_9(%arg0: i32) -> (i32, i32) {
    %c0_i32 = arith.constant 0 : i32
    %c0_i32_0 = arith.constant 0 : i32
    %c0_i32_1 = arith.constant 0 : i32
    return %c0_i32, %c0_i32_0 : i32, i32
  }
  func.func @transform_10(%arg0: i32) -> (i32, i32) {
    %c0_i32 = arith.constant 0 : i32
    %c0_i32_0 = arith.constant 0 : i32
    %c0_i32_1 = arith.constant 0 : i32
    return %c0_i32, %c0_i32_0 : i32, i32
  }
  func.func @transform_11(%arg0: i32) -> (i32, i32) {
    %c0_i32 = arith.constant 0 : i32
    %c0_i32_0 = arith.constant 0 : i32
    %c0_i32_1 = arith.constant 0 : i32
    return %c0_i32, %c0_i32_0 : i32, i32
  }
  func.func @transform_12(%arg0: i32) -> (i32, i32) {
    %c0_i32 = arith.constant 0 : i32
    %c0_i32_0 = arith.constant 0 : i32
    %c0_i32_1 = arith.constant 0 : i32
    return %c0_i32, %c0_i32_0 : i32, i32
  }
  func.func @transform_13(%arg0: i32) -> (i32, i32) {
    %c0_i32 = arith.constant 0 : i32
    %c0_i32_0 = arith.constant 0 : i32
    return %arg0, %c0_i32 : i32, i32
  }
  func.func @transform_14(%arg0: i32) -> (i32, i32) {
    %c0_i32 = arith.constant 0 : i32
    %c0_i32_0 = arith.constant 0 : i32
    return %arg0, %c0_i32 : i32, i32
  }
}

module attributes {stable_mosaic.version = 14 : i64} {
  func.func @_head_body(%arg0: i32, %arg1: memref<3200x128xf32, #tpu.memory_space<vmem>>, %arg2: memref<3200x128xf32, #tpu.memory_space<vmem>>, %arg3: memref<128x4xf32, #tpu.memory_space<vmem>>, %arg4: memref<1x1xf32, #tpu.memory_space<vmem>>, %arg5: memref<3200x4xf32, #tpu.memory_space<vmem>>) attributes {dimension_semantics = [#tpu.dimension_semantics<arbitrary>], iteration_bounds = array<i64: 25>, scalar_prefetch = 0 : i64, scratch_operands = 0 : i64, tpu.core_type = #tpu.core_type<tc>, window_params = [{transform_indices = @transform_0, window_bounds = array<i64: 3200, 128>}, {transform_indices = @transform_1, window_bounds = array<i64: 3200, 128>}, {pipeline_mode = #tpu.pipeline_mode<synchronous>, transform_indices = @transform_2, window_bounds = array<i64: 128, 4>}, {pipeline_mode = #tpu.pipeline_mode<synchronous>, transform_indices = @transform_3, window_bounds = array<i64: 1, 1>}, {transform_indices = @transform_4, window_bounds = array<i64: 3200, 4>}]} {
    %get3A = arith.constant 0 : index
    %get3A_0 = arith.constant 0 : index
    %get3A_1 = vector.load %arg1[%get3A, %get3A_0] : memref<3200x128xf32, #tpu.memory_space<vmem>>, vector<3200x128xf32>
    %get3A_2 = arith.constant 0 : index
    %get3A_3 = arith.constant 0 : index
    %get3A_4 = vector.load %arg2[%get3A_2, %get3A_3] : memref<3200x128xf32, #tpu.memory_space<vmem>>, vector<3200x128xf32>
    %add3A = arith.addf %get3A_1, %get3A_4 : vector<3200x128xf32>
    %max3A = arith.constant 0.000000e+00 : f32
    %max3A_5 = vector.broadcast %max3A : f32 to vector<3200x128xf32>
    %max3A_6 = arith.maximumf %add3A, %max3A_5 : vector<3200x128xf32>
    %get3A_7 = arith.constant 0 : index
    %get3A_8 = arith.constant 0 : index
    %get3A_9 = vector.load %arg3[%get3A_7, %get3A_8] : memref<128x4xf32, #tpu.memory_space<vmem>>, vector<128x4xf32>
    %dot_general3A = arith.constant dense<0.000000e+00> : vector<3200x4xf32>
    %dot_general3A_10 = tpu.matmul %max3A_6, %get3A_9, %dot_general3A {dimension_numbers = #tpu.dot_dimension_numbers<[1], [0], [0], [1], [0, 0, 1, 1], [], []>, transpose_lhs_hint = false} : vector<3200x128xf32>, vector<128x4xf32>, vector<3200x4xf32> -> vector<3200x4xf32>
    %get3A_11 = arith.constant 0 : index
    %get3A_12 = arith.constant 0 : index
    %get3A_13 = vector.load %arg4[%get3A_11, %get3A_12] : memref<1x1xf32, #tpu.memory_space<vmem>>, vector<1x1xf32>
    %get3A_14 = vector.extract %get3A_13[0, 0] : f32 from vector<1x1xf32>
    %add3A_15 = vector.broadcast %get3A_14 : f32 to vector<3200x4xf32>
    %add3A_16 = arith.addf %dot_general3A_10, %add3A_15 : vector<3200x4xf32>
    %logistic3A = arith.negf %add3A_16 : vector<3200x4xf32>
    %logistic3A_17 = math.exp %logistic3A : vector<3200x4xf32>
    %logistic3A_18 = arith.constant 1.000000e+00 : f32
    %logistic3A_19 = vector.broadcast %logistic3A_18 : f32 to vector<3200x4xf32>
    %logistic3A_20 = arith.addf %logistic3A_19, %logistic3A_17 : vector<3200x4xf32>
    %logistic3A_21 = arith.divf %logistic3A_19, %logistic3A_20 : vector<3200x4xf32>
    %swap3A = arith.constant 0 : index
    %swap3A_22 = arith.constant 0 : index
    %swap3A_23 = vector.load %arg5[%swap3A, %swap3A_22] : memref<3200x4xf32, #tpu.memory_space<vmem>>, vector<3200x4xf32>
    tpu.vector_store %arg5[%swap3A, %swap3A_22], %logistic3A_21 {strides = array<i32>} : memref<3200x4xf32, #tpu.memory_space<vmem>>, vector<3200x4xf32>,
    return
  }
  func.func @transform_0(%arg0: i32) -> (i32, i32) {
    %c0_i32 = arith.constant 0 : i32
    %c0_i32_0 = arith.constant 0 : i32
    return %arg0, %c0_i32 : i32, i32
  }
  func.func @transform_1(%arg0: i32) -> (i32, i32) {
    %c0_i32 = arith.constant 0 : i32
    %c0_i32_0 = arith.constant 0 : i32
    return %arg0, %c0_i32 : i32, i32
  }
  func.func @transform_2(%arg0: i32) -> (i32, i32) {
    %c0_i32 = arith.constant 0 : i32
    %c0_i32_0 = arith.constant 0 : i32
    %c0_i32_1 = arith.constant 0 : i32
    return %c0_i32, %c0_i32_0 : i32, i32
  }
  func.func @transform_3(%arg0: i32) -> (i32, i32) {
    %c0_i32 = arith.constant 0 : i32
    %c0_i32_0 = arith.constant 0 : i32
    %c0_i32_1 = arith.constant 0 : i32
    return %c0_i32, %c0_i32_0 : i32, i32
  }
  func.func @transform_4(%arg0: i32) -> (i32, i32) {
    %c0_i32 = arith.constant 0 : i32
    %c0_i32_0 = arith.constant 0 : i32
    return %arg0, %c0_i32 : i32, i32
  }
}

</mosaic_0001>

<sc_bundles>
// kernel: kernel.12.cloned.1.call-start
scs
__scs_entry_jumppad:
0x0: {  	(pc) =	sbr.rel $0x88, $3  }
0x1: {  	(tag) =	ssettag $0x0;
	lr =	simm.s32 $0x1  }
0x2: {  	[smem:$0x3F91] =	sst lr;
	_ =	strace $0xD0000000  }
0x3: {  	_ = 	snop  }
0x4: {  	_ = 	snop  }
0x5: {  	_ = 	snop  }
0x6: {  	_ = 	snop  }
0x7: {  	_ = 	snop  }
__scs_overlays_trampoline_lowered:
0x8: {  	[smem:$0x3FA0] =	sst s0  }
0x9: {  	[smem:$0x3FA1] =	sst s1  }
0xa: {  	[smem:$0x3FA2] =	sst s2  }
0xb: {  	[smem:$0x3FA3] =	sst s3  }
0xc: {  	[smem:$0x3FA4] =	sst s4  }
0xd: {  	[smem:$0x3FA5] =	sst s5  }
0xe: {  	[smem:$0x3FA6] =	sst s6  }
0xf: {  	[smem:$0x3FA7] =	sst s7  }
0x10: {  	[smem:$0x3FA8] =	sst s8  }
0x11: {  	[smem:$0x3FA9] =	sst s9;
	s0 =	simm.s32 @!p0 $0x0  }
0x12: {  	s1 =	sld [smem:$0x3F8F];
	s0 =	simm.s32 @p0 $0x1  }
0x13: {  	[smem:$0x3FAA] =	sst s0;
	s0 =	simm.s32 @!p1 $0x0  }
0x14: {  	s2 =	sld [smem:$0x3F8E];
	s0 =	simm.s32 @p1 $0x1  }
0x15: {  	[smem:$0x3FAB] =	sst s0;
	s0 =	simm.s32 @!p2 $0x0  }
0x16: {  	s3 =	sld [smem:$0x3FDB];
	s0 =	simm.s32 @p2 $0x1  }
0x17: {  	s4 =	simm.s32 $0x1BF5;
	[smem:$0x3FAD] =	sst s0  }
0x18: {  	s0 =	sld [smem:$0x3F90];
	_ =	swait.ge [sflag:s4], $0x0  }
0x19: {  	s7 =	sld [smem:$0x3F91]  }
0x1a: {  	s8 =	sadd.s32 $0xFFFFE003, lr  }
0x1b: {  	s9 =	sadd.s32 $0xFFFFFEF7, lr;
	s5 =	simm.s32 $0xFFFFFFFF;
	p2 =	slt.u32 s8, $0xFFFFF086  }
0x1c: {  	p1 =	slt.u32 s9, $0xF7A;
	s5 =	simm.s32 @!p2 $0x0  }
0x1d: {  	s5 =	simm.s32 @p1 $0x1;
	p0 =	seq.s32 s7, s2  }
0x1e: {  	s7 =	smul.u32 @!p0 $0xF7A, s2;
	p2 =	seq.s32 @!p0 s5, $0x0  }
0x1f: {  	s9 =	smul.u32 $0xF7A, s1;
	s8 =	simm.s32 @!p0 $0x1BF5;
	p2 =	por !p2, p0  }
0x20: {  	[sflag:s8] =	ssyncset.s32 @!p0 $0xFFFFF086;
	s6 =	sadd.s32 @!p0 s3, s7;
	s7 =	simm.s32 @!p0 $0x108  }
0x21: {  	s3 =	sadd.s32 s3, s9;
	s6 =	sadd.s32 @!p0 $0x88, s6;
	s7 =	simm.s32 @p2 $0x1082  }
0x22: {  	[simem:s7], [sflag:s8] =	dma.local @!p0 [hbm:s6], $0xF7A  }
0x23: {  	s9 =	sor.u32 $0xD0000000, s2;
	s6 =	simm.s32 $0x108;
	_ =	swait.ge @!p0 [sflag:s8], $0x0  }
0x24: {  	s3 =	sadd.s32 $0x88, s3;
	s6 =	simm.s32 @!p1 $0x1082;
	[sflag:s4] =	ssyncset.s32 $0xFFFFF086  }
0x25: {  	[simem:s6], [sflag:s4] =	dma.local [hbm:s3], $0xF7A  }
0x26: {  	[smem:$0x3F91] =	sst s1;
	(tag) =	ssettag s2;
	_ =	strace s9  }
0x27: {  	s1 =	sld [smem:$0x3FA1]  }
0x28: {  	s2 =	sld [smem:$0x3FA2]  }
0x29: {  	s4 =	sld [smem:$0x3FA4]  }
0x2a: {  	p0 =	seq.s32 s5, $0x0;
	s5 =	sld [smem:$0x3FA5]  }
0x2b: {  	s6 =	sld [smem:$0x3FA6]  }
0x2c: {  	s7 =	sld [smem:$0x3FA7]  }
0x2d: {  	s3 =	simm.s32 $0x108;
	s8 =	sld [smem:$0x3FA8]  }
0x2e: {  	s3 =	simm.s32 @!p0 $0x1082;
	s9 =	sld [smem:$0x3FA9]  }
0x2f: {  	lr =	sadd.s32 s0, s3;
	s0 =	sld [smem:$0x3FA0]  }
0x30: {  	s3 =	sld [smem:$0x3FA3]  }
0x31: {  	[smem:$0x3FAC] =	sst s10  }
0x32: {  	s10 =	sld [smem:$0x3FAA];
	_ =	sdelay $0x3  }
0x33: {  	p0 =	seq.s32 s10, $0x1;
	s10 =	sld [smem:$0x3FAC];
	_ =	sdelay $0x3  }
0x34: {  	[smem:$0x3FAC] =	sst s10  }
0x35: {  	s10 =	sld [smem:$0x3FAB];
	_ =	sdelay $0x3  }
0x36: {  	p1 =	seq.s32 s10, $0x1;
	s10 =	sld [smem:$0x3FAC];
	_ =	sdelay $0x3  }
0x37: {  	[smem:$0x3FAC] =	sst s10  }
0x38: {  	s10 =	sld [smem:$0x3FAD]  }
0x39: {  	_ = 	snop;
	(pc) =	sbr.ind lr, $3  }
0x3a: {  	_ = 	snop  }
0x3b: {  	_ = 	snop  }
0x3c: {  	p2 =	seq.s32 s10, $0x1;
	s10 =	sld [smem:$0x3FAC]  }
0x3d: {  	_ =	shalt  }
0x3e: {  	_ =	shalt  }
0x3f: {  	_ =	shalt  }
0x40: {  	_ =	shalt  }
0x41: {  	_ =	shalt  }
0x42: {  	_ =	shalt  }
0x43: {  	_ =	shalt  }
0x44: {  	_ =	shalt  }
0x45: {  	_ =	shalt  }
0x46: {  	_ =	shalt  }
0x47: {  	_ =	shalt  }
0x48: {  	_ =	shalt  }
0x49: {  	_ =	shalt  }
0x4a: {  	_ =	shalt  }
0x4b: {  	_ =	shalt  }
0x4c: {  	_ =	shalt  }
0x4d: {  	_ =	shalt  }
0x4e: {  	_ =	shalt  }
0x4f: {  	_ =	shalt  }
0x50: {  	_ =	shalt  }
0x51: {  	_ =	shalt  }
0x52: {  	_ =	shalt  }
0x53: {  	_ =	shalt  }
0x54: {  	_ =	shalt  }
0x55: {  	_ =	shalt  }
0x56: {  	_ =	shalt  }
0x57: {  	_ =	shalt  }
0x58: {  	_ =	shalt  }
0x59: {  	_ =	shalt  }
0x5a: {  	_ =	shalt  }
0x5b: {  	_ =	shalt  }
0x5c: {  	_ =	shalt  }
0x5d: {  	_ =	shalt  }
0x5e: {  	_ =	shalt  }
0x5f: {  	_ =	shalt  }
0x60: {  	_ =	shalt  }
0x61: {  	_ =	shalt  }
0x62: {  	_ =	shalt  }
0x63: {  	_ =	shalt  }
0x64: {  	_ =	shalt  }
0x65: {  	_ =	shalt  }
0x66: {  	_ =	shalt  }
0x67: {  	_ =	shalt  }
0x68: {  	_ =	shalt  }
0x69: {  	_ =	shalt  }
0x6a: {  	_ =	shalt  }
0x6b: {  	_ =	shalt  }
0x6c: {  	_ =	shalt  }
0x6d: {  	_ =	shalt  }
0x6e: {  	_ =	shalt  }
0x6f: {  	_ =	shalt  }
0x70: {  	_ =	shalt  }
0x71: {  	_ =	shalt  }
0x72: {  	_ =	shalt  }
0x73: {  	_ =	shalt  }
0x74: {  	_ =	shalt  }
0x75: {  	_ =	shalt  }
0x76: {  	_ =	shalt  }
0x77: {  	_ =	shalt  }
0x78: {  	_ =	shalt  }
0x79: {  	_ =	shalt  }
0x7a: {  	_ =	shalt  }
0x7b: {  	_ =	shalt  }
0x7c: {  	_ =	shalt  }
0x7d: {  	_ =	shalt  }
0x7e: {  	_ =	shalt  }
0x7f: {  	_ =	shalt  }
0x80: {  	_ =	shalt  }
0x81: {  	_ =	shalt  }
0x82: {  	_ =	shalt  }
0x83: {  	_ =	shalt  }
0x84: {  	_ =	shalt  }
0x85: {  	_ =	shalt  }
0x86: {  	_ =	shalt  }
0x87: {  	_ =	shalt  }
.Lfunc_end0:
.L_simem_size_0:
called_computation.1_lowered:
.L_overlay_start_0:
0x88: {  	s2 =	sld [smem:$0x3FD9]  }
0x89: {  	s3 =	sld [smem:$0x3FFE];
	_ =	sdelay $0x1  }
0x8a: {  	s1 =	srdreg.scid  }
0x8b: {  	s0 =	sand.u32 $0x1, s1  }
0x8c: {  	s16 =	sshll.u32 s0, $0xA;
	s2 =	sadd.s32 s3, s2  }
0x8d: {  	s2 =	sadd.s32 s2, s16  }
0x8e: {  	[smem:$0x3FB8] =	sst s2  }
0x8f: {  	_ = 	snop  }
0x90: {  	(tm) =	ssettm $0x1  }
0x91: {  	s17 =	sld [smem:$0x3FFB];
	_ =	sdelay $0x3  }
0x92: {  	_ =	strace s17  }
0x93: {  	s2 =	sld [smem:$0x3FFC];
	_ =	sdelay $0x3  }
0x94: {  	_ =	strace s2  }
0x95: {  	s2 =	sld [smem:$0x3FFD];
	_ =	sdelay $0x3  }
0x96: {  	_ =	strace s2  }
0x97: {  	_ =	strace $0x8FFFFFFF  }
0x98: {  	s18 =	sld [smem:$0x3FDB];
	_ =	sdelay $0x1  }
0x99: {  	s19 =	simm.s32 $_scs_section_size  }
0x9a: {  	s4 =	simm.s32 $_size__tile_overlayer_lowered;
	s5 =	simm.s32 $_tile_overlayer_lowered  }
0x9b: {  	s22 =	simm.s32 $0x1BFF;
	s21 =	sshll.u32 s5, $0x1;
	s2 =	sadd.s32 s19, s18  }
0x9c: {  	s6 =	simm.s32 $0x0;
	s20 =	sshll.u32 s4, $0x1;
	s4 =	sadd.s32 s21, s2  }
0x9d: {  	[timem:s6], [sflag:s22] =	dma.local [hbm:s4], s20  }
0x9e: {  	_ =	swait.ge [sflag:s22], s20  }
0x9f: {  	s3 =	ssub.s32 $0x0, s20;
	[sflag:s22] =	ssyncset.done $0x0  }
0xa0: {  	[sflag:s22] =	ssyncadd.s32 s3;
	_ =	sdelay $0x1  }
0xa1: {  	s23 =	simm.s32 $0x1B8B  }
0xa2: {  	_ =	swait.ge [sflag:s23], $0x1  }
0xa3: {  	[sflag:s23] =	ssyncset.done $0x0  }
0xa4: {  	s25 =	simm.s32 $0x1B8E;
	s24 =	sld [smem:$0x3FFE];
	[sflag:s23] =	ssyncadd.s32 $0xFFFFFFFF  }
0xa5: {  	s26 =	simm.s32 $execute0_lowered;
	[smem:$0x3FD2] =	sst s25  }
0xa6: {  	s4 =	sshll.u32 s26, $0x1;
	_ =	strace $0x80000049;
	[dreg:$0x1] =	wrdreg $0xFFFFFFFF  }
0xa7: {  	s28 =	simm.s32 $_size_execute0_lowered;
	s2 =	sadd.s32 s2, s4;
	[dreg:$0x0] =	wrdreg $0x0  }
0xa8: {  	s4 =	sshll.u32 s28, $0x1;
	[dreg:$0x2] =	wrdreg s2  }
0xa9: {  	[dreg:$0x3] =	wrdreg s4  }
0xaa: {  	[dreg:$0x4] =	wrdreg $0xC0  }
0xab: {  	_ =	task [dreg:s6], $0x5FFFF  }
0xac: {  	[dreg:$0x1] =	wrdreg $0xFFFFFFFF  }
0xad: {  	[dreg:$0x0] =	wrdreg $0x60  }
0xae: {  	[dreg:$0x2] =	wrdreg s24  }
0xaf: {  	[dreg:$0x3] =	wrdreg $0x17ED00  }
0xb0: {  	[dreg:$0x4] =	wrdreg $0x1CCF00  }
0xb1: {  	[dreg:$0x5] =	wrdreg $0x9  }
0xb2: {  	_ =	task.clear_ibuf [dreg:s6], $0x6FFFF;
	_ =	strace $0x90000049  }
0xb3: {  	s29 =	simm.s32 $0x9;
	_ =	strace $0x8000004B  }
0xb4: {  	_ =	swait.ge [sflag:s29], $0x1  }
0xb5: {  	[sflag:s29] =	ssyncadd.s32 $0xFFFFFFFF  }
0xb6: {  	_ =	strace $0x9000004B  }
0xb7: {  	_ =	sfence  }
0xb8: {  	s30 =	sld [smem:$0x0];
	_ =	sdelay $0x2  }
0xb9: {  	s31 =	sshll.u32 s1, $0xD;
	s1 =	sshrl.u32 s1, $0x2  }
0xba: {  	s3 =	sand.u32 $0x4000, s31;
	s1 =	sadd.s32 s1, s30  }
0xbb: {  	s0 =	sor.u32 s3, s0;
	s1 =	sshll.u32 s1, $0x11  }
0xbc: {  	s0 =	sor.u32 s1, s0  }
0xbd: {  	s0 =	sadd.s32 $0x8F2B, s0  }
0xbe: {  	[sflag:s0] =	ssyncadd.remote.s32 $0x1  }
0xbf: {  	_ =	sfence.sel $0xFFFF  }
0xc0: {  	[dreg:$0x0] =	wrdreg $0xFFFFFFFF;
	(pc) =	sbr.abs _section_cstart, $3  }
0xc1: {  	[dreg:$0x1] =	wrdreg $0xFFFFFFFF  }
0xc2: {  	_ =	task.clear_ibuf [dreg:s6], $0x2FFFF;
	_ =	strace $0x9FFFFFFF  }
0xc3: {  	(tm) =	ssettm $0x7FFFFFFF  }
tec
execute0_lowered:
.L_overlay_start_1:
0x0: {  	(tag) =	ssettag $0x1  }
0x1: {  	s7 =	rddreg [dreg:$0x0]  }
0x2: {  	s2 =	rddreg [dreg:$0x1];
	s1 =	srdreg.scid  }
0x3: {  	s0 =	stileid.u32;
	s3 =	rddreg [dreg:$0x2]  }
0x4: {  	s4 =	simm.s32 $0x0;
	s15 =	simm.s32 $0x101D0;
	s16 =	simm.s32 $0x50  }
0x5: {  	s8 =	sand.u32 $0x1, s1;
	s9 =	smul.u32 $0x4E20, s0;
	s1 =	rddreg [dreg:$0x3]  }
0x6: {  	s17 =	simm.s32 $0x1;
	[smem:$0x7FF] =	sst s4;
	s11 =	smul.u32 $0x2710, s0  }
0x7: {  	s5 =	sadd.s32 $0x2BB400, s7;
	s6 =	sadd.s32 $0x36800, s7;
	s10 =	smul.u32 $0x4E200, s8  }
0x8: {  	s12 =	smul.u32 $0x27100, s8;
	s13 =	ssub.s32 $0x2, s8;
	s30 =	sshll.u32 s8, $0x4  }
0x9: {  	_ =	strace $0x8000004A;
	s14 =	sshrl.u32 s13, $0x1;
	s31 =	sor.u32 s0, s30  }
0xa: {  	s8 =	sadd.s32 s11, s3;
	s10 =	sadd.s32 s9, s10;
	s12 =	sadd.s32 s11, s12  }
0xb: {  	s13 =	ssub.s32 s13, s14;
	s10 =	sshrl.u32 s10, $0x3;
	s12 =	sshrl.u32 s12, $0x3  }
0xc: {  	s14 =	simm.s32 $0x2;
	s10 =	sadd.s32 s10, s7;
	s12 =	sadd.s32 s12, s7  }
0xd: {  	s7 =	sadd.s32 s9, s2;
	s9 =	smul.u32 $0x2710, s31;
	s10 =	sadd.s32 $0x4A400, s10  }
0xe: {  	v0 =	vimm.f32 $0.0e+00;
	v1 =	vimm.f32 $1.000000000e+00;
	s11 =	sadd.s32 $0x2CA00, s12;
	s12 =	smax.u32 s13, $0x1;
	s13 =	simm.s32 $0x7D0  }
.LBB2_1:
0xf: {  	s18 =	simm.s32 $0x7E0  }
0x10: {  	[tilespmem:s18+$0xFFFFFFF0] =	vst v0  }
0x11: {  	s19 =	simm.s32 $0x40;
	s20 =	simm.s32 $0x0;
	[tilespmem:s18+$0x0] =	vst v0  }
.LBB2_2:
0x12: {  	p0 =	sne.s32 s19, $0x9C00  }
0x13: {  	[tilespmem:s20+$0x101D0] =	vst v0;
	s18 =	sadd.s32 $0x20, s18;
	s20 =	smov.u32 s19;
	s19 =	sadd.s32 $0x40, s19  }
.Ltmp0:
0x14: {  	[tilespmem:s18+$0xFFFFFFF0] =	vst v0;
	(pc) =	sbr.rel @p0 .LBB2_2-.Ltmp0, $2  }
0x15: {  	_ =	sdelay $0x2  }
0x16: {  	s20 =	sshra.s32 s20, $0x2;
	[tilespmem:s18+$0x0] =	vst v0  }
0x17: {  	[tilespmem:s20+$0x101D0] =	vst v0  }
0x18: {  	[spmem:s7] =	stream.linear.scatter [tilespmem:s13], [sflag:$0x2], $0x4E20, $0x38;
	[tilespmem:$0x1F400] =	vst v63  }
0x19: {  	_ =	swait.ge [sflag:s14], $0x4E20  }
0x1a: {  	[sflag:s14] =	ssyncset.done $0x0  }
0x1b: {  	[sflag:s14] =	ssyncadd.s32 $0xFFFFB1E0  }
0x1c: {  	[spmem:s8] =	stream.linear.scatter [tilespmem:s15], [sflag:$0x2], $0x2710, $0x38;
	[tilespmem:$0x1F400] =	vst v63  }
0x1d: {  	_ =	swait.ge [sflag:s14], $0x2710  }
0x1e: {  	[sflag:s14] =	ssyncset.done $0x0  }
0x1f: {  	s18 =	simm.s32 $0x40;
	s19 =	simm.s32 $0x0;
	[sflag:s14] =	ssyncadd.s32 $0xFFFFD8F0  }
.LBB2_4:
0x20: {  	p0 =	sne.s32 s18, $0x1F3C0;
	[tilespmem:s19+$0x101D0] =	vst v1;
	s19 =	smov.u32 s18;
	s18 =	sadd.s32 $0x40, s18  }
.Ltmp1:
0x21: {  	(pc) =	sbr.rel @p0 .LBB2_4-.Ltmp1, $2  }
0x22: {  	_ =	sdelay $0x2  }
0x23: {  	s19 =	sshra.s32 s19, $0x2  }
0x24: {  	[tilespmem:s19+$0x101D0] =	vst v1  }
0x25: {  	s18 =	simm.s32 $0x0;
	s19 =	simm.s32 $0x0;
	[bflag:$0x0] =	sbarrier.arrive $0xFFFF  }
.LBB2_6:
0x26: {  	s20 =	smul.u32 $0x7D0, s19;
	_ =	sdelay $0x1  }
0x27: {  	s20 =	sadd.s32 s9, s20  }
0x28: {  	s21 =	sshrl.u32 s20, $0x3  }
0x29: {  	s21 =	sadd.s32 s6, s21  }
0x2a: {  	[tilespmem:s18], [sflag:$0x2] =	stream.linear.gather [hbm4b:s21+s18], $0x7D0, $0x38;
	[tilespmem:$0x1F400] =	vst v63  }
0x2b: {  	_ =	swait.ge [sflag:s14], $0x7D0  }
0x2c: {  	s20 =	sshll.u32 s20, $0x2;
	[sflag:s14] =	ssyncset.done $0x0  }
0x2d: {  	s31 =	simm.s32 $0x7D0;
	s20 =	sadd.s32 s5, s20;
	[sflag:s14] =	ssyncadd.s32 $0xFFFFF830  }
0x2e: {  	[tilespmem:s31], [sflag:$0x2] =	stream.linear.gather [hbm4b:s20+s18], $0xFA00, $0x38;
	[tilespmem:$0x1F400] =	vst v63  }
0x2f: {  	_ =	swait.ge [sflag:s14], $0xFA00  }
0x30: {  	[sflag:s14] =	ssyncset.done $0x0  }
0x31: {  	s22 =	simm.s32 $0x0;
	[sflag:s14] =	ssyncadd.s32 $0xFFFF0600  }
0x32: {  	[spmem:s2] =	stream.indirect.scatter.add.f32 [tilespmem:s31], [sflag:$0x1], $0x20, s22, s16, $0xb8;
	[tilespmem:$0x1F400] =	vst v63  }
0x33: {  	s20 =	simm.s32 $0x101D0  }
0x34: {  	[spmem:s3] =	stream.indirect.scatter.add.f32 [tilespmem:s20], [sflag:$0x1], $0x10, s22, s16, $0xb8;
	[tilespmem:$0x1F400] =	vst v63  }
0x35: {  	s21 =	simm.s32 $0x140;
	s22 =	simm.s32 $0x11D0  }
.LBB2_7:
0x36: {  	s23 =	sshra.s32 s21, $0x2;
	p0 =	sne.s32 s21, $0x1E00;
	s21 =	sadd.s32 $0x140, s21  }
0x37: {  	[spmem:s2] =	stream.indirect.scatter.add.f32 [tilespmem:s22], [sflag:$0x1], $0x20, s23, s16, $0xb8;
	[tilespmem:$0x1F400] =	vst v63  }
.Ltmp2:
0x38: {  	_ = 	snop;
	(pc) =	sbr.rel @p0 .LBB2_7-.Ltmp2, $4  }
0x39: {  	s20 =	sadd.s32 $0x500, s20  }
0x3a: {  	[spmem:s3] =	stream.indirect.scatter.add.f32 [tilespmem:s20], [sflag:$0x1], $0x10, s23, s16, $0xb8;
	[tilespmem:$0x1F400] =	vst v63  }
0x3b: {  	_ = 	snop  }
0x3c: {  	s22 =	sadd.s32 $0xA00, s22  }
0x3d: {  	s19 =	sadd.s32 $0x1, s19  }
0x3e: {  	_ =	swait.ge [sflag:s17], $0xFA00;
	p0 =	sne.s32 s19, $0x5  }
.Ltmp3:
0x3f: {  	[sflag:s17] =	ssyncset.done $0x0;
	(pc) =	sbr.rel @p0 .LBB2_6-.Ltmp3, $4  }
0x40: {  	[sflag:s17] =	ssyncadd.s32 $0xFFFF0600  }
0x41: {  	_ =	swait.ge [sflag:s17], $0x7D00  }
0x42: {  	[sflag:s17] =	ssyncset.done $0x0  }
0x43: {  	[sflag:s17] =	ssyncadd.s32 $0xFFFF8300  }
0x44: {  	s18 =	sshll.u32 s0, $0x6  }
0x45: {  	[bflag:$0x0] =	sbarrier.arrive $0xFFFF;
	s19 =	sshrl.u32 s7, $0x3;
	s18 =	sor.u32 $0x1C02, s18  }
0x46: {  	[hbm:s10], [sflag:s18] =	dma.local [spmem:s19], $0x9C4  }
0x47: {  	s4 =	sadd.s32 $0x1, s4;
	_ =	swait.ge [sflag:s14], $0x9C4  }
0x48: {  	p0 =	sne.s32 s4, s12;
	[sflag:s14] =	ssyncset.done $0x0  }
.Ltmp4:
0x49: {  	s31 =	sshrl.u32 s8, $0x3;
	[sflag:s14] =	ssyncadd.s32 $0xFFFFF63C;
	(pc) =	sbr.rel @p0 .LBB2_1-.Ltmp4, $4  }
0x4a: {  	[hbm:s11], [sflag:s18] =	dma.local [spmem:s31], $0x4E2  }
0x4b: {  	_ =	swait.ge [sflag:s14], $0x4E2  }
0x4c: {  	[sflag:s14] =	ssyncset.done $0x0  }
0x4d: {  	[sflag:s14] =	ssyncadd.s32 $0xFFFFFB1E  }
0x4e: {  	_ =	sfence.sel $0x180000  }
0x4f: {  	[bflag:$0x0] =	sbarrier.arrive $0xFFFF  }
0x50: {  	p0 =	sne.s32 s0, $0x0;
	_ =	strace $0x9000004A  }
0x51: {  	s0 =	sadd.s32 @!p0 $0x100000, s1;
	[bflag:$0x2] =	sbarrier.arrive $0xFFFF  }
0x52: {  	[sflag:s0] =	ssyncadd.tile.s32 @!p0 $0x1;
	_ =	shalt  }
.Lfunc_end2:
_tile_overlayer_lowered:
.L_overlay_start_2:
0x53: {  	(tag) =	ssettag $0x2  }
0x54: {  	s0 =	rddreg [dreg:$0x0];
	s2 =	stileid.u32  }
0x55: {  	s1 =	rddreg [dreg:$0x1];
	p0 =	sne.s32 s2, $0x0  }
0x56: {  	s3 =	rddreg [dreg:$0x2];
	[bflag:$0x3] =	sbarrier.arrive $0xFFFF;
	s2 =	simm.s32 @!p0 $0x1C02  }
0x57: {  	[timem:s3], [sflag:s2] =	dma.local @!p0 [hbm:s0], s1  }
0x58: {  	s0 =	simm.s32 @!p0 $0x2  }
0x59: {  	_ =	swait.ge @!p0 [sflag:s0], s1  }
0x5a: {  	s1 =	ssub.s32 @!p0 $0x0, s1;
	[sflag:s0] =	ssyncset.done @!p0 $0x0  }
0x5b: {  	[sflag:s0] =	ssyncadd.s32 @!p0 s1  }
0x5c: {  	[bflag:$0x3] =	sbarrier.arrive $0xFFFF  }
0x5d: {  	_ =	shalt  }

// kernel: kernel.15.cloned.1.call-start
scs
__scs_entry_jumppad:
0x0: {  	(pc) =	sbr.rel $0x88, $3  }
0x1: {  	(tag) =	ssettag $0x0;
	lr =	simm.s32 $0x1  }
0x2: {  	[smem:$0x3F91] =	sst lr;
	_ =	strace $0xD0000000  }
0x3: {  	_ = 	snop  }
0x4: {  	_ = 	snop  }
0x5: {  	_ = 	snop  }
0x6: {  	_ = 	snop  }
0x7: {  	_ = 	snop  }
__scs_overlays_trampoline_lowered:
0x8: {  	[smem:$0x3FA0] =	sst s0  }
0x9: {  	[smem:$0x3FA1] =	sst s1  }
0xa: {  	[smem:$0x3FA2] =	sst s2  }
0xb: {  	[smem:$0x3FA3] =	sst s3  }
0xc: {  	[smem:$0x3FA4] =	sst s4  }
0xd: {  	[smem:$0x3FA5] =	sst s5  }
0xe: {  	[smem:$0x3FA6] =	sst s6  }
0xf: {  	[smem:$0x3FA7] =	sst s7  }
0x10: {  	[smem:$0x3FA8] =	sst s8  }
0x11: {  	[smem:$0x3FA9] =	sst s9;
	s0 =	simm.s32 @!p0 $0x0  }
0x12: {  	s1 =	sld [smem:$0x3F8F];
	s0 =	simm.s32 @p0 $0x1  }
0x13: {  	[smem:$0x3FAA] =	sst s0;
	s0 =	simm.s32 @!p1 $0x0  }
0x14: {  	s2 =	sld [smem:$0x3F8E];
	s0 =	simm.s32 @p1 $0x1  }
0x15: {  	[smem:$0x3FAB] =	sst s0;
	s0 =	simm.s32 @!p2 $0x0  }
0x16: {  	s3 =	sld [smem:$0x3FDB];
	s0 =	simm.s32 @p2 $0x1  }
0x17: {  	s4 =	simm.s32 $0x1BF5;
	[smem:$0x3FAD] =	sst s0  }
0x18: {  	s0 =	sld [smem:$0x3F90];
	_ =	swait.ge [sflag:s4], $0x0  }
0x19: {  	s7 =	sld [smem:$0x3F91]  }
0x1a: {  	s8 =	sadd.s32 $0xFFFFE003, lr  }
0x1b: {  	s9 =	sadd.s32 $0xFFFFFEF7, lr;
	s5 =	simm.s32 $0xFFFFFFFF;
	p2 =	slt.u32 s8, $0xFFFFF086  }
0x1c: {  	p1 =	slt.u32 s9, $0xF7A;
	s5 =	simm.s32 @!p2 $0x0  }
0x1d: {  	s5 =	simm.s32 @p1 $0x1;
	p0 =	seq.s32 s7, s2  }
0x1e: {  	s7 =	smul.u32 @!p0 $0xF7A, s2;
	p2 =	seq.s32 @!p0 s5, $0x0  }
0x1f: {  	s9 =	smul.u32 $0xF7A, s1;
	s8 =	simm.s32 @!p0 $0x1BF5;
	p2 =	por !p2, p0  }
0x20: {  	[sflag:s8] =	ssyncset.s32 @!p0 $0xFFFFF086;
	s6 =	sadd.s32 @!p0 s3, s7;
	s7 =	simm.s32 @!p0 $0x108  }
0x21: {  	s3 =	sadd.s32 s3, s9;
	s6 =	sadd.s32 @!p0 $0x88, s6;
	s7 =	simm.s32 @p2 $0x1082  }
0x22: {  	[simem:s7], [sflag:s8] =	dma.local @!p0 [hbm:s6], $0xF7A  }
0x23: {  	s9 =	sor.u32 $0xD0000000, s2;
	s6 =	simm.s32 $0x108;
	_ =	swait.ge @!p0 [sflag:s8], $0x0  }
0x24: {  	s3 =	sadd.s32 $0x88, s3;
	s6 =	simm.s32 @!p1 $0x1082;
	[sflag:s4] =	ssyncset.s32 $0xFFFFF086  }
0x25: {  	[simem:s6], [sflag:s4] =	dma.local [hbm:s3], $0xF7A  }
0x26: {  	[smem:$0x3F91] =	sst s1;
	(tag) =	ssettag s2;
	_ =	strace s9  }
0x27: {  	s1 =	sld [smem:$0x3FA1]  }
0x28: {  	s2 =	sld [smem:$0x3FA2]  }
0x29: {  	s4 =	sld [smem:$0x3FA4]  }
0x2a: {  	p0 =	seq.s32 s5, $0x0;
	s5 =	sld [smem:$0x3FA5]  }
0x2b: {  	s6 =	sld [smem:$0x3FA6]  }
0x2c: {  	s7 =	sld [smem:$0x3FA7]  }
0x2d: {  	s3 =	simm.s32 $0x108;
	s8 =	sld [smem:$0x3FA8]  }
0x2e: {  	s3 =	simm.s32 @!p0 $0x1082;
	s9 =	sld [smem:$0x3FA9]  }
0x2f: {  	lr =	sadd.s32 s0, s3;
	s0 =	sld [smem:$0x3FA0]  }
0x30: {  	s3 =	sld [smem:$0x3FA3]  }
0x31: {  	[smem:$0x3FAC] =	sst s10  }
0x32: {  	s10 =	sld [smem:$0x3FAA];
	_ =	sdelay $0x3  }
0x33: {  	p0 =	seq.s32 s10, $0x1;
	s10 =	sld [smem:$0x3FAC];
	_ =	sdelay $0x3  }
0x34: {  	[smem:$0x3FAC] =	sst s10  }
0x35: {  	s10 =	sld [smem:$0x3FAB];
	_ =	sdelay $0x3  }
0x36: {  	p1 =	seq.s32 s10, $0x1;
	s10 =	sld [smem:$0x3FAC];
	_ =	sdelay $0x3  }
0x37: {  	[smem:$0x3FAC] =	sst s10  }
0x38: {  	s10 =	sld [smem:$0x3FAD]  }
0x39: {  	_ = 	snop;
	(pc) =	sbr.ind lr, $3  }
0x3a: {  	_ = 	snop  }
0x3b: {  	_ = 	snop  }
0x3c: {  	p2 =	seq.s32 s10, $0x1;
	s10 =	sld [smem:$0x3FAC]  }
0x3d: {  	_ =	shalt  }
0x3e: {  	_ =	shalt  }
0x3f: {  	_ =	shalt  }
0x40: {  	_ =	shalt  }
0x41: {  	_ =	shalt  }
0x42: {  	_ =	shalt  }
0x43: {  	_ =	shalt  }
0x44: {  	_ =	shalt  }
0x45: {  	_ =	shalt  }
0x46: {  	_ =	shalt  }
0x47: {  	_ =	shalt  }
0x48: {  	_ =	shalt  }
0x49: {  	_ =	shalt  }
0x4a: {  	_ =	shalt  }
0x4b: {  	_ =	shalt  }
0x4c: {  	_ =	shalt  }
0x4d: {  	_ =	shalt  }
0x4e: {  	_ =	shalt  }
0x4f: {  	_ =	shalt  }
0x50: {  	_ =	shalt  }
0x51: {  	_ =	shalt  }
0x52: {  	_ =	shalt  }
0x53: {  	_ =	shalt  }
0x54: {  	_ =	shalt  }
0x55: {  	_ =	shalt  }
0x56: {  	_ =	shalt  }
0x57: {  	_ =	shalt  }
0x58: {  	_ =	shalt  }
0x59: {  	_ =	shalt  }
0x5a: {  	_ =	shalt  }
0x5b: {  	_ =	shalt  }
0x5c: {  	_ =	shalt  }
0x5d: {  	_ =	shalt  }
0x5e: {  	_ =	shalt  }
0x5f: {  	_ =	shalt  }
0x60: {  	_ =	shalt  }
0x61: {  	_ =	shalt  }
0x62: {  	_ =	shalt  }
0x63: {  	_ =	shalt  }
0x64: {  	_ =	shalt  }
0x65: {  	_ =	shalt  }
0x66: {  	_ =	shalt  }
0x67: {  	_ =	shalt  }
0x68: {  	_ =	shalt  }
0x69: {  	_ =	shalt  }
0x6a: {  	_ =	shalt  }
0x6b: {  	_ =	shalt  }
0x6c: {  	_ =	shalt  }
0x6d: {  	_ =	shalt  }
0x6e: {  	_ =	shalt  }
0x6f: {  	_ =	shalt  }
0x70: {  	_ =	shalt  }
0x71: {  	_ =	shalt  }
0x72: {  	_ =	shalt  }
0x73: {  	_ =	shalt  }
0x74: {  	_ =	shalt  }
0x75: {  	_ =	shalt  }
0x76: {  	_ =	shalt  }
0x77: {  	_ =	shalt  }
0x78: {  	_ =	shalt  }
0x79: {  	_ =	shalt  }
0x7a: {  	_ =	shalt  }
0x7b: {  	_ =	shalt  }
0x7c: {  	_ =	shalt  }
0x7d: {  	_ =	shalt  }
0x7e: {  	_ =	shalt  }
0x7f: {  	_ =	shalt  }
0x80: {  	_ =	shalt  }
0x81: {  	_ =	shalt  }
0x82: {  	_ =	shalt  }
0x83: {  	_ =	shalt  }
0x84: {  	_ =	shalt  }
0x85: {  	_ =	shalt  }
0x86: {  	_ =	shalt  }
0x87: {  	_ =	shalt  }
.Lfunc_end0:
.L_simem_size_0:
called_computation.2_lowered:
.L_overlay_start_0:
0x88: {  	s2 =	sld [smem:$0x3FD9]  }
0x89: {  	s3 =	sld [smem:$0x3FFE];
	_ =	sdelay $0x1  }
0x8a: {  	s1 =	srdreg.scid  }
0x8b: {  	s0 =	sand.u32 $0x1, s1  }
0x8c: {  	s16 =	sshll.u32 s0, $0xA;
	s2 =	sadd.s32 s3, s2  }
0x8d: {  	s2 =	sadd.s32 s2, s16  }
0x8e: {  	[smem:$0x3FB8] =	sst s2  }
0x8f: {  	_ = 	snop  }
0x90: {  	(tm) =	ssettm $0x1  }
0x91: {  	s17 =	sld [smem:$0x3FFB];
	_ =	sdelay $0x3  }
0x92: {  	_ =	strace s17  }
0x93: {  	s2 =	sld [smem:$0x3FFC];
	_ =	sdelay $0x3  }
0x94: {  	_ =	strace s2  }
0x95: {  	s2 =	sld [smem:$0x3FFD];
	_ =	sdelay $0x3  }
0x96: {  	_ =	strace s2  }
0x97: {  	_ =	strace $0x8FFFFFFF  }
0x98: {  	s18 =	sld [smem:$0x3FDB];
	_ =	sdelay $0x1  }
0x99: {  	s19 =	simm.s32 $_scs_section_size  }
0x9a: {  	s4 =	simm.s32 $_size__tile_overlayer_lowered;
	s5 =	simm.s32 $_tile_overlayer_lowered  }
0x9b: {  	s22 =	simm.s32 $0x1BFF;
	s21 =	sshll.u32 s5, $0x1;
	s2 =	sadd.s32 s19, s18  }
0x9c: {  	s6 =	simm.s32 $0x0;
	s20 =	sshll.u32 s4, $0x1;
	s4 =	sadd.s32 s21, s2  }
0x9d: {  	[timem:s6], [sflag:s22] =	dma.local [hbm:s4], s20  }
0x9e: {  	_ =	swait.ge [sflag:s22], s20  }
0x9f: {  	s3 =	ssub.s32 $0x0, s20;
	[sflag:s22] =	ssyncset.done $0x0  }
0xa0: {  	[sflag:s22] =	ssyncadd.s32 s3;
	_ =	sdelay $0x1  }
0xa1: {  	s23 =	simm.s32 $0x1B8B  }
0xa2: {  	_ =	swait.ge [sflag:s23], $0x1  }
0xa3: {  	[sflag:s23] =	ssyncset.done $0x0  }
0xa4: {  	s25 =	simm.s32 $0x1B8E;
	s24 =	sld [smem:$0x3FFE];
	[sflag:s23] =	ssyncadd.s32 $0xFFFFFFFF  }
0xa5: {  	s26 =	simm.s32 $execute0_lowered;
	[smem:$0x3FD2] =	sst s25  }
0xa6: {  	s4 =	sshll.u32 s26, $0x1;
	_ =	strace $0x8000004C;
	[dreg:$0x1] =	wrdreg $0xFFFFFFFF  }
0xa7: {  	s28 =	simm.s32 $_size_execute0_lowered;
	s2 =	sadd.s32 s2, s4;
	[dreg:$0x0] =	wrdreg $0x0  }
0xa8: {  	s4 =	sshll.u32 s28, $0x1;
	[dreg:$0x2] =	wrdreg s2  }
0xa9: {  	[dreg:$0x3] =	wrdreg s4  }
0xaa: {  	[dreg:$0x4] =	wrdreg $0xC0  }
0xab: {  	_ =	task [dreg:s6], $0x5FFFF  }
0xac: {  	[dreg:$0x1] =	wrdreg $0xFFFFFFFF  }
0xad: {  	[dreg:$0x0] =	wrdreg $0x60  }
0xae: {  	[dreg:$0x2] =	wrdreg s24  }
0xaf: {  	[dreg:$0x3] =	wrdreg $0x9  }
0xb0: {  	_ =	task.clear_ibuf [dreg:s6], $0x4FFFF;
	_ =	strace $0x9000004C  }
0xb1: {  	s29 =	simm.s32 $0x9;
	_ =	strace $0x8000004E  }
0xb2: {  	_ =	swait.ge [sflag:s29], $0x1  }
0xb3: {  	[sflag:s29] =	ssyncadd.s32 $0xFFFFFFFF  }
0xb4: {  	_ =	strace $0x9000004E  }
0xb5: {  	_ =	sfence  }
0xb6: {  	s30 =	sld [smem:$0x0];
	_ =	sdelay $0x2  }
0xb7: {  	s31 =	sshll.u32 s1, $0xD;
	s1 =	sshrl.u32 s1, $0x2  }
0xb8: {  	s3 =	sand.u32 $0x4000, s31;
	s1 =	sadd.s32 s1, s30  }
0xb9: {  	s0 =	sor.u32 s3, s0;
	s1 =	sshll.u32 s1, $0x11  }
0xba: {  	s0 =	sor.u32 s1, s0  }
0xbb: {  	s0 =	sadd.s32 $0x8F2B, s0  }
0xbc: {  	[sflag:s0] =	ssyncadd.remote.s32 $0x1  }
0xbd: {  	_ =	sfence.sel $0xFFFF  }
0xbe: {  	[dreg:$0x0] =	wrdreg $0xFFFFFFFF;
	(pc) =	sbr.abs _section_cstart, $3  }
0xbf: {  	[dreg:$0x1] =	wrdreg $0xFFFFFFFF  }
0xc0: {  	_ =	task.clear_ibuf [dreg:s6], $0x2FFFF;
	_ =	strace $0x9FFFFFFF  }
0xc1: {  	(tm) =	ssettm $0x7FFFFFFF  }
tec
execute0_lowered:
.L_overlay_start_1:
0x0: {  	(tag) =	ssettag $0x1  }
0x1: {  	s3 =	rddreg [dreg:$0x0];
	s22 =	simm.s32 $0x0  }
0x2: {  	s11 =	simm.s32 $0x280;
	[smem:$0x7FF] =	sst s22  }
0x3: {  	s12 =	simm.s32 $0x2D0;
	_ =	strace $0x8000004D;
	[dreg:$0x14] =	wrdreg s11  }
0x4: {  	s13 =	simm.s32 $0x320;
	[dreg:$0x15] =	wrdreg s12  }
0x5: {  	s14 =	simm.s32 $0x370;
	[dreg:$0x16] =	wrdreg s13  }
0x6: {  	s15 =	simm.s32 $0x3C0;
	[dreg:$0x17] =	wrdreg s14  }
0x7: {  	s16 =	simm.s32 $0x410;
	[dreg:$0x18] =	wrdreg s15  }
0x8: {  	s17 =	simm.s32 $0x460;
	[dreg:$0x19] =	wrdreg s16  }
0x9: {  	s18 =	simm.s32 $0x4B0;
	[dreg:$0x1a] =	wrdreg s17  }
0xa: {  	s19 =	simm.s32 $0x500;
	[dreg:$0x1b] =	wrdreg s18  }
0xb: {  	s20 =	simm.s32 $0x550;
	[dreg:$0x1c] =	wrdreg s19  }
0xc: {  	s21 =	simm.s32 $0x5A0;
	[dreg:$0x1d] =	wrdreg s20  }
0xd: {  	s22 =	simm.s32 $0x5F0;
	[dreg:$0x1e] =	wrdreg s21  }
0xe: {  	[dreg:$0x1f] =	wrdreg s22;
	s11 =	simm.s32 $0xB40  }
0xf: {  	s12 =	simm.s32 $0xB90;
	[smem:$0x729] =	sst s11  }
0x10: {  	s13 =	simm.s32 $0xBE0;
	[smem:$0x72A] =	sst s12  }
0x11: {  	s14 =	simm.s32 $0xC30;
	[smem:$0x72B] =	sst s13  }
0x12: {  	s15 =	simm.s32 $0xC80;
	[smem:$0x72C] =	sst s14  }
0x13: {  	s16 =	simm.s32 $0xCD0;
	[smem:$0x72D] =	sst s15  }
0x14: {  	s17 =	simm.s32 $0xD20;
	[smem:$0x72E] =	sst s16  }
0x15: {  	s18 =	simm.s32 $0xD70;
	[smem:$0x72F] =	sst s17  }
0x16: {  	s19 =	simm.s32 $0xDC0;
	[smem:$0x730] =	sst s18  }
0x17: {  	s20 =	simm.s32 $0xE10;
	[smem:$0x731] =	sst s19  }
0x18: {  	s21 =	simm.s32 $0xE60;
	[smem:$0x732] =	sst s20  }
0x19: {  	s22 =	simm.s32 $0xEB0;
	[smem:$0x733] =	sst s21  }
0x1a: {  	[smem:$0x734] =	sst s22;
	s11 =	simm.s32 $0x1400  }
0x1b: {  	s12 =	simm.s32 $0x1450;
	[smem:$0x745] =	sst s11  }
0x1c: {  	s13 =	simm.s32 $0x14A0;
	[smem:$0x746] =	sst s12  }
0x1d: {  	s14 =	simm.s32 $0x14F0;
	[smem:$0x747] =	sst s13  }
0x1e: {  	s15 =	simm.s32 $0x1540;
	[smem:$0x748] =	sst s14  }
0x1f: {  	s16 =	simm.s32 $0x1590;
	[smem:$0x749] =	sst s15  }
0x20: {  	s17 =	simm.s32 $0x15E0;
	[smem:$0x74A] =	sst s16  }
0x21: {  	s18 =	simm.s32 $0x1630;
	[smem:$0x74B] =	sst s17  }
0x22: {  	s19 =	simm.s32 $0x1680;
	[smem:$0x74C] =	sst s18  }
0x23: {  	s20 =	simm.s32 $0x16D0;
	[smem:$0x74D] =	sst s19  }
0x24: {  	s21 =	simm.s32 $0x1720;
	[smem:$0x74E] =	sst s20  }
0x25: {  	s22 =	simm.s32 $0x1770;
	[smem:$0x74F] =	sst s21  }
0x26: {  	[smem:$0x750] =	sst s22;
	s11 =	simm.s32 $0x1CC0  }
0x27: {  	s12 =	simm.s32 $0x1D10;
	[smem:$0x761] =	sst s11  }
0x28: {  	s13 =	simm.s32 $0x1D60;
	[smem:$0x762] =	sst s12  }
0x29: {  	s14 =	simm.s32 $0x1DB0;
	[smem:$0x763] =	sst s13  }
0x2a: {  	s15 =	simm.s32 $0x1E00;
	[smem:$0x764] =	sst s14  }
0x2b: {  	s16 =	simm.s32 $0x1E50;
	[smem:$0x765] =	sst s15  }
0x2c: {  	s17 =	simm.s32 $0x1EA0;
	[smem:$0x766] =	sst s16  }
0x2d: {  	s18 =	simm.s32 $0x1EF0;
	[smem:$0x767] =	sst s17  }
0x2e: {  	s19 =	simm.s32 $0x1F40;
	[smem:$0x768] =	sst s18  }
0x2f: {  	s20 =	simm.s32 $0x1F90;
	[smem:$0x769] =	sst s19  }
0x30: {  	s21 =	simm.s32 $0x1FE0;
	[smem:$0x76A] =	sst s20  }
0x31: {  	s22 =	simm.s32 $0x2030;
	[smem:$0x76B] =	sst s21  }
0x32: {  	[smem:$0x76C] =	sst s22;
	s11 =	simm.s32 $0x2580  }
0x33: {  	s0 =	srdreg.scid;
	s12 =	simm.s32 $0x25D0;
	[smem:$0x77D] =	sst s11  }
0x34: {  	s2 =	stileid.u32;
	s13 =	simm.s32 $0x2620;
	[smem:$0x77E] =	sst s12  }
0x35: {  	s1 =	sand.u32 $0x1, s0;
	s14 =	simm.s32 $0x2670;
	[smem:$0x77F] =	sst s13  }
0x36: {  	s6 =	sadd.s32 $0x4A400, s3;
	s15 =	simm.s32 $0x26C0;
	[smem:$0x780] =	sst s14  }
0x37: {  	s10 =	sadd.s32 $0x182C00, s3;
	s16 =	simm.s32 $0x2760;
	[smem:$0x781] =	sst s15  }
0x38: {  	s0 =	sshll.u32 s1, $0x4;
	s17 =	simm.s32 $0x27B0;
	[smem:$0x782] =	sst s16  }
0x39: {  	s0 =	sor.u32 s2, s0;
	s18 =	simm.s32 $0x2800;
	[smem:$0x783] =	sst s17  }
0x3a: {  	s4 =	smul.u32 $0x4E2, s0;
	s19 =	simm.s32 $0x2850;
	[smem:$0x784] =	sst s18  }
0x3b: {  	s0 =	smul.u32 $0x9C40, s0;
	s20 =	simm.s32 $0x28A0;
	[smem:$0x785] =	sst s19  }
0x3c: {  	s21 =	simm.s32 $0x28F0;
	s22 =	simm.s32 $0x2940;
	[smem:$0x786] =	sst s20  }
0x3d: {  	s23 =	sadd.s32 s6, s0;
	s24 =	sadd.s32 $0x1F40, s0;
	[smem:$0x787] =	sst s21  }
0x3e: {  	s7 =	sadd.s32 $0x3E80, s0;
	s8 =	sadd.s32 $0x5DC0, s0;
	[smem:$0x788] =	sst s22  }
0x3f: {  	s9 =	sadd.s32 $0x7D00, s0;
	s0 =	sadd.s32 s10, s0;
	[dreg:$0x4] =	wrdreg s23  }
0x40: {  	s11 =	simm.s32 $0x2E90;
	[dreg:$0x9] =	wrdreg s0  }
0x41: {  	s12 =	simm.s32 $0x2EE0;
	[smem:$0x799] =	sst s11  }
0x42: {  	s13 =	simm.s32 $0x2F30;
	[smem:$0x79A] =	sst s12  }
0x43: {  	s14 =	simm.s32 $0x2F80;
	[smem:$0x79B] =	sst s13  }
0x44: {  	s15 =	simm.s32 $0x2FD0;
	[smem:$0x79C] =	sst s14  }
0x45: {  	s16 =	simm.s32 $0x3020;
	[smem:$0x79D] =	sst s15  }
0x46: {  	s17 =	simm.s32 $0x3070;
	[smem:$0x79E] =	sst s16  }
0x47: {  	s18 =	simm.s32 $0x30C0;
	[smem:$0x79F] =	sst s17  }
0x48: {  	s19 =	simm.s32 $0x3110;
	[smem:$0x7A0] =	sst s18  }
0x49: {  	s20 =	simm.s32 $0x3160;
	[smem:$0x7A1] =	sst s19  }
0x4a: {  	s21 =	simm.s32 $0x31B0;
	[smem:$0x7A2] =	sst s20  }
0x4b: {  	s4 =	sadd.s32 s4, s3;
	s22 =	simm.s32 $0x3200;
	[smem:$0x7A3] =	sst s21  }
0x4c: {  	s5 =	sadd.s32 $0x40600, s4;
	[smem:$0x7A4] =	sst s22  }
0x4d: {  	s4 =	sadd.s32 $0x36800, s4;
	[dreg:$0x2] =	wrdreg s5  }
0x4e: {  	s25 =	sadd.s32 s6, s24;
	[dreg:$0x3] =	wrdreg s4  }
0x4f: {  	s26 =	sadd.s32 s6, s7;
	[dreg:$0x5] =	wrdreg s25  }
0x50: {  	s28 =	sadd.s32 s6, s8;
	[dreg:$0x6] =	wrdreg s26  }
0x51: {  	s29 =	sadd.s32 s6, s9;
	[dreg:$0x7] =	wrdreg s28  }
0x52: {  	s30 =	sadd.s32 s10, s24;
	[dreg:$0x8] =	wrdreg s29  }
0x53: {  	s31 =	sadd.s32 s10, s7;
	[dreg:$0xa] =	wrdreg s30  }
0x54: {  	s2 =	sadd.s32 s10, s8;
	[dreg:$0xb] =	wrdreg s31  }
0x55: {  	s6 =	simm.s32 $0xF0;
	[dreg:$0xc] =	wrdreg s2  }
0x56: {  	s7 =	simm.s32 $0x140;
	[dreg:$0xf] =	wrdreg s6  }
0x57: {  	s8 =	simm.s32 $0x190;
	[dreg:$0x10] =	wrdreg s7  }
0x58: {  	s23 =	simm.s32 $0x640;
	[dreg:$0x11] =	wrdreg s8  }
0x59: {  	s24 =	simm.s32 $0x690;
	[smem:$0x719] =	sst s23  }
0x5a: {  	s11 =	simm.s32 $0x3750;
	[smem:$0x71A] =	sst s24  }
0x5b: {  	s12 =	simm.s32 $0x37A0;
	[smem:$0x7B5] =	sst s11  }
0x5c: {  	s13 =	simm.s32 $0x37F0;
	[smem:$0x7B6] =	sst s12  }
0x5d: {  	s14 =	simm.s32 $0x3840;
	[smem:$0x7B7] =	sst s13  }
0x5e: {  	s15 =	simm.s32 $0x3890;
	[smem:$0x7B8] =	sst s14  }
0x5f: {  	s16 =	simm.s32 $0x38E0;
	[smem:$0x7B9] =	sst s15  }
0x60: {  	s17 =	simm.s32 $0x3930;
	[smem:$0x7BA] =	sst s16  }
0x61: {  	s18 =	simm.s32 $0x3980;
	[smem:$0x7BB] =	sst s17  }
0x62: {  	s19 =	simm.s32 $0x39D0;
	[smem:$0x7BC] =	sst s18  }
0x63: {  	s20 =	simm.s32 $0x3A20;
	[smem:$0x7BD] =	sst s19  }
0x64: {  	s21 =	simm.s32 $0x3A70;
	[smem:$0x7BE] =	sst s20  }
0x65: {  	s22 =	simm.s32 $0x3AC0;
	[smem:$0x7BF] =	sst s21  }
0x66: {  	s4 =	sadd.s32 s10, s9;
	[smem:$0x7C0] =	sst s22  }
0x67: {  	s5 =	simm.s32 $0xA0;
	[dreg:$0xd] =	wrdreg s4  }
0x68: {  	s9 =	simm.s32 $0x1E0;
	[dreg:$0xe] =	wrdreg s5  }
0x69: {  	s10 =	simm.s32 $0x230;
	[dreg:$0x12] =	wrdreg s9  }
0x6a: {  	s25 =	simm.s32 $0x6E0;
	[dreg:$0x13] =	wrdreg s10  }
0x6b: {  	s26 =	simm.s32 $0x730;
	[smem:$0x71B] =	sst s25  }
0x6c: {  	s28 =	simm.s32 $0x780;
	[smem:$0x71C] =	sst s26  }
0x6d: {  	s29 =	simm.s32 $0x7D0;
	[smem:$0x71D] =	sst s28  }
0x6e: {  	s30 =	simm.s32 $0x820;
	[smem:$0x71E] =	sst s29  }
0x6f: {  	s31 =	simm.s32 $0x870;
	[smem:$0x71F] =	sst s30  }
0x70: {  	s2 =	simm.s32 $0x8C0;
	[smem:$0x720] =	sst s31  }
0x71: {  	s6 =	simm.s32 $0x9B0;
	[smem:$0x721] =	sst s2  }
0x72: {  	s7 =	simm.s32 $0xA00;
	[smem:$0x724] =	sst s6  }
0x73: {  	s8 =	simm.s32 $0xA50;
	[smem:$0x725] =	sst s7  }
0x74: {  	s23 =	simm.s32 $0xF00;
	[smem:$0x726] =	sst s8  }
0x75: {  	s24 =	simm.s32 $0xF50;
	[smem:$0x735] =	sst s23  }
0x76: {  	s11 =	simm.s32 $0x4010;
	[smem:$0x736] =	sst s24  }
0x77: {  	s12 =	simm.s32 $0x4060;
	[smem:$0x7D1] =	sst s11  }
0x78: {  	s13 =	simm.s32 $0x40B0;
	[smem:$0x7D2] =	sst s12  }
0x79: {  	s14 =	simm.s32 $0x4100;
	[smem:$0x7D3] =	sst s13  }
0x7a: {  	s15 =	simm.s32 $0x4150;
	[smem:$0x7D4] =	sst s14  }
0x7b: {  	s16 =	simm.s32 $0x41A0;
	[smem:$0x7D5] =	sst s15  }
0x7c: {  	s17 =	simm.s32 $0x41F0;
	[smem:$0x7D6] =	sst s16  }
0x7d: {  	s18 =	simm.s32 $0x4240;
	[smem:$0x7D7] =	sst s17  }
0x7e: {  	s19 =	simm.s32 $0x4290;
	[smem:$0x7D8] =	sst s18  }
0x7f: {  	s20 =	simm.s32 $0x42E0;
	[smem:$0x7D9] =	sst s19  }
0x80: {  	s21 =	simm.s32 $0x4330;
	[smem:$0x7DA] =	sst s20  }
0x81: {  	s22 =	simm.s32 $0x4380;
	[smem:$0x7DB] =	sst s21  }
0x82: {  	s4 =	simm.s32 $0x910;
	[smem:$0x7DC] =	sst s22  }
0x83: {  	s5 =	simm.s32 $0x960;
	[smem:$0x722] =	sst s4  }
0x84: {  	s9 =	simm.s32 $0xAA0;
	[smem:$0x723] =	sst s5  }
0x85: {  	s10 =	simm.s32 $0xAF0;
	[smem:$0x727] =	sst s9  }
0x86: {  	s25 =	simm.s32 $0xFA0;
	[smem:$0x728] =	sst s10  }
0x87: {  	s26 =	simm.s32 $0xFF0;
	[smem:$0x737] =	sst s25  }
0x88: {  	s28 =	simm.s32 $0x1040;
	[smem:$0x738] =	sst s26  }
0x89: {  	s29 =	simm.s32 $0x1090;
	[smem:$0x739] =	sst s28  }
0x8a: {  	s30 =	simm.s32 $0x10E0;
	[smem:$0x73A] =	sst s29  }
0x8b: {  	s31 =	simm.s32 $0x1130;
	[smem:$0x73B] =	sst s30  }
0x8c: {  	s2 =	simm.s32 $0x1180;
	[smem:$0x73C] =	sst s31  }
0x8d: {  	s6 =	simm.s32 $0x1270;
	[smem:$0x73D] =	sst s2  }
0x8e: {  	s7 =	simm.s32 $0x12C0;
	[smem:$0x740] =	sst s6  }
0x8f: {  	s8 =	simm.s32 $0x1310;
	[smem:$0x741] =	sst s7  }
0x90: {  	s23 =	simm.s32 $0x17C0;
	[smem:$0x742] =	sst s8  }
0x91: {  	s24 =	simm.s32 $0x1810;
	[smem:$0x751] =	sst s23  }
0x92: {  	s11 =	simm.s32 $0x47E0;
	[smem:$0x752] =	sst s24  }
0x93: {  	s12 =	simm.s32 $0x4830;
	[smem:$0x7EA] =	sst s11  }
0x94: {  	s13 =	simm.s32 $0x4880;
	[smem:$0x7EB] =	sst s12  }
0x95: {  	s14 =	simm.s32 $0x48D0;
	[smem:$0x7EC] =	sst s13  }
0x96: {  	s15 =	simm.s32 $0x4920;
	[smem:$0x7ED] =	sst s14  }
0x97: {  	s16 =	simm.s32 $0x4970;
	[smem:$0x7EE] =	sst s15  }
0x98: {  	s17 =	simm.s32 $0x49C0;
	[smem:$0x7EF] =	sst s16  }
0x99: {  	s18 =	simm.s32 $0x4A10;
	[smem:$0x7F0] =	sst s17  }
0x9a: {  	s19 =	simm.s32 $0x4A60;
	[smem:$0x7F1] =	sst s18  }
0x9b: {  	s20 =	simm.s32 $0x4AB0;
	[smem:$0x7F2] =	sst s19  }
0x9c: {  	s21 =	simm.s32 $0x4B00;
	[smem:$0x7F3] =	sst s20  }
0x9d: {  	s22 =	simm.s32 $0x4B50;
	[smem:$0x7F4] =	sst s21  }
0x9e: {  	s4 =	simm.s32 $0x11D0;
	[smem:$0x7F5] =	sst s22  }
0x9f: {  	s5 =	simm.s32 $0x1220;
	[smem:$0x73E] =	sst s4  }
0xa0: {  	s9 =	simm.s32 $0x1360;
	[smem:$0x73F] =	sst s5  }
0xa1: {  	s10 =	simm.s32 $0x13B0;
	[smem:$0x743] =	sst s9  }
0xa2: {  	s25 =	simm.s32 $0x1860;
	[smem:$0x744] =	sst s10  }
0xa3: {  	s26 =	simm.s32 $0x18B0;
	[smem:$0x753] =	sst s25  }
0xa4: {  	s28 =	simm.s32 $0x1900;
	[smem:$0x754] =	sst s26  }
0xa5: {  	s29 =	simm.s32 $0x1950;
	[smem:$0x755] =	sst s28  }
0xa6: {  	s30 =	simm.s32 $0x19A0;
	[smem:$0x756] =	sst s29  }
0xa7: {  	s31 =	simm.s32 $0x19F0;
	[smem:$0x757] =	sst s30  }
0xa8: {  	s2 =	simm.s32 $0x1A40;
	[smem:$0x758] =	sst s31  }
0xa9: {  	s6 =	simm.s32 $0x1B30;
	[smem:$0x759] =	sst s2  }
0xaa: {  	s7 =	simm.s32 $0x1B80;
	[smem:$0x75C] =	sst s6  }
0xab: {  	s8 =	simm.s32 $0x1BD0;
	[smem:$0x75D] =	sst s7  }
0xac: {  	s23 =	simm.s32 $0x2080;
	[smem:$0x75E] =	sst s8  }
0xad: {  	s24 =	simm.s32 $0x20D0;
	[smem:$0x76D] =	sst s23  }
0xae: {  	s4 =	simm.s32 $0x1A90;
	[smem:$0x76E] =	sst s24  }
0xaf: {  	s5 =	simm.s32 $0x1AE0;
	[smem:$0x75A] =	sst s4  }
0xb0: {  	s9 =	simm.s32 $0x1C20;
	[smem:$0x75B] =	sst s5  }
0xb1: {  	s10 =	simm.s32 $0x1C70;
	[smem:$0x75F] =	sst s9  }
0xb2: {  	s25 =	simm.s32 $0x2120;
	[smem:$0x760] =	sst s10  }
0xb3: {  	s26 =	simm.s32 $0x2170;
	[smem:$0x76F] =	sst s25  }
0xb4: {  	s28 =	simm.s32 $0x21C0;
	[smem:$0x770] =	sst s26  }
0xb5: {  	s29 =	simm.s32 $0x2210;
	[smem:$0x771] =	sst s28  }
0xb6: {  	s30 =	simm.s32 $0x2260;
	[smem:$0x772] =	sst s29  }
0xb7: {  	s31 =	simm.s32 $0x22B0;
	[smem:$0x773] =	sst s30  }
0xb8: {  	s2 =	simm.s32 $0x2300;
	[smem:$0x774] =	sst s31  }
0xb9: {  	s6 =	simm.s32 $0x23F0;
	[smem:$0x775] =	sst s2  }
0xba: {  	s7 =	simm.s32 $0x2440;
	[smem:$0x778] =	sst s6  }
0xbb: {  	s8 =	simm.s32 $0x2490;
	[smem:$0x779] =	sst s7  }
0xbc: {  	s23 =	simm.s32 $0x2990;
	[smem:$0x77A] =	sst s8  }
0xbd: {  	s24 =	simm.s32 $0x29E0;
	[smem:$0x789] =	sst s23  }
0xbe: {  	s4 =	simm.s32 $0x2350;
	[smem:$0x78A] =	sst s24  }
0xbf: {  	s5 =	simm.s32 $0x23A0;
	[smem:$0x776] =	sst s4  }
0xc0: {  	s9 =	simm.s32 $0x24E0;
	[smem:$0x777] =	sst s5  }
0xc1: {  	s10 =	simm.s32 $0x2530;
	[smem:$0x77B] =	sst s9  }
0xc2: {  	s25 =	simm.s32 $0x2A30;
	[smem:$0x77C] =	sst s10  }
0xc3: {  	s26 =	simm.s32 $0x2A80;
	[smem:$0x78B] =	sst s25  }
0xc4: {  	s28 =	simm.s32 $0x2AD0;
	[smem:$0x78C] =	sst s26  }
0xc5: {  	s29 =	simm.s32 $0x2B20;
	[smem:$0x78D] =	sst s28  }
0xc6: {  	s30 =	simm.s32 $0x2B70;
	[smem:$0x78E] =	sst s29  }
0xc7: {  	s31 =	simm.s32 $0x2BC0;
	[smem:$0x78F] =	sst s30  }
0xc8: {  	s2 =	simm.s32 $0x2C10;
	[smem:$0x790] =	sst s31  }
0xc9: {  	s6 =	simm.s32 $0x2D00;
	[smem:$0x791] =	sst s2  }
0xca: {  	s7 =	simm.s32 $0x2D50;
	[smem:$0x794] =	sst s6  }
0xcb: {  	s8 =	simm.s32 $0x2DA0;
	[smem:$0x795] =	sst s7  }
0xcc: {  	s23 =	simm.s32 $0x3250;
	[smem:$0x796] =	sst s8  }
0xcd: {  	s24 =	simm.s32 $0x32A0;
	[smem:$0x7A5] =	sst s23  }
0xce: {  	s4 =	simm.s32 $0x2C60;
	[smem:$0x7A6] =	sst s24  }
0xcf: {  	s5 =	simm.s32 $0x2CB0;
	[smem:$0x792] =	sst s4  }
0xd0: {  	s9 =	simm.s32 $0x2DF0;
	[smem:$0x793] =	sst s5  }
0xd1: {  	s10 =	simm.s32 $0x2E40;
	[smem:$0x797] =	sst s9  }
0xd2: {  	s25 =	simm.s32 $0x32F0;
	[smem:$0x798] =	sst s10  }
0xd3: {  	s26 =	simm.s32 $0x3340;
	[smem:$0x7A7] =	sst s25  }
0xd4: {  	s28 =	simm.s32 $0x3390;
	[smem:$0x7A8] =	sst s26  }
0xd5: {  	s29 =	simm.s32 $0x33E0;
	[smem:$0x7A9] =	sst s28  }
0xd6: {  	s30 =	simm.s32 $0x3430;
	[smem:$0x7AA] =	sst s29  }
0xd7: {  	s31 =	simm.s32 $0x3480;
	[smem:$0x7AB] =	sst s30  }
0xd8: {  	s2 =	simm.s32 $0x34D0;
	[smem:$0x7AC] =	sst s31  }
0xd9: {  	s6 =	simm.s32 $0x35C0;
	[smem:$0x7AD] =	sst s2  }
0xda: {  	s7 =	simm.s32 $0x3610;
	[smem:$0x7B0] =	sst s6  }
0xdb: {  	s8 =	simm.s32 $0x3660;
	[smem:$0x7B1] =	sst s7  }
0xdc: {  	s23 =	simm.s32 $0x3B10;
	[smem:$0x7B2] =	sst s8  }
0xdd: {  	s24 =	simm.s32 $0x3B60;
	[smem:$0x7C1] =	sst s23  }
0xde: {  	s4 =	simm.s32 $0x3520;
	[smem:$0x7C2] =	sst s24  }
0xdf: {  	s5 =	simm.s32 $0x3570;
	[smem:$0x7AE] =	sst s4  }
0xe0: {  	s9 =	simm.s32 $0x36B0;
	[smem:$0x7AF] =	sst s5  }
0xe1: {  	s10 =	simm.s32 $0x3700;
	[smem:$0x7B3] =	sst s9  }
0xe2: {  	s25 =	simm.s32 $0x3BB0;
	[smem:$0x7B4] =	sst s10  }
0xe3: {  	s26 =	simm.s32 $0x3C00;
	[smem:$0x7C3] =	sst s25  }
0xe4: {  	s28 =	simm.s32 $0x3C50;
	[smem:$0x7C4] =	sst s26  }
0xe5: {  	s29 =	simm.s32 $0x3CA0;
	[smem:$0x7C5] =	sst s28  }
0xe6: {  	s30 =	simm.s32 $0x3CF0;
	[smem:$0x7C6] =	sst s29  }
0xe7: {  	s31 =	simm.s32 $0x3D40;
	[smem:$0x7C7] =	sst s30  }
0xe8: {  	s2 =	simm.s32 $0x3D90;
	[smem:$0x7C8] =	sst s31  }
0xe9: {  	s6 =	simm.s32 $0x3E80;
	[smem:$0x7C9] =	sst s2  }
0xea: {  	s7 =	simm.s32 $0x3ED0;
	[smem:$0x7CC] =	sst s6  }
0xeb: {  	s8 =	simm.s32 $0x3F20;
	[smem:$0x7CD] =	sst s7  }
0xec: {  	s23 =	simm.s32 $0x43D0;
	[smem:$0x7CE] =	sst s8  }
0xed: {  	s24 =	simm.s32 $0x4420;
	[smem:$0x7DD] =	sst s23  }
0xee: {  	s4 =	simm.s32 $0x3DE0;
	[smem:$0x7DE] =	sst s24  }
0xef: {  	s5 =	simm.s32 $0x3E30;
	[smem:$0x7CA] =	sst s4  }
0xf0: {  	s9 =	simm.s32 $0x3F70;
	[smem:$0x7CB] =	sst s5  }
0xf1: {  	s10 =	simm.s32 $0x3FC0;
	[smem:$0x7CF] =	sst s9  }
0xf2: {  	s25 =	simm.s32 $0x4470;
	[smem:$0x7D0] =	sst s10  }
0xf3: {  	s26 =	simm.s32 $0x44C0;
	[smem:$0x7DF] =	sst s25  }
0xf4: {  	s28 =	simm.s32 $0x4510;
	[smem:$0x7E0] =	sst s26  }
0xf5: {  	s29 =	simm.s32 $0x4560;
	[smem:$0x7E1] =	sst s28  }
0xf6: {  	s30 =	simm.s32 $0x45B0;
	[smem:$0x7E2] =	sst s29  }
0xf7: {  	s31 =	simm.s32 $0x4600;
	[smem:$0x7E3] =	sst s30  }
0xf8: {  	s2 =	simm.s32 $0x4650;
	[smem:$0x7E4] =	sst s31  }
0xf9: {  	p0 =	por $0x0, $0x0;
	s6 =	simm.s32 $0x46F0;
	[smem:$0x7E5] =	sst s2  }
0xfa: {  	s1 =	ssub.s32 $0x2, s1;
	s8 =	simm.s32 $0x4740;
	[smem:$0x7E7] =	sst s6  }
0xfb: {  	s0 =	sadd.s32 $0x5800, s3;
	s23 =	simm.s32 $0x4BA0;
	[smem:$0x7E8] =	sst s8  }
0xfc: {  	s3 =	sadd.s32 $0xF600, s3;
	s24 =	simm.s32 $0x4BF0;
	[smem:$0x7F6] =	sst s23  }
0xfd: {  	s15 =	simm.s32 $0x1;
	s7 =	sshrl.u32 s1, $0x1;
	[smem:$0x7F7] =	sst s24  }
0xfe: {  	s5 =	simm.s32 $0x46A0;
	s1 =	ssub.s32 s1, s7;
	s8 =	rddreg [dreg:$0x2]  }
0xff: {  	s9 =	simm.s32 $0x4790;
	s4 =	simm.s32 $0x2;
	[smem:$0x7E6] =	sst s5  }
0x100: {  	s25 =	simm.s32 $0x4C40;
	s10 =	smax.u32 s1, $0x1;
	[smem:$0x7E9] =	sst s9  }
0x101: {  	s26 =	simm.s32 $0x4C90;
	[smem:$0x7F8] =	sst s25;
	p1 =	sne.s32 s10, $0x1  }
.Ltmp0:
0x102: {  	s28 =	simm.s32 $0x4CE0;
	[smem:$0x7F9] =	sst s26;
	(pc) =	sbr.rel @!p1 .LBB2_3-.Ltmp0, $4  }
0x103: {  	s6 =	simm.s32 $0x50;
	s29 =	simm.s32 $0x4D30;
	[smem:$0x7FA] =	sst s28  }
0x104: {  	s30 =	simm.s32 $0x4D80;
	s31 =	simm.s32 $0x4DD0;
	[smem:$0x7FB] =	sst s29  }
0x105: {  	s5 =	simm.s32 $0x4E20;
	s9 =	simm.s32 $0x5820;
	[smem:$0x7FC] =	sst s30  }
0x106: {  	s1 =	simm.s32 $0x6220;
	[smem:$0x7FD] =	sst s31;
	s2 =	sadd.s32 $0xFFFFFFFF, s10  }
0x107: {  	s7 =	simm.s32 $0x0  }
0x108: {  	[tilespmem:s7], [sflag:$0x2] =	stream.linear.gather [hbm4b:s8+s7], $0x2710, $0x38;
	[tilespmem:$0x14820] =	vst v63  }
0x109: {  	_ =	swait.ge [sflag:s4], $0x2710  }
0x10a: {  	[sflag:s4] =	ssyncset.done $0x0  }
0x10b: {  	s10 =	simm.s32 $0x2710;
	s12 =	rddreg [dreg:$0x3];
	[sflag:s4] =	ssyncadd.s32 $0xFFFFD8F0  }
0x10c: {  	[tilespmem:s10], [sflag:$0x2] =	stream.linear.gather [hbm4b:s12+s7], $0x2710, $0x38;
	[tilespmem:$0x14820] =	vst v63  }
0x10d: {  	_ =	swait.ge [sflag:s4], $0x2710  }
0x10e: {  	[sflag:s4] =	ssyncset.done $0x0  }
0x10f: {  	[sflag:s4] =	ssyncadd.s32 $0xFFFFD8F0  }
0x110: {  	[tilespmem:s5], [sflag:$0x1] =	stream.indirect.gather [hbm4b:s0+s6], $0x20, s7, s6, $0xb8;
	[tilespmem:$0x14820] =	vst v63  }
0x111: {  	s13 =	rddreg [dreg:$0xe]  }
0x112: {  	[tilespmem:s9], [sflag:$0x1] =	stream.indirect.gather [hbm4b:s0+s6], $0x20, s6, s6, $0xb8;
	[tilespmem:$0x14820] =	vst v63  }
0x113: {  	s14 =	rddreg [dreg:$0xf]  }
0x114: {  	[tilespmem:s1], [sflag:$0x1] =	stream.indirect.gather [hbm4b:s0+s6], $0x20, s13, s6, $0xb8;
	[tilespmem:$0x14820] =	vst v63  }
0x115: {  	s17 =	simm.s32 $0x6C20;
	s16 =	rddreg [dreg:$0x10]  }
0x116: {  	[tilespmem:s17], [sflag:$0x1] =	stream.indirect.gather [hbm4b:s0+s6], $0x20, s14, s6, $0xb8;
	[tilespmem:$0x14820] =	vst v63  }
0x117: {  	s19 =	simm.s32 $0x7620;
	s18 =	rddreg [dreg:$0x11]  }
0x118: {  	[tilespmem:s19], [sflag:$0x1] =	stream.indirect.gather [hbm4b:s0+s6], $0x20, s16, s6, $0xb8;
	[tilespmem:$0x14820] =	vst v63  }
0x119: {  	s21 =	simm.s32 $0x8020;
	s20 =	rddreg [dreg:$0x12]  }
0x11a: {  	[tilespmem:s21], [sflag:$0x1] =	stream.indirect.gather [hbm4b:s0+s6], $0x20, s18, s6, $0xb8;
	[tilespmem:$0x14820] =	vst v63  }
0x11b: {  	s23 =	simm.s32 $0x8A20;
	s22 =	rddreg [dreg:$0x13]  }
0x11c: {  	[tilespmem:s23], [sflag:$0x1] =	stream.indirect.gather [hbm4b:s0+s6], $0x20, s20, s6, $0xb8;
	[tilespmem:$0x14820] =	vst v63  }
0x11d: {  	s25 =	simm.s32 $0x9420;
	s24 =	rddreg [dreg:$0x14]  }
0x11e: {  	[tilespmem:s25], [sflag:$0x1] =	stream.indirect.gather [hbm4b:s0+s6], $0x20, s22, s6, $0xb8;
	[tilespmem:$0x14820] =	vst v63  }
0x11f: {  	s28 =	simm.s32 $0x9E20;
	s26 =	rddreg [dreg:$0x15]  }
0x120: {  	[tilespmem:s28], [sflag:$0x1] =	stream.indirect.gather [hbm4b:s0+s6], $0x20, s24, s6, $0xb8;
	[tilespmem:$0x14820] =	vst v63  }
0x121: {  	s30 =	simm.s32 $0xA820;
	s29 =	rddreg [dreg:$0x16]  }
0x122: {  	[tilespmem:s30], [sflag:$0x1] =	stream.indirect.gather [hbm4b:s0+s6], $0x20, s26, s6, $0xb8;
	[tilespmem:$0x14820] =	vst v63  }
0x123: {  	s12 =	simm.s32 $0xB220;
	s31 =	rddreg [dreg:$0x17]  }
0x124: {  	[tilespmem:s12], [sflag:$0x1] =	stream.indirect.gather [hbm4b:s0+s6], $0x20, s29, s6, $0xb8;
	[tilespmem:$0x14820] =	vst v63  }
0x125: {  	s13 =	rddreg [dreg:$0x18];
	s14 =	simm.s32 $0xBC20  }
0x126: {  	[tilespmem:s14], [sflag:$0x1] =	stream.indirect.gather [hbm4b:s0+s6], $0x20, s31, s6, $0xb8;
	[tilespmem:$0x14820] =	vst v63  }
0x127: {  	s17 =	simm.s32 $0xC620;
	s16 =	rddreg [dreg:$0x19]  }
0x128: {  	[tilespmem:s17], [sflag:$0x1] =	stream.indirect.gather [hbm4b:s0+s6], $0x20, s13, s6, $0xb8;
	[tilespmem:$0x14820] =	vst v63  }
0x129: {  	s19 =	rddreg [dreg:$0x1a];
	s20 =	simm.s32 $0xD020  }
0x12a: {  	[tilespmem:s20], [sflag:$0x1] =	stream.indirect.gather [hbm4b:s0+s6], $0x20, s16, s6, $0xb8;
	[tilespmem:$0x14820] =	vst v63  }
0x12b: {  	s21 =	rddreg [dreg:$0x1b];
	s22 =	simm.s32 $0xDA20  }
0x12c: {  	[tilespmem:s22], [sflag:$0x1] =	stream.indirect.gather [hbm4b:s0+s6], $0x20, s19, s6, $0xb8;
	[tilespmem:$0x14820] =	vst v63  }
0x12d: {  	s23 =	rddreg [dreg:$0x1c];
	s24 =	simm.s32 $0xE420  }
0x12e: {  	[tilespmem:s24], [sflag:$0x1] =	stream.indirect.gather [hbm4b:s0+s6], $0x20, s21, s6, $0xb8;
	[tilespmem:$0x14820] =	vst v63  }
0x12f: {  	s25 =	rddreg [dreg:$0x1d];
	s26 =	simm.s32 $0xEE20  }
0x130: {  	[tilespmem:s26], [sflag:$0x1] =	stream.indirect.gather [hbm4b:s0+s6], $0x20, s23, s6, $0xb8;
	[tilespmem:$0x14820] =	vst v63  }
0x131: {  	s28 =	rddreg [dreg:$0x1e];
	s29 =	simm.s32 $0xF820  }
0x132: {  	[tilespmem:s29], [sflag:$0x1] =	stream.indirect.gather [hbm4b:s0+s6], $0x20, s25, s6, $0xb8;
	[tilespmem:$0x14820] =	vst v63  }
0x133: {  	s30 =	rddreg [dreg:$0x1f];
	s31 =	simm.s32 $0x10220  }
0x134: {  	[tilespmem:s31], [sflag:$0x1] =	stream.indirect.gather [hbm4b:s0+s6], $0x20, s28, s6, $0xb8;
	[tilespmem:$0x14820] =	vst v63  }
0x135: {  	s12 =	sld [smem:$0x719];
	s13 =	simm.s32 $0x10C20  }
0x136: {  	[tilespmem:s13], [sflag:$0x1] =	stream.indirect.gather [hbm4b:s0+s6], $0x20, s30, s6, $0xb8;
	[tilespmem:$0x14820] =	vst v63  }
0x137: {  	s14 =	sld [smem:$0x71A];
	s19 =	simm.s32 $0x11620  }
0x138: {  	[tilespmem:s19], [sflag:$0x1] =	stream.indirect.gather [hbm4b:s0+s6], $0x20, s12, s6, $0xb8;
	[tilespmem:$0x14820] =	vst v63  }
0x139: {  	s20 =	sld [smem:$0x71B];
	s24 =	simm.s32 $0x12020  }
0x13a: {  	[tilespmem:s24], [sflag:$0x1] =	stream.indirect.gather [hbm4b:s0+s6], $0x20, s14, s6, $0xb8;
	[tilespmem:$0x14820] =	vst v63  }
0x13b: {  	s21 =	sld [smem:$0x71C];
	s23 =	simm.s32 $0x12A20  }
0x13c: {  	[tilespmem:s23], [sflag:$0x1] =	stream.indirect.gather [hbm4b:s0+s6], $0x20, s20, s6, $0xb8;
	[tilespmem:$0x14820] =	vst v63  }
0x13d: {  	s25 =	sld [smem:$0x71D];
	s28 =	simm.s32 $0x13420  }
0x13e: {  	[tilespmem:s28], [sflag:$0x1] =	stream.indirect.gather [hbm4b:s0+s6], $0x20, s21, s6, $0xb8;
	[tilespmem:$0x14820] =	vst v63  }
0x13f: {  	[smem:$0x718] =	sst s2;
	s29 =	simm.s32 $0x13E20  }
0x140: {  	[tilespmem:s29], [sflag:$0x1] =	stream.indirect.gather [hbm4b:s0+s6], $0x20, s25, s6, $0xb8;
	[tilespmem:$0x14820] =	vst v63  }
0x141: {  	_ =	swait.ge [sflag:s15], $0xFA00  }
0x142: {  	s11 =	simm.s32 $0x0;
	[sflag:s15] =	ssyncset.done $0x0  }
0x143: {  	s2 =	simm.s32 $0x4E20;
	s30 =	rddreg [dreg:$0x4];
	[sflag:s15] =	ssyncadd.s32 $0xFFFF0600  }
0x144: {  	[hbm4b:s30+s11] =	stream.linear.scatter [tilespmem:s2], [sflag:$0x2], $0xFA00, $0x38;
	[tilespmem:$0x14820] =	vst v63  }
0x145: {  	_ =	swait.ge [sflag:s4], $0xFA00  }
0x146: {  	s31 =	sld [smem:$0x71E]  }
0x147: {  	[sflag:s4] =	ssyncset.done $0x0  }
0x148: {  	s5 =	sld [smem:$0x71F];
	[sflag:s4] =	ssyncadd.s32 $0xFFFF0600  }
0x149: {  	[tilespmem:s2], [sflag:$0x1] =	stream.indirect.gather [hbm4b:s0+s6], $0x20, s31, s6, $0xb8;
	[tilespmem:$0x14820] =	vst v63  }
0x14a: {  	_ = 	snop  }
0x14b: {  	[tilespmem:s9], [sflag:$0x1] =	stream.indirect.gather [hbm4b:s0+s6], $0x20, s5, s6, $0xb8;
	[tilespmem:$0x14820] =	vst v63  }
0x14c: {  	s7 =	sld [smem:$0x720];
	_ =	sdelay $0x1  }
0x14d: {  	s11 =	sld [smem:$0x721]  }
0x14e: {  	[tilespmem:s1], [sflag:$0x1] =	stream.indirect.gather [hbm4b:s0+s6], $0x20, s7, s6, $0xb8;
	[tilespmem:$0x14820] =	vst v63  }
0x14f: {  	s10 =	simm.s32 $0x6C20;
	s12 =	sld [smem:$0x722]  }
0x150: {  	[tilespmem:s10], [sflag:$0x1] =	stream.indirect.gather [hbm4b:s0+s6], $0x20, s11, s6, $0xb8;
	[tilespmem:$0x14820] =	vst v63  }
0x151: {  	s13 =	sld [smem:$0x723];
	s10 =	simm.s32 $0x7620  }
0x152: {  	[tilespmem:s10], [sflag:$0x1] =	stream.indirect.gather [hbm4b:s0+s6], $0x20, s12, s6, $0xb8;
	[tilespmem:$0x14820] =	vst v63  }
0x153: {  	s14 =	sld [smem:$0x724];
	s12 =	simm.s32 $0x8020  }
0x154: {  	[tilespmem:s12], [sflag:$0x1] =	stream.indirect.gather [hbm4b:s0+s6], $0x20, s13, s6, $0xb8;
	[tilespmem:$0x14820] =	vst v63  }
0x155: {  	s19 =	sld [smem:$0x725];
	s11 =	simm.s32 $0x8A20  }
0x156: {  	[tilespmem:s11], [sflag:$0x1] =	stream.indirect.gather [hbm4b:s0+s6], $0x20, s14, s6, $0xb8;
	[tilespmem:$0x14820] =	vst v63  }
0x157: {  	s20 =	sld [smem:$0x726];
	s14 =	simm.s32 $0x9420  }
0x158: {  	[tilespmem:s14], [sflag:$0x1] =	stream.indirect.gather [hbm4b:s0+s6], $0x20, s19, s6, $0xb8;
	[tilespmem:$0x14820] =	vst v63  }
0x159: {  	s21 =	sld [smem:$0x727];
	s13 =	simm.s32 $0x9E20  }
0x15a: {  	[tilespmem:s13], [sflag:$0x1] =	stream.indirect.gather [hbm4b:s0+s6], $0x20, s20, s6, $0xb8;
	[tilespmem:$0x14820] =	vst v63  }
0x15b: {  	s25 =	sld [smem:$0x728];
	s20 =	simm.s32 $0xA820  }
0x15c: {  	[tilespmem:s20], [sflag:$0x1] =	stream.indirect.gather [hbm4b:s0+s6], $0x20, s21, s6, $0xb8;
	[tilespmem:$0x14820] =	vst v63  }
0x15d: {  	s18 =	simm.s32 $0xB220;
	s28 =	sld [smem:$0x729]  }
0x15e: {  	[tilespmem:s18], [sflag:$0x1] =	stream.indirect.gather [hbm4b:s0+s6], $0x20, s25, s6, $0xb8;
	[tilespmem:$0x14820] =	vst v63  }
0x15f: {  	s29 =	sld [smem:$0x72A];
	s18 =	simm.s32 $0xBC20  }
0x160: {  	[tilespmem:s18], [sflag:$0x1] =	stream.indirect.gather [hbm4b:s0+s6], $0x20, s28, s6, $0xb8;
	[tilespmem:$0x14820] =	vst v63  }
0x161: {  	s31 =	sld [smem:$0x72B];
	s21 =	simm.s32 $0xC620  }
0x162: {  	[tilespmem:s21], [sflag:$0x1] =	stream.indirect.gather [hbm4b:s0+s6], $0x20, s29, s6, $0xb8;
	[tilespmem:$0x14820] =	vst v63  }
0x163: {  	s5 =	simm.s32 $0xD020;
	s19 =	sld [smem:$0x72C]  }
0x164: {  	[tilespmem:s5], [sflag:$0x1] =	stream.indirect.gather [hbm4b:s0+s6], $0x20, s31, s6, $0xb8;
	[tilespmem:$0x14820] =	vst v63  }
0x165: {  	s16 =	simm.s32 $0xDA20;
	s25 =	sld [smem:$0x72D]  }
0x166: {  	[tilespmem:s16], [sflag:$0x1] =	stream.indirect.gather [hbm4b:s0+s6], $0x20, s19, s6, $0xb8;
	[tilespmem:$0x14820] =	vst v63  }
0x167: {  	s28 =	sld [smem:$0x72E];
	s16 =	simm.s32 $0xE420  }
0x168: {  	[tilespmem:s16], [sflag:$0x1] =	stream.indirect.gather [hbm4b:s0+s6], $0x20, s25, s6, $0xb8;
	[tilespmem:$0x14820] =	vst v63  }
0x169: {  	s31 =	sld [smem:$0x72F];
	s19 =	simm.s32 $0xEE20  }
0x16a: {  	[tilespmem:s19], [sflag:$0x1] =	stream.indirect.gather [hbm4b:s0+s6], $0x20, s28, s6, $0xb8;
	[tilespmem:$0x14820] =	vst v63  }
0x16b: {  	s17 =	simm.s32 $0xF820;
	s25 =	sld [smem:$0x730]  }
0x16c: {  	[tilespmem:s17], [sflag:$0x1] =	stream.indirect.gather [hbm4b:s0+s6], $0x20, s31, s6, $0xb8;
	[tilespmem:$0x14820] =	vst v63  }
0x16d: {  	s31 =	sld [smem:$0x731];
	s17 =	simm.s32 $0x10220  }
0x16e: {  	[tilespmem:s17], [sflag:$0x1] =	stream.indirect.gather [hbm4b:s0+s6], $0x20, s25, s6, $0xb8;
	[tilespmem:$0x14820] =	vst v63  }
0x16f: {  	s22 =	simm.s32 $0x10C20;
	s7 =	sld [smem:$0x732]  }
0x170: {  	[tilespmem:s22], [sflag:$0x1] =	stream.indirect.gather [hbm4b:s0+s6], $0x20, s31, s6, $0xb8;
	[tilespmem:$0x14820] =	vst v63  }
0x171: {  	s25 =	sld [smem:$0x733];
	s22 =	simm.s32 $0x11620  }
0x172: {  	[tilespmem:s22], [sflag:$0x1] =	stream.indirect.gather [hbm4b:s0+s6], $0x20, s7, s6, $0xb8;
	[tilespmem:$0x14820] =	vst v63  }
0x173: {  	s24 =	simm.s32 $0x12020;
	s7 =	sld [smem:$0x734]  }
0x174: {  	[tilespmem:s24], [sflag:$0x1] =	stream.indirect.gather [hbm4b:s0+s6], $0x20, s25, s6, $0xb8;
	[tilespmem:$0x14820] =	vst v63  }
0x175: {  	s8 =	sld [smem:$0x735];
	s24 =	simm.s32 $0x12A20  }
0x176: {  	[tilespmem:s24], [sflag:$0x1] =	stream.indirect.gather [hbm4b:s0+s6], $0x20, s7, s6, $0xb8;
	[tilespmem:$0x14820] =	vst v63  }
0x177: {  	s26 =	simm.s32 $0x13420;
	s7 =	sld [smem:$0x736]  }
0x178: {  	[tilespmem:s26], [sflag:$0x1] =	stream.indirect.gather [hbm4b:s0+s6], $0x20, s8, s6, $0xb8;
	[tilespmem:$0x14820] =	vst v63  }
0x179: {  	s23 =	simm.s32 $0x13E20  }
0x17a: {  	[tilespmem:s23], [sflag:$0x1] =	stream.indirect.gather [hbm4b:s0+s6], $0x20, s7, s6, $0xb8;
	[tilespmem:$0x14820] =	vst v63  }
0x17b: {  	_ =	swait.ge [sflag:s15], $0xFA00  }
0x17c: {  	[sflag:s15] =	ssyncset.done $0x0  }
0x17d: {  	s23 =	simm.s32 $0x0;
	s8 =	rddreg [dreg:$0x5];
	[sflag:s15] =	ssyncadd.s32 $0xFFFF0600  }
0x17e: {  	[hbm4b:s8+s23] =	stream.linear.scatter [tilespmem:s2], [sflag:$0x2], $0xFA00, $0x38;
	[tilespmem:$0x14820] =	vst v63  }
0x17f: {  	_ =	swait.ge [sflag:s4], $0xFA00  }
0x180: {  	s23 =	sld [smem:$0x737]  }
0x181: {  	[sflag:s4] =	ssyncset.done $0x0  }
0x182: {  	s8 =	sld [smem:$0x738];
	[sflag:s4] =	ssyncadd.s32 $0xFFFF0600  }
0x183: {  	[tilespmem:s2], [sflag:$0x1] =	stream.indirect.gather [hbm4b:s0+s6], $0x20, s23, s6, $0xb8;
	[tilespmem:$0x14820] =	vst v63  }
0x184: {  	s23 =	sld [smem:$0x739]  }
0x185: {  	[tilespmem:s9], [sflag:$0x1] =	stream.indirect.gather [hbm4b:s0+s6], $0x20, s8, s6, $0xb8;
	[tilespmem:$0x14820] =	vst v63  }
0x186: {  	s8 =	sld [smem:$0x73A]  }
0x187: {  	[tilespmem:s1], [sflag:$0x1] =	stream.indirect.gather [hbm4b:s0+s6], $0x20, s23, s6, $0xb8;
	[tilespmem:$0x14820] =	vst v63  }
0x188: {  	s7 =	sld [smem:$0x73B];
	s23 =	simm.s32 $0x6C20  }
0x189: {  	[tilespmem:s23], [sflag:$0x1] =	stream.indirect.gather [hbm4b:s0+s6], $0x20, s8, s6, $0xb8;
	[tilespmem:$0x14820] =	vst v63  }
0x18a: {  	s8 =	sld [smem:$0x73C]  }
0x18b: {  	[tilespmem:s10], [sflag:$0x1] =	stream.indirect.gather [hbm4b:s0+s6], $0x20, s7, s6, $0xb8;
	[tilespmem:$0x14820] =	vst v63  }
0x18c: {  	s23 =	sld [smem:$0x73D]  }
0x18d: {  	[tilespmem:s12], [sflag:$0x1] =	stream.indirect.gather [hbm4b:s0+s6], $0x20, s8, s6, $0xb8;
	[tilespmem:$0x14820] =	vst v63  }
0x18e: {  	s10 =	sld [smem:$0x73E]  }
0x18f: {  	[tilespmem:s11], [sflag:$0x1] =	stream.indirect.gather [hbm4b:s0+s6], $0x20, s23, s6, $0xb8;
	[tilespmem:$0x14820] =	vst v63  }
0x190: {  	s23 =	sld [smem:$0x73F]  }
0x191: {  	[tilespmem:s14], [sflag:$0x1] =	stream.indirect.gather [hbm4b:s0+s6], $0x20, s10, s6, $0xb8;
	[tilespmem:$0x14820] =	vst v63  }
0x192: {  	s10 =	sld [smem:$0x740]  }
0x193: {  	[tilespmem:s13], [sflag:$0x1] =	stream.indirect.gather [hbm4b:s0+s6], $0x20, s23, s6, $0xb8;
	[tilespmem:$0x14820] =	vst v63  }
0x194: {  	s13 =	sld [smem:$0x741]  }
0x195: {  	[tilespmem:s20], [sflag:$0x1] =	stream.indirect.gather [hbm4b:s0+s6], $0x20, s10, s6, $0xb8;
	[tilespmem:$0x14820] =	vst v63  }
0x196: {  	s30 =	simm.s32 $0xB220;
	s23 =	sld [smem:$0x742]  }
0x197: {  	[tilespmem:s30], [sflag:$0x1] =	stream.indirect.gather [hbm4b:s0+s6], $0x20, s13, s6, $0xb8;
	[tilespmem:$0x14820] =	vst v63  }
0x198: {  	s10 =	sld [smem:$0x743]  }
0x199: {  	[tilespmem:s18], [sflag:$0x1] =	stream.indirect.gather [hbm4b:s0+s6], $0x20, s23, s6, $0xb8;
	[tilespmem:$0x14820] =	vst v63  }
0x19a: {  	s13 =	sld [smem:$0x744]  }
0x19b: {  	[tilespmem:s21], [sflag:$0x1] =	stream.indirect.gather [hbm4b:s0+s6], $0x20, s10, s6, $0xb8;
	[tilespmem:$0x14820] =	vst v63  }
0x19c: {  	s18 =	sld [smem:$0x745]  }
0x19d: {  	[tilespmem:s5], [sflag:$0x1] =	stream.indirect.gather [hbm4b:s0+s6], $0x20, s13, s6, $0xb8;
	[tilespmem:$0x14820] =	vst v63  }
0x19e: {  	s29 =	simm.s32 $0xDA20;
	s23 =	sld [smem:$0x746]  }
0x19f: {  	[tilespmem:s29], [sflag:$0x1] =	stream.indirect.gather [hbm4b:s0+s6], $0x20, s18, s6, $0xb8;
	[tilespmem:$0x14820] =	vst v63  }
0x1a0: {  	s29 =	sld [smem:$0x747]  }
0x1a1: {  	[tilespmem:s16], [sflag:$0x1] =	stream.indirect.gather [hbm4b:s0+s6], $0x20, s23, s6, $0xb8;
	[tilespmem:$0x14820] =	vst v63  }
0x1a2: {  	s16 =	sld [smem:$0x748]  }
0x1a3: {  	[tilespmem:s19], [sflag:$0x1] =	stream.indirect.gather [hbm4b:s0+s6], $0x20, s29, s6, $0xb8;
	[tilespmem:$0x14820] =	vst v63  }
0x1a4: {  	s28 =	simm.s32 $0xF820;
	s23 =	sld [smem:$0x749]  }
0x1a5: {  	[tilespmem:s28], [sflag:$0x1] =	stream.indirect.gather [hbm4b:s0+s6], $0x20, s16, s6, $0xb8;
	[tilespmem:$0x14820] =	vst v63  }
0x1a6: {  	s29 =	sld [smem:$0x74A]  }
0x1a7: {  	[tilespmem:s17], [sflag:$0x1] =	stream.indirect.gather [hbm4b:s0+s6], $0x20, s23, s6, $0xb8;
	[tilespmem:$0x14820] =	vst v63  }
0x1a8: {  	s31 =	simm.s32 $0x10C20;
	s19 =	sld [smem:$0x74B]  }
0x1a9: {  	[tilespmem:s31], [sflag:$0x1] =	stream.indirect.gather [hbm4b:s0+s6], $0x20, s29, s6, $0xb8;
	[tilespmem:$0x14820] =	vst v63  }
0x1aa: {  	s23 =	sld [smem:$0x74C]  }
0x1ab: {  	[tilespmem:s22], [sflag:$0x1] =	stream.indirect.gather [hbm4b:s0+s6], $0x20, s19, s6, $0xb8;
	[tilespmem:$0x14820] =	vst v63  }
0x1ac: {  	s25 =	simm.s32 $0x12020;
	s31 =	sld [smem:$0x74D]  }
0x1ad: {  	[tilespmem:s25], [sflag:$0x1] =	stream.indirect.gather [hbm4b:s0+s6], $0x20, s23, s6, $0xb8;
	[tilespmem:$0x14820] =	vst v63  }
0x1ae: {  	s22 =	sld [smem:$0x74E]  }
0x1af: {  	[tilespmem:s24], [sflag:$0x1] =	stream.indirect.gather [hbm4b:s0+s6], $0x20, s31, s6, $0xb8;
	[tilespmem:$0x14820] =	vst v63  }
0x1b0: {  	s26 =	simm.s32 $0x13420;
	s23 =	sld [smem:$0x74F]  }
0x1b1: {  	[tilespmem:s26], [sflag:$0x1] =	stream.indirect.gather [hbm4b:s0+s6], $0x20, s22, s6, $0xb8;
	[tilespmem:$0x14820] =	vst v63  }
0x1b2: {  	s25 =	simm.s32 $0x13E20  }
0x1b3: {  	[tilespmem:s25], [sflag:$0x1] =	stream.indirect.gather [hbm4b:s0+s6], $0x20, s23, s6, $0xb8;
	[tilespmem:$0x14820] =	vst v63  }
0x1b4: {  	_ =	swait.ge [sflag:s15], $0xFA00  }
0x1b5: {  	[sflag:s15] =	ssyncset.done $0x0  }
0x1b6: {  	s31 =	simm.s32 $0x0;
	s26 =	rddreg [dreg:$0x6];
	[sflag:s15] =	ssyncadd.s32 $0xFFFF0600  }
0x1b7: {  	[hbm4b:s26+s31] =	stream.linear.scatter [tilespmem:s2], [sflag:$0x2], $0xFA00, $0x38;
	[tilespmem:$0x14820] =	vst v63  }
0x1b8: {  	_ =	swait.ge [sflag:s4], $0xFA00  }
0x1b9: {  	s8 =	sld [smem:$0x750]  }
0x1ba: {  	[sflag:s4] =	ssyncset.done $0x0  }
0x1bb: {  	s26 =	sld [smem:$0x751];
	[sflag:s4] =	ssyncadd.s32 $0xFFFF0600  }
0x1bc: {  	[tilespmem:s2], [sflag:$0x1] =	stream.indirect.gather [hbm4b:s0+s6], $0x20, s8, s6, $0xb8;
	[tilespmem:$0x14820] =	vst v63  }
0x1bd: {  	s31 =	sld [smem:$0x752]  }
0x1be: {  	[tilespmem:s9], [sflag:$0x1] =	stream.indirect.gather [hbm4b:s0+s6], $0x20, s26, s6, $0xb8;
	[tilespmem:$0x14820] =	vst v63  }
0x1bf: {  	s26 =	sld [smem:$0x753]  }
0x1c0: {  	[tilespmem:s1], [sflag:$0x1] =	stream.indirect.gather [hbm4b:s0+s6], $0x20, s31, s6, $0xb8;
	[tilespmem:$0x14820] =	vst v63  }
0x1c1: {  	s7 =	sld [smem:$0x754];
	s31 =	simm.s32 $0x6C20  }
0x1c2: {  	[tilespmem:s31], [sflag:$0x1] =	stream.indirect.gather [hbm4b:s0+s6], $0x20, s26, s6, $0xb8;
	[tilespmem:$0x14820] =	vst v63  }
0x1c3: {  	s8 =	sld [smem:$0x755];
	s31 =	simm.s32 $0x7620  }
0x1c4: {  	[tilespmem:s31], [sflag:$0x1] =	stream.indirect.gather [hbm4b:s0+s6], $0x20, s7, s6, $0xb8;
	[tilespmem:$0x14820] =	vst v63  }
0x1c5: {  	s7 =	sld [smem:$0x756];
	s31 =	simm.s32 $0x8020  }
0x1c6: {  	[tilespmem:s31], [sflag:$0x1] =	stream.indirect.gather [hbm4b:s0+s6], $0x20, s8, s6, $0xb8;
	[tilespmem:$0x14820] =	vst v63  }
0x1c7: {  	s12 =	simm.s32 $0x8A20;
	s8 =	sld [smem:$0x757]  }
0x1c8: {  	[tilespmem:s12], [sflag:$0x1] =	stream.indirect.gather [hbm4b:s0+s6], $0x20, s7, s6, $0xb8;
	[tilespmem:$0x14820] =	vst v63  }
0x1c9: {  	s11 =	simm.s32 $0x9420;
	s12 =	sld [smem:$0x758]  }
0x1ca: {  	[tilespmem:s11], [sflag:$0x1] =	stream.indirect.gather [hbm4b:s0+s6], $0x20, s8, s6, $0xb8;
	[tilespmem:$0x14820] =	vst v63  }
0x1cb: {  	s14 =	simm.s32 $0x9E20;
	s11 =	sld [smem:$0x759]  }
0x1cc: {  	[tilespmem:s14], [sflag:$0x1] =	stream.indirect.gather [hbm4b:s0+s6], $0x20, s12, s6, $0xb8;
	[tilespmem:$0x14820] =	vst v63  }
0x1cd: {  	s7 =	sld [smem:$0x75A];
	s12 =	simm.s32 $0xA820  }
0x1ce: {  	[tilespmem:s12], [sflag:$0x1] =	stream.indirect.gather [hbm4b:s0+s6], $0x20, s11, s6, $0xb8;
	[tilespmem:$0x14820] =	vst v63  }
0x1cf: {  	s30 =	simm.s32 $0xB220;
	s14 =	sld [smem:$0x75B]  }
0x1d0: {  	[tilespmem:s30], [sflag:$0x1] =	stream.indirect.gather [hbm4b:s0+s6], $0x20, s7, s6, $0xb8;
	[tilespmem:$0x14820] =	vst v63  }
0x1d1: {  	s20 =	simm.s32 $0xBC20;
	s11 =	sld [smem:$0x75C]  }
0x1d2: {  	[tilespmem:s20], [sflag:$0x1] =	stream.indirect.gather [hbm4b:s0+s6], $0x20, s14, s6, $0xb8;
	[tilespmem:$0x14820] =	vst v63  }
0x1d3: {  	s21 =	simm.s32 $0xC620;
	s12 =	sld [smem:$0x75D]  }
0x1d4: {  	[tilespmem:s21], [sflag:$0x1] =	stream.indirect.gather [hbm4b:s0+s6], $0x20, s11, s6, $0xb8;
	[tilespmem:$0x14820] =	vst v63  }
0x1d5: {  	s10 =	simm.s32 $0xD020;
	s14 =	sld [smem:$0x75E]  }
0x1d6: {  	[tilespmem:s10], [sflag:$0x1] =	stream.indirect.gather [hbm4b:s0+s6], $0x20, s12, s6, $0xb8;
	[tilespmem:$0x14820] =	vst v63  }
0x1d7: {  	s5 =	simm.s32 $0xDA20;
	s10 =	sld [smem:$0x75F]  }
0x1d8: {  	[tilespmem:s5], [sflag:$0x1] =	stream.indirect.gather [hbm4b:s0+s6], $0x20, s14, s6, $0xb8;
	[tilespmem:$0x14820] =	vst v63  }
0x1d9: {  	s13 =	simm.s32 $0xE420;
	s11 =	sld [smem:$0x760]  }
0x1da: {  	[tilespmem:s13], [sflag:$0x1] =	stream.indirect.gather [hbm4b:s0+s6], $0x20, s10, s6, $0xb8;
	[tilespmem:$0x14820] =	vst v63  }
0x1db: {  	s18 =	simm.s32 $0xEE20;
	s13 =	sld [smem:$0x761]  }
0x1dc: {  	[tilespmem:s18], [sflag:$0x1] =	stream.indirect.gather [hbm4b:s0+s6], $0x20, s11, s6, $0xb8;
	[tilespmem:$0x14820] =	vst v63  }
0x1dd: {  	s28 =	simm.s32 $0xF820;
	s18 =	sld [smem:$0x762]  }
0x1de: {  	[tilespmem:s28], [sflag:$0x1] =	stream.indirect.gather [hbm4b:s0+s6], $0x20, s13, s6, $0xb8;
	[tilespmem:$0x14820] =	vst v63  }
0x1df: {  	s16 =	simm.s32 $0x10220;
	s5 =	sld [smem:$0x763]  }
0x1e0: {  	[tilespmem:s16], [sflag:$0x1] =	stream.indirect.gather [hbm4b:s0+s6], $0x20, s18, s6, $0xb8;
	[tilespmem:$0x14820] =	vst v63  }
0x1e1: {  	s29 =	simm.s32 $0x10C20;
	s11 =	sld [smem:$0x764]  }
0x1e2: {  	[tilespmem:s29], [sflag:$0x1] =	stream.indirect.gather [hbm4b:s0+s6], $0x20, s5, s6, $0xb8;
	[tilespmem:$0x14820] =	vst v63  }
0x1e3: {  	s17 =	simm.s32 $0x11620;
	s16 =	sld [smem:$0x765]  }
0x1e4: {  	[tilespmem:s17], [sflag:$0x1] =	stream.indirect.gather [hbm4b:s0+s6], $0x20, s11, s6, $0xb8;
	[tilespmem:$0x14820] =	vst v63  }
0x1e5: {  	s19 =	simm.s32 $0x12020;
	s18 =	sld [smem:$0x766]  }
0x1e6: {  	[tilespmem:s19], [sflag:$0x1] =	stream.indirect.gather [hbm4b:s0+s6], $0x20, s16, s6, $0xb8;
	[tilespmem:$0x14820] =	vst v63  }
0x1e7: {  	s24 =	simm.s32 $0x12A20;
	s19 =	sld [smem:$0x767]  }
0x1e8: {  	[tilespmem:s24], [sflag:$0x1] =	stream.indirect.gather [hbm4b:s0+s6], $0x20, s18, s6, $0xb8;
	[tilespmem:$0x14820] =	vst v63  }
0x1e9: {  	s22 =	simm.s32 $0x13420;
	s24 =	sld [smem:$0x768]  }
0x1ea: {  	[tilespmem:s22], [sflag:$0x1] =	stream.indirect.gather [hbm4b:s0+s6], $0x20, s19, s6, $0xb8;
	[tilespmem:$0x14820] =	vst v63  }
0x1eb: {  	s23 =	simm.s32 $0x13E20  }
0x1ec: {  	[tilespmem:s23], [sflag:$0x1] =	stream.indirect.gather [hbm4b:s0+s6], $0x20, s24, s6, $0xb8;
	[tilespmem:$0x14820] =	vst v63  }
0x1ed: {  	_ =	swait.ge [sflag:s15], $0xFA00  }
0x1ee: {  	[sflag:s15] =	ssyncset.done $0x0  }
0x1ef: {  	s25 =	simm.s32 $0x0;
	s5 =	rddreg [dreg:$0x7];
	[sflag:s15] =	ssyncadd.s32 $0xFFFF0600  }
0x1f0: {  	[hbm4b:s5+s25] =	stream.linear.scatter [tilespmem:s2], [sflag:$0x2], $0xFA00, $0x38;
	[tilespmem:$0x14820] =	vst v63  }
0x1f1: {  	_ =	swait.ge [sflag:s4], $0xFA00  }
0x1f2: {  	s8 =	sld [smem:$0x769]  }
0x1f3: {  	[sflag:s4] =	ssyncset.done $0x0  }
0x1f4: {  	s11 =	sld [smem:$0x76A];
	[sflag:s4] =	ssyncadd.s32 $0xFFFF0600  }
0x1f5: {  	[tilespmem:s2], [sflag:$0x1] =	stream.indirect.gather [hbm4b:s0+s6], $0x20, s8, s6, $0xb8;
	[tilespmem:$0x14820] =	vst v63  }
0x1f6: {  	s16 =	sld [smem:$0x76B]  }
0x1f7: {  	[tilespmem:s9], [sflag:$0x1] =	stream.indirect.gather [hbm4b:s0+s6], $0x20, s11, s6, $0xb8;
	[tilespmem:$0x14820] =	vst v63  }
0x1f8: {  	s22 =	sld [smem:$0x76C]  }
0x1f9: {  	[tilespmem:s1], [sflag:$0x1] =	stream.indirect.gather [hbm4b:s0+s6], $0x20, s16, s6, $0xb8;
	[tilespmem:$0x14820] =	vst v63  }
0x1fa: {  	s24 =	simm.s32 $0x6C20;
	s23 =	sld [smem:$0x76D]  }
0x1fb: {  	[tilespmem:s24], [sflag:$0x1] =	stream.indirect.gather [hbm4b:s0+s6], $0x20, s22, s6, $0xb8;
	[tilespmem:$0x14820] =	vst v63  }
0x1fc: {  	s26 =	simm.s32 $0x7620;
	s25 =	sld [smem:$0x76E]  }
0x1fd: {  	[tilespmem:s26], [sflag:$0x1] =	stream.indirect.gather [hbm4b:s0+s6], $0x20, s23, s6, $0xb8;
	[tilespmem:$0x14820] =	vst v63  }
0x1fe: {  	s31 =	simm.s32 $0x8020;
	s26 =	sld [smem:$0x76F]  }
0x1ff: {  	[tilespmem:s31], [sflag:$0x1] =	stream.indirect.gather [hbm4b:s0+s6], $0x20, s25, s6, $0xb8;
	[tilespmem:$0x14820] =	vst v63  }
0x200: {  	s5 =	sld [smem:$0x770];
	s16 =	simm.s32 $0x8A20  }
0x201: {  	[tilespmem:s16], [sflag:$0x1] =	stream.indirect.gather [hbm4b:s0+s6], $0x20, s26, s6, $0xb8;
	[tilespmem:$0x14820] =	vst v63  }
0x202: {  	s22 =	sld [smem:$0x771];
	s24 =	simm.s32 $0x9420  }
0x203: {  	[tilespmem:s24], [sflag:$0x1] =	stream.indirect.gather [hbm4b:s0+s6], $0x20, s5, s6, $0xb8;
	[tilespmem:$0x14820] =	vst v63  }
0x204: {  	s25 =	sld [smem:$0x772];
	s31 =	simm.s32 $0x9E20  }
0x205: {  	[tilespmem:s31], [sflag:$0x1] =	stream.indirect.gather [hbm4b:s0+s6], $0x20, s22, s6, $0xb8;
	[tilespmem:$0x14820] =	vst v63  }
0x206: {  	s5 =	sld [smem:$0x773];
	s22 =	simm.s32 $0xA820  }
0x207: {  	[tilespmem:s22], [sflag:$0x1] =	stream.indirect.gather [hbm4b:s0+s6], $0x20, s25, s6, $0xb8;
	[tilespmem:$0x14820] =	vst v63  }
0x208: {  	s30 =	simm.s32 $0xB220;
	s25 =	sld [smem:$0x774]  }
0x209: {  	[tilespmem:s30], [sflag:$0x1] =	stream.indirect.gather [hbm4b:s0+s6], $0x20, s5, s6, $0xb8;
	[tilespmem:$0x14820] =	vst v63  }
0x20a: {  	s20 =	simm.s32 $0xBC20;
	s30 =	sld [smem:$0x775]  }
0x20b: {  	[tilespmem:s20], [sflag:$0x1] =	stream.indirect.gather [hbm4b:s0+s6], $0x20, s25, s6, $0xb8;
	[tilespmem:$0x14820] =	vst v63  }
0x20c: {  	s21 =	simm.s32 $0xC620;
	s5 =	sld [smem:$0x776]  }
0x20d: {  	[tilespmem:s21], [sflag:$0x1] =	stream.indirect.gather [hbm4b:s0+s6], $0x20, s30, s6, $0xb8;
	[tilespmem:$0x14820] =	vst v63  }
0x20e: {  	s12 =	simm.s32 $0xD020;
	s21 =	sld [smem:$0x777]  }
0x20f: {  	[tilespmem:s12], [sflag:$0x1] =	stream.indirect.gather [hbm4b:s0+s6], $0x20, s5, s6, $0xb8;
	[tilespmem:$0x14820] =	vst v63  }
0x210: {  	s25 =	sld [smem:$0x778];
	s30 =	simm.s32 $0xDA20  }
0x211: {  	[tilespmem:s30], [sflag:$0x1] =	stream.indirect.gather [hbm4b:s0+s6], $0x20, s21, s6, $0xb8;
	[tilespmem:$0x14820] =	vst v63  }
0x212: {  	s10 =	simm.s32 $0xE420;
	s5 =	sld [smem:$0x779]  }
0x213: {  	[tilespmem:s10], [sflag:$0x1] =	stream.indirect.gather [hbm4b:s0+s6], $0x20, s25, s6, $0xb8;
	[tilespmem:$0x14820] =	vst v63  }
0x214: {  	s14 =	simm.s32 $0xEE20;
	s25 =	sld [smem:$0x77A]  }
0x215: {  	[tilespmem:s14], [sflag:$0x1] =	stream.indirect.gather [hbm4b:s0+s6], $0x20, s5, s6, $0xb8;
	[tilespmem:$0x14820] =	vst v63  }
0x216: {  	s28 =	simm.s32 $0xF820;
	s30 =	sld [smem:$0x77B]  }
0x217: {  	[tilespmem:s28], [sflag:$0x1] =	stream.indirect.gather [hbm4b:s0+s6], $0x20, s25, s6, $0xb8;
	[tilespmem:$0x14820] =	vst v63  }
0x218: {  	s13 =	simm.s32 $0x10220;
	s5 =	sld [smem:$0x77C]  }
0x219: {  	[tilespmem:s13], [sflag:$0x1] =	stream.indirect.gather [hbm4b:s0+s6], $0x20, s30, s6, $0xb8;
	[tilespmem:$0x14820] =	vst v63  }
0x21a: {  	s29 =	simm.s32 $0x10C20;
	s25 =	sld [smem:$0x77D]  }
0x21b: {  	[tilespmem:s29], [sflag:$0x1] =	stream.indirect.gather [hbm4b:s0+s6], $0x20, s5, s6, $0xb8;
	[tilespmem:$0x14820] =	vst v63  }
0x21c: {  	s8 =	sld [smem:$0x77E];
	s5 =	simm.s32 $0x11620  }
0x21d: {  	[tilespmem:s5], [sflag:$0x1] =	stream.indirect.gather [hbm4b:s0+s6], $0x20, s25, s6, $0xb8;
	[tilespmem:$0x14820] =	vst v63  }
0x21e: {  	s17 =	simm.s32 $0x12020;
	s25 =	sld [smem:$0x77F]  }
0x21f: {  	[tilespmem:s17], [sflag:$0x1] =	stream.indirect.gather [hbm4b:s0+s6], $0x20, s8, s6, $0xb8;
	[tilespmem:$0x14820] =	vst v63  }
0x220: {  	s5 =	simm.s32 $0x12A20;
	s8 =	sld [smem:$0x780]  }
0x221: {  	[tilespmem:s5], [sflag:$0x1] =	stream.indirect.gather [hbm4b:s0+s6], $0x20, s25, s6, $0xb8;
	[tilespmem:$0x14820] =	vst v63  }
0x222: {  	s18 =	simm.s32 $0x13420;
	s5 =	sld [smem:$0x781]  }
0x223: {  	[tilespmem:s18], [sflag:$0x1] =	stream.indirect.gather [hbm4b:s0+s6], $0x20, s8, s6, $0xb8;
	[tilespmem:$0x14820] =	vst v63  }
0x224: {  	s19 =	simm.s32 $0x13E20  }
0x225: {  	[tilespmem:s19], [sflag:$0x1] =	stream.indirect.gather [hbm4b:s0+s6], $0x20, s5, s6, $0xb8;
	[tilespmem:$0x14820] =	vst v63  }
0x226: {  	_ =	swait.ge [sflag:s15], $0xFA00  }
0x227: {  	[sflag:s15] =	ssyncset.done $0x0  }
0x228: {  	s5 =	simm.s32 $0x0;
	s8 =	rddreg [dreg:$0x8];
	[sflag:s15] =	ssyncadd.s32 $0xFFFF0600  }
0x229: {  	[hbm4b:s8+s5] =	stream.linear.scatter [tilespmem:s2], [sflag:$0x2], $0xFA00, $0x38;
	[tilespmem:$0x14820] =	vst v63  }
0x22a: {  	_ =	swait.ge [sflag:s4], $0xFA00  }
0x22b: {  	[sflag:s4] =	ssyncset.done $0x0  }
0x22c: {  	s5 =	simm.s32 $0x2710;
	s7 =	sld [smem:$0x782];
	[sflag:s4] =	ssyncadd.s32 $0xFFFF0600  }
0x22d: {  	[tilespmem:s2], [sflag:$0x1] =	stream.indirect.gather [hbm4b:s3+s6], $0x20, s5, s6, $0xb8;
	[tilespmem:$0x14820] =	vst v63  }
0x22e: {  	s5 =	sld [smem:$0x783]  }
0x22f: {  	[tilespmem:s9], [sflag:$0x1] =	stream.indirect.gather [hbm4b:s3+s6], $0x20, s7, s6, $0xb8;
	[tilespmem:$0x14820] =	vst v63  }
0x230: {  	s7 =	sld [smem:$0x784]  }
0x231: {  	[tilespmem:s1], [sflag:$0x1] =	stream.indirect.gather [hbm4b:s3+s6], $0x20, s5, s6, $0xb8;
	[tilespmem:$0x14820] =	vst v63  }
0x232: {  	s8 =	sld [smem:$0x785];
	s5 =	simm.s32 $0x6C20  }
0x233: {  	[tilespmem:s5], [sflag:$0x1] =	stream.indirect.gather [hbm4b:s3+s6], $0x20, s7, s6, $0xb8;
	[tilespmem:$0x14820] =	vst v63  }
0x234: {  	s23 =	simm.s32 $0x7620;
	s7 =	sld [smem:$0x786]  }
0x235: {  	[tilespmem:s23], [sflag:$0x1] =	stream.indirect.gather [hbm4b:s3+s6], $0x20, s8, s6, $0xb8;
	[tilespmem:$0x14820] =	vst v63  }
0x236: {  	s5 =	simm.s32 $0x8020;
	s8 =	sld [smem:$0x787]  }
0x237: {  	[tilespmem:s5], [sflag:$0x1] =	stream.indirect.gather [hbm4b:s3+s6], $0x20, s7, s6, $0xb8;
	[tilespmem:$0x14820] =	vst v63  }
0x238: {  	s11 =	simm.s32 $0x8A20;
	s7 =	sld [smem:$0x788]  }
0x239: {  	[tilespmem:s11], [sflag:$0x1] =	stream.indirect.gather [hbm4b:s3+s6], $0x20, s8, s6, $0xb8;
	[tilespmem:$0x14820] =	vst v63  }
0x23a: {  	s26 =	simm.s32 $0x9420;
	s11 =	sld [smem:$0x789]  }
0x23b: {  	[tilespmem:s26], [sflag:$0x1] =	stream.indirect.gather [hbm4b:s3+s6], $0x20, s7, s6, $0xb8;
	[tilespmem:$0x14820] =	vst v63  }
0x23c: {  	s24 =	simm.s32 $0x9E20;
	s7 =	sld [smem:$0x78A]  }
0x23d: {  	[tilespmem:s24], [sflag:$0x1] =	stream.indirect.gather [hbm4b:s3+s6], $0x20, s11, s6, $0xb8;
	[tilespmem:$0x14820] =	vst v63  }
0x23e: {  	s16 =	simm.s32 $0xA820;
	s11 =	sld [smem:$0x78B]  }
0x23f: {  	[tilespmem:s16], [sflag:$0x1] =	stream.indirect.gather [hbm4b:s3+s6], $0x20, s7, s6, $0xb8;
	[tilespmem:$0x14820] =	vst v63  }
0x240: {  	s31 =	simm.s32 $0xB220;
	s16 =	sld [smem:$0x78C]  }
0x241: {  	[tilespmem:s31], [sflag:$0x1] =	stream.indirect.gather [hbm4b:s3+s6], $0x20, s11, s6, $0xb8;
	[tilespmem:$0x14820] =	vst v63  }
0x242: {  	s20 =	simm.s32 $0xBC20;
	s11 =	sld [smem:$0x78D]  }
0x243: {  	[tilespmem:s20], [sflag:$0x1] =	stream.indirect.gather [hbm4b:s3+s6], $0x20, s16, s6, $0xb8;
	[tilespmem:$0x14820] =	vst v63  }
0x244: {  	s22 =	simm.s32 $0xC620;
	s20 =	sld [smem:$0x78E]  }
0x245: {  	[tilespmem:s22], [sflag:$0x1] =	stream.indirect.gather [hbm4b:s3+s6], $0x20, s11, s6, $0xb8;
	[tilespmem:$0x14820] =	vst v63  }
0x246: {  	s12 =	simm.s32 $0xD020;
	s22 =	sld [smem:$0x78F]  }
0x247: {  	[tilespmem:s12], [sflag:$0x1] =	stream.indirect.gather [hbm4b:s3+s6], $0x20, s20, s6, $0xb8;
	[tilespmem:$0x14820] =	vst v63  }
0x248: {  	s21 =	simm.s32 $0xDA20;
	s11 =	sld [smem:$0x790]  }
0x249: {  	[tilespmem:s21], [sflag:$0x1] =	stream.indirect.gather [hbm4b:s3+s6], $0x20, s22, s6, $0xb8;
	[tilespmem:$0x14820] =	vst v63  }
0x24a: {  	s10 =	simm.s32 $0xE420;
	s20 =	sld [smem:$0x791]  }
0x24b: {  	[tilespmem:s10], [sflag:$0x1] =	stream.indirect.gather [hbm4b:s3+s6], $0x20, s11, s6, $0xb8;
	[tilespmem:$0x14820] =	vst v63  }
0x24c: {  	s14 =	simm.s32 $0xEE20;
	s22 =	sld [smem:$0x792]  }
0x24d: {  	[tilespmem:s14], [sflag:$0x1] =	stream.indirect.gather [hbm4b:s3+s6], $0x20, s20, s6, $0xb8;
	[tilespmem:$0x14820] =	vst v63  }
0x24e: {  	s28 =	simm.s32 $0xF820;
	s11 =	sld [smem:$0x793]  }
0x24f: {  	[tilespmem:s28], [sflag:$0x1] =	stream.indirect.gather [hbm4b:s3+s6], $0x20, s22, s6, $0xb8;
	[tilespmem:$0x14820] =	vst v63  }
0x250: {  	s13 =	simm.s32 $0x10220;
	s20 =	sld [smem:$0x794]  }
0x251: {  	[tilespmem:s13], [sflag:$0x1] =	stream.indirect.gather [hbm4b:s3+s6], $0x20, s11, s6, $0xb8;
	[tilespmem:$0x14820] =	vst v63  }
0x252: {  	s30 =	simm.s32 $0x10C20;
	s22 =	sld [smem:$0x795]  }
0x253: {  	[tilespmem:s30], [sflag:$0x1] =	stream.indirect.gather [hbm4b:s3+s6], $0x20, s20, s6, $0xb8;
	[tilespmem:$0x14820] =	vst v63  }
0x254: {  	s29 =	simm.s32 $0x11620;
	s13 =	sld [smem:$0x796]  }
0x255: {  	[tilespmem:s29], [sflag:$0x1] =	stream.indirect.gather [hbm4b:s3+s6], $0x20, s22, s6, $0xb8;
	[tilespmem:$0x14820] =	vst v63  }
0x256: {  	s17 =	simm.s32 $0x12020;
	s20 =	sld [smem:$0x797]  }
0x257: {  	[tilespmem:s17], [sflag:$0x1] =	stream.indirect.gather [hbm4b:s3+s6], $0x20, s13, s6, $0xb8;
	[tilespmem:$0x14820] =	vst v63  }
0x258: {  	s25 =	simm.s32 $0x12A20;
	s29 =	sld [smem:$0x798]  }
0x259: {  	[tilespmem:s25], [sflag:$0x1] =	stream.indirect.gather [hbm4b:s3+s6], $0x20, s20, s6, $0xb8;
	[tilespmem:$0x14820] =	vst v63  }
0x25a: {  	s18 =	simm.s32 $0x13420;
	s17 =	sld [smem:$0x799]  }
0x25b: {  	[tilespmem:s18], [sflag:$0x1] =	stream.indirect.gather [hbm4b:s3+s6], $0x20, s29, s6, $0xb8;
	[tilespmem:$0x14820] =	vst v63  }
0x25c: {  	s19 =	simm.s32 $0x13E20  }
0x25d: {  	[tilespmem:s19], [sflag:$0x1] =	stream.indirect.gather [hbm4b:s3+s6], $0x20, s17, s6, $0xb8;
	[tilespmem:$0x14820] =	vst v63  }
0x25e: {  	_ =	swait.ge [sflag:s15], $0xFA00  }
0x25f: {  	[sflag:s15] =	ssyncset.done $0x0  }
0x260: {  	s29 =	simm.s32 $0x0;
	s25 =	rddreg [dreg:$0x9];
	[sflag:s15] =	ssyncadd.s32 $0xFFFF0600  }
0x261: {  	[hbm4b:s25+s29] =	stream.linear.scatter [tilespmem:s2], [sflag:$0x2], $0xFA00, $0x38;
	[tilespmem:$0x14820] =	vst v63  }
0x262: {  	_ =	swait.ge [sflag:s4], $0xFA00  }
0x263: {  	s8 =	sld [smem:$0x79A]  }
0x264: {  	[sflag:s4] =	ssyncset.done $0x0  }
0x265: {  	s25 =	sld [smem:$0x79B];
	[sflag:s4] =	ssyncadd.s32 $0xFFFF0600  }
0x266: {  	[tilespmem:s2], [sflag:$0x1] =	stream.indirect.gather [hbm4b:s3+s6], $0x20, s8, s6, $0xb8;
	[tilespmem:$0x14820] =	vst v63  }
0x267: {  	s29 =	sld [smem:$0x79C]  }
0x268: {  	[tilespmem:s9], [sflag:$0x1] =	stream.indirect.gather [hbm4b:s3+s6], $0x20, s25, s6, $0xb8;
	[tilespmem:$0x14820] =	vst v63  }
0x269: {  	s25 =	sld [smem:$0x79D]  }
0x26a: {  	[tilespmem:s1], [sflag:$0x1] =	stream.indirect.gather [hbm4b:s3+s6], $0x20, s29, s6, $0xb8;
	[tilespmem:$0x14820] =	vst v63  }
0x26b: {  	s7 =	sld [smem:$0x79E];
	s29 =	simm.s32 $0x6C20  }
0x26c: {  	[tilespmem:s29], [sflag:$0x1] =	stream.indirect.gather [hbm4b:s3+s6], $0x20, s25, s6, $0xb8;
	[tilespmem:$0x14820] =	vst v63  }
0x26d: {  	s23 =	simm.s32 $0x7620;
	s25 =	sld [smem:$0x79F]  }
0x26e: {  	[tilespmem:s23], [sflag:$0x1] =	stream.indirect.gather [hbm4b:s3+s6], $0x20, s7, s6, $0xb8;
	[tilespmem:$0x14820] =	vst v63  }
0x26f: {  	s29 =	simm.s32 $0x8020;
	s7 =	sld [smem:$0x7A0]  }
0x270: {  	[tilespmem:s29], [sflag:$0x1] =	stream.indirect.gather [hbm4b:s3+s6], $0x20, s25, s6, $0xb8;
	[tilespmem:$0x14820] =	vst v63  }
0x271: {  	s5 =	simm.s32 $0x8A20;
	s29 =	sld [smem:$0x7A1]  }
0x272: {  	[tilespmem:s5], [sflag:$0x1] =	stream.indirect.gather [hbm4b:s3+s6], $0x20, s7, s6, $0xb8;
	[tilespmem:$0x14820] =	vst v63  }
0x273: {  	s26 =	simm.s32 $0x9420;
	s5 =	sld [smem:$0x7A2]  }
0x274: {  	[tilespmem:s26], [sflag:$0x1] =	stream.indirect.gather [hbm4b:s3+s6], $0x20, s29, s6, $0xb8;
	[tilespmem:$0x14820] =	vst v63  }
0x275: {  	s24 =	simm.s32 $0x9E20;
	s26 =	sld [smem:$0x7A3]  }
0x276: {  	[tilespmem:s24], [sflag:$0x1] =	stream.indirect.gather [hbm4b:s3+s6], $0x20, s5, s6, $0xb8;
	[tilespmem:$0x14820] =	vst v63  }
0x277: {  	s7 =	sld [smem:$0x7A4];
	s5 =	simm.s32 $0xA820  }
0x278: {  	[tilespmem:s5], [sflag:$0x1] =	stream.indirect.gather [hbm4b:s3+s6], $0x20, s26, s6, $0xb8;
	[tilespmem:$0x14820] =	vst v63  }
0x279: {  	s8 =	sld [smem:$0x7A5];
	s5 =	simm.s32 $0xB220  }
0x27a: {  	[tilespmem:s5], [sflag:$0x1] =	stream.indirect.gather [hbm4b:s3+s6], $0x20, s7, s6, $0xb8;
	[tilespmem:$0x14820] =	vst v63  }
0x27b: {  	s16 =	simm.s32 $0xBC20;
	s5 =	sld [smem:$0x7A6]  }
0x27c: {  	[tilespmem:s16], [sflag:$0x1] =	stream.indirect.gather [hbm4b:s3+s6], $0x20, s8, s6, $0xb8;
	[tilespmem:$0x14820] =	vst v63  }
0x27d: {  	s31 =	simm.s32 $0xC620;
	s8 =	sld [smem:$0x7A7]  }
0x27e: {  	[tilespmem:s31], [sflag:$0x1] =	stream.indirect.gather [hbm4b:s3+s6], $0x20, s5, s6, $0xb8;
	[tilespmem:$0x14820] =	vst v63  }
0x27f: {  	s12 =	simm.s32 $0xD020;
	s5 =	sld [smem:$0x7A8]  }
0x280: {  	[tilespmem:s12], [sflag:$0x1] =	stream.indirect.gather [hbm4b:s3+s6], $0x20, s8, s6, $0xb8;
	[tilespmem:$0x14820] =	vst v63  }
0x281: {  	s21 =	simm.s32 $0xDA20;
	s8 =	sld [smem:$0x7A9]  }
0x282: {  	[tilespmem:s21], [sflag:$0x1] =	stream.indirect.gather [hbm4b:s3+s6], $0x20, s5, s6, $0xb8;
	[tilespmem:$0x14820] =	vst v63  }
0x283: {  	s10 =	simm.s32 $0xE420;
	s5 =	sld [smem:$0x7AA]  }
0x284: {  	[tilespmem:s10], [sflag:$0x1] =	stream.indirect.gather [hbm4b:s3+s6], $0x20, s8, s6, $0xb8;
	[tilespmem:$0x14820] =	vst v63  }
0x285: {  	s14 =	simm.s32 $0xEE20;
	s8 =	sld [smem:$0x7AB]  }
0x286: {  	[tilespmem:s14], [sflag:$0x1] =	stream.indirect.gather [hbm4b:s3+s6], $0x20, s5, s6, $0xb8;
	[tilespmem:$0x14820] =	vst v63  }
0x287: {  	s28 =	simm.s32 $0xF820;
	s5 =	sld [smem:$0x7AC]  }
0x288: {  	[tilespmem:s28], [sflag:$0x1] =	stream.indirect.gather [hbm4b:s3+s6], $0x20, s8, s6, $0xb8;
	[tilespmem:$0x14820] =	vst v63  }
0x289: {  	s11 =	simm.s32 $0x10220;
	s28 =	sld [smem:$0x7AD]  }
0x28a: {  	[tilespmem:s11], [sflag:$0x1] =	stream.indirect.gather [hbm4b:s3+s6], $0x20, s5, s6, $0xb8;
	[tilespmem:$0x14820] =	vst v63  }
0x28b: {  	s30 =	simm.s32 $0x10C20;
	s5 =	sld [smem:$0x7AE]  }
0x28c: {  	[tilespmem:s30], [sflag:$0x1] =	stream.indirect.gather [hbm4b:s3+s6], $0x20, s28, s6, $0xb8;
	[tilespmem:$0x14820] =	vst v63  }
0x28d: {  	s22 =	simm.s32 $0x11620;
	s28 =	sld [smem:$0x7AF]  }
0x28e: {  	[tilespmem:s22], [sflag:$0x1] =	stream.indirect.gather [hbm4b:s3+s6], $0x20, s5, s6, $0xb8;
	[tilespmem:$0x14820] =	vst v63  }
0x28f: {  	s13 =	simm.s32 $0x12020;
	s7 =	sld [smem:$0x7B0]  }
0x290: {  	[tilespmem:s13], [sflag:$0x1] =	stream.indirect.gather [hbm4b:s3+s6], $0x20, s28, s6, $0xb8;
	[tilespmem:$0x14820] =	vst v63  }
0x291: {  	s20 =	simm.s32 $0x12A20;
	s5 =	sld [smem:$0x7B1]  }
0x292: {  	[tilespmem:s20], [sflag:$0x1] =	stream.indirect.gather [hbm4b:s3+s6], $0x20, s7, s6, $0xb8;
	[tilespmem:$0x14820] =	vst v63  }
0x293: {  	s18 =	simm.s32 $0x13420;
	s13 =	sld [smem:$0x7B2]  }
0x294: {  	[tilespmem:s18], [sflag:$0x1] =	stream.indirect.gather [hbm4b:s3+s6], $0x20, s5, s6, $0xb8;
	[tilespmem:$0x14820] =	vst v63  }
0x295: {  	s17 =	simm.s32 $0x13E20  }
0x296: {  	[tilespmem:s17], [sflag:$0x1] =	stream.indirect.gather [hbm4b:s3+s6], $0x20, s13, s6, $0xb8;
	[tilespmem:$0x14820] =	vst v63  }
0x297: {  	_ =	swait.ge [sflag:s15], $0xFA00  }
0x298: {  	[sflag:s15] =	ssyncset.done $0x0  }
0x299: {  	s19 =	simm.s32 $0x0;
	s17 =	rddreg [dreg:$0xa];
	[sflag:s15] =	ssyncadd.s32 $0xFFFF0600  }
0x29a: {  	[hbm4b:s17+s19] =	stream.linear.scatter [tilespmem:s2], [sflag:$0x2], $0xFA00, $0x38;
	[tilespmem:$0x14820] =	vst v63  }
0x29b: {  	_ =	swait.ge [sflag:s4], $0xFA00  }
0x29c: {  	s19 =	sld [smem:$0x7B3]  }
0x29d: {  	[sflag:s4] =	ssyncset.done $0x0  }
0x29e: {  	s5 =	sld [smem:$0x7B4];
	[sflag:s4] =	ssyncadd.s32 $0xFFFF0600  }
0x29f: {  	[tilespmem:s2], [sflag:$0x1] =	stream.indirect.gather [hbm4b:s3+s6], $0x20, s19, s6, $0xb8;
	[tilespmem:$0x14820] =	vst v63  }
0x2a0: {  	s19 =	sld [smem:$0x7B5]  }
0x2a1: {  	[tilespmem:s9], [sflag:$0x1] =	stream.indirect.gather [hbm4b:s3+s6], $0x20, s5, s6, $0xb8;
	[tilespmem:$0x14820] =	vst v63  }
0x2a2: {  	s5 =	sld [smem:$0x7B6]  }
0x2a3: {  	[tilespmem:s1], [sflag:$0x1] =	stream.indirect.gather [hbm4b:s3+s6], $0x20, s19, s6, $0xb8;
	[tilespmem:$0x14820] =	vst v63  }
0x2a4: {  	s7 =	sld [smem:$0x7B7];
	s19 =	simm.s32 $0x6C20  }
0x2a5: {  	[tilespmem:s19], [sflag:$0x1] =	stream.indirect.gather [hbm4b:s3+s6], $0x20, s5, s6, $0xb8;
	[tilespmem:$0x14820] =	vst v63  }
0x2a6: {  	s23 =	simm.s32 $0x7620;
	s19 =	sld [smem:$0x7B8]  }
0x2a7: {  	[tilespmem:s23], [sflag:$0x1] =	stream.indirect.gather [hbm4b:s3+s6], $0x20, s7, s6, $0xb8;
	[tilespmem:$0x14820] =	vst v63  }
0x2a8: {  	s25 =	simm.s32 $0x8020;
	s5 =	sld [smem:$0x7B9]  }
0x2a9: {  	[tilespmem:s25], [sflag:$0x1] =	stream.indirect.gather [hbm4b:s3+s6], $0x20, s19, s6, $0xb8;
	[tilespmem:$0x14820] =	vst v63  }
0x2aa: {  	s8 =	sld [smem:$0x7BA];
	s19 =	simm.s32 $0x8A20  }
0x2ab: {  	[tilespmem:s19], [sflag:$0x1] =	stream.indirect.gather [hbm4b:s3+s6], $0x20, s5, s6, $0xb8;
	[tilespmem:$0x14820] =	vst v63  }
0x2ac: {  	s29 =	simm.s32 $0x9420;
	s7 =	sld [smem:$0x7BB]  }
0x2ad: {  	[tilespmem:s29], [sflag:$0x1] =	stream.indirect.gather [hbm4b:s3+s6], $0x20, s8, s6, $0xb8;
	[tilespmem:$0x14820] =	vst v63  }
0x2ae: {  	s24 =	simm.s32 $0x9E20;
	s5 =	sld [smem:$0x7BC]  }
0x2af: {  	[tilespmem:s24], [sflag:$0x1] =	stream.indirect.gather [hbm4b:s3+s6], $0x20, s7, s6, $0xb8;
	[tilespmem:$0x14820] =	vst v63  }
0x2b0: {  	s26 =	simm.s32 $0xA820;
	s24 =	sld [smem:$0x7BD]  }
0x2b1: {  	[tilespmem:s26], [sflag:$0x1] =	stream.indirect.gather [hbm4b:s3+s6], $0x20, s5, s6, $0xb8;
	[tilespmem:$0x14820] =	vst v63  }
0x2b2: {  	s8 =	sld [smem:$0x7BE];
	s5 =	simm.s32 $0xB220  }
0x2b3: {  	[tilespmem:s5], [sflag:$0x1] =	stream.indirect.gather [hbm4b:s3+s6], $0x20, s24, s6, $0xb8;
	[tilespmem:$0x14820] =	vst v63  }
0x2b4: {  	s16 =	simm.s32 $0xBC20;
	s5 =	sld [smem:$0x7BF]  }
0x2b5: {  	[tilespmem:s16], [sflag:$0x1] =	stream.indirect.gather [hbm4b:s3+s6], $0x20, s8, s6, $0xb8;
	[tilespmem:$0x14820] =	vst v63  }
0x2b6: {  	s31 =	simm.s32 $0xC620;
	s8 =	sld [smem:$0x7C0]  }
0x2b7: {  	[tilespmem:s31], [sflag:$0x1] =	stream.indirect.gather [hbm4b:s3+s6], $0x20, s5, s6, $0xb8;
	[tilespmem:$0x14820] =	vst v63  }
0x2b8: {  	s12 =	simm.s32 $0xD020;
	s5 =	sld [smem:$0x7C1]  }
0x2b9: {  	[tilespmem:s12], [sflag:$0x1] =	stream.indirect.gather [hbm4b:s3+s6], $0x20, s8, s6, $0xb8;
	[tilespmem:$0x14820] =	vst v63  }
0x2ba: {  	s21 =	simm.s32 $0xDA20;
	s8 =	sld [smem:$0x7C2]  }
0x2bb: {  	[tilespmem:s21], [sflag:$0x1] =	stream.indirect.gather [hbm4b:s3+s6], $0x20, s5, s6, $0xb8;
	[tilespmem:$0x14820] =	vst v63  }
0x2bc: {  	s10 =	simm.s32 $0xE420;
	s5 =	sld [smem:$0x7C3]  }
0x2bd: {  	[tilespmem:s10], [sflag:$0x1] =	stream.indirect.gather [hbm4b:s3+s6], $0x20, s8, s6, $0xb8;
	[tilespmem:$0x14820] =	vst v63  }
0x2be: {  	s14 =	simm.s32 $0xEE20;
	s8 =	sld [smem:$0x7C4]  }
0x2bf: {  	[tilespmem:s14], [sflag:$0x1] =	stream.indirect.gather [hbm4b:s3+s6], $0x20, s5, s6, $0xb8;
	[tilespmem:$0x14820] =	vst v63  }
0x2c0: {  	s7 =	sld [smem:$0x7C5];
	s5 =	simm.s32 $0xF820  }
0x2c1: {  	[tilespmem:s5], [sflag:$0x1] =	stream.indirect.gather [hbm4b:s3+s6], $0x20, s8, s6, $0xb8;
	[tilespmem:$0x14820] =	vst v63  }
0x2c2: {  	s11 =	simm.s32 $0x10220;
	s8 =	sld [smem:$0x7C6]  }
0x2c3: {  	[tilespmem:s11], [sflag:$0x1] =	stream.indirect.gather [hbm4b:s3+s6], $0x20, s7, s6, $0xb8;
	[tilespmem:$0x14820] =	vst v63  }
0x2c4: {  	s30 =	simm.s32 $0x10C20;
	s5 =	sld [smem:$0x7C7]  }
0x2c5: {  	[tilespmem:s30], [sflag:$0x1] =	stream.indirect.gather [hbm4b:s3+s6], $0x20, s8, s6, $0xb8;
	[tilespmem:$0x14820] =	vst v63  }
0x2c6: {  	s22 =	simm.s32 $0x11620;
	s8 =	sld [smem:$0x7C8]  }
0x2c7: {  	[tilespmem:s22], [sflag:$0x1] =	stream.indirect.gather [hbm4b:s3+s6], $0x20, s5, s6, $0xb8;
	[tilespmem:$0x14820] =	vst v63  }
0x2c8: {  	s28 =	simm.s32 $0x12020;
	s5 =	sld [smem:$0x7C9]  }
0x2c9: {  	[tilespmem:s28], [sflag:$0x1] =	stream.indirect.gather [hbm4b:s3+s6], $0x20, s8, s6, $0xb8;
	[tilespmem:$0x14820] =	vst v63  }
0x2ca: {  	s20 =	simm.s32 $0x12A20;
	s8 =	sld [smem:$0x7CA]  }
0x2cb: {  	[tilespmem:s20], [sflag:$0x1] =	stream.indirect.gather [hbm4b:s3+s6], $0x20, s5, s6, $0xb8;
	[tilespmem:$0x14820] =	vst v63  }
0x2cc: {  	s18 =	simm.s32 $0x13420;
	s5 =	sld [smem:$0x7CB]  }
0x2cd: {  	[tilespmem:s18], [sflag:$0x1] =	stream.indirect.gather [hbm4b:s3+s6], $0x20, s8, s6, $0xb8;
	[tilespmem:$0x14820] =	vst v63  }
0x2ce: {  	s13 =	simm.s32 $0x13E20  }
0x2cf: {  	[tilespmem:s13], [sflag:$0x1] =	stream.indirect.gather [hbm4b:s3+s6], $0x20, s5, s6, $0xb8;
	[tilespmem:$0x14820] =	vst v63  }
0x2d0: {  	_ =	swait.ge [sflag:s15], $0xFA00  }
0x2d1: {  	[sflag:s15] =	ssyncset.done $0x0  }
0x2d2: {  	s17 =	simm.s32 $0x0;
	s5 =	rddreg [dreg:$0xb];
	[sflag:s15] =	ssyncadd.s32 $0xFFFF0600  }
0x2d3: {  	[hbm4b:s5+s17] =	stream.linear.scatter [tilespmem:s2], [sflag:$0x2], $0xFA00, $0x38;
	[tilespmem:$0x14820] =	vst v63  }
0x2d4: {  	_ =	swait.ge [sflag:s4], $0xFA00  }
0x2d5: {  	s8 =	sld [smem:$0x7CC]  }
0x2d6: {  	[sflag:s4] =	ssyncset.done $0x0  }
0x2d7: {  	s17 =	sld [smem:$0x7CD];
	[sflag:s4] =	ssyncadd.s32 $0xFFFF0600  }
0x2d8: {  	[tilespmem:s2], [sflag:$0x1] =	stream.indirect.gather [hbm4b:s3+s6], $0x20, s8, s6, $0xb8;
	[tilespmem:$0x14820] =	vst v63  }
0x2d9: {  	s5 =	sld [smem:$0x7CE]  }
0x2da: {  	[tilespmem:s9], [sflag:$0x1] =	stream.indirect.gather [hbm4b:s3+s6], $0x20, s17, s6, $0xb8;
	[tilespmem:$0x14820] =	vst v63  }
0x2db: {  	s17 =	sld [smem:$0x7CF]  }
0x2dc: {  	[tilespmem:s1], [sflag:$0x1] =	stream.indirect.gather [hbm4b:s3+s6], $0x20, s5, s6, $0xb8;
	[tilespmem:$0x14820] =	vst v63  }
0x2dd: {  	s7 =	sld [smem:$0x7D0];
	s5 =	simm.s32 $0x6C20  }
0x2de: {  	[tilespmem:s5], [sflag:$0x1] =	stream.indirect.gather [hbm4b:s3+s6], $0x20, s17, s6, $0xb8;
	[tilespmem:$0x14820] =	vst v63  }
0x2df: {  	s23 =	simm.s32 $0x7620;
	s17 =	sld [smem:$0x7D1]  }
0x2e0: {  	[tilespmem:s23], [sflag:$0x1] =	stream.indirect.gather [hbm4b:s3+s6], $0x20, s7, s6, $0xb8;
	[tilespmem:$0x14820] =	vst v63  }
0x2e1: {  	s25 =	simm.s32 $0x8020;
	s5 =	sld [smem:$0x7D2]  }
0x2e2: {  	[tilespmem:s25], [sflag:$0x1] =	stream.indirect.gather [hbm4b:s3+s6], $0x20, s17, s6, $0xb8;
	[tilespmem:$0x14820] =	vst v63  }
0x2e3: {  	s8 =	sld [smem:$0x7D3];
	s17 =	simm.s32 $0x8A20  }
0x2e4: {  	[tilespmem:s17], [sflag:$0x1] =	stream.indirect.gather [hbm4b:s3+s6], $0x20, s5, s6, $0xb8;
	[tilespmem:$0x14820] =	vst v63  }
0x2e5: {  	s19 =	simm.s32 $0x9420;
	s7 =	sld [smem:$0x7D4]  }
0x2e6: {  	[tilespmem:s19], [sflag:$0x1] =	stream.indirect.gather [hbm4b:s3+s6], $0x20, s8, s6, $0xb8;
	[tilespmem:$0x14820] =	vst v63  }
0x2e7: {  	s29 =	simm.s32 $0x9E20;
	s8 =	sld [smem:$0x7D5]  }
0x2e8: {  	[tilespmem:s29], [sflag:$0x1] =	stream.indirect.gather [hbm4b:s3+s6], $0x20, s7, s6, $0xb8;
	[tilespmem:$0x14820] =	vst v63  }
0x2e9: {  	s26 =	simm.s32 $0xA820;
	s19 =	sld [smem:$0x7D6]  }
0x2ea: {  	[tilespmem:s26], [sflag:$0x1] =	stream.indirect.gather [hbm4b:s3+s6], $0x20, s8, s6, $0xb8;
	[tilespmem:$0x14820] =	vst v63  }
0x2eb: {  	s24 =	simm.s32 $0xB220;
	s8 =	sld [smem:$0x7D7]  }
0x2ec: {  	[tilespmem:s24], [sflag:$0x1] =	stream.indirect.gather [hbm4b:s3+s6], $0x20, s19, s6, $0xb8;
	[tilespmem:$0x14820] =	vst v63  }
0x2ed: {  	s16 =	simm.s32 $0xBC20;
	s24 =	sld [smem:$0x7D8]  }
0x2ee: {  	[tilespmem:s16], [sflag:$0x1] =	stream.indirect.gather [hbm4b:s3+s6], $0x20, s8, s6, $0xb8;
	[tilespmem:$0x14820] =	vst v63  }
0x2ef: {  	s31 =	simm.s32 $0xC620;
	s8 =	sld [smem:$0x7D9]  }
0x2f0: {  	[tilespmem:s31], [sflag:$0x1] =	stream.indirect.gather [hbm4b:s3+s6], $0x20, s24, s6, $0xb8;
	[tilespmem:$0x14820] =	vst v63  }
0x2f1: {  	s12 =	simm.s32 $0xD020;
	s31 =	sld [smem:$0x7DA]  }
0x2f2: {  	[tilespmem:s12], [sflag:$0x1] =	stream.indirect.gather [hbm4b:s3+s6], $0x20, s8, s6, $0xb8;
	[tilespmem:$0x14820] =	vst v63  }
0x2f3: {  	s21 =	simm.s32 $0xDA20;
	s8 =	sld [smem:$0x7DB]  }
0x2f4: {  	[tilespmem:s21], [sflag:$0x1] =	stream.indirect.gather [hbm4b:s3+s6], $0x20, s31, s6, $0xb8;
	[tilespmem:$0x14820] =	vst v63  }
0x2f5: {  	s10 =	simm.s32 $0xE420;
	s31 =	sld [smem:$0x7DC]  }
0x2f6: {  	[tilespmem:s10], [sflag:$0x1] =	stream.indirect.gather [hbm4b:s3+s6], $0x20, s8, s6, $0xb8;
	[tilespmem:$0x14820] =	vst v63  }
0x2f7: {  	s14 =	simm.s32 $0xEE20;
	s8 =	sld [smem:$0x7DD]  }
0x2f8: {  	[tilespmem:s14], [sflag:$0x1] =	stream.indirect.gather [hbm4b:s3+s6], $0x20, s31, s6, $0xb8;
	[tilespmem:$0x14820] =	vst v63  }
0x2f9: {  	s7 =	sld [smem:$0x7DE];
	s10 =	simm.s32 $0xF820  }
0x2fa: {  	[tilespmem:s10], [sflag:$0x1] =	stream.indirect.gather [hbm4b:s3+s6], $0x20, s8, s6, $0xb8;
	[tilespmem:$0x14820] =	vst v63  }
0x2fb: {  	s11 =	simm.s32 $0x10220;
	s8 =	sld [smem:$0x7DF]  }
0x2fc: {  	[tilespmem:s11], [sflag:$0x1] =	stream.indirect.gather [hbm4b:s3+s6], $0x20, s7, s6, $0xb8;
	[tilespmem:$0x14820] =	vst v63  }
0x2fd: {  	s30 =	simm.s32 $0x10C20;
	s10 =	sld [smem:$0x7E0]  }
0x2fe: {  	[tilespmem:s30], [sflag:$0x1] =	stream.indirect.gather [hbm4b:s3+s6], $0x20, s8, s6, $0xb8;
	[tilespmem:$0x14820] =	vst v63  }
0x2ff: {  	s22 =	simm.s32 $0x11620;
	s8 =	sld [smem:$0x7E1]  }
0x300: {  	[tilespmem:s22], [sflag:$0x1] =	stream.indirect.gather [hbm4b:s3+s6], $0x20, s10, s6, $0xb8;
	[tilespmem:$0x14820] =	vst v63  }
0x301: {  	s28 =	simm.s32 $0x12020;
	s10 =	sld [smem:$0x7E2]  }
0x302: {  	[tilespmem:s28], [sflag:$0x1] =	stream.indirect.gather [hbm4b:s3+s6], $0x20, s8, s6, $0xb8;
	[tilespmem:$0x14820] =	vst v63  }
0x303: {  	s20 =	simm.s32 $0x12A20;
	s8 =	sld [smem:$0x7E3]  }
0x304: {  	[tilespmem:s20], [sflag:$0x1] =	stream.indirect.gather [hbm4b:s3+s6], $0x20, s10, s6, $0xb8;
	[tilespmem:$0x14820] =	vst v63  }
0x305: {  	s18 =	simm.s32 $0x13420;
	s10 =	sld [smem:$0x7E4]  }
0x306: {  	[tilespmem:s18], [sflag:$0x1] =	stream.indirect.gather [hbm4b:s3+s6], $0x20, s8, s6, $0xb8;
	[tilespmem:$0x14820] =	vst v63  }
0x307: {  	s13 =	simm.s32 $0x13E20  }
0x308: {  	[tilespmem:s13], [sflag:$0x1] =	stream.indirect.gather [hbm4b:s3+s6], $0x20, s10, s6, $0xb8;
	[tilespmem:$0x14820] =	vst v63  }
0x309: {  	_ =	swait.ge [sflag:s15], $0xFA00  }
0x30a: {  	[sflag:s15] =	ssyncset.done $0x0  }
0x30b: {  	s10 =	simm.s32 $0x0;
	s8 =	rddreg [dreg:$0xc];
	[sflag:s15] =	ssyncadd.s32 $0xFFFF0600  }
0x30c: {  	[hbm4b:s8+s10] =	stream.linear.scatter [tilespmem:s2], [sflag:$0x2], $0xFA00, $0x38;
	[tilespmem:$0x14820] =	vst v63  }
0x30d: {  	_ =	swait.ge [sflag:s4], $0xFA00  }
0x30e: {  	s7 =	sld [smem:$0x7E5]  }
0x30f: {  	[sflag:s4] =	ssyncset.done $0x0  }
0x310: {  	s8 =	sld [smem:$0x7E6];
	[sflag:s4] =	ssyncadd.s32 $0xFFFF0600  }
0x311: {  	[tilespmem:s2], [sflag:$0x1] =	stream.indirect.gather [hbm4b:s3+s6], $0x20, s7, s6, $0xb8;
	[tilespmem:$0x14820] =	vst v63  }
0x312: {  	s2 =	sld [smem:$0x7E7]  }
0x313: {  	[tilespmem:s9], [sflag:$0x1] =	stream.indirect.gather [hbm4b:s3+s6], $0x20, s8, s6, $0xb8;
	[tilespmem:$0x14820] =	vst v63  }
0x314: {  	s8 =	sld [smem:$0x7E8]  }
0x315: {  	[tilespmem:s1], [sflag:$0x1] =	stream.indirect.gather [hbm4b:s3+s6], $0x20, s2, s6, $0xb8;
	[tilespmem:$0x14820] =	vst v63  }
0x316: {  	s7 =	sld [smem:$0x7E9];
	s2 =	simm.s32 $0x6C20  }
0x317: {  	[tilespmem:s2], [sflag:$0x1] =	stream.indirect.gather [hbm4b:s3+s6], $0x20, s8, s6, $0xb8;
	[tilespmem:$0x14820] =	vst v63  }
0x318: {  	s23 =	simm.s32 $0x7620;
	s2 =	sld [smem:$0x7EA]  }
0x319: {  	[tilespmem:s23], [sflag:$0x1] =	stream.indirect.gather [hbm4b:s3+s6], $0x20, s7, s6, $0xb8;
	[tilespmem:$0x14820] =	vst v63  }
0x31a: {  	s25 =	simm.s32 $0x8020;
	s23 =	sld [smem:$0x7EB]  }
0x31b: {  	[tilespmem:s25], [sflag:$0x1] =	stream.indirect.gather [hbm4b:s3+s6], $0x20, s2, s6, $0xb8;
	[tilespmem:$0x14820] =	vst v63  }
0x31c: {  	s5 =	simm.s32 $0x8A20;
	s2 =	sld [smem:$0x7EC]  }
0x31d: {  	[tilespmem:s5], [sflag:$0x1] =	stream.indirect.gather [hbm4b:s3+s6], $0x20, s23, s6, $0xb8;
	[tilespmem:$0x14820] =	vst v63  }
0x31e: {  	s17 =	simm.s32 $0x9420;
	s5 =	sld [smem:$0x7ED]  }
0x31f: {  	[tilespmem:s17], [sflag:$0x1] =	stream.indirect.gather [hbm4b:s3+s6], $0x20, s2, s6, $0xb8;
	[tilespmem:$0x14820] =	vst v63  }
0x320: {  	s29 =	simm.s32 $0x9E20;
	s23 =	sld [smem:$0x7EE]  }
0x321: {  	[tilespmem:s29], [sflag:$0x1] =	stream.indirect.gather [hbm4b:s3+s6], $0x20, s5, s6, $0xb8;
	[tilespmem:$0x14820] =	vst v63  }
0x322: {  	s26 =	simm.s32 $0xA820;
	s25 =	sld [smem:$0x7EF]  }
0x323: {  	[tilespmem:s26], [sflag:$0x1] =	stream.indirect.gather [hbm4b:s3+s6], $0x20, s23, s6, $0xb8;
	[tilespmem:$0x14820] =	vst v63  }
0x324: {  	s19 =	simm.s32 $0xB220;
	s26 =	sld [smem:$0x7F0]  }
0x325: {  	[tilespmem:s19], [sflag:$0x1] =	stream.indirect.gather [hbm4b:s3+s6], $0x20, s25, s6, $0xb8;
	[tilespmem:$0x14820] =	vst v63  }
0x326: {  	s16 =	simm.s32 $0xBC20;
	s29 =	sld [smem:$0x7F1]  }
0x327: {  	[tilespmem:s16], [sflag:$0x1] =	stream.indirect.gather [hbm4b:s3+s6], $0x20, s26, s6, $0xb8;
	[tilespmem:$0x14820] =	vst v63  }
0x328: {  	s24 =	simm.s32 $0xC620;
	s2 =	sld [smem:$0x7F2]  }
0x329: {  	[tilespmem:s24], [sflag:$0x1] =	stream.indirect.gather [hbm4b:s3+s6], $0x20, s29, s6, $0xb8;
	[tilespmem:$0x14820] =	vst v63  }
0x32a: {  	s12 =	simm.s32 $0xD020;
	s5 =	sld [smem:$0x7F3]  }
0x32b: {  	[tilespmem:s12], [sflag:$0x1] =	stream.indirect.gather [hbm4b:s3+s6], $0x20, s2, s6, $0xb8;
	[tilespmem:$0x14820] =	vst v63  }
0x32c: {  	s21 =	simm.s32 $0xDA20;
	s12 =	sld [smem:$0x7F4]  }
0x32d: {  	[tilespmem:s21], [sflag:$0x1] =	stream.indirect.gather [hbm4b:s3+s6], $0x20, s5, s6, $0xb8;
	[tilespmem:$0x14820] =	vst v63  }
0x32e: {  	s17 =	simm.s32 $0xE420;
	s16 =	sld [smem:$0x7F5]  }
0x32f: {  	[tilespmem:s17], [sflag:$0x1] =	stream.indirect.gather [hbm4b:s3+s6], $0x20, s12, s6, $0xb8;
	[tilespmem:$0x14820] =	vst v63  }
0x330: {  	s14 =	simm.s32 $0xEE20;
	s19 =	sld [smem:$0x7F6]  }
0x331: {  	[tilespmem:s14], [sflag:$0x1] =	stream.indirect.gather [hbm4b:s3+s6], $0x20, s16, s6, $0xb8;
	[tilespmem:$0x14820] =	vst v63  }
0x332: {  	s31 =	simm.s32 $0xF820;
	s21 =	sld [smem:$0x7F7]  }
0x333: {  	[tilespmem:s31], [sflag:$0x1] =	stream.indirect.gather [hbm4b:s3+s6], $0x20, s19, s6, $0xb8;
	[tilespmem:$0x14820] =	vst v63  }
0x334: {  	s11 =	simm.s32 $0x10220;
	s23 =	sld [smem:$0x7F8]  }
0x335: {  	[tilespmem:s11], [sflag:$0x1] =	stream.indirect.gather [hbm4b:s3+s6], $0x20, s21, s6, $0xb8;
	[tilespmem:$0x14820] =	vst v63  }
0x336: {  	s30 =	simm.s32 $0x10C20;
	s24 =	sld [smem:$0x7F9]  }
0x337: {  	[tilespmem:s30], [sflag:$0x1] =	stream.indirect.gather [hbm4b:s3+s6], $0x20, s23, s6, $0xb8;
	[tilespmem:$0x14820] =	vst v63  }
0x338: {  	s22 =	simm.s32 $0x11620;
	s25 =	sld [smem:$0x7FA]  }
0x339: {  	[tilespmem:s22], [sflag:$0x1] =	stream.indirect.gather [hbm4b:s3+s6], $0x20, s24, s6, $0xb8;
	[tilespmem:$0x14820] =	vst v63  }
0x33a: {  	s28 =	simm.s32 $0x12020;
	s26 =	sld [smem:$0x7FB]  }
0x33b: {  	[tilespmem:s28], [sflag:$0x1] =	stream.indirect.gather [hbm4b:s3+s6], $0x20, s25, s6, $0xb8;
	[tilespmem:$0x14820] =	vst v63  }
0x33c: {  	s20 =	simm.s32 $0x12A20;
	s28 =	sld [smem:$0x7FC]  }
0x33d: {  	[tilespmem:s20], [sflag:$0x1] =	stream.indirect.gather [hbm4b:s3+s6], $0x20, s26, s6, $0xb8;
	[tilespmem:$0x14820] =	vst v63  }
0x33e: {  	s18 =	simm.s32 $0x13420;
	s29 =	sld [smem:$0x7FD]  }
0x33f: {  	[tilespmem:s18], [sflag:$0x1] =	stream.indirect.gather [hbm4b:s3+s6], $0x20, s28, s6, $0xb8;
	[tilespmem:$0x14820] =	vst v63  }
0x340: {  	s13 =	simm.s32 $0x13E20  }
0x341: {  	[tilespmem:s13], [sflag:$0x1] =	stream.indirect.gather [hbm4b:s3+s6], $0x20, s29, s6, $0xb8;
	[tilespmem:$0x14820] =	vst v63  }
0x342: {  	_ =	swait.ge [sflag:s15], $0xFA00  }
0x343: {  	s31 =	sld [smem:$0x718];
	_ =	sdelay $0x2  }
0x344: {  	p1 =	sne.s32 s31, $0x1  }
.Ltmp1:
0x345: {  	[sflag:s15] =	ssyncset.done $0x0;
	(pc) =	sbr.rel @!p1 .LBB2_3-.Ltmp1, $4  }
0x346: {  	s5 =	simm.s32 $0x4E20;
	s30 =	rddreg [dreg:$0xd];
	[sflag:s15] =	ssyncadd.s32 $0xFFFF0600  }
0x347: {  	[hbm4b:s30+s10] =	stream.linear.scatter [tilespmem:s5], [sflag:$0x2], $0xFA00, $0x38;
	[tilespmem:$0x14820] =	vst v63  }
0x348: {  	p0 =	por $0x1, $0x1;
	_ =	swait.ge [sflag:s4], $0xFA00  }
0x349: {  	s2 =	sadd.s32 $0xFFFFFFFF, s31;
	s8 =	rddreg [dreg:$0x2];
	[sflag:s4] =	ssyncset.done $0x0  }
.LBB2_2:
0x34a: {  	s13 =	sadd.s32 $0xFFFFFFFF, s2  }
0x34b: {  	[sflag:s4] =	ssyncadd.s32 $0xFFFF0600;
	s1 =	simm.s32 $0x0;
	[smem:$0x717] =	sst s13  }
0x34c: {  	[tilespmem:s1], [sflag:$0x2] =	stream.linear.gather [hbm4b:s8+s1], $0x2710, $0x38;
	[tilespmem:$0x14820] =	vst v63  }
0x34d: {  	_ =	swait.ge [sflag:s4], $0x2710  }
0x34e: {  	[sflag:s4] =	ssyncset.done $0x0  }
0x34f: {  	s16 =	simm.s32 $0x2710;
	s14 =	rddreg [dreg:$0x3];
	[sflag:s4] =	ssyncadd.s32 $0xFFFFD8F0  }
0x350: {  	[tilespmem:s16], [sflag:$0x2] =	stream.linear.gather [hbm4b:s14+s1], $0x2710, $0x38;
	[tilespmem:$0x14820] =	vst v63  }
0x351: {  	_ =	swait.ge [sflag:s4], $0x2710  }
0x352: {  	[sflag:s4] =	ssyncset.done $0x0  }
0x353: {  	[sflag:s4] =	ssyncadd.s32 $0xFFFFD8F0  }
0x354: {  	[tilespmem:s5], [sflag:$0x1] =	stream.indirect.gather [hbm4b:s0+s6], $0x20, s1, s6, $0xb8;
	[tilespmem:$0x14820] =	vst v63  }
0x355: {  	s17 =	rddreg [dreg:$0xe]  }
0x356: {  	[tilespmem:s9], [sflag:$0x1] =	stream.indirect.gather [hbm4b:s0+s6], $0x20, s6, s6, $0xb8;
	[tilespmem:$0x14820] =	vst v63  }
0x357: {  	s22 =	simm.s32 $0x6220;
	s21 =	rddreg [dreg:$0xf]  }
0x358: {  	[tilespmem:s22], [sflag:$0x1] =	stream.indirect.gather [hbm4b:s0+s6], $0x20, s17, s6, $0xb8;
	[tilespmem:$0x14820] =	vst v63  }
0x359: {  	s24 =	simm.s32 $0x6C20;
	s23 =	rddreg [dreg:$0x10]  }
0x35a: {  	[tilespmem:s24], [sflag:$0x1] =	stream.indirect.gather [hbm4b:s0+s6], $0x20, s21, s6, $0xb8;
	[tilespmem:$0x14820] =	vst v63  }
0x35b: {  	s26 =	simm.s32 $0x7620;
	s25 =	rddreg [dreg:$0x11]  }
0x35c: {  	[tilespmem:s26], [sflag:$0x1] =	stream.indirect.gather [hbm4b:s0+s6], $0x20, s23, s6, $0xb8;
	[tilespmem:$0x14820] =	vst v63  }
0x35d: {  	s29 =	simm.s32 $0x8020;
	s28 =	rddreg [dreg:$0x12]  }
0x35e: {  	[tilespmem:s29], [sflag:$0x1] =	stream.indirect.gather [hbm4b:s0+s6], $0x20, s25, s6, $0xb8;
	[tilespmem:$0x14820] =	vst v63  }
0x35f: {  	s31 =	simm.s32 $0x8A20;
	s30 =	rddreg [dreg:$0x13]  }
0x360: {  	[tilespmem:s31], [sflag:$0x1] =	stream.indirect.gather [hbm4b:s0+s6], $0x20, s28, s6, $0xb8;
	[tilespmem:$0x14820] =	vst v63  }
0x361: {  	p1 =	sne.s32 s2, $0x1;
	s16 =	simm.s32 $0x9420;
	s2 =	rddreg [dreg:$0x14]  }
0x362: {  	[tilespmem:s16], [sflag:$0x1] =	stream.indirect.gather [hbm4b:s0+s6], $0x20, s30, s6, $0xb8;
	[tilespmem:$0x14820] =	vst v63  }
0x363: {  	s18 =	simm.s32 $0x9E20;
	s10 =	rddreg [dreg:$0x16]  }
0x364: {  	[tilespmem:s18], [sflag:$0x1] =	stream.indirect.gather [hbm4b:s0+s6], $0x20, s2, s6, $0xb8;
	[tilespmem:$0x14820] =	vst v63  }
0x365: {  	s19 =	simm.s32 $0xA820;
	s5 =	rddreg [dreg:$0x15]  }
0x366: {  	[tilespmem:s19], [sflag:$0x1] =	stream.indirect.gather [hbm4b:s0+s6], $0x20, s5, s6, $0xb8;
	[tilespmem:$0x14820] =	vst v63  }
0x367: {  	s20 =	simm.s32 $0xB220;
	s11 =	rddreg [dreg:$0x17]  }
0x368: {  	[tilespmem:s20], [sflag:$0x1] =	stream.indirect.gather [hbm4b:s0+s6], $0x20, s10, s6, $0xb8;
	[tilespmem:$0x14820] =	vst v63  }
0x369: {  	s12 =	simm.s32 $0xBC20;
	s13 =	rddreg [dreg:$0x18]  }
0x36a: {  	[tilespmem:s12], [sflag:$0x1] =	stream.indirect.gather [hbm4b:s0+s6], $0x20, s11, s6, $0xb8;
	[tilespmem:$0x14820] =	vst v63  }
0x36b: {  	s14 =	rddreg [dreg:$0x19];
	s17 =	simm.s32 $0xC620  }
0x36c: {  	[tilespmem:s17], [sflag:$0x1] =	stream.indirect.gather [hbm4b:s0+s6], $0x20, s13, s6, $0xb8;
	[tilespmem:$0x14820] =	vst v63  }
0x36d: {  	s22 =	rddreg [dreg:$0x1b];
	s21 =	simm.s32 $0xD020  }
0x36e: {  	[tilespmem:s21], [sflag:$0x1] =	stream.indirect.gather [hbm4b:s0+s6], $0x20, s14, s6, $0xb8;
	[tilespmem:$0x14820] =	vst v63  }
0x36f: {  	s23 =	simm.s32 $0xDA20;
	s20 =	rddreg [dreg:$0x1a]  }
0x370: {  	[tilespmem:s23], [sflag:$0x1] =	stream.indirect.gather [hbm4b:s0+s6], $0x20, s20, s6, $0xb8;
	[tilespmem:$0x14820] =	vst v63  }
0x371: {  	s24 =	rddreg [dreg:$0x1c];
	s25 =	simm.s32 $0xE420  }
0x372: {  	[tilespmem:s25], [sflag:$0x1] =	stream.indirect.gather [hbm4b:s0+s6], $0x20, s22, s6, $0xb8;
	[tilespmem:$0x14820] =	vst v63  }
0x373: {  	s26 =	rddreg [dreg:$0x1d];
	s28 =	simm.s32 $0xEE20  }
0x374: {  	[tilespmem:s28], [sflag:$0x1] =	stream.indirect.gather [hbm4b:s0+s6], $0x20, s24, s6, $0xb8;
	[tilespmem:$0x14820] =	vst v63  }
0x375: {  	s29 =	rddreg [dreg:$0x1e];
	s30 =	simm.s32 $0xF820  }
0x376: {  	[tilespmem:s30], [sflag:$0x1] =	stream.indirect.gather [hbm4b:s0+s6], $0x20, s26, s6, $0xb8;
	[tilespmem:$0x14820] =	vst v63  }
0x377: {  	s31 =	rddreg [dreg:$0x1f];
	s10 =	simm.s32 $0x10220  }
0x378: {  	[tilespmem:s10], [sflag:$0x1] =	stream.indirect.gather [hbm4b:s0+s6], $0x20, s29, s6, $0xb8;
	[tilespmem:$0x14820] =	vst v63  }
0x379: {  	s11 =	sld [smem:$0x719];
	s13 =	simm.s32 $0x10C20  }
0x37a: {  	[tilespmem:s13], [sflag:$0x1] =	stream.indirect.gather [hbm4b:s0+s6], $0x20, s31, s6, $0xb8;
	[tilespmem:$0x14820] =	vst v63  }
0x37b: {  	s17 =	simm.s32 $0x11620;
	s14 =	sld [smem:$0x71A]  }
0x37c: {  	[tilespmem:s17], [sflag:$0x1] =	stream.indirect.gather [hbm4b:s0+s6], $0x20, s11, s6, $0xb8;
	[tilespmem:$0x14820] =	vst v63  }
0x37d: {  	s20 =	sld [smem:$0x71B];
	s25 =	simm.s32 $0x12020  }
0x37e: {  	[tilespmem:s25], [sflag:$0x1] =	stream.indirect.gather [hbm4b:s0+s6], $0x20, s14, s6, $0xb8;
	[tilespmem:$0x14820] =	vst v63  }
0x37f: {  	s26 =	sld [smem:$0x71C];
	s29 =	simm.s32 $0x12A20  }
0x380: {  	[tilespmem:s29], [sflag:$0x1] =	stream.indirect.gather [hbm4b:s0+s6], $0x20, s20, s6, $0xb8;
	[tilespmem:$0x14820] =	vst v63  }
0x381: {  	s30 =	sld [smem:$0x71D];
	s31 =	simm.s32 $0x13420  }
0x382: {  	[tilespmem:s31], [sflag:$0x1] =	stream.indirect.gather [hbm4b:s0+s6], $0x20, s26, s6, $0xb8;
	[tilespmem:$0x14820] =	vst v63  }
0x383: {  	s9 =	simm.s32 $0x13E20  }
0x384: {  	[tilespmem:s9], [sflag:$0x1] =	stream.indirect.gather [hbm4b:s0+s6], $0x20, s30, s6, $0xb8;
	[tilespmem:$0x14820] =	vst v63  }
0x385: {  	_ =	swait.ge [sflag:s15], $0xFA00  }
0x386: {  	s7 =	simm.s32 $0x0;
	[sflag:s15] =	ssyncset.done $0x0  }
0x387: {  	s1 =	simm.s32 $0x4E20;
	s11 =	rddreg [dreg:$0x4];
	[sflag:s15] =	ssyncadd.s32 $0xFFFF0600  }
0x388: {  	[hbm4b:s11+s7] =	stream.linear.scatter [tilespmem:s1], [sflag:$0x2], $0xFA00, $0x38;
	[tilespmem:$0x14820] =	vst v63  }
0x389: {  	_ =	swait.ge [sflag:s4], $0xFA00  }
0x38a: {  	s13 =	sld [smem:$0x71E]  }
0x38b: {  	[sflag:s4] =	ssyncset.done $0x0  }
0x38c: {  	s14 =	sld [smem:$0x71F];
	[sflag:s4] =	ssyncadd.s32 $0xFFFF0600  }
0x38d: {  	[tilespmem:s1], [sflag:$0x1] =	stream.indirect.gather [hbm4b:s0+s6], $0x20, s13, s6, $0xb8;
	[tilespmem:$0x14820] =	vst v63  }
0x38e: {  	s17 =	simm.s32 $0x5820  }
0x38f: {  	[tilespmem:s17], [sflag:$0x1] =	stream.indirect.gather [hbm4b:s0+s6], $0x20, s14, s6, $0xb8;
	[tilespmem:$0x14820] =	vst v63  }
0x390: {  	s8 =	sld [smem:$0x720];
	_ =	sdelay $0x1  }
0x391: {  	s11 =	simm.s32 $0x6220;
	s20 =	sld [smem:$0x721]  }
0x392: {  	[tilespmem:s11], [sflag:$0x1] =	stream.indirect.gather [hbm4b:s0+s6], $0x20, s8, s6, $0xb8;
	[tilespmem:$0x14820] =	vst v63  }
0x393: {  	s30 =	simm.s32 $0x6C20;
	s25 =	sld [smem:$0x722]  }
0x394: {  	[tilespmem:s30], [sflag:$0x1] =	stream.indirect.gather [hbm4b:s0+s6], $0x20, s20, s6, $0xb8;
	[tilespmem:$0x14820] =	vst v63  }
0x395: {  	s7 =	simm.s32 $0x7620;
	s31 =	sld [smem:$0x723]  }
0x396: {  	[tilespmem:s7], [sflag:$0x1] =	stream.indirect.gather [hbm4b:s0+s6], $0x20, s25, s6, $0xb8;
	[tilespmem:$0x14820] =	vst v63  }
0x397: {  	s13 =	simm.s32 $0x8020;
	s11 =	sld [smem:$0x724]  }
0x398: {  	[tilespmem:s13], [sflag:$0x1] =	stream.indirect.gather [hbm4b:s0+s6], $0x20, s31, s6, $0xb8;
	[tilespmem:$0x14820] =	vst v63  }
0x399: {  	s17 =	simm.s32 $0x8A20;
	s14 =	sld [smem:$0x725]  }
0x39a: {  	[tilespmem:s17], [sflag:$0x1] =	stream.indirect.gather [hbm4b:s0+s6], $0x20, s11, s6, $0xb8;
	[tilespmem:$0x14820] =	vst v63  }
0x39b: {  	s20 =	sld [smem:$0x726]  }
0x39c: {  	[tilespmem:s16], [sflag:$0x1] =	stream.indirect.gather [hbm4b:s0+s6], $0x20, s14, s6, $0xb8;
	[tilespmem:$0x14820] =	vst v63  }
0x39d: {  	s25 =	sld [smem:$0x727]  }
0x39e: {  	[tilespmem:s18], [sflag:$0x1] =	stream.indirect.gather [hbm4b:s0+s6], $0x20, s20, s6, $0xb8;
	[tilespmem:$0x14820] =	vst v63  }
0x39f: {  	s30 =	sld [smem:$0x728]  }
0x3a0: {  	[tilespmem:s19], [sflag:$0x1] =	stream.indirect.gather [hbm4b:s0+s6], $0x20, s25, s6, $0xb8;
	[tilespmem:$0x14820] =	vst v63  }
0x3a1: {  	s7 =	sld [smem:$0x729];
	s31 =	simm.s32 $0xB220  }
0x3a2: {  	[tilespmem:s31], [sflag:$0x1] =	stream.indirect.gather [hbm4b:s0+s6], $0x20, s30, s6, $0xb8;
	[tilespmem:$0x14820] =	vst v63  }
0x3a3: {  	s12 =	simm.s32 $0xBC20;
	s11 =	sld [smem:$0x72A]  }
0x3a4: {  	[tilespmem:s12], [sflag:$0x1] =	stream.indirect.gather [hbm4b:s0+s6], $0x20, s7, s6, $0xb8;
	[tilespmem:$0x14820] =	vst v63  }
0x3a5: {  	s13 =	sld [smem:$0x72B];
	s25 =	simm.s32 $0xC620  }
0x3a6: {  	[tilespmem:s25], [sflag:$0x1] =	stream.indirect.gather [hbm4b:s0+s6], $0x20, s11, s6, $0xb8;
	[tilespmem:$0x14820] =	vst v63  }
0x3a7: {  	s21 =	simm.s32 $0xD020;
	s14 =	sld [smem:$0x72C]  }
0x3a8: {  	[tilespmem:s21], [sflag:$0x1] =	stream.indirect.gather [hbm4b:s0+s6], $0x20, s13, s6, $0xb8;
	[tilespmem:$0x14820] =	vst v63  }
0x3a9: {  	s17 =	sld [smem:$0x72D];
	s31 =	simm.s32 $0xDA20  }
0x3aa: {  	[tilespmem:s31], [sflag:$0x1] =	stream.indirect.gather [hbm4b:s0+s6], $0x20, s14, s6, $0xb8;
	[tilespmem:$0x14820] =	vst v63  }
0x3ab: {  	s23 =	simm.s32 $0xE420;
	s19 =	sld [smem:$0x72E]  }
0x3ac: {  	[tilespmem:s23], [sflag:$0x1] =	stream.indirect.gather [hbm4b:s0+s6], $0x20, s17, s6, $0xb8;
	[tilespmem:$0x14820] =	vst v63  }
0x3ad: {  	s24 =	simm.s32 $0xEE20;
	s30 =	sld [smem:$0x72F]  }
0x3ae: {  	[tilespmem:s24], [sflag:$0x1] =	stream.indirect.gather [hbm4b:s0+s6], $0x20, s19, s6, $0xb8;
	[tilespmem:$0x14820] =	vst v63  }
0x3af: {  	s5 =	simm.s32 $0xF820;
	s12 =	sld [smem:$0x730]  }
0x3b0: {  	[tilespmem:s5], [sflag:$0x1] =	stream.indirect.gather [hbm4b:s0+s6], $0x20, s30, s6, $0xb8;
	[tilespmem:$0x14820] =	vst v63  }
0x3b1: {  	s10 =	simm.s32 $0x10220;
	s13 =	sld [smem:$0x731]  }
0x3b2: {  	[tilespmem:s10], [sflag:$0x1] =	stream.indirect.gather [hbm4b:s0+s6], $0x20, s12, s6, $0xb8;
	[tilespmem:$0x14820] =	vst v63  }
0x3b3: {  	s22 =	simm.s32 $0x10C20;
	s14 =	sld [smem:$0x732]  }
0x3b4: {  	[tilespmem:s22], [sflag:$0x1] =	stream.indirect.gather [hbm4b:s0+s6], $0x20, s13, s6, $0xb8;
	[tilespmem:$0x14820] =	vst v63  }
0x3b5: {  	s28 =	simm.s32 $0x11620;
	s23 =	sld [smem:$0x733]  }
0x3b6: {  	[tilespmem:s28], [sflag:$0x1] =	stream.indirect.gather [hbm4b:s0+s6], $0x20, s14, s6, $0xb8;
	[tilespmem:$0x14820] =	vst v63  }
0x3b7: {  	s28 =	sld [smem:$0x734];
	s14 =	simm.s32 $0x12020  }
0x3b8: {  	[tilespmem:s14], [sflag:$0x1] =	stream.indirect.gather [hbm4b:s0+s6], $0x20, s23, s6, $0xb8;
	[tilespmem:$0x14820] =	vst v63  }
0x3b9: {  	s29 =	simm.s32 $0x12A20;
	s30 =	sld [smem:$0x735]  }
0x3ba: {  	[tilespmem:s29], [sflag:$0x1] =	stream.indirect.gather [hbm4b:s0+s6], $0x20, s28, s6, $0xb8;
	[tilespmem:$0x14820] =	vst v63  }
0x3bb: {  	s26 =	simm.s32 $0x13420;
	s5 =	sld [smem:$0x736]  }
0x3bc: {  	[tilespmem:s26], [sflag:$0x1] =	stream.indirect.gather [hbm4b:s0+s6], $0x20, s30, s6, $0xb8;
	[tilespmem:$0x14820] =	vst v63  }
0x3bd: {  	s2 =	simm.s32 $0x13E20  }
0x3be: {  	[tilespmem:s2], [sflag:$0x1] =	stream.indirect.gather [hbm4b:s0+s6], $0x20, s5, s6, $0xb8;
	[tilespmem:$0x14820] =	vst v63  }
0x3bf: {  	_ =	swait.ge [sflag:s15], $0xFA00  }
0x3c0: {  	[sflag:s15] =	ssyncset.done $0x0  }
0x3c1: {  	s30 =	simm.s32 $0x0;
	s9 =	rddreg [dreg:$0x5];
	[sflag:s15] =	ssyncadd.s32 $0xFFFF0600  }
0x3c2: {  	[hbm4b:s9+s30] =	stream.linear.scatter [tilespmem:s1], [sflag:$0x2], $0xFA00, $0x38;
	[tilespmem:$0x14820] =	vst v63  }
0x3c3: {  	_ =	swait.ge [sflag:s4], $0xFA00  }
0x3c4: {  	s22 =	sld [smem:$0x737]  }
0x3c5: {  	[sflag:s4] =	ssyncset.done $0x0  }
0x3c6: {  	s23 =	sld [smem:$0x738];
	[sflag:s4] =	ssyncadd.s32 $0xFFFF0600  }
0x3c7: {  	[tilespmem:s1], [sflag:$0x1] =	stream.indirect.gather [hbm4b:s0+s6], $0x20, s22, s6, $0xb8;
	[tilespmem:$0x14820] =	vst v63  }
0x3c8: {  	s29 =	simm.s32 $0x5820;
	s26 =	sld [smem:$0x739]  }
0x3c9: {  	[tilespmem:s29], [sflag:$0x1] =	stream.indirect.gather [hbm4b:s0+s6], $0x20, s23, s6, $0xb8;
	[tilespmem:$0x14820] =	vst v63  }
0x3ca: {  	s15 =	sld [smem:$0x73A];
	s22 =	simm.s32 $0x6220  }
0x3cb: {  	[tilespmem:s22], [sflag:$0x1] =	stream.indirect.gather [hbm4b:s0+s6], $0x20, s26, s6, $0xb8;
	[tilespmem:$0x14820] =	vst v63  }
0x3cc: {  	s23 =	sld [smem:$0x73B];
	s26 =	simm.s32 $0x6C20  }
0x3cd: {  	[tilespmem:s26], [sflag:$0x1] =	stream.indirect.gather [hbm4b:s0+s6], $0x20, s15, s6, $0xb8;
	[tilespmem:$0x14820] =	vst v63  }
0x3ce: {  	s29 =	sld [smem:$0x73C];
	s15 =	simm.s32 $0x7620  }
0x3cf: {  	[tilespmem:s15], [sflag:$0x1] =	stream.indirect.gather [hbm4b:s0+s6], $0x20, s23, s6, $0xb8;
	[tilespmem:$0x14820] =	vst v63  }
0x3d0: {  	s22 =	sld [smem:$0x73D];
	s23 =	simm.s32 $0x8020  }
0x3d1: {  	[tilespmem:s23], [sflag:$0x1] =	stream.indirect.gather [hbm4b:s0+s6], $0x20, s29, s6, $0xb8;
	[tilespmem:$0x14820] =	vst v63  }
0x3d2: {  	s26 =	sld [smem:$0x73E];
	s29 =	simm.s32 $0x8A20  }
0x3d3: {  	[tilespmem:s29], [sflag:$0x1] =	stream.indirect.gather [hbm4b:s0+s6], $0x20, s22, s6, $0xb8;
	[tilespmem:$0x14820] =	vst v63  }
0x3d4: {  	s15 =	sld [smem:$0x73F]  }
0x3d5: {  	[tilespmem:s16], [sflag:$0x1] =	stream.indirect.gather [hbm4b:s0+s6], $0x20, s26, s6, $0xb8;
	[tilespmem:$0x14820] =	vst v63  }
0x3d6: {  	s22 =	sld [smem:$0x740]  }
0x3d7: {  	[tilespmem:s18], [sflag:$0x1] =	stream.indirect.gather [hbm4b:s0+s6], $0x20, s15, s6, $0xb8;
	[tilespmem:$0x14820] =	vst v63  }
0x3d8: {  	s23 =	simm.s32 $0xA820;
	s26 =	sld [smem:$0x741]  }
0x3d9: {  	[tilespmem:s23], [sflag:$0x1] =	stream.indirect.gather [hbm4b:s0+s6], $0x20, s22, s6, $0xb8;
	[tilespmem:$0x14820] =	vst v63  }
0x3da: {  	s20 =	simm.s32 $0xB220;
	s29 =	sld [smem:$0x742]  }
0x3db: {  	[tilespmem:s20], [sflag:$0x1] =	stream.indirect.gather [hbm4b:s0+s6], $0x20, s26, s6, $0xb8;
	[tilespmem:$0x14820] =	vst v63  }
0x3dc: {  	s7 =	simm.s32 $0xBC20;
	s22 =	sld [smem:$0x743]  }
0x3dd: {  	[tilespmem:s7], [sflag:$0x1] =	stream.indirect.gather [hbm4b:s0+s6], $0x20, s29, s6, $0xb8;
	[tilespmem:$0x14820] =	vst v63  }
0x3de: {  	s23 =	sld [smem:$0x744]  }
0x3df: {  	[tilespmem:s25], [sflag:$0x1] =	stream.indirect.gather [hbm4b:s0+s6], $0x20, s22, s6, $0xb8;
	[tilespmem:$0x14820] =	vst v63  }
0x3e0: {  	s11 =	simm.s32 $0xD020;
	s25 =	sld [smem:$0x745]  }
0x3e1: {  	[tilespmem:s11], [sflag:$0x1] =	stream.indirect.gather [hbm4b:s0+s6], $0x20, s23, s6, $0xb8;
	[tilespmem:$0x14820] =	vst v63  }
0x3e2: {  	s26 =	sld [smem:$0x746]  }
0x3e3: {  	[tilespmem:s31], [sflag:$0x1] =	stream.indirect.gather [hbm4b:s0+s6], $0x20, s25, s6, $0xb8;
	[tilespmem:$0x14820] =	vst v63  }
0x3e4: {  	s21 =	simm.s32 $0xE420;
	s31 =	sld [smem:$0x747]  }
0x3e5: {  	[tilespmem:s21], [sflag:$0x1] =	stream.indirect.gather [hbm4b:s0+s6], $0x20, s26, s6, $0xb8;
	[tilespmem:$0x14820] =	vst v63  }
0x3e6: {  	s17 =	simm.s32 $0xEE20;
	s11 =	sld [smem:$0x748]  }
0x3e7: {  	[tilespmem:s17], [sflag:$0x1] =	stream.indirect.gather [hbm4b:s0+s6], $0x20, s31, s6, $0xb8;
	[tilespmem:$0x14820] =	vst v63  }
0x3e8: {  	s19 =	simm.s32 $0xF820;
	s17 =	sld [smem:$0x749]  }
0x3e9: {  	[tilespmem:s19], [sflag:$0x1] =	stream.indirect.gather [hbm4b:s0+s6], $0x20, s11, s6, $0xb8;
	[tilespmem:$0x14820] =	vst v63  }
0x3ea: {  	s24 =	simm.s32 $0x10220;
	s21 =	sld [smem:$0x74A]  }
0x3eb: {  	[tilespmem:s24], [sflag:$0x1] =	stream.indirect.gather [hbm4b:s0+s6], $0x20, s17, s6, $0xb8;
	[tilespmem:$0x14820] =	vst v63  }
0x3ec: {  	s13 =	simm.s32 $0x10C20;
	s22 =	sld [smem:$0x74B]  }
0x3ed: {  	[tilespmem:s13], [sflag:$0x1] =	stream.indirect.gather [hbm4b:s0+s6], $0x20, s21, s6, $0xb8;
	[tilespmem:$0x14820] =	vst v63  }
0x3ee: {  	s12 =	simm.s32 $0x11620;
	s31 =	sld [smem:$0x74C]  }
0x3ef: {  	[tilespmem:s12], [sflag:$0x1] =	stream.indirect.gather [hbm4b:s0+s6], $0x20, s22, s6, $0xb8;
	[tilespmem:$0x14820] =	vst v63  }
0x3f0: {  	s13 =	sld [smem:$0x74D]  }
0x3f1: {  	[tilespmem:s14], [sflag:$0x1] =	stream.indirect.gather [hbm4b:s0+s6], $0x20, s31, s6, $0xb8;
	[tilespmem:$0x14820] =	vst v63  }
0x3f2: {  	s10 =	simm.s32 $0x12A20;
	s14 =	sld [smem:$0x74E]  }
0x3f3: {  	[tilespmem:s10], [sflag:$0x1] =	stream.indirect.gather [hbm4b:s0+s6], $0x20, s13, s6, $0xb8;
	[tilespmem:$0x14820] =	vst v63  }
0x3f4: {  	s28 =	simm.s32 $0x13420;
	s21 =	sld [smem:$0x74F]  }
0x3f5: {  	[tilespmem:s28], [sflag:$0x1] =	stream.indirect.gather [hbm4b:s0+s6], $0x20, s14, s6, $0xb8;
	[tilespmem:$0x14820] =	vst v63  }
0x3f6: {  	s5 =	simm.s32 $0x13E20;
	s2 =	simm.s32 $0x1  }
0x3f7: {  	[tilespmem:s5], [sflag:$0x1] =	stream.indirect.gather [hbm4b:s0+s6], $0x20, s21, s6, $0xb8;
	[tilespmem:$0x14820] =	vst v63  }
0x3f8: {  	_ =	swait.ge [sflag:s2], $0xFA00  }
0x3f9: {  	[sflag:s2] =	ssyncset.done $0x0  }
0x3fa: {  	s22 =	rddreg [dreg:$0x6];
	[sflag:s2] =	ssyncadd.s32 $0xFFFF0600  }
0x3fb: {  	[hbm4b:s22+s30] =	stream.linear.scatter [tilespmem:s1], [sflag:$0x2], $0xFA00, $0x38;
	[tilespmem:$0x14820] =	vst v63  }
0x3fc: {  	_ =	swait.ge [sflag:s4], $0xFA00  }
0x3fd: {  	s31 =	sld [smem:$0x750]  }
0x3fe: {  	[sflag:s4] =	ssyncset.done $0x0  }
0x3ff: {  	s2 =	sld [smem:$0x751];
	[sflag:s4] =	ssyncadd.s32 $0xFFFF0600  }
0x400: {  	[tilespmem:s1], [sflag:$0x1] =	stream.indirect.gather [hbm4b:s0+s6], $0x20, s31, s6, $0xb8;
	[tilespmem:$0x14820] =	vst v63  }
0x401: {  	s14 =	simm.s32 $0x5820;
	s10 =	sld [smem:$0x752]  }
0x402: {  	[tilespmem:s14], [sflag:$0x1] =	stream.indirect.gather [hbm4b:s0+s6], $0x20, s2, s6, $0xb8;
	[tilespmem:$0x14820] =	vst v63  }
0x403: {  	s22 =	simm.s32 $0x6220;
	s21 =	sld [smem:$0x753]  }
0x404: {  	[tilespmem:s22], [sflag:$0x1] =	stream.indirect.gather [hbm4b:s0+s6], $0x20, s10, s6, $0xb8;
	[tilespmem:$0x14820] =	vst v63  }
0x405: {  	s30 =	sld [smem:$0x754];
	s31 =	simm.s32 $0x6C20  }
0x406: {  	[tilespmem:s31], [sflag:$0x1] =	stream.indirect.gather [hbm4b:s0+s6], $0x20, s21, s6, $0xb8;
	[tilespmem:$0x14820] =	vst v63  }
0x407: {  	s14 =	simm.s32 $0x7620;
	s10 =	sld [smem:$0x755]  }
0x408: {  	[tilespmem:s14], [sflag:$0x1] =	stream.indirect.gather [hbm4b:s0+s6], $0x20, s30, s6, $0xb8;
	[tilespmem:$0x14820] =	vst v63  }
0x409: {  	s22 =	simm.s32 $0x8020;
	s21 =	sld [smem:$0x756]  }
0x40a: {  	[tilespmem:s22], [sflag:$0x1] =	stream.indirect.gather [hbm4b:s0+s6], $0x20, s10, s6, $0xb8;
	[tilespmem:$0x14820] =	vst v63  }
0x40b: {  	s31 =	simm.s32 $0x8A20;
	s30 =	sld [smem:$0x757]  }
0x40c: {  	[tilespmem:s31], [sflag:$0x1] =	stream.indirect.gather [hbm4b:s0+s6], $0x20, s21, s6, $0xb8;
	[tilespmem:$0x14820] =	vst v63  }
0x40d: {  	s10 =	sld [smem:$0x758]  }
0x40e: {  	[tilespmem:s16], [sflag:$0x1] =	stream.indirect.gather [hbm4b:s0+s6], $0x20, s30, s6, $0xb8;
	[tilespmem:$0x14820] =	vst v63  }
0x40f: {  	s14 =	simm.s32 $0x9E20;
	s16 =	sld [smem:$0x759]  }
0x410: {  	[tilespmem:s14], [sflag:$0x1] =	stream.indirect.gather [hbm4b:s0+s6], $0x20, s10, s6, $0xb8;
	[tilespmem:$0x14820] =	vst v63  }
0x411: {  	s15 =	simm.s32 $0xA820;
	s21 =	sld [smem:$0x75A]  }
0x412: {  	[tilespmem:s15], [sflag:$0x1] =	stream.indirect.gather [hbm4b:s0+s6], $0x20, s16, s6, $0xb8;
	[tilespmem:$0x14820] =	vst v63  }
0x413: {  	s18 =	simm.s32 $0xB220;
	s30 =	sld [smem:$0x75B]  }
0x414: {  	[tilespmem:s18], [sflag:$0x1] =	stream.indirect.gather [hbm4b:s0+s6], $0x20, s21, s6, $0xb8;
	[tilespmem:$0x14820] =	vst v63  }
0x415: {  	s20 =	simm.s32 $0xBC20;
	s31 =	sld [smem:$0x75C]  }
0x416: {  	[tilespmem:s20], [sflag:$0x1] =	stream.indirect.gather [hbm4b:s0+s6], $0x20, s30, s6, $0xb8;
	[tilespmem:$0x14820] =	vst v63  }
0x417: {  	s7 =	simm.s32 $0xC620;
	s2 =	sld [smem:$0x75D]  }
0x418: {  	[tilespmem:s7], [sflag:$0x1] =	stream.indirect.gather [hbm4b:s0+s6], $0x20, s31, s6, $0xb8;
	[tilespmem:$0x14820] =	vst v63  }
0x419: {  	s29 =	simm.s32 $0xD020;
	s16 =	sld [smem:$0x75E]  }
0x41a: {  	[tilespmem:s29], [sflag:$0x1] =	stream.indirect.gather [hbm4b:s0+s6], $0x20, s2, s6, $0xb8;
	[tilespmem:$0x14820] =	vst v63  }
0x41b: {  	s25 =	simm.s32 $0xDA20;
	s20 =	sld [smem:$0x75F]  }
0x41c: {  	[tilespmem:s25], [sflag:$0x1] =	stream.indirect.gather [hbm4b:s0+s6], $0x20, s16, s6, $0xb8;
	[tilespmem:$0x14820] =	vst v63  }
0x41d: {  	s23 =	simm.s32 $0xE420;
	s25 =	sld [smem:$0x760]  }
0x41e: {  	[tilespmem:s23], [sflag:$0x1] =	stream.indirect.gather [hbm4b:s0+s6], $0x20, s20, s6, $0xb8;
	[tilespmem:$0x14820] =	vst v63  }
0x41f: {  	s26 =	simm.s32 $0xEE20;
	s30 =	sld [smem:$0x761]  }
0x420: {  	[tilespmem:s26], [sflag:$0x1] =	stream.indirect.gather [hbm4b:s0+s6], $0x20, s25, s6, $0xb8;
	[tilespmem:$0x14820] =	vst v63  }
0x421: {  	s11 =	simm.s32 $0xF820;
	s31 =	sld [smem:$0x762]  }
0x422: {  	[tilespmem:s11], [sflag:$0x1] =	stream.indirect.gather [hbm4b:s0+s6], $0x20, s30, s6, $0xb8;
	[tilespmem:$0x14820] =	vst v63  }
0x423: {  	s17 =	simm.s32 $0x10220;
	s2 =	sld [smem:$0x763]  }
0x424: {  	[tilespmem:s17], [sflag:$0x1] =	stream.indirect.gather [hbm4b:s0+s6], $0x20, s31, s6, $0xb8;
	[tilespmem:$0x14820] =	vst v63  }
0x425: {  	s24 =	simm.s32 $0x10C20;
	s7 =	sld [smem:$0x764]  }
0x426: {  	[tilespmem:s24], [sflag:$0x1] =	stream.indirect.gather [hbm4b:s0+s6], $0x20, s2, s6, $0xb8;
	[tilespmem:$0x14820] =	vst v63  }
0x427: {  	s19 =	simm.s32 $0x11620;
	s11 =	sld [smem:$0x765]  }
0x428: {  	[tilespmem:s19], [sflag:$0x1] =	stream.indirect.gather [hbm4b:s0+s6], $0x20, s7, s6, $0xb8;
	[tilespmem:$0x14820] =	vst v63  }
0x429: {  	s25 =	simm.s32 $0x12020;
	s24 =	sld [smem:$0x766]  }
0x42a: {  	[tilespmem:s25], [sflag:$0x1] =	stream.indirect.gather [hbm4b:s0+s6], $0x20, s11, s6, $0xb8;
	[tilespmem:$0x14820] =	vst v63  }
0x42b: {  	s12 =	simm.s32 $0x12A20;
	s26 =	sld [smem:$0x767]  }
0x42c: {  	[tilespmem:s12], [sflag:$0x1] =	stream.indirect.gather [hbm4b:s0+s6], $0x20, s24, s6, $0xb8;
	[tilespmem:$0x14820] =	vst v63  }
0x42d: {  	s28 =	simm.s32 $0x13420;
	s2 =	sld [smem:$0x768]  }
0x42e: {  	[tilespmem:s28], [sflag:$0x1] =	stream.indirect.gather [hbm4b:s0+s6], $0x20, s26, s6, $0xb8;
	[tilespmem:$0x14820] =	vst v63  }
0x42f: {  	s5 =	simm.s32 $0x13E20;
	s15 =	simm.s32 $0x1  }
0x430: {  	[tilespmem:s5], [sflag:$0x1] =	stream.indirect.gather [hbm4b:s0+s6], $0x20, s2, s6, $0xb8;
	[tilespmem:$0x14820] =	vst v63  }
0x431: {  	_ =	swait.ge [sflag:s15], $0xFA00  }
0x432: {  	[sflag:s15] =	ssyncset.done $0x0  }
0x433: {  	s13 =	simm.s32 $0x0;
	s7 =	rddreg [dreg:$0x7];
	[sflag:s15] =	ssyncadd.s32 $0xFFFF0600  }
0x434: {  	[hbm4b:s7+s13] =	stream.linear.scatter [tilespmem:s1], [sflag:$0x2], $0xFA00, $0x38;
	[tilespmem:$0x14820] =	vst v63  }
0x435: {  	_ =	swait.ge [sflag:s4], $0xFA00  }
0x436: {  	s9 =	sld [smem:$0x769]  }
0x437: {  	[sflag:s4] =	ssyncset.done $0x0  }
0x438: {  	s11 =	sld [smem:$0x76A];
	[sflag:s4] =	ssyncadd.s32 $0xFFFF0600  }
0x439: {  	[tilespmem:s1], [sflag:$0x1] =	stream.indirect.gather [hbm4b:s0+s6], $0x20, s9, s6, $0xb8;
	[tilespmem:$0x14820] =	vst v63  }
0x43a: {  	s19 =	simm.s32 $0x5820;
	s13 =	sld [smem:$0x76B]  }
0x43b: {  	[tilespmem:s19], [sflag:$0x1] =	stream.indirect.gather [hbm4b:s0+s6], $0x20, s11, s6, $0xb8;
	[tilespmem:$0x14820] =	vst v63  }
0x43c: {  	s5 =	simm.s32 $0x6220;
	s25 =	sld [smem:$0x76C]  }
0x43d: {  	[tilespmem:s5], [sflag:$0x1] =	stream.indirect.gather [hbm4b:s0+s6], $0x20, s13, s6, $0xb8;
	[tilespmem:$0x14820] =	vst v63  }
0x43e: {  	s7 =	sld [smem:$0x76D];
	s11 =	simm.s32 $0x6C20  }
0x43f: {  	[tilespmem:s11], [sflag:$0x1] =	stream.indirect.gather [hbm4b:s0+s6], $0x20, s25, s6, $0xb8;
	[tilespmem:$0x14820] =	vst v63  }
0x440: {  	s19 =	simm.s32 $0x7620;
	s13 =	sld [smem:$0x76E]  }
0x441: {  	[tilespmem:s19], [sflag:$0x1] =	stream.indirect.gather [hbm4b:s0+s6], $0x20, s7, s6, $0xb8;
	[tilespmem:$0x14820] =	vst v63  }
0x442: {  	s5 =	simm.s32 $0x8020;
	s25 =	sld [smem:$0x76F]  }
0x443: {  	[tilespmem:s5], [sflag:$0x1] =	stream.indirect.gather [hbm4b:s0+s6], $0x20, s13, s6, $0xb8;
	[tilespmem:$0x14820] =	vst v63  }
0x444: {  	s11 =	simm.s32 $0x8A20;
	s7 =	sld [smem:$0x770]  }
0x445: {  	[tilespmem:s11], [sflag:$0x1] =	stream.indirect.gather [hbm4b:s0+s6], $0x20, s25, s6, $0xb8;
	[tilespmem:$0x14820] =	vst v63  }
0x446: {  	s19 =	sld [smem:$0x771];
	s13 =	simm.s32 $0x9420  }
0x447: {  	[tilespmem:s13], [sflag:$0x1] =	stream.indirect.gather [hbm4b:s0+s6], $0x20, s7, s6, $0xb8;
	[tilespmem:$0x14820] =	vst v63  }
0x448: {  	s14 =	simm.s32 $0x9E20;
	s5 =	sld [smem:$0x772]  }
0x449: {  	[tilespmem:s14], [sflag:$0x1] =	stream.indirect.gather [hbm4b:s0+s6], $0x20, s19, s6, $0xb8;
	[tilespmem:$0x14820] =	vst v63  }
0x44a: {  	s22 =	simm.s32 $0xA820;
	s7 =	sld [smem:$0x773]  }
0x44b: {  	[tilespmem:s22], [sflag:$0x1] =	stream.indirect.gather [hbm4b:s0+s6], $0x20, s5, s6, $0xb8;
	[tilespmem:$0x14820] =	vst v63  }
0x44c: {  	s10 =	simm.s32 $0xB220;
	s11 =	sld [smem:$0x774]  }
0x44d: {  	[tilespmem:s10], [sflag:$0x1] =	stream.indirect.gather [hbm4b:s0+s6], $0x20, s7, s6, $0xb8;
	[tilespmem:$0x14820] =	vst v63  }
0x44e: {  	s21 =	simm.s32 $0xBC20;
	s13 =	sld [smem:$0x775]  }
0x44f: {  	[tilespmem:s21], [sflag:$0x1] =	stream.indirect.gather [hbm4b:s0+s6], $0x20, s11, s6, $0xb8;
	[tilespmem:$0x14820] =	vst v63  }
0x450: {  	s18 =	simm.s32 $0xC620;
	s22 =	sld [smem:$0x776]  }
0x451: {  	[tilespmem:s18], [sflag:$0x1] =	stream.indirect.gather [hbm4b:s0+s6], $0x20, s13, s6, $0xb8;
	[tilespmem:$0x14820] =	vst v63  }
0x452: {  	s29 =	simm.s32 $0xD020;
	s2 =	sld [smem:$0x777]  }
0x453: {  	[tilespmem:s29], [sflag:$0x1] =	stream.indirect.gather [hbm4b:s0+s6], $0x20, s22, s6, $0xb8;
	[tilespmem:$0x14820] =	vst v63  }
0x454: {  	s11 =	sld [smem:$0x778];
	s13 =	simm.s32 $0xDA20  }
0x455: {  	[tilespmem:s13], [sflag:$0x1] =	stream.indirect.gather [hbm4b:s0+s6], $0x20, s2, s6, $0xb8;
	[tilespmem:$0x14820] =	vst v63  }
0x456: {  	s16 =	simm.s32 $0xE420;
	s21 =	sld [smem:$0x779]  }
0x457: {  	[tilespmem:s16], [sflag:$0x1] =	stream.indirect.gather [hbm4b:s0+s6], $0x20, s11, s6, $0xb8;
	[tilespmem:$0x14820] =	vst v63  }
0x458: {  	s23 =	simm.s32 $0xEE20;
	s22 =	sld [smem:$0x77A]  }
0x459: {  	[tilespmem:s23], [sflag:$0x1] =	stream.indirect.gather [hbm4b:s0+s6], $0x20, s21, s6, $0xb8;
	[tilespmem:$0x14820] =	vst v63  }
0x45a: {  	s30 =	simm.s32 $0xF820;
	s29 =	sld [smem:$0x77B]  }
0x45b: {  	[tilespmem:s30], [sflag:$0x1] =	stream.indirect.gather [hbm4b:s0+s6], $0x20, s22, s6, $0xb8;
	[tilespmem:$0x14820] =	vst v63  }
0x45c: {  	s20 =	simm.s32 $0x10220;
	s30 =	sld [smem:$0x77C]  }
0x45d: {  	[tilespmem:s20], [sflag:$0x1] =	stream.indirect.gather [hbm4b:s0+s6], $0x20, s29, s6, $0xb8;
	[tilespmem:$0x14820] =	vst v63  }
0x45e: {  	s17 =	simm.s32 $0x10C20;
	s2 =	sld [smem:$0x77D]  }
0x45f: {  	[tilespmem:s17], [sflag:$0x1] =	stream.indirect.gather [hbm4b:s0+s6], $0x20, s30, s6, $0xb8;
	[tilespmem:$0x14820] =	vst v63  }
0x460: {  	s31 =	simm.s32 $0x11620;
	s20 =	sld [smem:$0x77E]  }
0x461: {  	[tilespmem:s31], [sflag:$0x1] =	stream.indirect.gather [hbm4b:s0+s6], $0x20, s2, s6, $0xb8;
	[tilespmem:$0x14820] =	vst v63  }
0x462: {  	s29 =	sld [smem:$0x77F];
	s30 =	simm.s32 $0x12020  }
0x463: {  	[tilespmem:s30], [sflag:$0x1] =	stream.indirect.gather [hbm4b:s0+s6], $0x20, s20, s6, $0xb8;
	[tilespmem:$0x14820] =	vst v63  }
0x464: {  	s12 =	simm.s32 $0x12A20;
	s31 =	sld [smem:$0x780]  }
0x465: {  	[tilespmem:s12], [sflag:$0x1] =	stream.indirect.gather [hbm4b:s0+s6], $0x20, s29, s6, $0xb8;
	[tilespmem:$0x14820] =	vst v63  }
0x466: {  	s28 =	simm.s32 $0x13420;
	s2 =	sld [smem:$0x781]  }
0x467: {  	[tilespmem:s28], [sflag:$0x1] =	stream.indirect.gather [hbm4b:s0+s6], $0x20, s31, s6, $0xb8;
	[tilespmem:$0x14820] =	vst v63  }
0x468: {  	s26 =	simm.s32 $0x13E20  }
0x469: {  	[tilespmem:s26], [sflag:$0x1] =	stream.indirect.gather [hbm4b:s0+s6], $0x20, s2, s6, $0xb8;
	[tilespmem:$0x14820] =	vst v63  }
0x46a: {  	_ =	swait.ge [sflag:s15], $0xFA00  }
0x46b: {  	[sflag:s15] =	ssyncset.done $0x0  }
0x46c: {  	s24 =	simm.s32 $0x0;
	s9 =	rddreg [dreg:$0x8];
	[sflag:s15] =	ssyncadd.s32 $0xFFFF0600  }
0x46d: {  	[hbm4b:s9+s24] =	stream.linear.scatter [tilespmem:s1], [sflag:$0x2], $0xFA00, $0x38;
	[tilespmem:$0x14820] =	vst v63  }
0x46e: {  	_ =	swait.ge [sflag:s4], $0xFA00  }
0x46f: {  	[sflag:s4] =	ssyncset.done $0x0  }
0x470: {  	s29 =	simm.s32 $0x2710;
	s26 =	sld [smem:$0x782];
	[sflag:s4] =	ssyncadd.s32 $0xFFFF0600  }
0x471: {  	[tilespmem:s1], [sflag:$0x1] =	stream.indirect.gather [hbm4b:s3+s6], $0x20, s29, s6, $0xb8;
	[tilespmem:$0x14820] =	vst v63  }
0x472: {  	s31 =	simm.s32 $0x5820;
	s9 =	sld [smem:$0x783]  }
0x473: {  	[tilespmem:s31], [sflag:$0x1] =	stream.indirect.gather [hbm4b:s3+s6], $0x20, s26, s6, $0xb8;
	[tilespmem:$0x14820] =	vst v63  }
0x474: {  	s29 =	simm.s32 $0x6220;
	s26 =	sld [smem:$0x784]  }
0x475: {  	[tilespmem:s29], [sflag:$0x1] =	stream.indirect.gather [hbm4b:s3+s6], $0x20, s9, s6, $0xb8;
	[tilespmem:$0x14820] =	vst v63  }
0x476: {  	s31 =	simm.s32 $0x6C20;
	s9 =	sld [smem:$0x785]  }
0x477: {  	[tilespmem:s31], [sflag:$0x1] =	stream.indirect.gather [hbm4b:s3+s6], $0x20, s26, s6, $0xb8;
	[tilespmem:$0x14820] =	vst v63  }
0x478: {  	s29 =	simm.s32 $0x7620;
	s26 =	sld [smem:$0x786]  }
0x479: {  	[tilespmem:s29], [sflag:$0x1] =	stream.indirect.gather [hbm4b:s3+s6], $0x20, s9, s6, $0xb8;
	[tilespmem:$0x14820] =	vst v63  }
0x47a: {  	s31 =	simm.s32 $0x8020;
	s9 =	sld [smem:$0x787]  }
0x47b: {  	[tilespmem:s31], [sflag:$0x1] =	stream.indirect.gather [hbm4b:s3+s6], $0x20, s26, s6, $0xb8;
	[tilespmem:$0x14820] =	vst v63  }
0x47c: {  	s29 =	sld [smem:$0x788];
	s26 =	simm.s32 $0x8A20  }
0x47d: {  	[tilespmem:s26], [sflag:$0x1] =	stream.indirect.gather [hbm4b:s3+s6], $0x20, s9, s6, $0xb8;
	[tilespmem:$0x14820] =	vst v63  }
0x47e: {  	s25 =	simm.s32 $0x9420;
	s26 =	sld [smem:$0x789]  }
0x47f: {  	[tilespmem:s25], [sflag:$0x1] =	stream.indirect.gather [hbm4b:s3+s6], $0x20, s29, s6, $0xb8;
	[tilespmem:$0x14820] =	vst v63  }
0x480: {  	s14 =	simm.s32 $0x9E20;
	s29 =	sld [smem:$0x78A]  }
0x481: {  	[tilespmem:s14], [sflag:$0x1] =	stream.indirect.gather [hbm4b:s3+s6], $0x20, s26, s6, $0xb8;
	[tilespmem:$0x14820] =	vst v63  }
0x482: {  	s5 =	simm.s32 $0xA820;
	s2 =	sld [smem:$0x78B]  }
0x483: {  	[tilespmem:s5], [sflag:$0x1] =	stream.indirect.gather [hbm4b:s3+s6], $0x20, s29, s6, $0xb8;
	[tilespmem:$0x14820] =	vst v63  }
0x484: {  	s19 =	simm.s32 $0xB220;
	s5 =	sld [smem:$0x78C]  }
0x485: {  	[tilespmem:s19], [sflag:$0x1] =	stream.indirect.gather [hbm4b:s3+s6], $0x20, s2, s6, $0xb8;
	[tilespmem:$0x14820] =	vst v63  }
0x486: {  	s7 =	simm.s32 $0xBC20;
	s29 =	sld [smem:$0x78D]  }
0x487: {  	[tilespmem:s7], [sflag:$0x1] =	stream.indirect.gather [hbm4b:s3+s6], $0x20, s5, s6, $0xb8;
	[tilespmem:$0x14820] =	vst v63  }
0x488: {  	s18 =	simm.s32 $0xC620;
	s2 =	sld [smem:$0x78E]  }
0x489: {  	[tilespmem:s18], [sflag:$0x1] =	stream.indirect.gather [hbm4b:s3+s6], $0x20, s29, s6, $0xb8;
	[tilespmem:$0x14820] =	vst v63  }
0x48a: {  	s10 =	simm.s32 $0xD020;
	s29 =	sld [smem:$0x78F]  }
0x48b: {  	[tilespmem:s10], [sflag:$0x1] =	stream.indirect.gather [hbm4b:s3+s6], $0x20, s2, s6, $0xb8;
	[tilespmem:$0x14820] =	vst v63  }
0x48c: {  	s13 =	simm.s32 $0xDA20;
	s2 =	sld [smem:$0x790]  }
0x48d: {  	[tilespmem:s13], [sflag:$0x1] =	stream.indirect.gather [hbm4b:s3+s6], $0x20, s29, s6, $0xb8;
	[tilespmem:$0x14820] =	vst v63  }
0x48e: {  	s16 =	simm.s32 $0xE420;
	s10 =	sld [smem:$0x791]  }
0x48f: {  	[tilespmem:s16], [sflag:$0x1] =	stream.indirect.gather [hbm4b:s3+s6], $0x20, s2, s6, $0xb8;
	[tilespmem:$0x14820] =	vst v63  }
0x490: {  	s11 =	simm.s32 $0xEE20;
	s16 =	sld [smem:$0x792]  }
0x491: {  	[tilespmem:s11], [sflag:$0x1] =	stream.indirect.gather [hbm4b:s3+s6], $0x20, s10, s6, $0xb8;
	[tilespmem:$0x14820] =	vst v63  }
0x492: {  	s23 =	simm.s32 $0xF820;
	s2 =	sld [smem:$0x793]  }
0x493: {  	[tilespmem:s23], [sflag:$0x1] =	stream.indirect.gather [hbm4b:s3+s6], $0x20, s16, s6, $0xb8;
	[tilespmem:$0x14820] =	vst v63  }
0x494: {  	s22 =	simm.s32 $0x10220;
	s11 =	sld [smem:$0x794]  }
0x495: {  	[tilespmem:s22], [sflag:$0x1] =	stream.indirect.gather [hbm4b:s3+s6], $0x20, s2, s6, $0xb8;
	[tilespmem:$0x14820] =	vst v63  }
0x496: {  	s21 =	simm.s32 $0x10C20;
	s2 =	sld [smem:$0x795]  }
0x497: {  	[tilespmem:s21], [sflag:$0x1] =	stream.indirect.gather [hbm4b:s3+s6], $0x20, s11, s6, $0xb8;
	[tilespmem:$0x14820] =	vst v63  }
0x498: {  	s17 =	simm.s32 $0x11620;
	s11 =	sld [smem:$0x796]  }
0x499: {  	[tilespmem:s17], [sflag:$0x1] =	stream.indirect.gather [hbm4b:s3+s6], $0x20, s2, s6, $0xb8;
	[tilespmem:$0x14820] =	vst v63  }
0x49a: {  	s30 =	simm.s32 $0x12020;
	s22 =	sld [smem:$0x797]  }
0x49b: {  	[tilespmem:s30], [sflag:$0x1] =	stream.indirect.gather [hbm4b:s3+s6], $0x20, s11, s6, $0xb8;
	[tilespmem:$0x14820] =	vst v63  }
0x49c: {  	s12 =	simm.s32 $0x12A20;
	s2 =	sld [smem:$0x798]  }
0x49d: {  	[tilespmem:s12], [sflag:$0x1] =	stream.indirect.gather [hbm4b:s3+s6], $0x20, s22, s6, $0xb8;
	[tilespmem:$0x14820] =	vst v63  }
0x49e: {  	s20 =	simm.s32 $0x13420;
	s22 =	sld [smem:$0x799]  }
0x49f: {  	[tilespmem:s20], [sflag:$0x1] =	stream.indirect.gather [hbm4b:s3+s6], $0x20, s2, s6, $0xb8;
	[tilespmem:$0x14820] =	vst v63  }
0x4a0: {  	s28 =	simm.s32 $0x13E20  }
0x4a1: {  	[tilespmem:s28], [sflag:$0x1] =	stream.indirect.gather [hbm4b:s3+s6], $0x20, s22, s6, $0xb8;
	[tilespmem:$0x14820] =	vst v63  }
0x4a2: {  	_ =	swait.ge [sflag:s15], $0xFA00  }
0x4a3: {  	[sflag:s15] =	ssyncset.done $0x0  }
0x4a4: {  	s24 =	simm.s32 $0x0;
	s28 =	rddreg [dreg:$0x9];
	[sflag:s15] =	ssyncadd.s32 $0xFFFF0600  }
0x4a5: {  	[hbm4b:s28+s24] =	stream.linear.scatter [tilespmem:s1], [sflag:$0x2], $0xFA00, $0x38;
	[tilespmem:$0x14820] =	vst v63  }
0x4a6: {  	_ =	swait.ge [sflag:s4], $0xFA00  }
0x4a7: {  	s30 =	sld [smem:$0x79A]  }
0x4a8: {  	[sflag:s4] =	ssyncset.done $0x0  }
0x4a9: {  	s2 =	sld [smem:$0x79B];
	[sflag:s4] =	ssyncadd.s32 $0xFFFF0600  }
0x4aa: {  	[tilespmem:s1], [sflag:$0x1] =	stream.indirect.gather [hbm4b:s3+s6], $0x20, s30, s6, $0xb8;
	[tilespmem:$0x14820] =	vst v63  }
0x4ab: {  	s24 =	simm.s32 $0x5820;
	s8 =	sld [smem:$0x79C]  }
0x4ac: {  	[tilespmem:s24], [sflag:$0x1] =	stream.indirect.gather [hbm4b:s3+s6], $0x20, s2, s6, $0xb8;
	[tilespmem:$0x14820] =	vst v63  }
0x4ad: {  	s28 =	sld [smem:$0x79D];
	s30 =	simm.s32 $0x6220  }
0x4ae: {  	[tilespmem:s30], [sflag:$0x1] =	stream.indirect.gather [hbm4b:s3+s6], $0x20, s8, s6, $0xb8;
	[tilespmem:$0x14820] =	vst v63  }
0x4af: {  	s24 =	simm.s32 $0x6C20;
	s8 =	sld [smem:$0x79E]  }
0x4b0: {  	[tilespmem:s24], [sflag:$0x1] =	stream.indirect.gather [hbm4b:s3+s6], $0x20, s28, s6, $0xb8;
	[tilespmem:$0x14820] =	vst v63  }
0x4b1: {  	s30 =	simm.s32 $0x7620;
	s28 =	sld [smem:$0x79F]  }
0x4b2: {  	[tilespmem:s30], [sflag:$0x1] =	stream.indirect.gather [hbm4b:s3+s6], $0x20, s8, s6, $0xb8;
	[tilespmem:$0x14820] =	vst v63  }
0x4b3: {  	s24 =	sld [smem:$0x7A0];
	s8 =	simm.s32 $0x8020  }
0x4b4: {  	[tilespmem:s8], [sflag:$0x1] =	stream.indirect.gather [hbm4b:s3+s6], $0x20, s28, s6, $0xb8;
	[tilespmem:$0x14820] =	vst v63  }
0x4b5: {  	s31 =	simm.s32 $0x8A20;
	s28 =	sld [smem:$0x7A1]  }
0x4b6: {  	[tilespmem:s31], [sflag:$0x1] =	stream.indirect.gather [hbm4b:s3+s6], $0x20, s24, s6, $0xb8;
	[tilespmem:$0x14820] =	vst v63  }
0x4b7: {  	s25 =	simm.s32 $0x9420;
	s2 =	sld [smem:$0x7A2]  }
0x4b8: {  	[tilespmem:s25], [sflag:$0x1] =	stream.indirect.gather [hbm4b:s3+s6], $0x20, s28, s6, $0xb8;
	[tilespmem:$0x14820] =	vst v63  }
0x4b9: {  	s14 =	simm.s32 $0x9E20;
	s24 =	sld [smem:$0x7A3]  }
0x4ba: {  	[tilespmem:s14], [sflag:$0x1] =	stream.indirect.gather [hbm4b:s3+s6], $0x20, s2, s6, $0xb8;
	[tilespmem:$0x14820] =	vst v63  }
0x4bb: {  	s26 =	simm.s32 $0xA820;
	s28 =	sld [smem:$0x7A4]  }
0x4bc: {  	[tilespmem:s26], [sflag:$0x1] =	stream.indirect.gather [hbm4b:s3+s6], $0x20, s24, s6, $0xb8;
	[tilespmem:$0x14820] =	vst v63  }
0x4bd: {  	s19 =	simm.s32 $0xB220;
	s2 =	sld [smem:$0x7A5]  }
0x4be: {  	[tilespmem:s19], [sflag:$0x1] =	stream.indirect.gather [hbm4b:s3+s6], $0x20, s28, s6, $0xb8;
	[tilespmem:$0x14820] =	vst v63  }
0x4bf: {  	s7 =	simm.s32 $0xBC20;
	s26 =	sld [smem:$0x7A6]  }
0x4c0: {  	[tilespmem:s7], [sflag:$0x1] =	stream.indirect.gather [hbm4b:s3+s6], $0x20, s2, s6, $0xb8;
	[tilespmem:$0x14820] =	vst v63  }
0x4c1: {  	s5 =	simm.s32 $0xC620;
	s28 =	sld [smem:$0x7A7]  }
0x4c2: {  	[tilespmem:s5], [sflag:$0x1] =	stream.indirect.gather [hbm4b:s3+s6], $0x20, s26, s6, $0xb8;
	[tilespmem:$0x14820] =	vst v63  }
0x4c3: {  	s18 =	simm.s32 $0xD020;
	s2 =	sld [smem:$0x7A8]  }
0x4c4: {  	[tilespmem:s18], [sflag:$0x1] =	stream.indirect.gather [hbm4b:s3+s6], $0x20, s28, s6, $0xb8;
	[tilespmem:$0x14820] =	vst v63  }
0x4c5: {  	s29 =	simm.s32 $0xDA20;
	s28 =	sld [smem:$0x7A9]  }
0x4c6: {  	[tilespmem:s29], [sflag:$0x1] =	stream.indirect.gather [hbm4b:s3+s6], $0x20, s2, s6, $0xb8;
	[tilespmem:$0x14820] =	vst v63  }
0x4c7: {  	s13 =	simm.s32 $0xE420;
	s2 =	sld [smem:$0x7AA]  }
0x4c8: {  	[tilespmem:s13], [sflag:$0x1] =	stream.indirect.gather [hbm4b:s3+s6], $0x20, s28, s6, $0xb8;
	[tilespmem:$0x14820] =	vst v63  }
0x4c9: {  	s10 =	simm.s32 $0xEE20;
	s13 =	sld [smem:$0x7AB]  }
0x4ca: {  	[tilespmem:s10], [sflag:$0x1] =	stream.indirect.gather [hbm4b:s3+s6], $0x20, s2, s6, $0xb8;
	[tilespmem:$0x14820] =	vst v63  }
0x4cb: {  	s16 =	simm.s32 $0xF820;
	s2 =	sld [smem:$0x7AC]  }
0x4cc: {  	[tilespmem:s16], [sflag:$0x1] =	stream.indirect.gather [hbm4b:s3+s6], $0x20, s13, s6, $0xb8;
	[tilespmem:$0x14820] =	vst v63  }
0x4cd: {  	s23 =	simm.s32 $0x10220;
	s10 =	sld [smem:$0x7AD]  }
0x4ce: {  	[tilespmem:s23], [sflag:$0x1] =	stream.indirect.gather [hbm4b:s3+s6], $0x20, s2, s6, $0xb8;
	[tilespmem:$0x14820] =	vst v63  }
0x4cf: {  	s21 =	simm.s32 $0x10C20;
	s13 =	sld [smem:$0x7AE]  }
0x4d0: {  	[tilespmem:s21], [sflag:$0x1] =	stream.indirect.gather [hbm4b:s3+s6], $0x20, s10, s6, $0xb8;
	[tilespmem:$0x14820] =	vst v63  }
0x4d1: {  	s17 =	simm.s32 $0x11620;
	s2 =	sld [smem:$0x7AF]  }
0x4d2: {  	[tilespmem:s17], [sflag:$0x1] =	stream.indirect.gather [hbm4b:s3+s6], $0x20, s13, s6, $0xb8;
	[tilespmem:$0x14820] =	vst v63  }
0x4d3: {  	s10 =	sld [smem:$0x7B0];
	s13 =	simm.s32 $0x12020  }
0x4d4: {  	[tilespmem:s13], [sflag:$0x1] =	stream.indirect.gather [hbm4b:s3+s6], $0x20, s2, s6, $0xb8;
	[tilespmem:$0x14820] =	vst v63  }
0x4d5: {  	s11 =	simm.s32 $0x12A20;
	s2 =	sld [smem:$0x7B1]  }
0x4d6: {  	[tilespmem:s11], [sflag:$0x1] =	stream.indirect.gather [hbm4b:s3+s6], $0x20, s10, s6, $0xb8;
	[tilespmem:$0x14820] =	vst v63  }
0x4d7: {  	s12 =	simm.s32 $0x13420;
	s13 =	sld [smem:$0x7B2]  }
0x4d8: {  	[tilespmem:s12], [sflag:$0x1] =	stream.indirect.gather [hbm4b:s3+s6], $0x20, s2, s6, $0xb8;
	[tilespmem:$0x14820] =	vst v63  }
0x4d9: {  	s20 =	simm.s32 $0x13E20  }
0x4da: {  	[tilespmem:s20], [sflag:$0x1] =	stream.indirect.gather [hbm4b:s3+s6], $0x20, s13, s6, $0xb8;
	[tilespmem:$0x14820] =	vst v63  }
0x4db: {  	_ =	swait.ge [sflag:s15], $0xFA00  }
0x4dc: {  	[sflag:s15] =	ssyncset.done $0x0  }
0x4dd: {  	s22 =	simm.s32 $0x0;
	s2 =	rddreg [dreg:$0xa];
	[sflag:s15] =	ssyncadd.s32 $0xFFFF0600  }
0x4de: {  	[hbm4b:s2+s22] =	stream.linear.scatter [tilespmem:s1], [sflag:$0x2], $0xFA00, $0x38;
	[tilespmem:$0x14820] =	vst v63  }
0x4df: {  	_ =	swait.ge [sflag:s4], $0xFA00  }
0x4e0: {  	s9 =	sld [smem:$0x7B3]  }
0x4e1: {  	[sflag:s4] =	ssyncset.done $0x0  }
0x4e2: {  	s13 =	sld [smem:$0x7B4];
	[sflag:s4] =	ssyncadd.s32 $0xFFFF0600  }
0x4e3: {  	[tilespmem:s1], [sflag:$0x1] =	stream.indirect.gather [hbm4b:s3+s6], $0x20, s9, s6, $0xb8;
	[tilespmem:$0x14820] =	vst v63  }
0x4e4: {  	s22 =	simm.s32 $0x5820;
	s8 =	sld [smem:$0x7B5]  }
0x4e5: {  	[tilespmem:s22], [sflag:$0x1] =	stream.indirect.gather [hbm4b:s3+s6], $0x20, s13, s6, $0xb8;
	[tilespmem:$0x14820] =	vst v63  }
0x4e6: {  	s9 =	sld [smem:$0x7B6];
	s13 =	simm.s32 $0x6220  }
0x4e7: {  	[tilespmem:s13], [sflag:$0x1] =	stream.indirect.gather [hbm4b:s3+s6], $0x20, s8, s6, $0xb8;
	[tilespmem:$0x14820] =	vst v63  }
0x4e8: {  	s22 =	simm.s32 $0x6C20;
	s8 =	sld [smem:$0x7B7]  }
0x4e9: {  	[tilespmem:s22], [sflag:$0x1] =	stream.indirect.gather [hbm4b:s3+s6], $0x20, s9, s6, $0xb8;
	[tilespmem:$0x14820] =	vst v63  }
0x4ea: {  	s2 =	sld [smem:$0x7B8];
	s13 =	simm.s32 $0x7620  }
0x4eb: {  	[tilespmem:s13], [sflag:$0x1] =	stream.indirect.gather [hbm4b:s3+s6], $0x20, s8, s6, $0xb8;
	[tilespmem:$0x14820] =	vst v63  }
0x4ec: {  	s30 =	simm.s32 $0x8020;
	s22 =	sld [smem:$0x7B9]  }
0x4ed: {  	[tilespmem:s30], [sflag:$0x1] =	stream.indirect.gather [hbm4b:s3+s6], $0x20, s2, s6, $0xb8;
	[tilespmem:$0x14820] =	vst v63  }
0x4ee: {  	s31 =	simm.s32 $0x8A20;
	s2 =	sld [smem:$0x7BA]  }
0x4ef: {  	[tilespmem:s31], [sflag:$0x1] =	stream.indirect.gather [hbm4b:s3+s6], $0x20, s22, s6, $0xb8;
	[tilespmem:$0x14820] =	vst v63  }
0x4f0: {  	s25 =	simm.s32 $0x9420;
	s22 =	sld [smem:$0x7BB]  }
0x4f1: {  	[tilespmem:s25], [sflag:$0x1] =	stream.indirect.gather [hbm4b:s3+s6], $0x20, s2, s6, $0xb8;
	[tilespmem:$0x14820] =	vst v63  }
0x4f2: {  	s14 =	simm.s32 $0x9E20;
	s31 =	sld [smem:$0x7BC]  }
0x4f3: {  	[tilespmem:s14], [sflag:$0x1] =	stream.indirect.gather [hbm4b:s3+s6], $0x20, s22, s6, $0xb8;
	[tilespmem:$0x14820] =	vst v63  }
0x4f4: {  	s24 =	simm.s32 $0xA820;
	s2 =	sld [smem:$0x7BD]  }
0x4f5: {  	[tilespmem:s24], [sflag:$0x1] =	stream.indirect.gather [hbm4b:s3+s6], $0x20, s31, s6, $0xb8;
	[tilespmem:$0x14820] =	vst v63  }
0x4f6: {  	s19 =	simm.s32 $0xB220;
	s14 =	sld [smem:$0x7BE]  }
0x4f7: {  	[tilespmem:s19], [sflag:$0x1] =	stream.indirect.gather [hbm4b:s3+s6], $0x20, s2, s6, $0xb8;
	[tilespmem:$0x14820] =	vst v63  }
0x4f8: {  	s7 =	simm.s32 $0xBC20;
	s19 =	sld [smem:$0x7BF]  }
0x4f9: {  	[tilespmem:s7], [sflag:$0x1] =	stream.indirect.gather [hbm4b:s3+s6], $0x20, s14, s6, $0xb8;
	[tilespmem:$0x14820] =	vst v63  }
0x4fa: {  	s5 =	simm.s32 $0xC620;
	s2 =	sld [smem:$0x7C0]  }
0x4fb: {  	[tilespmem:s5], [sflag:$0x1] =	stream.indirect.gather [hbm4b:s3+s6], $0x20, s19, s6, $0xb8;
	[tilespmem:$0x14820] =	vst v63  }
0x4fc: {  	s26 =	simm.s32 $0xD020;
	s14 =	sld [smem:$0x7C1]  }
0x4fd: {  	[tilespmem:s26], [sflag:$0x1] =	stream.indirect.gather [hbm4b:s3+s6], $0x20, s2, s6, $0xb8;
	[tilespmem:$0x14820] =	vst v63  }
0x4fe: {  	s29 =	simm.s32 $0xDA20;
	s19 =	sld [smem:$0x7C2]  }
0x4ff: {  	[tilespmem:s29], [sflag:$0x1] =	stream.indirect.gather [hbm4b:s3+s6], $0x20, s14, s6, $0xb8;
	[tilespmem:$0x14820] =	vst v63  }
0x500: {  	s18 =	simm.s32 $0xE420;
	s2 =	sld [smem:$0x7C3]  }
0x501: {  	[tilespmem:s18], [sflag:$0x1] =	stream.indirect.gather [hbm4b:s3+s6], $0x20, s19, s6, $0xb8;
	[tilespmem:$0x14820] =	vst v63  }
0x502: {  	s28 =	simm.s32 $0xEE20;
	s5 =	sld [smem:$0x7C4]  }
0x503: {  	[tilespmem:s28], [sflag:$0x1] =	stream.indirect.gather [hbm4b:s3+s6], $0x20, s2, s6, $0xb8;
	[tilespmem:$0x14820] =	vst v63  }
0x504: {  	s16 =	simm.s32 $0xF820;
	s18 =	sld [smem:$0x7C5]  }
0x505: {  	[tilespmem:s16], [sflag:$0x1] =	stream.indirect.gather [hbm4b:s3+s6], $0x20, s5, s6, $0xb8;
	[tilespmem:$0x14820] =	vst v63  }
0x506: {  	s23 =	simm.s32 $0x10220;
	s19 =	sld [smem:$0x7C6]  }
0x507: {  	[tilespmem:s23], [sflag:$0x1] =	stream.indirect.gather [hbm4b:s3+s6], $0x20, s18, s6, $0xb8;
	[tilespmem:$0x14820] =	vst v63  }
0x508: {  	s21 =	simm.s32 $0x10C20;
	s2 =	sld [smem:$0x7C7]  }
0x509: {  	[tilespmem:s21], [sflag:$0x1] =	stream.indirect.gather [hbm4b:s3+s6], $0x20, s19, s6, $0xb8;
	[tilespmem:$0x14820] =	vst v63  }
0x50a: {  	s17 =	simm.s32 $0x11620;
	s5 =	sld [smem:$0x7C8]  }
0x50b: {  	[tilespmem:s17], [sflag:$0x1] =	stream.indirect.gather [hbm4b:s3+s6], $0x20, s2, s6, $0xb8;
	[tilespmem:$0x14820] =	vst v63  }
0x50c: {  	s19 =	sld [smem:$0x7C9];
	s21 =	simm.s32 $0x12020  }
0x50d: {  	[tilespmem:s21], [sflag:$0x1] =	stream.indirect.gather [hbm4b:s3+s6], $0x20, s5, s6, $0xb8;
	[tilespmem:$0x14820] =	vst v63  }
0x50e: {  	s10 =	simm.s32 $0x12A20;
	s23 =	sld [smem:$0x7CA]  }
0x50f: {  	[tilespmem:s10], [sflag:$0x1] =	stream.indirect.gather [hbm4b:s3+s6], $0x20, s19, s6, $0xb8;
	[tilespmem:$0x14820] =	vst v63  }
0x510: {  	s11 =	simm.s32 $0x13420;
	s2 =	sld [smem:$0x7CB]  }
0x511: {  	[tilespmem:s11], [sflag:$0x1] =	stream.indirect.gather [hbm4b:s3+s6], $0x20, s23, s6, $0xb8;
	[tilespmem:$0x14820] =	vst v63  }
0x512: {  	s12 =	simm.s32 $0x13E20  }
0x513: {  	[tilespmem:s12], [sflag:$0x1] =	stream.indirect.gather [hbm4b:s3+s6], $0x20, s2, s6, $0xb8;
	[tilespmem:$0x14820] =	vst v63  }
0x514: {  	_ =	swait.ge [sflag:s15], $0xFA00  }
0x515: {  	[sflag:s15] =	ssyncset.done $0x0  }
0x516: {  	s20 =	simm.s32 $0x0;
	s5 =	rddreg [dreg:$0xb];
	[sflag:s15] =	ssyncadd.s32 $0xFFFF0600  }
0x517: {  	[hbm4b:s5+s20] =	stream.linear.scatter [tilespmem:s1], [sflag:$0x2], $0xFA00, $0x38;
	[tilespmem:$0x14820] =	vst v63  }
0x518: {  	_ =	swait.ge [sflag:s4], $0xFA00  }
0x519: {  	s9 =	sld [smem:$0x7CC]  }
0x51a: {  	[sflag:s4] =	ssyncset.done $0x0  }
0x51b: {  	s10 =	sld [smem:$0x7CD];
	[sflag:s4] =	ssyncadd.s32 $0xFFFF0600  }
0x51c: {  	[tilespmem:s1], [sflag:$0x1] =	stream.indirect.gather [hbm4b:s3+s6], $0x20, s9, s6, $0xb8;
	[tilespmem:$0x14820] =	vst v63  }
0x51d: {  	s20 =	simm.s32 $0x5820;
	s17 =	sld [smem:$0x7CE]  }
0x51e: {  	[tilespmem:s20], [sflag:$0x1] =	stream.indirect.gather [hbm4b:s3+s6], $0x20, s10, s6, $0xb8;
	[tilespmem:$0x14820] =	vst v63  }
0x51f: {  	s23 =	sld [smem:$0x7CF];
	s10 =	simm.s32 $0x6220  }
0x520: {  	[tilespmem:s10], [sflag:$0x1] =	stream.indirect.gather [hbm4b:s3+s6], $0x20, s17, s6, $0xb8;
	[tilespmem:$0x14820] =	vst v63  }
0x521: {  	s5 =	simm.s32 $0x6C20;
	s17 =	sld [smem:$0x7D0]  }
0x522: {  	[tilespmem:s5], [sflag:$0x1] =	stream.indirect.gather [hbm4b:s3+s6], $0x20, s23, s6, $0xb8;
	[tilespmem:$0x14820] =	vst v63  }
0x523: {  	s20 =	sld [smem:$0x7D1]  }
0x524: {  	[tilespmem:s13], [sflag:$0x1] =	stream.indirect.gather [hbm4b:s3+s6], $0x20, s17, s6, $0xb8;
	[tilespmem:$0x14820] =	vst v63  }
0x525: {  	s10 =	simm.s32 $0x8020;
	s23 =	sld [smem:$0x7D2]  }
0x526: {  	[tilespmem:s10], [sflag:$0x1] =	stream.indirect.gather [hbm4b:s3+s6], $0x20, s20, s6, $0xb8;
	[tilespmem:$0x14820] =	vst v63  }
0x527: {  	s17 =	sld [smem:$0x7D3];
	s20 =	simm.s32 $0x8A20  }
0x528: {  	[tilespmem:s20], [sflag:$0x1] =	stream.indirect.gather [hbm4b:s3+s6], $0x20, s23, s6, $0xb8;
	[tilespmem:$0x14820] =	vst v63  }
0x529: {  	s30 =	simm.s32 $0x9420;
	s23 =	sld [smem:$0x7D4]  }
0x52a: {  	[tilespmem:s30], [sflag:$0x1] =	stream.indirect.gather [hbm4b:s3+s6], $0x20, s17, s6, $0xb8;
	[tilespmem:$0x14820] =	vst v63  }
0x52b: {  	s25 =	simm.s32 $0x9E20;
	s2 =	sld [smem:$0x7D5]  }
0x52c: {  	[tilespmem:s25], [sflag:$0x1] =	stream.indirect.gather [hbm4b:s3+s6], $0x20, s23, s6, $0xb8;
	[tilespmem:$0x14820] =	vst v63  }
0x52d: {  	s22 =	simm.s32 $0xA820;
	s17 =	sld [smem:$0x7D6]  }
0x52e: {  	[tilespmem:s22], [sflag:$0x1] =	stream.indirect.gather [hbm4b:s3+s6], $0x20, s2, s6, $0xb8;
	[tilespmem:$0x14820] =	vst v63  }
0x52f: {  	s24 =	simm.s32 $0xB220;
	s22 =	sld [smem:$0x7D7]  }
0x530: {  	[tilespmem:s24], [sflag:$0x1] =	stream.indirect.gather [hbm4b:s3+s6], $0x20, s17, s6, $0xb8;
	[tilespmem:$0x14820] =	vst v63  }
0x531: {  	s31 =	simm.s32 $0xBC20;
	s30 =	sld [smem:$0x7D8]  }
0x532: {  	[tilespmem:s31], [sflag:$0x1] =	stream.indirect.gather [hbm4b:s3+s6], $0x20, s22, s6, $0xb8;
	[tilespmem:$0x14820] =	vst v63  }
0x533: {  	s7 =	simm.s32 $0xC620;
	s2 =	sld [smem:$0x7D9]  }
0x534: {  	[tilespmem:s7], [sflag:$0x1] =	stream.indirect.gather [hbm4b:s3+s6], $0x20, s30, s6, $0xb8;
	[tilespmem:$0x14820] =	vst v63  }
0x535: {  	s26 =	simm.s32 $0xD020;
	s22 =	sld [smem:$0x7DA]  }
0x536: {  	[tilespmem:s26], [sflag:$0x1] =	stream.indirect.gather [hbm4b:s3+s6], $0x20, s2, s6, $0xb8;
	[tilespmem:$0x14820] =	vst v63  }
0x537: {  	s31 =	simm.s32 $0xDA20;
	s26 =	sld [smem:$0x7DB]  }
0x538: {  	[tilespmem:s31], [sflag:$0x1] =	stream.indirect.gather [hbm4b:s3+s6], $0x20, s22, s6, $0xb8;
	[tilespmem:$0x14820] =	vst v63  }
0x539: {  	s14 =	simm.s32 $0xE420;
	s2 =	sld [smem:$0x7DC]  }
0x53a: {  	[tilespmem:s14], [sflag:$0x1] =	stream.indirect.gather [hbm4b:s3+s6], $0x20, s26, s6, $0xb8;
	[tilespmem:$0x14820] =	vst v63  }
0x53b: {  	s28 =	simm.s32 $0xEE20;
	s14 =	sld [smem:$0x7DD]  }
0x53c: {  	[tilespmem:s28], [sflag:$0x1] =	stream.indirect.gather [hbm4b:s3+s6], $0x20, s2, s6, $0xb8;
	[tilespmem:$0x14820] =	vst v63  }
0x53d: {  	s29 =	simm.s32 $0xF820;
	s22 =	sld [smem:$0x7DE]  }
0x53e: {  	[tilespmem:s29], [sflag:$0x1] =	stream.indirect.gather [hbm4b:s3+s6], $0x20, s14, s6, $0xb8;
	[tilespmem:$0x14820] =	vst v63  }
0x53f: {  	s16 =	simm.s32 $0x10220;
	s29 =	sld [smem:$0x7DF]  }
0x540: {  	[tilespmem:s16], [sflag:$0x1] =	stream.indirect.gather [hbm4b:s3+s6], $0x20, s22, s6, $0xb8;
	[tilespmem:$0x14820] =	vst v63  }
0x541: {  	s18 =	simm.s32 $0x10C20;
	s2 =	sld [smem:$0x7E0]  }
0x542: {  	[tilespmem:s18], [sflag:$0x1] =	stream.indirect.gather [hbm4b:s3+s6], $0x20, s29, s6, $0xb8;
	[tilespmem:$0x14820] =	vst v63  }
0x543: {  	s9 =	sld [smem:$0x7E1];
	s14 =	simm.s32 $0x11620  }
0x544: {  	[tilespmem:s14], [sflag:$0x1] =	stream.indirect.gather [hbm4b:s3+s6], $0x20, s2, s6, $0xb8;
	[tilespmem:$0x14820] =	vst v63  }
0x545: {  	s18 =	sld [smem:$0x7E2];
	s2 =	simm.s32 $0x12020  }
0x546: {  	[tilespmem:s2], [sflag:$0x1] =	stream.indirect.gather [hbm4b:s3+s6], $0x20, s9, s6, $0xb8;
	[tilespmem:$0x14820] =	vst v63  }
0x547: {  	s19 =	simm.s32 $0x12A20;
	s14 =	sld [smem:$0x7E3]  }
0x548: {  	[tilespmem:s19], [sflag:$0x1] =	stream.indirect.gather [hbm4b:s3+s6], $0x20, s18, s6, $0xb8;
	[tilespmem:$0x14820] =	vst v63  }
0x549: {  	s11 =	simm.s32 $0x13420;
	s19 =	sld [smem:$0x7E4]  }
0x54a: {  	[tilespmem:s11], [sflag:$0x1] =	stream.indirect.gather [hbm4b:s3+s6], $0x20, s14, s6, $0xb8;
	[tilespmem:$0x14820] =	vst v63  }
0x54b: {  	s12 =	simm.s32 $0x13E20  }
0x54c: {  	[tilespmem:s12], [sflag:$0x1] =	stream.indirect.gather [hbm4b:s3+s6], $0x20, s19, s6, $0xb8;
	[tilespmem:$0x14820] =	vst v63  }
0x54d: {  	_ =	swait.ge [sflag:s15], $0xFA00  }
0x54e: {  	[sflag:s15] =	ssyncset.done $0x0  }
0x54f: {  	s21 =	simm.s32 $0x0;
	s19 =	rddreg [dreg:$0xc];
	[sflag:s15] =	ssyncadd.s32 $0xFFFF0600  }
0x550: {  	[hbm4b:s19+s21] =	stream.linear.scatter [tilespmem:s1], [sflag:$0x2], $0xFA00, $0x38;
	[tilespmem:$0x14820] =	vst v63  }
0x551: {  	_ =	swait.ge [sflag:s4], $0xFA00  }
0x552: {  	s9 =	sld [smem:$0x7E5]  }
0x553: {  	[sflag:s4] =	ssyncset.done $0x0  }
0x554: {  	s19 =	sld [smem:$0x7E6];
	[sflag:s4] =	ssyncadd.s32 $0xFFFF0600  }
0x555: {  	[tilespmem:s1], [sflag:$0x1] =	stream.indirect.gather [hbm4b:s3+s6], $0x20, s9, s6, $0xb8;
	[tilespmem:$0x14820] =	vst v63  }
0x556: {  	s21 =	simm.s32 $0x5820;
	s8 =	sld [smem:$0x7E7]  }
0x557: {  	[tilespmem:s21], [sflag:$0x1] =	stream.indirect.gather [hbm4b:s3+s6], $0x20, s19, s6, $0xb8;
	[tilespmem:$0x14820] =	vst v63  }
0x558: {  	s1 =	simm.s32 $0x6220;
	s19 =	sld [smem:$0x7E8]  }
0x559: {  	[tilespmem:s1], [sflag:$0x1] =	stream.indirect.gather [hbm4b:s3+s6], $0x20, s8, s6, $0xb8;
	[tilespmem:$0x14820] =	vst v63  }
0x55a: {  	s21 =	sld [smem:$0x7E9]  }
0x55b: {  	[tilespmem:s5], [sflag:$0x1] =	stream.indirect.gather [hbm4b:s3+s6], $0x20, s19, s6, $0xb8;
	[tilespmem:$0x14820] =	vst v63  }
0x55c: {  	s5 =	sld [smem:$0x7EA]  }
0x55d: {  	[tilespmem:s13], [sflag:$0x1] =	stream.indirect.gather [hbm4b:s3+s6], $0x20, s21, s6, $0xb8;
	[tilespmem:$0x14820] =	vst v63  }
0x55e: {  	s8 =	sld [smem:$0x7EB];
	s19 =	simm.s32 $0x8020  }
0x55f: {  	[tilespmem:s19], [sflag:$0x1] =	stream.indirect.gather [hbm4b:s3+s6], $0x20, s5, s6, $0xb8;
	[tilespmem:$0x14820] =	vst v63  }
0x560: {  	s21 =	sld [smem:$0x7EC];
	s13 =	simm.s32 $0x8A20  }
0x561: {  	[tilespmem:s13], [sflag:$0x1] =	stream.indirect.gather [hbm4b:s3+s6], $0x20, s8, s6, $0xb8;
	[tilespmem:$0x14820] =	vst v63  }
0x562: {  	s10 =	simm.s32 $0x9420;
	s19 =	sld [smem:$0x7ED]  }
0x563: {  	[tilespmem:s10], [sflag:$0x1] =	stream.indirect.gather [hbm4b:s3+s6], $0x20, s21, s6, $0xb8;
	[tilespmem:$0x14820] =	vst v63  }
0x564: {  	s23 =	simm.s32 $0x9E20;
	s21 =	sld [smem:$0x7EE]  }
0x565: {  	[tilespmem:s23], [sflag:$0x1] =	stream.indirect.gather [hbm4b:s3+s6], $0x20, s19, s6, $0xb8;
	[tilespmem:$0x14820] =	vst v63  }
0x566: {  	s20 =	simm.s32 $0xA820;
	s23 =	sld [smem:$0x7EF]  }
0x567: {  	[tilespmem:s20], [sflag:$0x1] =	stream.indirect.gather [hbm4b:s3+s6], $0x20, s21, s6, $0xb8;
	[tilespmem:$0x14820] =	vst v63  }
0x568: {  	s25 =	simm.s32 $0xB220;
	s5 =	sld [smem:$0x7F0]  }
0x569: {  	[tilespmem:s25], [sflag:$0x1] =	stream.indirect.gather [hbm4b:s3+s6], $0x20, s23, s6, $0xb8;
	[tilespmem:$0x14820] =	vst v63  }
0x56a: {  	s24 =	simm.s32 $0xBC20;
	s10 =	sld [smem:$0x7F1]  }
0x56b: {  	[tilespmem:s24], [sflag:$0x1] =	stream.indirect.gather [hbm4b:s3+s6], $0x20, s5, s6, $0xb8;
	[tilespmem:$0x14820] =	vst v63  }
0x56c: {  	s17 =	simm.s32 $0xC620;
	s13 =	sld [smem:$0x7F2]  }
0x56d: {  	[tilespmem:s17], [sflag:$0x1] =	stream.indirect.gather [hbm4b:s3+s6], $0x20, s10, s6, $0xb8;
	[tilespmem:$0x14820] =	vst v63  }
0x56e: {  	s30 =	simm.s32 $0xD020;
	s17 =	sld [smem:$0x7F3]  }
0x56f: {  	[tilespmem:s30], [sflag:$0x1] =	stream.indirect.gather [hbm4b:s3+s6], $0x20, s13, s6, $0xb8;
	[tilespmem:$0x14820] =	vst v63  }
0x570: {  	s31 =	simm.s32 $0xDA20;
	s19 =	sld [smem:$0x7F4]  }
0x571: {  	[tilespmem:s31], [sflag:$0x1] =	stream.indirect.gather [hbm4b:s3+s6], $0x20, s17, s6, $0xb8;
	[tilespmem:$0x14820] =	vst v63  }
0x572: {  	s7 =	simm.s32 $0xE420;
	s20 =	sld [smem:$0x7F5]  }
0x573: {  	[tilespmem:s7], [sflag:$0x1] =	stream.indirect.gather [hbm4b:s3+s6], $0x20, s19, s6, $0xb8;
	[tilespmem:$0x14820] =	vst v63  }
0x574: {  	s26 =	simm.s32 $0xEE20;
	s21 =	sld [smem:$0x7F6]  }
0x575: {  	[tilespmem:s26], [sflag:$0x1] =	stream.indirect.gather [hbm4b:s3+s6], $0x20, s20, s6, $0xb8;
	[tilespmem:$0x14820] =	vst v63  }
0x576: {  	s28 =	simm.s32 $0xF820;
	s23 =	sld [smem:$0x7F7]  }
0x577: {  	[tilespmem:s28], [sflag:$0x1] =	stream.indirect.gather [hbm4b:s3+s6], $0x20, s21, s6, $0xb8;
	[tilespmem:$0x14820] =	vst v63  }
0x578: {  	s22 =	simm.s32 $0x10220;
	s24 =	sld [smem:$0x7F8]  }
0x579: {  	[tilespmem:s22], [sflag:$0x1] =	stream.indirect.gather [hbm4b:s3+s6], $0x20, s23, s6, $0xb8;
	[tilespmem:$0x14820] =	vst v63  }
0x57a: {  	s16 =	simm.s32 $0x10C20;
	s25 =	sld [smem:$0x7F9]  }
0x57b: {  	[tilespmem:s16], [sflag:$0x1] =	stream.indirect.gather [hbm4b:s3+s6], $0x20, s24, s6, $0xb8;
	[tilespmem:$0x14820] =	vst v63  }
0x57c: {  	s29 =	simm.s32 $0x11620;
	s26 =	sld [smem:$0x7FA]  }
0x57d: {  	[tilespmem:s29], [sflag:$0x1] =	stream.indirect.gather [hbm4b:s3+s6], $0x20, s25, s6, $0xb8;
	[tilespmem:$0x14820] =	vst v63  }
0x57e: {  	s28 =	sld [smem:$0x7FB]  }
0x57f: {  	[tilespmem:s2], [sflag:$0x1] =	stream.indirect.gather [hbm4b:s3+s6], $0x20, s26, s6, $0xb8;
	[tilespmem:$0x14820] =	vst v63  }
0x580: {  	s18 =	simm.s32 $0x12A20;
	s29 =	sld [smem:$0x7FC]  }
0x581: {  	[tilespmem:s18], [sflag:$0x1] =	stream.indirect.gather [hbm4b:s3+s6], $0x20, s28, s6, $0xb8;
	[tilespmem:$0x14820] =	vst v63  }
0x582: {  	s14 =	simm.s32 $0x13420;
	s30 =	sld [smem:$0x7FD]  }
0x583: {  	[tilespmem:s14], [sflag:$0x1] =	stream.indirect.gather [hbm4b:s3+s6], $0x20, s29, s6, $0xb8;
	[tilespmem:$0x14820] =	vst v63  }
0x584: {  	s11 =	simm.s32 $0x13E20  }
0x585: {  	[tilespmem:s11], [sflag:$0x1] =	stream.indirect.gather [hbm4b:s3+s6], $0x20, s30, s6, $0xb8;
	[tilespmem:$0x14820] =	vst v63  }
0x586: {  	s2 =	sld [smem:$0x717];
	_ =	swait.ge [sflag:s15], $0xFA00  }
.Ltmp2:
0x587: {  	s12 =	simm.s32 $0x0;
	[sflag:s15] =	ssyncset.done $0x0;
	(pc) =	sbr.rel @p1 .LBB2_2-.Ltmp2, $4  }
0x588: {  	s5 =	simm.s32 $0x4E20;
	s31 =	rddreg [dreg:$0xd];
	[sflag:s15] =	ssyncadd.s32 $0xFFFF0600  }
0x589: {  	[hbm4b:s31+s12] =	stream.linear.scatter [tilespmem:s5], [sflag:$0x2], $0xFA00, $0x38;
	[tilespmem:$0x14820] =	vst v63  }
0x58a: {  	_ =	swait.ge [sflag:s4], $0xFA00  }
0x58b: {  	s9 =	simm.s32 $0x5820;
	s8 =	rddreg [dreg:$0x2];
	[sflag:s4] =	ssyncset.done $0x0  }
.LBB2_3:
0x58c: {  	[sflag:s4] =	ssyncadd.s32 @p0 $0xFFFF0600;
	s10 =	simm.s32 $0x0  }
0x58d: {  	[tilespmem:s10], [sflag:$0x2] =	stream.linear.gather [hbm4b:s8+s10], $0x2710, $0x38;
	[tilespmem:$0x14820] =	vst v63  }
0x58e: {  	_ =	swait.ge [sflag:s4], $0x2710  }
0x58f: {  	[sflag:s4] =	ssyncset.done $0x0  }
0x590: {  	s2 =	simm.s32 $0x2710;
	s7 =	rddreg [dreg:$0x3];
	[sflag:s4] =	ssyncadd.s32 $0xFFFFD8F0  }
0x591: {  	[tilespmem:s2], [sflag:$0x2] =	stream.linear.gather [hbm4b:s7+s10], $0x2710, $0x38;
	[tilespmem:$0x14820] =	vst v63  }
0x592: {  	_ =	swait.ge [sflag:s4], $0x2710  }
0x593: {  	[sflag:s4] =	ssyncset.done $0x0  }
0x594: {  	[sflag:s4] =	ssyncadd.s32 $0xFFFFD8F0  }
0x595: {  	[tilespmem:s5], [sflag:$0x1] =	stream.indirect.gather [hbm4b:s0+s6], $0x20, s10, s6, $0xb8;
	[tilespmem:$0x14820] =	vst v63  }
0x596: {  	s13 =	rddreg [dreg:$0xe]  }
0x597: {  	[tilespmem:s9], [sflag:$0x1] =	stream.indirect.gather [hbm4b:s0+s6], $0x20, s6, s6, $0xb8;
	[tilespmem:$0x14820] =	vst v63  }
0x598: {  	s14 =	rddreg [dreg:$0xf]  }
0x599: {  	[tilespmem:s1], [sflag:$0x1] =	stream.indirect.gather [hbm4b:s0+s6], $0x20, s13, s6, $0xb8;
	[tilespmem:$0x14820] =	vst v63  }
0x59a: {  	s17 =	simm.s32 $0x6C20;
	s16 =	rddreg [dreg:$0x10]  }
0x59b: {  	[tilespmem:s17], [sflag:$0x1] =	stream.indirect.gather [hbm4b:s0+s6], $0x20, s14, s6, $0xb8;
	[tilespmem:$0x14820] =	vst v63  }
0x59c: {  	s19 =	simm.s32 $0x7620;
	s18 =	rddreg [dreg:$0x11]  }
0x59d: {  	[tilespmem:s19], [sflag:$0x1] =	stream.indirect.gather [hbm4b:s0+s6], $0x20, s16, s6, $0xb8;
	[tilespmem:$0x14820] =	vst v63  }
0x59e: {  	s21 =	simm.s32 $0x8020;
	s20 =	rddreg [dreg:$0x12]  }
0x59f: {  	[tilespmem:s21], [sflag:$0x1] =	stream.indirect.gather [hbm4b:s0+s6], $0x20, s18, s6, $0xb8;
	[tilespmem:$0x14820] =	vst v63  }
0x5a0: {  	s23 =	simm.s32 $0x8A20;
	s22 =	rddreg [dreg:$0x13]  }
0x5a1: {  	[tilespmem:s23], [sflag:$0x1] =	stream.indirect.gather [hbm4b:s0+s6], $0x20, s20, s6, $0xb8;
	[tilespmem:$0x14820] =	vst v63  }
0x5a2: {  	s25 =	simm.s32 $0x9420;
	s24 =	rddreg [dreg:$0x14]  }
0x5a3: {  	[tilespmem:s25], [sflag:$0x1] =	stream.indirect.gather [hbm4b:s0+s6], $0x20, s22, s6, $0xb8;
	[tilespmem:$0x14820] =	vst v63  }
0x5a4: {  	s28 =	simm.s32 $0x9E20;
	s26 =	rddreg [dreg:$0x15]  }
0x5a5: {  	[tilespmem:s28], [sflag:$0x1] =	stream.indirect.gather [hbm4b:s0+s6], $0x20, s24, s6, $0xb8;
	[tilespmem:$0x14820] =	vst v63  }
0x5a6: {  	s30 =	simm.s32 $0xA820;
	s29 =	rddreg [dreg:$0x16]  }
0x5a7: {  	[tilespmem:s30], [sflag:$0x1] =	stream.indirect.gather [hbm4b:s0+s6], $0x20, s26, s6, $0xb8;
	[tilespmem:$0x14820] =	vst v63  }
0x5a8: {  	s31 =	rddreg [dreg:$0x17];
	s10 =	simm.s32 $0xB220  }
0x5a9: {  	[tilespmem:s10], [sflag:$0x1] =	stream.indirect.gather [hbm4b:s0+s6], $0x20, s29, s6, $0xb8;
	[tilespmem:$0x14820] =	vst v63  }
0x5aa: {  	s13 =	rddreg [dreg:$0x18];
	s14 =	simm.s32 $0xBC20  }
0x5ab: {  	[tilespmem:s14], [sflag:$0x1] =	stream.indirect.gather [hbm4b:s0+s6], $0x20, s31, s6, $0xb8;
	[tilespmem:$0x14820] =	vst v63  }
0x5ac: {  	s16 =	rddreg [dreg:$0x19];
	s18 =	simm.s32 $0xC620  }
0x5ad: {  	[tilespmem:s18], [sflag:$0x1] =	stream.indirect.gather [hbm4b:s0+s6], $0x20, s13, s6, $0xb8;
	[tilespmem:$0x14820] =	vst v63  }
0x5ae: {  	s20 =	rddreg [dreg:$0x1a];
	s22 =	simm.s32 $0xD020  }
0x5af: {  	[tilespmem:s22], [sflag:$0x1] =	stream.indirect.gather [hbm4b:s0+s6], $0x20, s16, s6, $0xb8;
	[tilespmem:$0x14820] =	vst v63  }
0x5b0: {  	s23 =	rddreg [dreg:$0x1b];
	s24 =	simm.s32 $0xDA20  }
0x5b1: {  	[tilespmem:s24], [sflag:$0x1] =	stream.indirect.gather [hbm4b:s0+s6], $0x20, s20, s6, $0xb8;
	[tilespmem:$0x14820] =	vst v63  }
0x5b2: {  	s25 =	rddreg [dreg:$0x1c];
	s26 =	simm.s32 $0xE420  }
0x5b3: {  	[tilespmem:s26], [sflag:$0x1] =	stream.indirect.gather [hbm4b:s0+s6], $0x20, s23, s6, $0xb8;
	[tilespmem:$0x14820] =	vst v63  }
0x5b4: {  	s28 =	rddreg [dreg:$0x1d];
	s29 =	simm.s32 $0xEE20  }
0x5b5: {  	[tilespmem:s29], [sflag:$0x1] =	stream.indirect.gather [hbm4b:s0+s6], $0x20, s25, s6, $0xb8;
	[tilespmem:$0x14820] =	vst v63  }
0x5b6: {  	s30 =	rddreg [dreg:$0x1e];
	s31 =	simm.s32 $0xF820  }
0x5b7: {  	[tilespmem:s31], [sflag:$0x1] =	stream.indirect.gather [hbm4b:s0+s6], $0x20, s28, s6, $0xb8;
	[tilespmem:$0x14820] =	vst v63  }
0x5b8: {  	s14 =	sld [smem:$0x719];
	s18 =	simm.s32 $0x10220  }
0x5b9: {  	[tilespmem:s18], [sflag:$0x1] =	stream.indirect.gather [hbm4b:s0+s6], $0x20, s30, s6, $0xb8;
	[tilespmem:$0x14820] =	vst v63  }
0x5ba: {  	s13 =	rddreg [dreg:$0x1f];
	s16 =	simm.s32 $0x10C20  }
0x5bb: {  	[tilespmem:s16], [sflag:$0x1] =	stream.indirect.gather [hbm4b:s0+s6], $0x20, s13, s6, $0xb8;
	[tilespmem:$0x14820] =	vst v63  }
0x5bc: {  	s22 =	sld [smem:$0x71A];
	s23 =	simm.s32 $0x11620  }
0x5bd: {  	[tilespmem:s23], [sflag:$0x1] =	stream.indirect.gather [hbm4b:s0+s6], $0x20, s14, s6, $0xb8;
	[tilespmem:$0x14820] =	vst v63  }
0x5be: {  	s24 =	sld [smem:$0x71B];
	s25 =	simm.s32 $0x12020  }
0x5bf: {  	[tilespmem:s25], [sflag:$0x1] =	stream.indirect.gather [hbm4b:s0+s6], $0x20, s22, s6, $0xb8;
	[tilespmem:$0x14820] =	vst v63  }
0x5c0: {  	s29 =	simm.s32 $0x12A20;
	s28 =	sld [smem:$0x71C]  }
0x5c1: {  	[tilespmem:s29], [sflag:$0x1] =	stream.indirect.gather [hbm4b:s0+s6], $0x20, s24, s6, $0xb8;
	[tilespmem:$0x14820] =	vst v63  }
0x5c2: {  	s31 =	simm.s32 $0x13420;
	s30 =	sld [smem:$0x71D]  }
0x5c3: {  	[tilespmem:s31], [sflag:$0x1] =	stream.indirect.gather [hbm4b:s0+s6], $0x20, s28, s6, $0xb8;
	[tilespmem:$0x14820] =	vst v63  }
0x5c4: {  	s13 =	simm.s32 $0x13E20  }
0x5c5: {  	[tilespmem:s13], [sflag:$0x1] =	stream.indirect.gather [hbm4b:s0+s6], $0x20, s30, s6, $0xb8;
	[tilespmem:$0x14820] =	vst v63  }
0x5c6: {  	_ =	swait.ge [sflag:s15], $0xFA00  }
0x5c7: {  	[sflag:s15] =	ssyncset.done $0x0  }
0x5c8: {  	s12 =	simm.s32 $0x0;
	s14 =	rddreg [dreg:$0x4];
	[sflag:s15] =	ssyncadd.s32 $0xFFFF0600  }
0x5c9: {  	[hbm4b:s14+s12] =	stream.linear.scatter [tilespmem:s5], [sflag:$0x2], $0xFA00, $0x38;
	[tilespmem:$0x14820] =	vst v63  }
0x5ca: {  	_ =	swait.ge [sflag:s4], $0xFA00  }
0x5cb: {  	s16 =	sld [smem:$0x71E]  }
0x5cc: {  	[sflag:s4] =	ssyncset.done $0x0  }
0x5cd: {  	s18 =	sld [smem:$0x71F];
	[sflag:s4] =	ssyncadd.s32 $0xFFFF0600  }
0x5ce: {  	[tilespmem:s5], [sflag:$0x1] =	stream.indirect.gather [hbm4b:s0+s6], $0x20, s16, s6, $0xb8;
	[tilespmem:$0x14820] =	vst v63  }
0x5cf: {  	s22 =	sld [smem:$0x720]  }
0x5d0: {  	[tilespmem:s9], [sflag:$0x1] =	stream.indirect.gather [hbm4b:s0+s6], $0x20, s18, s6, $0xb8;
	[tilespmem:$0x14820] =	vst v63  }
0x5d1: {  	s8 =	sld [smem:$0x721]  }
0x5d2: {  	[tilespmem:s1], [sflag:$0x1] =	stream.indirect.gather [hbm4b:s0+s6], $0x20, s22, s6, $0xb8;
	[tilespmem:$0x14820] =	vst v63  }
0x5d3: {  	s11 =	simm.s32 $0x6C20;
	s23 =	sld [smem:$0x722]  }
0x5d4: {  	[tilespmem:s11], [sflag:$0x1] =	stream.indirect.gather [hbm4b:s0+s6], $0x20, s8, s6, $0xb8;
	[tilespmem:$0x14820] =	vst v63  }
0x5d5: {  	s25 =	sld [smem:$0x723];
	s11 =	simm.s32 $0x7620  }
0x5d6: {  	[tilespmem:s11], [sflag:$0x1] =	stream.indirect.gather [hbm4b:s0+s6], $0x20, s23, s6, $0xb8;
	[tilespmem:$0x14820] =	vst v63  }
0x5d7: {  	s13 =	simm.s32 $0x8020;
	s28 =	sld [smem:$0x724]  }
0x5d8: {  	[tilespmem:s13], [sflag:$0x1] =	stream.indirect.gather [hbm4b:s0+s6], $0x20, s25, s6, $0xb8;
	[tilespmem:$0x14820] =	vst v63  }
0x5d9: {  	s12 =	simm.s32 $0x8A20;
	s29 =	sld [smem:$0x725]  }
0x5da: {  	[tilespmem:s12], [sflag:$0x1] =	stream.indirect.gather [hbm4b:s0+s6], $0x20, s28, s6, $0xb8;
	[tilespmem:$0x14820] =	vst v63  }
0x5db: {  	s16 =	simm.s32 $0x9420;
	s30 =	sld [smem:$0x726]  }
0x5dc: {  	[tilespmem:s16], [sflag:$0x1] =	stream.indirect.gather [hbm4b:s0+s6], $0x20, s29, s6, $0xb8;
	[tilespmem:$0x14820] =	vst v63  }
0x5dd: {  	s14 =	simm.s32 $0x9E20;
	s31 =	sld [smem:$0x727]  }
0x5de: {  	[tilespmem:s14], [sflag:$0x1] =	stream.indirect.gather [hbm4b:s0+s6], $0x20, s30, s6, $0xb8;
	[tilespmem:$0x14820] =	vst v63  }
0x5df: {  	s17 =	simm.s32 $0xA820;
	s2 =	sld [smem:$0x728]  }
0x5e0: {  	[tilespmem:s17], [sflag:$0x1] =	stream.indirect.gather [hbm4b:s0+s6], $0x20, s31, s6, $0xb8;
	[tilespmem:$0x14820] =	vst v63  }
0x5e1: {  	s19 =	simm.s32 $0xB220;
	s17 =	sld [smem:$0x729]  }
0x5e2: {  	[tilespmem:s19], [sflag:$0x1] =	stream.indirect.gather [hbm4b:s0+s6], $0x20, s2, s6, $0xb8;
	[tilespmem:$0x14820] =	vst v63  }
0x5e3: {  	s10 =	simm.s32 $0xBC20;
	s18 =	sld [smem:$0x72A]  }
0x5e4: {  	[tilespmem:s10], [sflag:$0x1] =	stream.indirect.gather [hbm4b:s0+s6], $0x20, s17, s6, $0xb8;
	[tilespmem:$0x14820] =	vst v63  }
0x5e5: {  	s19 =	sld [smem:$0x72B];
	s10 =	simm.s32 $0xC620  }
0x5e6: {  	[tilespmem:s10], [sflag:$0x1] =	stream.indirect.gather [hbm4b:s0+s6], $0x20, s18, s6, $0xb8;
	[tilespmem:$0x14820] =	vst v63  }
0x5e7: {  	s21 =	simm.s32 $0xD020;
	s22 =	sld [smem:$0x72C]  }
0x5e8: {  	[tilespmem:s21], [sflag:$0x1] =	stream.indirect.gather [hbm4b:s0+s6], $0x20, s19, s6, $0xb8;
	[tilespmem:$0x14820] =	vst v63  }
0x5e9: {  	s23 =	sld [smem:$0x72D];
	s19 =	simm.s32 $0xDA20  }
0x5ea: {  	[tilespmem:s19], [sflag:$0x1] =	stream.indirect.gather [hbm4b:s0+s6], $0x20, s22, s6, $0xb8;
	[tilespmem:$0x14820] =	vst v63  }
0x5eb: {  	s28 =	sld [smem:$0x72E];
	s17 =	simm.s32 $0xE420  }
0x5ec: {  	[tilespmem:s17], [sflag:$0x1] =	stream.indirect.gather [hbm4b:s0+s6], $0x20, s23, s6, $0xb8;
	[tilespmem:$0x14820] =	vst v63  }
0x5ed: {  	s20 =	simm.s32 $0xEE20;
	s2 =	sld [smem:$0x72F]  }
0x5ee: {  	[tilespmem:s20], [sflag:$0x1] =	stream.indirect.gather [hbm4b:s0+s6], $0x20, s28, s6, $0xb8;
	[tilespmem:$0x14820] =	vst v63  }
0x5ef: {  	s18 =	simm.s32 $0xF820;
	s21 =	sld [smem:$0x730]  }
0x5f0: {  	[tilespmem:s18], [sflag:$0x1] =	stream.indirect.gather [hbm4b:s0+s6], $0x20, s2, s6, $0xb8;
	[tilespmem:$0x14820] =	vst v63  }
0x5f1: {  	s22 =	sld [smem:$0x731];
	s2 =	simm.s32 $0x10220  }
0x5f2: {  	[tilespmem:s2], [sflag:$0x1] =	stream.indirect.gather [hbm4b:s0+s6], $0x20, s21, s6, $0xb8;
	[tilespmem:$0x14820] =	vst v63  }
0x5f3: {  	s23 =	sld [smem:$0x732];
	s20 =	simm.s32 $0x10C20  }
0x5f4: {  	[tilespmem:s20], [sflag:$0x1] =	stream.indirect.gather [hbm4b:s0+s6], $0x20, s22, s6, $0xb8;
	[tilespmem:$0x14820] =	vst v63  }
0x5f5: {  	s26 =	simm.s32 $0x11620;
	s21 =	sld [smem:$0x733]  }
0x5f6: {  	[tilespmem:s26], [sflag:$0x1] =	stream.indirect.gather [hbm4b:s0+s6], $0x20, s23, s6, $0xb8;
	[tilespmem:$0x14820] =	vst v63  }
0x5f7: {  	s22 =	simm.s32 $0x12020;
	s23 =	sld [smem:$0x734]  }
0x5f8: {  	[tilespmem:s22], [sflag:$0x1] =	stream.indirect.gather [hbm4b:s0+s6], $0x20, s21, s6, $0xb8;
	[tilespmem:$0x14820] =	vst v63  }
0x5f9: {  	s8 =	sld [smem:$0x735];
	s21 =	simm.s32 $0x12A20  }
0x5fa: {  	[tilespmem:s21], [sflag:$0x1] =	stream.indirect.gather [hbm4b:s0+s6], $0x20, s23, s6, $0xb8;
	[tilespmem:$0x14820] =	vst v63  }
0x5fb: {  	s7 =	sld [smem:$0x736];
	s23 =	simm.s32 $0x13420  }
0x5fc: {  	[tilespmem:s23], [sflag:$0x1] =	stream.indirect.gather [hbm4b:s0+s6], $0x20, s8, s6, $0xb8;
	[tilespmem:$0x14820] =	vst v63  }
0x5fd: {  	s24 =	simm.s32 $0x13E20  }
0x5fe: {  	[tilespmem:s24], [sflag:$0x1] =	stream.indirect.gather [hbm4b:s0+s6], $0x20, s7, s6, $0xb8;
	[tilespmem:$0x14820] =	vst v63  }
0x5ff: {  	_ =	swait.ge [sflag:s15], $0xFA00  }
0x600: {  	[sflag:s15] =	ssyncset.done $0x0  }
0x601: {  	s23 =	simm.s32 $0x0;
	s8 =	rddreg [dreg:$0x5];
	[sflag:s15] =	ssyncadd.s32 $0xFFFF0600  }
0x602: {  	[hbm4b:s8+s23] =	stream.linear.scatter [tilespmem:s5], [sflag:$0x2], $0xFA00, $0x38;
	[tilespmem:$0x14820] =	vst v63  }
0x603: {  	_ =	swait.ge [sflag:s4], $0xFA00  }
0x604: {  	s24 =	sld [smem:$0x737]  }
0x605: {  	[sflag:s4] =	ssyncset.done $0x0  }
0x606: {  	s8 =	sld [smem:$0x738];
	[sflag:s4] =	ssyncadd.s32 $0xFFFF0600  }
0x607: {  	[tilespmem:s5], [sflag:$0x1] =	stream.indirect.gather [hbm4b:s0+s6], $0x20, s24, s6, $0xb8;
	[tilespmem:$0x14820] =	vst v63  }
0x608: {  	s24 =	sld [smem:$0x739]  }
0x609: {  	[tilespmem:s9], [sflag:$0x1] =	stream.indirect.gather [hbm4b:s0+s6], $0x20, s8, s6, $0xb8;
	[tilespmem:$0x14820] =	vst v63  }
0x60a: {  	s8 =	sld [smem:$0x73A]  }
0x60b: {  	[tilespmem:s1], [sflag:$0x1] =	stream.indirect.gather [hbm4b:s0+s6], $0x20, s24, s6, $0xb8;
	[tilespmem:$0x14820] =	vst v63  }
0x60c: {  	s7 =	sld [smem:$0x73B];
	s24 =	simm.s32 $0x6C20  }
0x60d: {  	[tilespmem:s24], [sflag:$0x1] =	stream.indirect.gather [hbm4b:s0+s6], $0x20, s8, s6, $0xb8;
	[tilespmem:$0x14820] =	vst v63  }
0x60e: {  	s8 =	sld [smem:$0x73C]  }
0x60f: {  	[tilespmem:s11], [sflag:$0x1] =	stream.indirect.gather [hbm4b:s0+s6], $0x20, s7, s6, $0xb8;
	[tilespmem:$0x14820] =	vst v63  }
0x610: {  	s7 =	sld [smem:$0x73D]  }
0x611: {  	[tilespmem:s13], [sflag:$0x1] =	stream.indirect.gather [hbm4b:s0+s6], $0x20, s8, s6, $0xb8;
	[tilespmem:$0x14820] =	vst v63  }
0x612: {  	s11 =	sld [smem:$0x73E]  }
0x613: {  	[tilespmem:s12], [sflag:$0x1] =	stream.indirect.gather [hbm4b:s0+s6], $0x20, s7, s6, $0xb8;
	[tilespmem:$0x14820] =	vst v63  }
0x614: {  	s12 =	sld [smem:$0x73F]  }
0x615: {  	[tilespmem:s16], [sflag:$0x1] =	stream.indirect.gather [hbm4b:s0+s6], $0x20, s11, s6, $0xb8;
	[tilespmem:$0x14820] =	vst v63  }
0x616: {  	s11 =	sld [smem:$0x740]  }
0x617: {  	[tilespmem:s14], [sflag:$0x1] =	stream.indirect.gather [hbm4b:s0+s6], $0x20, s12, s6, $0xb8;
	[tilespmem:$0x14820] =	vst v63  }
0x618: {  	s25 =	simm.s32 $0xA820;
	s12 =	sld [smem:$0x741]  }
0x619: {  	[tilespmem:s25], [sflag:$0x1] =	stream.indirect.gather [hbm4b:s0+s6], $0x20, s11, s6, $0xb8;
	[tilespmem:$0x14820] =	vst v63  }
0x61a: {  	s29 =	simm.s32 $0xB220;
	s14 =	sld [smem:$0x742]  }
0x61b: {  	[tilespmem:s29], [sflag:$0x1] =	stream.indirect.gather [hbm4b:s0+s6], $0x20, s12, s6, $0xb8;
	[tilespmem:$0x14820] =	vst v63  }
0x61c: {  	s30 =	simm.s32 $0xBC20;
	s25 =	sld [smem:$0x743]  }
0x61d: {  	[tilespmem:s30], [sflag:$0x1] =	stream.indirect.gather [hbm4b:s0+s6], $0x20, s14, s6, $0xb8;
	[tilespmem:$0x14820] =	vst v63  }
0x61e: {  	s30 =	sld [smem:$0x744]  }
0x61f: {  	[tilespmem:s10], [sflag:$0x1] =	stream.indirect.gather [hbm4b:s0+s6], $0x20, s25, s6, $0xb8;
	[tilespmem:$0x14820] =	vst v63  }
0x620: {  	s31 =	simm.s32 $0xD020;
	s10 =	sld [smem:$0x745]  }
0x621: {  	[tilespmem:s31], [sflag:$0x1] =	stream.indirect.gather [hbm4b:s0+s6], $0x20, s30, s6, $0xb8;
	[tilespmem:$0x14820] =	vst v63  }
0x622: {  	s12 =	sld [smem:$0x746]  }
0x623: {  	[tilespmem:s19], [sflag:$0x1] =	stream.indirect.gather [hbm4b:s0+s6], $0x20, s10, s6, $0xb8;
	[tilespmem:$0x14820] =	vst v63  }
0x624: {  	s14 =	sld [smem:$0x747]  }
0x625: {  	[tilespmem:s17], [sflag:$0x1] =	stream.indirect.gather [hbm4b:s0+s6], $0x20, s12, s6, $0xb8;
	[tilespmem:$0x14820] =	vst v63  }
0x626: {  	s28 =	simm.s32 $0xEE20;
	s25 =	sld [smem:$0x748]  }
0x627: {  	[tilespmem:s28], [sflag:$0x1] =	stream.indirect.gather [hbm4b:s0+s6], $0x20, s14, s6, $0xb8;
	[tilespmem:$0x14820] =	vst v63  }
0x628: {  	s30 =	sld [smem:$0x749]  }
0x629: {  	[tilespmem:s18], [sflag:$0x1] =	stream.indirect.gather [hbm4b:s0+s6], $0x20, s25, s6, $0xb8;
	[tilespmem:$0x14820] =	vst v63  }
0x62a: {  	s31 =	sld [smem:$0x74A]  }
0x62b: {  	[tilespmem:s2], [sflag:$0x1] =	stream.indirect.gather [hbm4b:s0+s6], $0x20, s30, s6, $0xb8;
	[tilespmem:$0x14820] =	vst v63  }
0x62c: {  	s10 =	sld [smem:$0x74B]  }
0x62d: {  	[tilespmem:s20], [sflag:$0x1] =	stream.indirect.gather [hbm4b:s0+s6], $0x20, s31, s6, $0xb8;
	[tilespmem:$0x14820] =	vst v63  }
0x62e: {  	s26 =	simm.s32 $0x11620;
	s12 =	sld [smem:$0x74C]  }
0x62f: {  	[tilespmem:s26], [sflag:$0x1] =	stream.indirect.gather [hbm4b:s0+s6], $0x20, s10, s6, $0xb8;
	[tilespmem:$0x14820] =	vst v63  }
0x630: {  	s14 =	sld [smem:$0x74D]  }
0x631: {  	[tilespmem:s22], [sflag:$0x1] =	stream.indirect.gather [hbm4b:s0+s6], $0x20, s12, s6, $0xb8;
	[tilespmem:$0x14820] =	vst v63  }
0x632: {  	s20 =	sld [smem:$0x74E]  }
0x633: {  	[tilespmem:s21], [sflag:$0x1] =	stream.indirect.gather [hbm4b:s0+s6], $0x20, s14, s6, $0xb8;
	[tilespmem:$0x14820] =	vst v63  }
0x634: {  	s31 =	simm.s32 $0x13420;
	s21 =	sld [smem:$0x74F]  }
0x635: {  	[tilespmem:s31], [sflag:$0x1] =	stream.indirect.gather [hbm4b:s0+s6], $0x20, s20, s6, $0xb8;
	[tilespmem:$0x14820] =	vst v63  }
0x636: {  	s2 =	simm.s32 $0x13E20  }
0x637: {  	[tilespmem:s2], [sflag:$0x1] =	stream.indirect.gather [hbm4b:s0+s6], $0x20, s21, s6, $0xb8;
	[tilespmem:$0x14820] =	vst v63  }
0x638: {  	_ =	swait.ge [sflag:s15], $0xFA00  }
0x639: {  	[sflag:s15] =	ssyncset.done $0x0  }
0x63a: {  	s23 =	simm.s32 $0x0;
	s8 =	rddreg [dreg:$0x6];
	[sflag:s15] =	ssyncadd.s32 $0xFFFF0600  }
0x63b: {  	[hbm4b:s8+s23] =	stream.linear.scatter [tilespmem:s5], [sflag:$0x2], $0xFA00, $0x38;
	[tilespmem:$0x14820] =	vst v63  }
0x63c: {  	_ =	swait.ge [sflag:s4], $0xFA00  }
0x63d: {  	s10 =	sld [smem:$0x750]  }
0x63e: {  	[sflag:s4] =	ssyncset.done $0x0  }
0x63f: {  	s14 =	sld [smem:$0x751];
	[sflag:s4] =	ssyncadd.s32 $0xFFFF0600  }
0x640: {  	[tilespmem:s5], [sflag:$0x1] =	stream.indirect.gather [hbm4b:s0+s6], $0x20, s10, s6, $0xb8;
	[tilespmem:$0x14820] =	vst v63  }
0x641: {  	s20 =	sld [smem:$0x752]  }
0x642: {  	[tilespmem:s9], [sflag:$0x1] =	stream.indirect.gather [hbm4b:s0+s6], $0x20, s14, s6, $0xb8;
	[tilespmem:$0x14820] =	vst v63  }
0x643: {  	s21 =	sld [smem:$0x753]  }
0x644: {  	[tilespmem:s1], [sflag:$0x1] =	stream.indirect.gather [hbm4b:s0+s6], $0x20, s20, s6, $0xb8;
	[tilespmem:$0x14820] =	vst v63  }
0x645: {  	s31 =	sld [smem:$0x754];
	s10 =	simm.s32 $0x6C20  }
0x646: {  	[tilespmem:s10], [sflag:$0x1] =	stream.indirect.gather [hbm4b:s0+s6], $0x20, s21, s6, $0xb8;
	[tilespmem:$0x14820] =	vst v63  }
0x647: {  	s24 =	simm.s32 $0x7620;
	s14 =	sld [smem:$0x755]  }
0x648: {  	[tilespmem:s24], [sflag:$0x1] =	stream.indirect.gather [hbm4b:s0+s6], $0x20, s31, s6, $0xb8;
	[tilespmem:$0x14820] =	vst v63  }
0x649: {  	s20 =	sld [smem:$0x756];
	s21 =	simm.s32 $0x8020  }
0x64a: {  	[tilespmem:s21], [sflag:$0x1] =	stream.indirect.gather [hbm4b:s0+s6], $0x20, s14, s6, $0xb8;
	[tilespmem:$0x14820] =	vst v63  }
0x64b: {  	s13 =	simm.s32 $0x8A20;
	s31 =	sld [smem:$0x757]  }
0x64c: {  	[tilespmem:s13], [sflag:$0x1] =	stream.indirect.gather [hbm4b:s0+s6], $0x20, s20, s6, $0xb8;
	[tilespmem:$0x14820] =	vst v63  }
0x64d: {  	s2 =	sld [smem:$0x758];
	s10 =	simm.s32 $0x9420  }
0x64e: {  	[tilespmem:s10], [sflag:$0x1] =	stream.indirect.gather [hbm4b:s0+s6], $0x20, s31, s6, $0xb8;
	[tilespmem:$0x14820] =	vst v63  }
0x64f: {  	s16 =	simm.s32 $0x9E20;
	s21 =	sld [smem:$0x759]  }
0x650: {  	[tilespmem:s16], [sflag:$0x1] =	stream.indirect.gather [hbm4b:s0+s6], $0x20, s2, s6, $0xb8;
	[tilespmem:$0x14820] =	vst v63  }
0x651: {  	s31 =	sld [smem:$0x75A];
	s2 =	simm.s32 $0xA820  }
0x652: {  	[tilespmem:s2], [sflag:$0x1] =	stream.indirect.gather [hbm4b:s0+s6], $0x20, s21, s6, $0xb8;
	[tilespmem:$0x14820] =	vst v63  }
0x653: {  	s29 =	simm.s32 $0xB220;
	s10 =	sld [smem:$0x75B]  }
0x654: {  	[tilespmem:s29], [sflag:$0x1] =	stream.indirect.gather [hbm4b:s0+s6], $0x20, s31, s6, $0xb8;
	[tilespmem:$0x14820] =	vst v63  }
0x655: {  	s7 =	sld [smem:$0x75C];
	s2 =	simm.s32 $0xBC20  }
0x656: {  	[tilespmem:s2], [sflag:$0x1] =	stream.indirect.gather [hbm4b:s0+s6], $0x20, s10, s6, $0xb8;
	[tilespmem:$0x14820] =	vst v63  }
0x657: {  	s11 =	simm.s32 $0xC620;
	s10 =	sld [smem:$0x75D]  }
0x658: {  	[tilespmem:s11], [sflag:$0x1] =	stream.indirect.gather [hbm4b:s0+s6], $0x20, s7, s6, $0xb8;
	[tilespmem:$0x14820] =	vst v63  }
0x659: {  	s2 =	simm.s32 $0xD020;
	s7 =	sld [smem:$0x75E]  }
0x65a: {  	[tilespmem:s2], [sflag:$0x1] =	stream.indirect.gather [hbm4b:s0+s6], $0x20, s10, s6, $0xb8;
	[tilespmem:$0x14820] =	vst v63  }
0x65b: {  	s19 =	simm.s32 $0xDA20;
	s10 =	sld [smem:$0x75F]  }
0x65c: {  	[tilespmem:s19], [sflag:$0x1] =	stream.indirect.gather [hbm4b:s0+s6], $0x20, s7, s6, $0xb8;
	[tilespmem:$0x14820] =	vst v63  }
0x65d: {  	s17 =	simm.s32 $0xE420;
	s7 =	sld [smem:$0x760]  }
0x65e: {  	[tilespmem:s17], [sflag:$0x1] =	stream.indirect.gather [hbm4b:s0+s6], $0x20, s10, s6, $0xb8;
	[tilespmem:$0x14820] =	vst v63  }
0x65f: {  	s28 =	simm.s32 $0xEE20;
	s10 =	sld [smem:$0x761]  }
0x660: {  	[tilespmem:s28], [sflag:$0x1] =	stream.indirect.gather [hbm4b:s0+s6], $0x20, s7, s6, $0xb8;
	[tilespmem:$0x14820] =	vst v63  }
0x661: {  	s18 =	simm.s32 $0xF820;
	s7 =	sld [smem:$0x762]  }
0x662: {  	[tilespmem:s18], [sflag:$0x1] =	stream.indirect.gather [hbm4b:s0+s6], $0x20, s10, s6, $0xb8;
	[tilespmem:$0x14820] =	vst v63  }
0x663: {  	s8 =	sld [smem:$0x763];
	s10 =	simm.s32 $0x10220  }
0x664: {  	[tilespmem:s10], [sflag:$0x1] =	stream.indirect.gather [hbm4b:s0+s6], $0x20, s7, s6, $0xb8;
	[tilespmem:$0x14820] =	vst v63  }
0x665: {  	s25 =	simm.s32 $0x10C20;
	s10 =	sld [smem:$0x764]  }
0x666: {  	[tilespmem:s25], [sflag:$0x1] =	stream.indirect.gather [hbm4b:s0+s6], $0x20, s8, s6, $0xb8;
	[tilespmem:$0x14820] =	vst v63  }
0x667: {  	s26 =	simm.s32 $0x11620;
	s8 =	sld [smem:$0x765]  }
0x668: {  	[tilespmem:s26], [sflag:$0x1] =	stream.indirect.gather [hbm4b:s0+s6], $0x20, s10, s6, $0xb8;
	[tilespmem:$0x14820] =	vst v63  }
0x669: {  	s30 =	simm.s32 $0x12020;
	s10 =	sld [smem:$0x766]  }
0x66a: {  	[tilespmem:s30], [sflag:$0x1] =	stream.indirect.gather [hbm4b:s0+s6], $0x20, s8, s6, $0xb8;
	[tilespmem:$0x14820] =	vst v63  }
0x66b: {  	s22 =	simm.s32 $0x12A20;
	s8 =	sld [smem:$0x767]  }
0x66c: {  	[tilespmem:s22], [sflag:$0x1] =	stream.indirect.gather [hbm4b:s0+s6], $0x20, s10, s6, $0xb8;
	[tilespmem:$0x14820] =	vst v63  }
0x66d: {  	s7 =	sld [smem:$0x768];
	s10 =	simm.s32 $0x13420  }
0x66e: {  	[tilespmem:s10], [sflag:$0x1] =	stream.indirect.gather [hbm4b:s0+s6], $0x20, s8, s6, $0xb8;
	[tilespmem:$0x14820] =	vst v63  }
0x66f: {  	s12 =	simm.s32 $0x13E20  }
0x670: {  	[tilespmem:s12], [sflag:$0x1] =	stream.indirect.gather [hbm4b:s0+s6], $0x20, s7, s6, $0xb8;
	[tilespmem:$0x14820] =	vst v63  }
0x671: {  	_ =	swait.ge [sflag:s15], $0xFA00  }
0x672: {  	[sflag:s15] =	ssyncset.done $0x0  }
0x673: {  	s23 =	simm.s32 $0x0;
	s8 =	rddreg [dreg:$0x7];
	[sflag:s15] =	ssyncadd.s32 $0xFFFF0600  }
0x674: {  	[hbm4b:s8+s23] =	stream.linear.scatter [tilespmem:s5], [sflag:$0x2], $0xFA00, $0x38;
	[tilespmem:$0x14820] =	vst v63  }
0x675: {  	_ =	swait.ge [sflag:s4], $0xFA00  }
0x676: {  	s12 =	sld [smem:$0x769]  }
0x677: {  	[sflag:s4] =	ssyncset.done $0x0  }
0x678: {  	s8 =	sld [smem:$0x76A];
	[sflag:s4] =	ssyncadd.s32 $0xFFFF0600  }
0x679: {  	[tilespmem:s5], [sflag:$0x1] =	stream.indirect.gather [hbm4b:s0+s6], $0x20, s12, s6, $0xb8;
	[tilespmem:$0x14820] =	vst v63  }
0x67a: {  	s12 =	sld [smem:$0x76B]  }
0x67b: {  	[tilespmem:s9], [sflag:$0x1] =	stream.indirect.gather [hbm4b:s0+s6], $0x20, s8, s6, $0xb8;
	[tilespmem:$0x14820] =	vst v63  }
0x67c: {  	s8 =	sld [smem:$0x76C]  }
0x67d: {  	[tilespmem:s1], [sflag:$0x1] =	stream.indirect.gather [hbm4b:s0+s6], $0x20, s12, s6, $0xb8;
	[tilespmem:$0x14820] =	vst v63  }
0x67e: {  	s7 =	sld [smem:$0x76D];
	s12 =	simm.s32 $0x6C20  }
0x67f: {  	[tilespmem:s12], [sflag:$0x1] =	stream.indirect.gather [hbm4b:s0+s6], $0x20, s8, s6, $0xb8;
	[tilespmem:$0x14820] =	vst v63  }
0x680: {  	s24 =	simm.s32 $0x7620;
	s12 =	sld [smem:$0x76E]  }
0x681: {  	[tilespmem:s24], [sflag:$0x1] =	stream.indirect.gather [hbm4b:s0+s6], $0x20, s7, s6, $0xb8;
	[tilespmem:$0x14820] =	vst v63  }
0x682: {  	s14 =	simm.s32 $0x8020;
	s24 =	sld [smem:$0x76F]  }
0x683: {  	[tilespmem:s14], [sflag:$0x1] =	stream.indirect.gather [hbm4b:s0+s6], $0x20, s12, s6, $0xb8;
	[tilespmem:$0x14820] =	vst v63  }
0x684: {  	s13 =	simm.s32 $0x8A20;
	s12 =	sld [smem:$0x770]  }
0x685: {  	[tilespmem:s13], [sflag:$0x1] =	stream.indirect.gather [hbm4b:s0+s6], $0x20, s24, s6, $0xb8;
	[tilespmem:$0x14820] =	vst v63  }
0x686: {  	s20 =	simm.s32 $0x9420;
	s13 =	sld [smem:$0x771]  }
0x687: {  	[tilespmem:s20], [sflag:$0x1] =	stream.indirect.gather [hbm4b:s0+s6], $0x20, s12, s6, $0xb8;
	[tilespmem:$0x14820] =	vst v63  }
0x688: {  	s16 =	simm.s32 $0x9E20;
	s14 =	sld [smem:$0x772]  }
0x689: {  	[tilespmem:s16], [sflag:$0x1] =	stream.indirect.gather [hbm4b:s0+s6], $0x20, s13, s6, $0xb8;
	[tilespmem:$0x14820] =	vst v63  }
0x68a: {  	s21 =	simm.s32 $0xA820;
	s20 =	sld [smem:$0x773]  }
0x68b: {  	[tilespmem:s21], [sflag:$0x1] =	stream.indirect.gather [hbm4b:s0+s6], $0x20, s14, s6, $0xb8;
	[tilespmem:$0x14820] =	vst v63  }
0x68c: {  	s29 =	simm.s32 $0xB220;
	s21 =	sld [smem:$0x774]  }
0x68d: {  	[tilespmem:s29], [sflag:$0x1] =	stream.indirect.gather [hbm4b:s0+s6], $0x20, s20, s6, $0xb8;
	[tilespmem:$0x14820] =	vst v63  }
0x68e: {  	s31 =	simm.s32 $0xBC20;
	s24 =	sld [smem:$0x775]  }
0x68f: {  	[tilespmem:s31], [sflag:$0x1] =	stream.indirect.gather [hbm4b:s0+s6], $0x20, s21, s6, $0xb8;
	[tilespmem:$0x14820] =	vst v63  }
0x690: {  	s11 =	simm.s32 $0xC620;
	s31 =	sld [smem:$0x776]  }
0x691: {  	[tilespmem:s11], [sflag:$0x1] =	stream.indirect.gather [hbm4b:s0+s6], $0x20, s24, s6, $0xb8;
	[tilespmem:$0x14820] =	vst v63  }
0x692: {  	s11 =	sld [smem:$0x777]  }
0x693: {  	[tilespmem:s2], [sflag:$0x1] =	stream.indirect.gather [hbm4b:s0+s6], $0x20, s31, s6, $0xb8;
	[tilespmem:$0x14820] =	vst v63  }
0x694: {  	s19 =	simm.s32 $0xDA20;
	s12 =	sld [smem:$0x778]  }
0x695: {  	[tilespmem:s19], [sflag:$0x1] =	stream.indirect.gather [hbm4b:s0+s6], $0x20, s11, s6, $0xb8;
	[tilespmem:$0x14820] =	vst v63  }
0x696: {  	s17 =	simm.s32 $0xE420;
	s13 =	sld [smem:$0x779]  }
0x697: {  	[tilespmem:s17], [sflag:$0x1] =	stream.indirect.gather [hbm4b:s0+s6], $0x20, s12, s6, $0xb8;
	[tilespmem:$0x14820] =	vst v63  }
0x698: {  	s28 =	simm.s32 $0xEE20;
	s14 =	sld [smem:$0x77A]  }
0x699: {  	[tilespmem:s28], [sflag:$0x1] =	stream.indirect.gather [hbm4b:s0+s6], $0x20, s13, s6, $0xb8;
	[tilespmem:$0x14820] =	vst v63  }
0x69a: {  	s18 =	simm.s32 $0xF820;
	s16 =	sld [smem:$0x77B]  }
0x69b: {  	[tilespmem:s18], [sflag:$0x1] =	stream.indirect.gather [hbm4b:s0+s6], $0x20, s14, s6, $0xb8;
	[tilespmem:$0x14820] =	vst v63  }
0x69c: {  	s20 =	sld [smem:$0x77C];
	s21 =	simm.s32 $0x10220  }
0x69d: {  	[tilespmem:s21], [sflag:$0x1] =	stream.indirect.gather [hbm4b:s0+s6], $0x20, s16, s6, $0xb8;
	[tilespmem:$0x14820] =	vst v63  }
0x69e: {  	s25 =	simm.s32 $0x10C20;
	s24 =	sld [smem:$0x77D]  }
0x69f: {  	[tilespmem:s25], [sflag:$0x1] =	stream.indirect.gather [hbm4b:s0+s6], $0x20, s20, s6, $0xb8;
	[tilespmem:$0x14820] =	vst v63  }
0x6a0: {  	s26 =	simm.s32 $0x11620;
	s25 =	sld [smem:$0x77E]  }
0x6a1: {  	[tilespmem:s26], [sflag:$0x1] =	stream.indirect.gather [hbm4b:s0+s6], $0x20, s24, s6, $0xb8;
	[tilespmem:$0x14820] =	vst v63  }
0x6a2: {  	s30 =	simm.s32 $0x12020;
	s31 =	sld [smem:$0x77F]  }
0x6a3: {  	[tilespmem:s30], [sflag:$0x1] =	stream.indirect.gather [hbm4b:s0+s6], $0x20, s25, s6, $0xb8;
	[tilespmem:$0x14820] =	vst v63  }
0x6a4: {  	s22 =	simm.s32 $0x12A20;
	s11 =	sld [smem:$0x780]  }
0x6a5: {  	[tilespmem:s22], [sflag:$0x1] =	stream.indirect.gather [hbm4b:s0+s6], $0x20, s31, s6, $0xb8;
	[tilespmem:$0x14820] =	vst v63  }
0x6a6: {  	s10 =	simm.s32 $0x13420;
	s12 =	sld [smem:$0x781]  }
0x6a7: {  	[tilespmem:s10], [sflag:$0x1] =	stream.indirect.gather [hbm4b:s0+s6], $0x20, s11, s6, $0xb8;
	[tilespmem:$0x14820] =	vst v63  }
0x6a8: {  	s21 =	simm.s32 $0x13E20  }
0x6a9: {  	[tilespmem:s21], [sflag:$0x1] =	stream.indirect.gather [hbm4b:s0+s6], $0x20, s12, s6, $0xb8;
	[tilespmem:$0x14820] =	vst v63  }
0x6aa: {  	_ =	swait.ge [sflag:s15], $0xFA00  }
0x6ab: {  	[sflag:s15] =	ssyncset.done $0x0  }
0x6ac: {  	s23 =	simm.s32 $0x0;
	s13 =	rddreg [dreg:$0x8];
	[sflag:s15] =	ssyncadd.s32 $0xFFFF0600  }
0x6ad: {  	[hbm4b:s13+s23] =	stream.linear.scatter [tilespmem:s5], [sflag:$0x2], $0xFA00, $0x38;
	[tilespmem:$0x14820] =	vst v63  }
0x6ae: {  	_ =	swait.ge [sflag:s4], $0xFA00  }
0x6af: {  	[sflag:s4] =	ssyncset.done $0x0  }
0x6b0: {  	s16 =	simm.s32 $0x2710;
	s14 =	sld [smem:$0x782];
	[sflag:s4] =	ssyncadd.s32 $0xFFFF0600  }
0x6b1: {  	[tilespmem:s5], [sflag:$0x1] =	stream.indirect.gather [hbm4b:s3+s6], $0x20, s16, s6, $0xb8;
	[tilespmem:$0x14820] =	vst v63  }
0x6b2: {  	s20 =	sld [smem:$0x783]  }
0x6b3: {  	[tilespmem:s9], [sflag:$0x1] =	stream.indirect.gather [hbm4b:s3+s6], $0x20, s14, s6, $0xb8;
	[tilespmem:$0x14820] =	vst v63  }
0x6b4: {  	s22 =	sld [smem:$0x784]  }
0x6b5: {  	[tilespmem:s1], [sflag:$0x1] =	stream.indirect.gather [hbm4b:s3+s6], $0x20, s20, s6, $0xb8;
	[tilespmem:$0x14820] =	vst v63  }
0x6b6: {  	s31 =	simm.s32 $0x6C20;
	s25 =	sld [smem:$0x785]  }
0x6b7: {  	[tilespmem:s31], [sflag:$0x1] =	stream.indirect.gather [hbm4b:s3+s6], $0x20, s22, s6, $0xb8;
	[tilespmem:$0x14820] =	vst v63  }
0x6b8: {  	s11 =	simm.s32 $0x7620;
	s26 =	sld [smem:$0x786]  }
0x6b9: {  	[tilespmem:s11], [sflag:$0x1] =	stream.indirect.gather [hbm4b:s3+s6], $0x20, s25, s6, $0xb8;
	[tilespmem:$0x14820] =	vst v63  }
0x6ba: {  	s13 =	simm.s32 $0x8020;
	s30 =	sld [smem:$0x787]  }
0x6bb: {  	[tilespmem:s13], [sflag:$0x1] =	stream.indirect.gather [hbm4b:s3+s6], $0x20, s26, s6, $0xb8;
	[tilespmem:$0x14820] =	vst v63  }
0x6bc: {  	s12 =	simm.s32 $0x8A20;
	s8 =	sld [smem:$0x788]  }
0x6bd: {  	[tilespmem:s12], [sflag:$0x1] =	stream.indirect.gather [hbm4b:s3+s6], $0x20, s30, s6, $0xb8;
	[tilespmem:$0x14820] =	vst v63  }
0x6be: {  	s10 =	sld [smem:$0x789];
	s16 =	simm.s32 $0x9420  }
0x6bf: {  	[tilespmem:s16], [sflag:$0x1] =	stream.indirect.gather [hbm4b:s3+s6], $0x20, s8, s6, $0xb8;
	[tilespmem:$0x14820] =	vst v63  }
0x6c0: {  	s14 =	simm.s32 $0x9E20;
	s20 =	sld [smem:$0x78A]  }
0x6c1: {  	[tilespmem:s14], [sflag:$0x1] =	stream.indirect.gather [hbm4b:s3+s6], $0x20, s10, s6, $0xb8;
	[tilespmem:$0x14820] =	vst v63  }
0x6c2: {  	s22 =	simm.s32 $0xA820;
	s25 =	sld [smem:$0x78B]  }
0x6c3: {  	[tilespmem:s22], [sflag:$0x1] =	stream.indirect.gather [hbm4b:s3+s6], $0x20, s20, s6, $0xb8;
	[tilespmem:$0x14820] =	vst v63  }
0x6c4: {  	s29 =	simm.s32 $0xB220;
	s26 =	sld [smem:$0x78C]  }
0x6c5: {  	[tilespmem:s29], [sflag:$0x1] =	stream.indirect.gather [hbm4b:s3+s6], $0x20, s25, s6, $0xb8;
	[tilespmem:$0x14820] =	vst v63  }
0x6c6: {  	s30 =	sld [smem:$0x78D];
	s20 =	simm.s32 $0xBC20  }
0x6c7: {  	[tilespmem:s20], [sflag:$0x1] =	stream.indirect.gather [hbm4b:s3+s6], $0x20, s26, s6, $0xb8;
	[tilespmem:$0x14820] =	vst v63  }
0x6c8: {  	s8 =	sld [smem:$0x78E];
	s10 =	simm.s32 $0xC620  }
0x6c9: {  	[tilespmem:s10], [sflag:$0x1] =	stream.indirect.gather [hbm4b:s3+s6], $0x20, s30, s6, $0xb8;
	[tilespmem:$0x14820] =	vst v63  }
0x6ca: {  	s25 =	sld [smem:$0x78F];
	s30 =	simm.s32 $0xD020  }
0x6cb: {  	[tilespmem:s30], [sflag:$0x1] =	stream.indirect.gather [hbm4b:s3+s6], $0x20, s8, s6, $0xb8;
	[tilespmem:$0x14820] =	vst v63  }
0x6cc: {  	s19 =	simm.s32 $0xDA20;
	s26 =	sld [smem:$0x790]  }
0x6cd: {  	[tilespmem:s19], [sflag:$0x1] =	stream.indirect.gather [hbm4b:s3+s6], $0x20, s25, s6, $0xb8;
	[tilespmem:$0x14820] =	vst v63  }
0x6ce: {  	s17 =	simm.s32 $0xE420;
	s8 =	sld [smem:$0x791]  }
0x6cf: {  	[tilespmem:s17], [sflag:$0x1] =	stream.indirect.gather [hbm4b:s3+s6], $0x20, s26, s6, $0xb8;
	[tilespmem:$0x14820] =	vst v63  }
0x6d0: {  	s28 =	simm.s32 $0xEE20;
	s17 =	sld [smem:$0x792]  }
0x6d1: {  	[tilespmem:s28], [sflag:$0x1] =	stream.indirect.gather [hbm4b:s3+s6], $0x20, s8, s6, $0xb8;
	[tilespmem:$0x14820] =	vst v63  }
0x6d2: {  	s18 =	simm.s32 $0xF820;
	s19 =	sld [smem:$0x793]  }
0x6d3: {  	[tilespmem:s18], [sflag:$0x1] =	stream.indirect.gather [hbm4b:s3+s6], $0x20, s17, s6, $0xb8;
	[tilespmem:$0x14820] =	vst v63  }
0x6d4: {  	s2 =	simm.s32 $0x10220;
	s25 =	sld [smem:$0x794]  }
0x6d5: {  	[tilespmem:s2], [sflag:$0x1] =	stream.indirect.gather [hbm4b:s3+s6], $0x20, s19, s6, $0xb8;
	[tilespmem:$0x14820] =	vst v63  }
0x6d6: {  	s8 =	simm.s32 $0x10C20;
	s18 =	sld [smem:$0x795]  }
0x6d7: {  	[tilespmem:s8], [sflag:$0x1] =	stream.indirect.gather [hbm4b:s3+s6], $0x20, s25, s6, $0xb8;
	[tilespmem:$0x14820] =	vst v63  }
0x6d8: {  	s24 =	simm.s32 $0x11620;
	s19 =	sld [smem:$0x796]  }
0x6d9: {  	[tilespmem:s24], [sflag:$0x1] =	stream.indirect.gather [hbm4b:s3+s6], $0x20, s18, s6, $0xb8;
	[tilespmem:$0x14820] =	vst v63  }
0x6da: {  	s2 =	sld [smem:$0x797];
	s25 =	simm.s32 $0x12020  }
0x6db: {  	[tilespmem:s25], [sflag:$0x1] =	stream.indirect.gather [hbm4b:s3+s6], $0x20, s19, s6, $0xb8;
	[tilespmem:$0x14820] =	vst v63  }
0x6dc: {  	s0 =	sld [smem:$0x798];
	s19 =	simm.s32 $0x12A20  }
0x6dd: {  	[tilespmem:s19], [sflag:$0x1] =	stream.indirect.gather [hbm4b:s3+s6], $0x20, s2, s6, $0xb8;
	[tilespmem:$0x14820] =	vst v63  }
0x6de: {  	s18 =	sld [smem:$0x799];
	s2 =	simm.s32 $0x13420  }
0x6df: {  	[tilespmem:s2], [sflag:$0x1] =	stream.indirect.gather [hbm4b:s3+s6], $0x20, s0, s6, $0xb8;
	[tilespmem:$0x14820] =	vst v63  }
0x6e0: {  	_ = 	snop  }
0x6e1: {  	[tilespmem:s21], [sflag:$0x1] =	stream.indirect.gather [hbm4b:s3+s6], $0x20, s18, s6, $0xb8;
	[tilespmem:$0x14820] =	vst v63  }
0x6e2: {  	_ =	swait.ge [sflag:s15], $0xFA00  }
0x6e3: {  	[sflag:s15] =	ssyncset.done $0x0  }
0x6e4: {  	s23 =	simm.s32 $0x0;
	s21 =	rddreg [dreg:$0x9];
	[sflag:s15] =	ssyncadd.s32 $0xFFFF0600  }
0x6e5: {  	[hbm4b:s21+s23] =	stream.linear.scatter [tilespmem:s5], [sflag:$0x2], $0xFA00, $0x38;
	[tilespmem:$0x14820] =	vst v63  }
0x6e6: {  	_ =	swait.ge [sflag:s4], $0xFA00  }
0x6e7: {  	s7 =	sld [smem:$0x79A]  }
0x6e8: {  	[sflag:s4] =	ssyncset.done $0x0  }
0x6e9: {  	s23 =	sld [smem:$0x79B];
	[sflag:s4] =	ssyncadd.s32 $0xFFFF0600  }
0x6ea: {  	[tilespmem:s5], [sflag:$0x1] =	stream.indirect.gather [hbm4b:s3+s6], $0x20, s7, s6, $0xb8;
	[tilespmem:$0x14820] =	vst v63  }
0x6eb: {  	s0 =	sld [smem:$0x79C]  }
0x6ec: {  	[tilespmem:s9], [sflag:$0x1] =	stream.indirect.gather [hbm4b:s3+s6], $0x20, s23, s6, $0xb8;
	[tilespmem:$0x14820] =	vst v63  }
0x6ed: {  	s23 =	sld [smem:$0x79D]  }
0x6ee: {  	[tilespmem:s1], [sflag:$0x1] =	stream.indirect.gather [hbm4b:s3+s6], $0x20, s0, s6, $0xb8;
	[tilespmem:$0x14820] =	vst v63  }
0x6ef: {  	s0 =	sld [smem:$0x79E]  }
0x6f0: {  	[tilespmem:s31], [sflag:$0x1] =	stream.indirect.gather [hbm4b:s3+s6], $0x20, s23, s6, $0xb8;
	[tilespmem:$0x14820] =	vst v63  }
0x6f1: {  	s23 =	sld [smem:$0x79F]  }
0x6f2: {  	[tilespmem:s11], [sflag:$0x1] =	stream.indirect.gather [hbm4b:s3+s6], $0x20, s0, s6, $0xb8;
	[tilespmem:$0x14820] =	vst v63  }
0x6f3: {  	s0 =	sld [smem:$0x7A0]  }
0x6f4: {  	[tilespmem:s13], [sflag:$0x1] =	stream.indirect.gather [hbm4b:s3+s6], $0x20, s23, s6, $0xb8;
	[tilespmem:$0x14820] =	vst v63  }
0x6f5: {  	s11 =	sld [smem:$0x7A1]  }
0x6f6: {  	[tilespmem:s12], [sflag:$0x1] =	stream.indirect.gather [hbm4b:s3+s6], $0x20, s0, s6, $0xb8;
	[tilespmem:$0x14820] =	vst v63  }
0x6f7: {  	s13 =	sld [smem:$0x7A2]  }
0x6f8: {  	[tilespmem:s16], [sflag:$0x1] =	stream.indirect.gather [hbm4b:s3+s6], $0x20, s11, s6, $0xb8;
	[tilespmem:$0x14820] =	vst v63  }
0x6f9: {  	s7 =	sld [smem:$0x7A3]  }
0x6fa: {  	[tilespmem:s14], [sflag:$0x1] =	stream.indirect.gather [hbm4b:s3+s6], $0x20, s13, s6, $0xb8;
	[tilespmem:$0x14820] =	vst v63  }
0x6fb: {  	s11 =	sld [smem:$0x7A4]  }
0x6fc: {  	[tilespmem:s22], [sflag:$0x1] =	stream.indirect.gather [hbm4b:s3+s6], $0x20, s7, s6, $0xb8;
	[tilespmem:$0x14820] =	vst v63  }
0x6fd: {  	s14 =	simm.s32 $0xB220;
	s7 =	sld [smem:$0x7A5]  }
0x6fe: {  	[tilespmem:s14], [sflag:$0x1] =	stream.indirect.gather [hbm4b:s3+s6], $0x20, s11, s6, $0xb8;
	[tilespmem:$0x14820] =	vst v63  }
0x6ff: {  	s22 =	sld [smem:$0x7A6]  }
0x700: {  	[tilespmem:s20], [sflag:$0x1] =	stream.indirect.gather [hbm4b:s3+s6], $0x20, s7, s6, $0xb8;
	[tilespmem:$0x14820] =	vst v63  }
0x701: {  	s11 =	sld [smem:$0x7A7]  }
0x702: {  	[tilespmem:s10], [sflag:$0x1] =	stream.indirect.gather [hbm4b:s3+s6], $0x20, s22, s6, $0xb8;
	[tilespmem:$0x14820] =	vst v63  }
0x703: {  	s20 =	sld [smem:$0x7A8]  }
0x704: {  	[tilespmem:s30], [sflag:$0x1] =	stream.indirect.gather [hbm4b:s3+s6], $0x20, s11, s6, $0xb8;
	[tilespmem:$0x14820] =	vst v63  }
0x705: {  	s29 =	simm.s32 $0xDA20;
	s22 =	sld [smem:$0x7A9]  }
0x706: {  	[tilespmem:s29], [sflag:$0x1] =	stream.indirect.gather [hbm4b:s3+s6], $0x20, s20, s6, $0xb8;
	[tilespmem:$0x14820] =	vst v63  }
0x707: {  	s26 =	simm.s32 $0xE420;
	s11 =	sld [smem:$0x7AA]  }
0x708: {  	[tilespmem:s26], [sflag:$0x1] =	stream.indirect.gather [hbm4b:s3+s6], $0x20, s22, s6, $0xb8;
	[tilespmem:$0x14820] =	vst v63  }
0x709: {  	s29 =	simm.s32 $0xEE20;
	s22 =	sld [smem:$0x7AB]  }
0x70a: {  	[tilespmem:s29], [sflag:$0x1] =	stream.indirect.gather [hbm4b:s3+s6], $0x20, s11, s6, $0xb8;
	[tilespmem:$0x14820] =	vst v63  }
0x70b: {  	s28 =	simm.s32 $0xF820;
	s11 =	sld [smem:$0x7AC]  }
0x70c: {  	[tilespmem:s28], [sflag:$0x1] =	stream.indirect.gather [hbm4b:s3+s6], $0x20, s22, s6, $0xb8;
	[tilespmem:$0x14820] =	vst v63  }
0x70d: {  	s17 =	simm.s32 $0x10220;
	s22 =	sld [smem:$0x7AD]  }
0x70e: {  	[tilespmem:s17], [sflag:$0x1] =	stream.indirect.gather [hbm4b:s3+s6], $0x20, s11, s6, $0xb8;
	[tilespmem:$0x14820] =	vst v63  }
0x70f: {  	s17 =	sld [smem:$0x7AE]  }
0x710: {  	[tilespmem:s8], [sflag:$0x1] =	stream.indirect.gather [hbm4b:s3+s6], $0x20, s22, s6, $0xb8;
	[tilespmem:$0x14820] =	vst v63  }
0x711: {  	s24 =	simm.s32 $0x11620;
	s22 =	sld [smem:$0x7AF]  }
0x712: {  	[tilespmem:s24], [sflag:$0x1] =	stream.indirect.gather [hbm4b:s3+s6], $0x20, s17, s6, $0xb8;
	[tilespmem:$0x14820] =	vst v63  }
0x713: {  	s17 =	sld [smem:$0x7B0]  }
0x714: {  	[tilespmem:s25], [sflag:$0x1] =	stream.indirect.gather [hbm4b:s3+s6], $0x20, s22, s6, $0xb8;
	[tilespmem:$0x14820] =	vst v63  }
0x715: {  	s25 =	sld [smem:$0x7B1]  }
0x716: {  	[tilespmem:s19], [sflag:$0x1] =	stream.indirect.gather [hbm4b:s3+s6], $0x20, s17, s6, $0xb8;
	[tilespmem:$0x14820] =	vst v63  }
0x717: {  	s17 =	sld [smem:$0x7B2]  }
0x718: {  	[tilespmem:s2], [sflag:$0x1] =	stream.indirect.gather [hbm4b:s3+s6], $0x20, s25, s6, $0xb8;
	[tilespmem:$0x14820] =	vst v63  }
0x719: {  	s18 =	simm.s32 $0x13E20  }
0x71a: {  	[tilespmem:s18], [sflag:$0x1] =	stream.indirect.gather [hbm4b:s3+s6], $0x20, s17, s6, $0xb8;
	[tilespmem:$0x14820] =	vst v63  }
0x71b: {  	_ =	swait.ge [sflag:s15], $0xFA00  }
0x71c: {  	[sflag:s15] =	ssyncset.done $0x0  }
0x71d: {  	s21 =	simm.s32 $0x0;
	s25 =	rddreg [dreg:$0xa];
	[sflag:s15] =	ssyncadd.s32 $0xFFFF0600  }
0x71e: {  	[hbm4b:s25+s21] =	stream.linear.scatter [tilespmem:s5], [sflag:$0x2], $0xFA00, $0x38;
	[tilespmem:$0x14820] =	vst v63  }
0x71f: {  	_ =	swait.ge [sflag:s4], $0xFA00  }
0x720: {  	s7 =	sld [smem:$0x7B3]  }
0x721: {  	[sflag:s4] =	ssyncset.done $0x0  }
0x722: {  	s21 =	sld [smem:$0x7B4];
	[sflag:s4] =	ssyncadd.s32 $0xFFFF0600  }
0x723: {  	[tilespmem:s5], [sflag:$0x1] =	stream.indirect.gather [hbm4b:s3+s6], $0x20, s7, s6, $0xb8;
	[tilespmem:$0x14820] =	vst v63  }
0x724: {  	s25 =	sld [smem:$0x7B5]  }
0x725: {  	[tilespmem:s9], [sflag:$0x1] =	stream.indirect.gather [hbm4b:s3+s6], $0x20, s21, s6, $0xb8;
	[tilespmem:$0x14820] =	vst v63  }
0x726: {  	s21 =	sld [smem:$0x7B6]  }
0x727: {  	[tilespmem:s1], [sflag:$0x1] =	stream.indirect.gather [hbm4b:s3+s6], $0x20, s25, s6, $0xb8;
	[tilespmem:$0x14820] =	vst v63  }
0x728: {  	s0 =	sld [smem:$0x7B7];
	s25 =	simm.s32 $0x6C20  }
0x729: {  	[tilespmem:s25], [sflag:$0x1] =	stream.indirect.gather [hbm4b:s3+s6], $0x20, s21, s6, $0xb8;
	[tilespmem:$0x14820] =	vst v63  }
0x72a: {  	s31 =	simm.s32 $0x7620;
	s7 =	sld [smem:$0x7B8]  }
0x72b: {  	[tilespmem:s31], [sflag:$0x1] =	stream.indirect.gather [hbm4b:s3+s6], $0x20, s0, s6, $0xb8;
	[tilespmem:$0x14820] =	vst v63  }
0x72c: {  	s23 =	simm.s32 $0x8020;
	s25 =	sld [smem:$0x7B9]  }
0x72d: {  	[tilespmem:s23], [sflag:$0x1] =	stream.indirect.gather [hbm4b:s3+s6], $0x20, s7, s6, $0xb8;
	[tilespmem:$0x14820] =	vst v63  }
0x72e: {  	s12 =	simm.s32 $0x8A20;
	s23 =	sld [smem:$0x7BA]  }
0x72f: {  	[tilespmem:s12], [sflag:$0x1] =	stream.indirect.gather [hbm4b:s3+s6], $0x20, s25, s6, $0xb8;
	[tilespmem:$0x14820] =	vst v63  }
0x730: {  	s16 =	simm.s32 $0x9420;
	s25 =	sld [smem:$0x7BB]  }
0x731: {  	[tilespmem:s16], [sflag:$0x1] =	stream.indirect.gather [hbm4b:s3+s6], $0x20, s23, s6, $0xb8;
	[tilespmem:$0x14820] =	vst v63  }
0x732: {  	s13 =	simm.s32 $0x9E20;
	s16 =	sld [smem:$0x7BC]  }
0x733: {  	[tilespmem:s13], [sflag:$0x1] =	stream.indirect.gather [hbm4b:s3+s6], $0x20, s25, s6, $0xb8;
	[tilespmem:$0x14820] =	vst v63  }
0x734: {  	s0 =	sld [smem:$0x7BD];
	s25 =	simm.s32 $0xA820  }
0x735: {  	[tilespmem:s25], [sflag:$0x1] =	stream.indirect.gather [hbm4b:s3+s6], $0x20, s16, s6, $0xb8;
	[tilespmem:$0x14820] =	vst v63  }
0x736: {  	s7 =	sld [smem:$0x7BE];
	s25 =	simm.s32 $0xB220  }
0x737: {  	[tilespmem:s25], [sflag:$0x1] =	stream.indirect.gather [hbm4b:s3+s6], $0x20, s0, s6, $0xb8;
	[tilespmem:$0x14820] =	vst v63  }
0x738: {  	s14 =	simm.s32 $0xBC20;
	s0 =	sld [smem:$0x7BF]  }
0x739: {  	[tilespmem:s14], [sflag:$0x1] =	stream.indirect.gather [hbm4b:s3+s6], $0x20, s7, s6, $0xb8;
	[tilespmem:$0x14820] =	vst v63  }
0x73a: {  	s10 =	simm.s32 $0xC620;
	s25 =	sld [smem:$0x7C0]  }
0x73b: {  	[tilespmem:s10], [sflag:$0x1] =	stream.indirect.gather [hbm4b:s3+s6], $0x20, s0, s6, $0xb8;
	[tilespmem:$0x14820] =	vst v63  }
0x73c: {  	s30 =	simm.s32 $0xD020;
	s0 =	sld [smem:$0x7C1]  }
0x73d: {  	[tilespmem:s30], [sflag:$0x1] =	stream.indirect.gather [hbm4b:s3+s6], $0x20, s25, s6, $0xb8;
	[tilespmem:$0x14820] =	vst v63  }
0x73e: {  	s20 =	simm.s32 $0xDA20;
	s30 =	sld [smem:$0x7C2]  }
0x73f: {  	[tilespmem:s20], [sflag:$0x1] =	stream.indirect.gather [hbm4b:s3+s6], $0x20, s0, s6, $0xb8;
	[tilespmem:$0x14820] =	vst v63  }
0x740: {  	s26 =	simm.s32 $0xE420;
	s0 =	sld [smem:$0x7C3]  }
0x741: {  	[tilespmem:s26], [sflag:$0x1] =	stream.indirect.gather [hbm4b:s3+s6], $0x20, s30, s6, $0xb8;
	[tilespmem:$0x14820] =	vst v63  }
0x742: {  	s29 =	simm.s32 $0xEE20;
	s30 =	sld [smem:$0x7C4]  }
0x743: {  	[tilespmem:s29], [sflag:$0x1] =	stream.indirect.gather [hbm4b:s3+s6], $0x20, s0, s6, $0xb8;
	[tilespmem:$0x14820] =	vst v63  }
0x744: {  	s28 =	simm.s32 $0xF820;
	s26 =	sld [smem:$0x7C5]  }
0x745: {  	[tilespmem:s28], [sflag:$0x1] =	stream.indirect.gather [hbm4b:s3+s6], $0x20, s30, s6, $0xb8;
	[tilespmem:$0x14820] =	vst v63  }
0x746: {  	s11 =	simm.s32 $0x10220;
	s29 =	sld [smem:$0x7C6]  }
0x747: {  	[tilespmem:s11], [sflag:$0x1] =	stream.indirect.gather [hbm4b:s3+s6], $0x20, s26, s6, $0xb8;
	[tilespmem:$0x14820] =	vst v63  }
0x748: {  	s8 =	simm.s32 $0x10C20;
	s11 =	sld [smem:$0x7C7]  }
0x749: {  	[tilespmem:s8], [sflag:$0x1] =	stream.indirect.gather [hbm4b:s3+s6], $0x20, s29, s6, $0xb8;
	[tilespmem:$0x14820] =	vst v63  }
0x74a: {  	s24 =	simm.s32 $0x11620;
	s26 =	sld [smem:$0x7C8]  }
0x74b: {  	[tilespmem:s24], [sflag:$0x1] =	stream.indirect.gather [hbm4b:s3+s6], $0x20, s11, s6, $0xb8;
	[tilespmem:$0x14820] =	vst v63  }
0x74c: {  	s22 =	simm.s32 $0x12020;
	s11 =	sld [smem:$0x7C9]  }
0x74d: {  	[tilespmem:s22], [sflag:$0x1] =	stream.indirect.gather [hbm4b:s3+s6], $0x20, s26, s6, $0xb8;
	[tilespmem:$0x14820] =	vst v63  }
0x74e: {  	s19 =	simm.s32 $0x12A20;
	s22 =	sld [smem:$0x7CA]  }
0x74f: {  	[tilespmem:s19], [sflag:$0x1] =	stream.indirect.gather [hbm4b:s3+s6], $0x20, s11, s6, $0xb8;
	[tilespmem:$0x14820] =	vst v63  }
0x750: {  	s2 =	simm.s32 $0x13420;
	s11 =	sld [smem:$0x7CB]  }
0x751: {  	[tilespmem:s2], [sflag:$0x1] =	stream.indirect.gather [hbm4b:s3+s6], $0x20, s22, s6, $0xb8;
	[tilespmem:$0x14820] =	vst v63  }
0x752: {  	s17 =	simm.s32 $0x13E20  }
0x753: {  	[tilespmem:s17], [sflag:$0x1] =	stream.indirect.gather [hbm4b:s3+s6], $0x20, s11, s6, $0xb8;
	[tilespmem:$0x14820] =	vst v63  }
0x754: {  	_ =	swait.ge [sflag:s15], $0xFA00  }
0x755: {  	[sflag:s15] =	ssyncset.done $0x0  }
0x756: {  	s18 =	simm.s32 $0x0;
	s17 =	rddreg [dreg:$0xb];
	[sflag:s15] =	ssyncadd.s32 $0xFFFF0600  }
0x757: {  	[hbm4b:s17+s18] =	stream.linear.scatter [tilespmem:s5], [sflag:$0x2], $0xFA00, $0x38;
	[tilespmem:$0x14820] =	vst v63  }
0x758: {  	_ =	swait.ge [sflag:s4], $0xFA00  }
0x759: {  	s19 =	sld [smem:$0x7CC]  }
0x75a: {  	[sflag:s4] =	ssyncset.done $0x0  }
0x75b: {  	s2 =	sld [smem:$0x7CD];
	[sflag:s4] =	ssyncadd.s32 $0xFFFF0600  }
0x75c: {  	[tilespmem:s5], [sflag:$0x1] =	stream.indirect.gather [hbm4b:s3+s6], $0x20, s19, s6, $0xb8;
	[tilespmem:$0x14820] =	vst v63  }
0x75d: {  	s17 =	sld [smem:$0x7CE]  }
0x75e: {  	[tilespmem:s9], [sflag:$0x1] =	stream.indirect.gather [hbm4b:s3+s6], $0x20, s2, s6, $0xb8;
	[tilespmem:$0x14820] =	vst v63  }
0x75f: {  	s18 =	sld [smem:$0x7CF]  }
0x760: {  	[tilespmem:s1], [sflag:$0x1] =	stream.indirect.gather [hbm4b:s3+s6], $0x20, s17, s6, $0xb8;
	[tilespmem:$0x14820] =	vst v63  }
0x761: {  	s21 =	simm.s32 $0x6C20;
	s19 =	sld [smem:$0x7D0]  }
0x762: {  	[tilespmem:s21], [sflag:$0x1] =	stream.indirect.gather [hbm4b:s3+s6], $0x20, s18, s6, $0xb8;
	[tilespmem:$0x14820] =	vst v63  }
0x763: {  	s2 =	simm.s32 $0x7620;
	s21 =	sld [smem:$0x7D1]  }
0x764: {  	[tilespmem:s2], [sflag:$0x1] =	stream.indirect.gather [hbm4b:s3+s6], $0x20, s19, s6, $0xb8;
	[tilespmem:$0x14820] =	vst v63  }
0x765: {  	s31 =	simm.s32 $0x8020;
	s17 =	sld [smem:$0x7D2]  }
0x766: {  	[tilespmem:s31], [sflag:$0x1] =	stream.indirect.gather [hbm4b:s3+s6], $0x20, s21, s6, $0xb8;
	[tilespmem:$0x14820] =	vst v63  }
0x767: {  	s12 =	simm.s32 $0x8A20;
	s19 =	sld [smem:$0x7D3]  }
0x768: {  	[tilespmem:s12], [sflag:$0x1] =	stream.indirect.gather [hbm4b:s3+s6], $0x20, s17, s6, $0xb8;
	[tilespmem:$0x14820] =	vst v63  }
0x769: {  	s23 =	simm.s32 $0x9420;
	s21 =	sld [smem:$0x7D4]  }
0x76a: {  	[tilespmem:s23], [sflag:$0x1] =	stream.indirect.gather [hbm4b:s3+s6], $0x20, s19, s6, $0xb8;
	[tilespmem:$0x14820] =	vst v63  }
0x76b: {  	s13 =	simm.s32 $0x9E20;
	s23 =	sld [smem:$0x7D5]  }
0x76c: {  	[tilespmem:s13], [sflag:$0x1] =	stream.indirect.gather [hbm4b:s3+s6], $0x20, s21, s6, $0xb8;
	[tilespmem:$0x14820] =	vst v63  }
0x76d: {  	s16 =	simm.s32 $0xA820;
	s17 =	sld [smem:$0x7D6]  }
0x76e: {  	[tilespmem:s16], [sflag:$0x1] =	stream.indirect.gather [hbm4b:s3+s6], $0x20, s23, s6, $0xb8;
	[tilespmem:$0x14820] =	vst v63  }
0x76f: {  	s21 =	sld [smem:$0x7D7];
	s23 =	simm.s32 $0xB220  }
0x770: {  	[tilespmem:s23], [sflag:$0x1] =	stream.indirect.gather [hbm4b:s3+s6], $0x20, s17, s6, $0xb8;
	[tilespmem:$0x14820] =	vst v63  }
0x771: {  	s14 =	simm.s32 $0xBC20;
	s17 =	sld [smem:$0x7D8]  }
0x772: {  	[tilespmem:s14], [sflag:$0x1] =	stream.indirect.gather [hbm4b:s3+s6], $0x20, s21, s6, $0xb8;
	[tilespmem:$0x14820] =	vst v63  }
0x773: {  	s10 =	simm.s32 $0xC620;
	s21 =	sld [smem:$0x7D9]  }
0x774: {  	[tilespmem:s10], [sflag:$0x1] =	stream.indirect.gather [hbm4b:s3+s6], $0x20, s17, s6, $0xb8;
	[tilespmem:$0x14820] =	vst v63  }
0x775: {  	s25 =	simm.s32 $0xD020;
	s23 =	sld [smem:$0x7DA]  }
0x776: {  	[tilespmem:s25], [sflag:$0x1] =	stream.indirect.gather [hbm4b:s3+s6], $0x20, s21, s6, $0xb8;
	[tilespmem:$0x14820] =	vst v63  }
0x777: {  	s20 =	simm.s32 $0xDA20;
	s25 =	sld [smem:$0x7DB]  }
0x778: {  	[tilespmem:s20], [sflag:$0x1] =	stream.indirect.gather [hbm4b:s3+s6], $0x20, s23, s6, $0xb8;
	[tilespmem:$0x14820] =	vst v63  }
0x779: {  	s0 =	sld [smem:$0x7DC];
	s17 =	simm.s32 $0xE420  }
0x77a: {  	[tilespmem:s17], [sflag:$0x1] =	stream.indirect.gather [hbm4b:s3+s6], $0x20, s25, s6, $0xb8;
	[tilespmem:$0x14820] =	vst v63  }
0x77b: {  	s7 =	sld [smem:$0x7DD];
	s25 =	simm.s32 $0xEE20  }
0x77c: {  	[tilespmem:s25], [sflag:$0x1] =	stream.indirect.gather [hbm4b:s3+s6], $0x20, s0, s6, $0xb8;
	[tilespmem:$0x14820] =	vst v63  }
0x77d: {  	s28 =	simm.s32 $0xF820;
	s0 =	sld [smem:$0x7DE]  }
0x77e: {  	[tilespmem:s28], [sflag:$0x1] =	stream.indirect.gather [hbm4b:s3+s6], $0x20, s7, s6, $0xb8;
	[tilespmem:$0x14820] =	vst v63  }
0x77f: {  	s30 =	simm.s32 $0x10220;
	s23 =	sld [smem:$0x7DF]  }
0x780: {  	[tilespmem:s30], [sflag:$0x1] =	stream.indirect.gather [hbm4b:s3+s6], $0x20, s0, s6, $0xb8;
	[tilespmem:$0x14820] =	vst v63  }
0x781: {  	s8 =	simm.s32 $0x10C20;
	s28 =	sld [smem:$0x7E0]  }
0x782: {  	[tilespmem:s8], [sflag:$0x1] =	stream.indirect.gather [hbm4b:s3+s6], $0x20, s23, s6, $0xb8;
	[tilespmem:$0x14820] =	vst v63  }
0x783: {  	s29 =	simm.s32 $0x11620;
	s23 =	sld [smem:$0x7E1]  }
0x784: {  	[tilespmem:s29], [sflag:$0x1] =	stream.indirect.gather [hbm4b:s3+s6], $0x20, s28, s6, $0xb8;
	[tilespmem:$0x14820] =	vst v63  }
0x785: {  	s24 =	simm.s32 $0x12020;
	s29 =	sld [smem:$0x7E2]  }
0x786: {  	[tilespmem:s24], [sflag:$0x1] =	stream.indirect.gather [hbm4b:s3+s6], $0x20, s23, s6, $0xb8;
	[tilespmem:$0x14820] =	vst v63  }
0x787: {  	s26 =	simm.s32 $0x12A20;
	s7 =	sld [smem:$0x7E3]  }
0x788: {  	[tilespmem:s26], [sflag:$0x1] =	stream.indirect.gather [hbm4b:s3+s6], $0x20, s29, s6, $0xb8;
	[tilespmem:$0x14820] =	vst v63  }
0x789: {  	s22 =	simm.s32 $0x13420;
	s29 =	sld [smem:$0x7E4]  }
0x78a: {  	[tilespmem:s22], [sflag:$0x1] =	stream.indirect.gather [hbm4b:s3+s6], $0x20, s7, s6, $0xb8;
	[tilespmem:$0x14820] =	vst v63  }
0x78b: {  	s11 =	simm.s32 $0x13E20  }
0x78c: {  	[tilespmem:s11], [sflag:$0x1] =	stream.indirect.gather [hbm4b:s3+s6], $0x20, s29, s6, $0xb8;
	[tilespmem:$0x14820] =	vst v63  }
0x78d: {  	_ =	swait.ge [sflag:s15], $0xFA00  }
0x78e: {  	[sflag:s15] =	ssyncset.done $0x0  }
0x78f: {  	s26 =	simm.s32 $0x0;
	s7 =	rddreg [dreg:$0xc];
	[sflag:s15] =	ssyncadd.s32 $0xFFFF0600  }
0x790: {  	[hbm4b:s7+s26] =	stream.linear.scatter [tilespmem:s5], [sflag:$0x2], $0xFA00, $0x38;
	[tilespmem:$0x14820] =	vst v63  }
0x791: {  	_ =	swait.ge [sflag:s4], $0xFA00  }
0x792: {  	s29 =	sld [smem:$0x7E5]  }
0x793: {  	[sflag:s4] =	ssyncset.done $0x0  }
0x794: {  	s7 =	sld [smem:$0x7E6];
	[sflag:s4] =	ssyncadd.s32 $0xFFFF0600  }
0x795: {  	[tilespmem:s5], [sflag:$0x1] =	stream.indirect.gather [hbm4b:s3+s6], $0x20, s29, s6, $0xb8;
	[tilespmem:$0x14820] =	vst v63  }
0x796: {  	s29 =	sld [smem:$0x7E7]  }
0x797: {  	[tilespmem:s9], [sflag:$0x1] =	stream.indirect.gather [hbm4b:s3+s6], $0x20, s7, s6, $0xb8;
	[tilespmem:$0x14820] =	vst v63  }
0x798: {  	s9 =	sld [smem:$0x7E8]  }
0x799: {  	[tilespmem:s1], [sflag:$0x1] =	stream.indirect.gather [hbm4b:s3+s6], $0x20, s29, s6, $0xb8;
	[tilespmem:$0x14820] =	vst v63  }
0x79a: {  	s18 =	simm.s32 $0x6C20;
	s29 =	sld [smem:$0x7E9]  }
0x79b: {  	[tilespmem:s18], [sflag:$0x1] =	stream.indirect.gather [hbm4b:s3+s6], $0x20, s9, s6, $0xb8;
	[tilespmem:$0x14820] =	vst v63  }
0x79c: {  	s2 =	simm.s32 $0x7620;
	s1 =	sld [smem:$0x7EA]  }
0x79d: {  	[tilespmem:s2], [sflag:$0x1] =	stream.indirect.gather [hbm4b:s3+s6], $0x20, s29, s6, $0xb8;
	[tilespmem:$0x14820] =	vst v63  }
0x79e: {  	s31 =	simm.s32 $0x8020;
	s2 =	sld [smem:$0x7EB]  }
0x79f: {  	[tilespmem:s31], [sflag:$0x1] =	stream.indirect.gather [hbm4b:s3+s6], $0x20, s1, s6, $0xb8;
	[tilespmem:$0x14820] =	vst v63  }
0x7a0: {  	s12 =	simm.s32 $0x8A20;
	s9 =	sld [smem:$0x7EC]  }
0x7a1: {  	[tilespmem:s12], [sflag:$0x1] =	stream.indirect.gather [hbm4b:s3+s6], $0x20, s2, s6, $0xb8;
	[tilespmem:$0x14820] =	vst v63  }
0x7a2: {  	s19 =	simm.s32 $0x9420;
	s12 =	sld [smem:$0x7ED]  }
0x7a3: {  	[tilespmem:s19], [sflag:$0x1] =	stream.indirect.gather [hbm4b:s3+s6], $0x20, s9, s6, $0xb8;
	[tilespmem:$0x14820] =	vst v63  }
0x7a4: {  	s13 =	simm.s32 $0x9E20;
	s18 =	sld [smem:$0x7EE]  }
0x7a5: {  	[tilespmem:s13], [sflag:$0x1] =	stream.indirect.gather [hbm4b:s3+s6], $0x20, s12, s6, $0xb8;
	[tilespmem:$0x14820] =	vst v63  }
0x7a6: {  	s16 =	simm.s32 $0xA820;
	s19 =	sld [smem:$0x7EF]  }
0x7a7: {  	[tilespmem:s16], [sflag:$0x1] =	stream.indirect.gather [hbm4b:s3+s6], $0x20, s18, s6, $0xb8;
	[tilespmem:$0x14820] =	vst v63  }
0x7a8: {  	s29 =	sld [smem:$0x7F0];
	s31 =	simm.s32 $0xB220  }
0x7a9: {  	[tilespmem:s31], [sflag:$0x1] =	stream.indirect.gather [hbm4b:s3+s6], $0x20, s19, s6, $0xb8;
	[tilespmem:$0x14820] =	vst v63  }
0x7aa: {  	s14 =	simm.s32 $0xBC20;
	s2 =	sld [smem:$0x7F1]  }
0x7ab: {  	[tilespmem:s14], [sflag:$0x1] =	stream.indirect.gather [hbm4b:s3+s6], $0x20, s29, s6, $0xb8;
	[tilespmem:$0x14820] =	vst v63  }
0x7ac: {  	s10 =	simm.s32 $0xC620;
	s9 =	sld [smem:$0x7F2]  }
0x7ad: {  	[tilespmem:s10], [sflag:$0x1] =	stream.indirect.gather [hbm4b:s3+s6], $0x20, s2, s6, $0xb8;
	[tilespmem:$0x14820] =	vst v63  }
0x7ae: {  	s21 =	simm.s32 $0xD020;
	s12 =	sld [smem:$0x7F3]  }
0x7af: {  	[tilespmem:s21], [sflag:$0x1] =	stream.indirect.gather [hbm4b:s3+s6], $0x20, s9, s6, $0xb8;
	[tilespmem:$0x14820] =	vst v63  }
0x7b0: {  	s20 =	simm.s32 $0xDA20;
	s13 =	sld [smem:$0x7F4]  }
0x7b1: {  	[tilespmem:s20], [sflag:$0x1] =	stream.indirect.gather [hbm4b:s3+s6], $0x20, s12, s6, $0xb8;
	[tilespmem:$0x14820] =	vst v63  }
0x7b2: {  	s17 =	simm.s32 $0xE420;
	s14 =	sld [smem:$0x7F5]  }
0x7b3: {  	[tilespmem:s17], [sflag:$0x1] =	stream.indirect.gather [hbm4b:s3+s6], $0x20, s13, s6, $0xb8;
	[tilespmem:$0x14820] =	vst v63  }
0x7b4: {  	s16 =	sld [smem:$0x7F6];
	s17 =	simm.s32 $0xEE20  }
0x7b5: {  	[tilespmem:s17], [sflag:$0x1] =	stream.indirect.gather [hbm4b:s3+s6], $0x20, s14, s6, $0xb8;
	[tilespmem:$0x14820] =	vst v63  }
0x7b6: {  	s25 =	simm.s32 $0xF820;
	s18 =	sld [smem:$0x7F7]  }
0x7b7: {  	[tilespmem:s25], [sflag:$0x1] =	stream.indirect.gather [hbm4b:s3+s6], $0x20, s16, s6, $0xb8;
	[tilespmem:$0x14820] =	vst v63  }
0x7b8: {  	s30 =	simm.s32 $0x10220;
	s19 =	sld [smem:$0x7F8]  }
0x7b9: {  	[tilespmem:s30], [sflag:$0x1] =	stream.indirect.gather [hbm4b:s3+s6], $0x20, s18, s6, $0xb8;
	[tilespmem:$0x14820] =	vst v63  }
0x7ba: {  	s8 =	simm.s32 $0x10C20;
	s20 =	sld [smem:$0x7F9]  }
0x7bb: {  	[tilespmem:s8], [sflag:$0x1] =	stream.indirect.gather [hbm4b:s3+s6], $0x20, s19, s6, $0xb8;
	[tilespmem:$0x14820] =	vst v63  }
0x7bc: {  	s28 =	simm.s32 $0x11620;
	s21 =	sld [smem:$0x7FA]  }
0x7bd: {  	[tilespmem:s28], [sflag:$0x1] =	stream.indirect.gather [hbm4b:s3+s6], $0x20, s20, s6, $0xb8;
	[tilespmem:$0x14820] =	vst v63  }
0x7be: {  	s23 =	simm.s32 $0x12020;
	s25 =	sld [smem:$0x7FB]  }
0x7bf: {  	[tilespmem:s23], [sflag:$0x1] =	stream.indirect.gather [hbm4b:s3+s6], $0x20, s21, s6, $0xb8;
	[tilespmem:$0x14820] =	vst v63  }
0x7c0: {  	s24 =	simm.s32 $0x12A20;
	s28 =	sld [smem:$0x7FC]  }
0x7c1: {  	[tilespmem:s24], [sflag:$0x1] =	stream.indirect.gather [hbm4b:s3+s6], $0x20, s25, s6, $0xb8;
	[tilespmem:$0x14820] =	vst v63  }
0x7c2: {  	s22 =	simm.s32 $0x13420;
	s29 =	sld [smem:$0x7FD]  }
0x7c3: {  	[tilespmem:s22], [sflag:$0x1] =	stream.indirect.gather [hbm4b:s3+s6], $0x20, s28, s6, $0xb8;
	[tilespmem:$0x14820] =	vst v63  }
0x7c4: {  	s11 =	simm.s32 $0x13E20  }
0x7c5: {  	[tilespmem:s11], [sflag:$0x1] =	stream.indirect.gather [hbm4b:s3+s6], $0x20, s29, s6, $0xb8;
	[tilespmem:$0x14820] =	vst v63  }
0x7c6: {  	_ =	swait.ge [sflag:s15], $0xFA00  }
0x7c7: {  	[sflag:s15] =	ssyncset.done $0x0  }
0x7c8: {  	s26 =	simm.s32 $0x0;
	s30 =	rddreg [dreg:$0xd];
	[sflag:s15] =	ssyncadd.s32 $0xFFFF0600  }
0x7c9: {  	[hbm4b:s30+s26] =	stream.linear.scatter [tilespmem:s5], [sflag:$0x2], $0xFA00, $0x38;
	[tilespmem:$0x14820] =	vst v63  }
0x7ca: {  	_ =	swait.ge [sflag:s4], $0xFA00  }
0x7cb: {  	[sflag:s4] =	ssyncset.done $0x0  }
0x7cc: {  	[sflag:s4] =	ssyncadd.s32 $0xFFFF0600  }
0x7cd: {  	_ =	sfence.sel $0x180000  }
0x7ce: {  	[bflag:$0x0] =	sbarrier.arrive $0xFFFF  }
0x7cf: {  	_ =	strace $0x9000004D  }
0x7d0: {  	s31 =	stileid.u32;
	[bflag:$0x2] =	sbarrier.arrive $0xFFFF  }
0x7d1: {  	p0 =	sne.s32 s31, $0x0;
	s0 =	rddreg [dreg:$0x1]  }
0x7d2: {  	s0 =	sadd.s32 @!p0 $0x100000, s0  }
0x7d3: {  	[sflag:s0] =	ssyncadd.tile.s32 @!p0 $0x1;
	_ =	shalt  }
.Lfunc_end2:
_tile_overlayer_lowered:
.L_overlay_start_2:
0x7d4: {  	(tag) =	ssettag $0x2  }
0x7d5: {  	s0 =	rddreg [dreg:$0x0];
	s2 =	stileid.u32  }
0x7d6: {  	s1 =	rddreg [dreg:$0x1];
	p0 =	sne.s32 s2, $0x0  }
0x7d7: {  	s3 =	rddreg [dreg:$0x2];
	[bflag:$0x3] =	sbarrier.arrive $0xFFFF;
	s2 =	simm.s32 @!p0 $0x1C02  }
0x7d8: {  	[timem:s3], [sflag:s2] =	dma.local @!p0 [hbm:s0], s1  }
0x7d9: {  	s0 =	simm.s32 @!p0 $0x2  }
0x7da: {  	_ =	swait.ge @!p0 [sflag:s0], s1  }
0x7db: {  	s1 =	ssub.s32 @!p0 $0x0, s1;
	[sflag:s0] =	ssyncset.done @!p0 $0x0  }
0x7dc: {  	[sflag:s0] =	ssyncadd.s32 @!p0 s1  }
0x7dd: {  	[bflag:$0x3] =	sbarrier.arrive $0xFFFF  }
0x7de: {  	_ =	shalt  }

// kernel: kernel.9.cloned.1.call-start
scs
__scs_entry_jumppad:
0x0: {  	(pc) =	sbr.rel $0x88, $3  }
0x1: {  	(tag) =	ssettag $0x0;
	lr =	simm.s32 $0x1  }
0x2: {  	[smem:$0x3F91] =	sst lr;
	_ =	strace $0xD0000000  }
0x3: {  	_ = 	snop  }
0x4: {  	_ = 	snop  }
0x5: {  	_ = 	snop  }
0x6: {  	_ = 	snop  }
0x7: {  	_ = 	snop  }
__scs_overlays_trampoline_lowered:
0x8: {  	[smem:$0x3FA0] =	sst s0  }
0x9: {  	[smem:$0x3FA1] =	sst s1  }
0xa: {  	[smem:$0x3FA2] =	sst s2  }
0xb: {  	[smem:$0x3FA3] =	sst s3  }
0xc: {  	[smem:$0x3FA4] =	sst s4  }
0xd: {  	[smem:$0x3FA5] =	sst s5  }
0xe: {  	[smem:$0x3FA6] =	sst s6  }
0xf: {  	[smem:$0x3FA7] =	sst s7  }
0x10: {  	[smem:$0x3FA8] =	sst s8  }
0x11: {  	[smem:$0x3FA9] =	sst s9;
	s0 =	simm.s32 @!p0 $0x0  }
0x12: {  	s1 =	sld [smem:$0x3F8F];
	s0 =	simm.s32 @p0 $0x1  }
0x13: {  	[smem:$0x3FAA] =	sst s0;
	s0 =	simm.s32 @!p1 $0x0  }
0x14: {  	s2 =	sld [smem:$0x3F8E];
	s0 =	simm.s32 @p1 $0x1  }
0x15: {  	[smem:$0x3FAB] =	sst s0;
	s0 =	simm.s32 @!p2 $0x0  }
0x16: {  	s3 =	sld [smem:$0x3FDB];
	s0 =	simm.s32 @p2 $0x1  }
0x17: {  	s4 =	simm.s32 $0x1BF5;
	[smem:$0x3FAD] =	sst s0  }
0x18: {  	s0 =	sld [smem:$0x3F90];
	_ =	swait.ge [sflag:s4], $0x0  }
0x19: {  	s7 =	sld [smem:$0x3F91]  }
0x1a: {  	s8 =	sadd.s32 $0xFFFFE003, lr  }
0x1b: {  	s9 =	sadd.s32 $0xFFFFFEF7, lr;
	s5 =	simm.s32 $0xFFFFFFFF;
	p2 =	slt.u32 s8, $0xFFFFF086  }
0x1c: {  	p1 =	slt.u32 s9, $0xF7A;
	s5 =	simm.s32 @!p2 $0x0  }
0x1d: {  	s5 =	simm.s32 @p1 $0x1;
	p0 =	seq.s32 s7, s2  }
0x1e: {  	s7 =	smul.u32 @!p0 $0xF7A, s2;
	p2 =	seq.s32 @!p0 s5, $0x0  }
0x1f: {  	s9 =	smul.u32 $0xF7A, s1;
	s8 =	simm.s32 @!p0 $0x1BF5;
	p2 =	por !p2, p0  }
0x20: {  	[sflag:s8] =	ssyncset.s32 @!p0 $0xFFFFF086;
	s6 =	sadd.s32 @!p0 s3, s7;
	s7 =	simm.s32 @!p0 $0x108  }
0x21: {  	s3 =	sadd.s32 s3, s9;
	s6 =	sadd.s32 @!p0 $0x88, s6;
	s7 =	simm.s32 @p2 $0x1082  }
0x22: {  	[simem:s7], [sflag:s8] =	dma.local @!p0 [hbm:s6], $0xF7A  }
0x23: {  	s9 =	sor.u32 $0xD0000000, s2;
	s6 =	simm.s32 $0x108;
	_ =	swait.ge @!p0 [sflag:s8], $0x0  }
0x24: {  	s3 =	sadd.s32 $0x88, s3;
	s6 =	simm.s32 @!p1 $0x1082;
	[sflag:s4] =	ssyncset.s32 $0xFFFFF086  }
0x25: {  	[simem:s6], [sflag:s4] =	dma.local [hbm:s3], $0xF7A  }
0x26: {  	[smem:$0x3F91] =	sst s1;
	(tag) =	ssettag s2;
	_ =	strace s9  }
0x27: {  	s1 =	sld [smem:$0x3FA1]  }
0x28: {  	s2 =	sld [smem:$0x3FA2]  }
0x29: {  	s4 =	sld [smem:$0x3FA4]  }
0x2a: {  	p0 =	seq.s32 s5, $0x0;
	s5 =	sld [smem:$0x3FA5]  }
0x2b: {  	s6 =	sld [smem:$0x3FA6]  }
0x2c: {  	s7 =	sld [smem:$0x3FA7]  }
0x2d: {  	s3 =	simm.s32 $0x108;
	s8 =	sld [smem:$0x3FA8]  }
0x2e: {  	s3 =	simm.s32 @!p0 $0x1082;
	s9 =	sld [smem:$0x3FA9]  }
0x2f: {  	lr =	sadd.s32 s0, s3;
	s0 =	sld [smem:$0x3FA0]  }
0x30: {  	s3 =	sld [smem:$0x3FA3]  }
0x31: {  	[smem:$0x3FAC] =	sst s10  }
0x32: {  	s10 =	sld [smem:$0x3FAA];
	_ =	sdelay $0x3  }
0x33: {  	p0 =	seq.s32 s10, $0x1;
	s10 =	sld [smem:$0x3FAC];
	_ =	sdelay $0x3  }
0x34: {  	[smem:$0x3FAC] =	sst s10  }
0x35: {  	s10 =	sld [smem:$0x3FAB];
	_ =	sdelay $0x3  }
0x36: {  	p1 =	seq.s32 s10, $0x1;
	s10 =	sld [smem:$0x3FAC];
	_ =	sdelay $0x3  }
0x37: {  	[smem:$0x3FAC] =	sst s10  }
0x38: {  	s10 =	sld [smem:$0x3FAD]  }
0x39: {  	_ = 	snop;
	(pc) =	sbr.ind lr, $3  }
0x3a: {  	_ = 	snop  }
0x3b: {  	_ = 	snop  }
0x3c: {  	p2 =	seq.s32 s10, $0x1;
	s10 =	sld [smem:$0x3FAC]  }
0x3d: {  	_ =	shalt  }
0x3e: {  	_ =	shalt  }
0x3f: {  	_ =	shalt  }
0x40: {  	_ =	shalt  }
0x41: {  	_ =	shalt  }
0x42: {  	_ =	shalt  }
0x43: {  	_ =	shalt  }
0x44: {  	_ =	shalt  }
0x45: {  	_ =	shalt  }
0x46: {  	_ =	shalt  }
0x47: {  	_ =	shalt  }
0x48: {  	_ =	shalt  }
0x49: {  	_ =	shalt  }
0x4a: {  	_ =	shalt  }
0x4b: {  	_ =	shalt  }
0x4c: {  	_ =	shalt  }
0x4d: {  	_ =	shalt  }
0x4e: {  	_ =	shalt  }
0x4f: {  	_ =	shalt  }
0x50: {  	_ =	shalt  }
0x51: {  	_ =	shalt  }
0x52: {  	_ =	shalt  }
0x53: {  	_ =	shalt  }
0x54: {  	_ =	shalt  }
0x55: {  	_ =	shalt  }
0x56: {  	_ =	shalt  }
0x57: {  	_ =	shalt  }
0x58: {  	_ =	shalt  }
0x59: {  	_ =	shalt  }
0x5a: {  	_ =	shalt  }
0x5b: {  	_ =	shalt  }
0x5c: {  	_ =	shalt  }
0x5d: {  	_ =	shalt  }
0x5e: {  	_ =	shalt  }
0x5f: {  	_ =	shalt  }
0x60: {  	_ =	shalt  }
0x61: {  	_ =	shalt  }
0x62: {  	_ =	shalt  }
0x63: {  	_ =	shalt  }
0x64: {  	_ =	shalt  }
0x65: {  	_ =	shalt  }
0x66: {  	_ =	shalt  }
0x67: {  	_ =	shalt  }
0x68: {  	_ =	shalt  }
0x69: {  	_ =	shalt  }
0x6a: {  	_ =	shalt  }
0x6b: {  	_ =	shalt  }
0x6c: {  	_ =	shalt  }
0x6d: {  	_ =	shalt  }
0x6e: {  	_ =	shalt  }
0x6f: {  	_ =	shalt  }
0x70: {  	_ =	shalt  }
0x71: {  	_ =	shalt  }
0x72: {  	_ =	shalt  }
0x73: {  	_ =	shalt  }
0x74: {  	_ =	shalt  }
0x75: {  	_ =	shalt  }
0x76: {  	_ =	shalt  }
0x77: {  	_ =	shalt  }
0x78: {  	_ =	shalt  }
0x79: {  	_ =	shalt  }
0x7a: {  	_ =	shalt  }
0x7b: {  	_ =	shalt  }
0x7c: {  	_ =	shalt  }
0x7d: {  	_ =	shalt  }
0x7e: {  	_ =	shalt  }
0x7f: {  	_ =	shalt  }
0x80: {  	_ =	shalt  }
0x81: {  	_ =	shalt  }
0x82: {  	_ =	shalt  }
0x83: {  	_ =	shalt  }
0x84: {  	_ =	shalt  }
0x85: {  	_ =	shalt  }
0x86: {  	_ =	shalt  }
0x87: {  	_ =	shalt  }
.Lfunc_end0:
.L_simem_size_0:
called_computation_lowered:
.L_overlay_start_0:
0x88: {  	s2 =	sld [smem:$0x3FD9]  }
0x89: {  	s3 =	sld [smem:$0x3FFE];
	_ =	sdelay $0x1  }
0x8a: {  	s1 =	srdreg.scid  }
0x8b: {  	s0 =	sand.u32 $0x1, s1  }
0x8c: {  	s16 =	sshll.u32 s0, $0xA;
	s2 =	sadd.s32 s3, s2  }
0x8d: {  	s2 =	sadd.s32 s2, s16  }
0x8e: {  	[smem:$0x3FB8] =	sst s2  }
0x8f: {  	_ = 	snop  }
0x90: {  	(tm) =	ssettm $0x1  }
0x91: {  	s17 =	sld [smem:$0x3FFB];
	_ =	sdelay $0x3  }
0x92: {  	_ =	strace s17  }
0x93: {  	s2 =	sld [smem:$0x3FFC];
	_ =	sdelay $0x3  }
0x94: {  	_ =	strace s2  }
0x95: {  	s2 =	sld [smem:$0x3FFD];
	_ =	sdelay $0x3  }
0x96: {  	_ =	strace s2  }
0x97: {  	_ =	strace $0x8FFFFFFF  }
0x98: {  	s18 =	sld [smem:$0x3FDB];
	_ =	sdelay $0x1  }
0x99: {  	s19 =	simm.s32 $_scs_section_size  }
0x9a: {  	s4 =	simm.s32 $_size__tile_overlayer_lowered;
	s5 =	simm.s32 $_tile_overlayer_lowered  }
0x9b: {  	s22 =	simm.s32 $0x1BFF;
	s21 =	sshll.u32 s5, $0x1;
	s2 =	sadd.s32 s19, s18  }
0x9c: {  	s6 =	simm.s32 $0x0;
	s20 =	sshll.u32 s4, $0x1;
	s4 =	sadd.s32 s21, s2  }
0x9d: {  	[timem:s6], [sflag:s22] =	dma.local [hbm:s4], s20  }
0x9e: {  	_ =	swait.ge [sflag:s22], s20  }
0x9f: {  	s3 =	ssub.s32 $0x0, s20;
	[sflag:s22] =	ssyncset.done $0x0  }
0xa0: {  	[sflag:s22] =	ssyncadd.s32 s3;
	_ =	sdelay $0x1  }
0xa1: {  	s23 =	simm.s32 $0x1B8B  }
0xa2: {  	_ =	swait.ge [sflag:s23], $0x1  }
0xa3: {  	[sflag:s23] =	ssyncset.done $0x0  }
0xa4: {  	s25 =	simm.s32 $0x1B8E;
	s24 =	sld [smem:$0x3FFE];
	[sflag:s23] =	ssyncadd.s32 $0xFFFFFFFF  }
0xa5: {  	s26 =	simm.s32 $execute0_lowered;
	[smem:$0x3FD2] =	sst s25  }
0xa6: {  	s4 =	sshll.u32 s26, $0x1;
	_ =	strace $0x80000046;
	[dreg:$0x1] =	wrdreg $0xFFFFFFFF  }
0xa7: {  	s28 =	simm.s32 $_size_execute0_lowered;
	s2 =	sadd.s32 s2, s4;
	[dreg:$0x0] =	wrdreg $0x0  }
0xa8: {  	s4 =	sshll.u32 s28, $0x1;
	[dreg:$0x2] =	wrdreg s2  }
0xa9: {  	[dreg:$0x3] =	wrdreg s4  }
0xaa: {  	[dreg:$0x4] =	wrdreg $0xC0  }
0xab: {  	_ =	task [dreg:s6], $0x5FFFF  }
0xac: {  	[dreg:$0x1] =	wrdreg $0xFFFFFFFF  }
0xad: {  	[dreg:$0x0] =	wrdreg $0x60  }
0xae: {  	[dreg:$0x2] =	wrdreg s24  }
0xaf: {  	[dreg:$0x3] =	wrdreg $0x9  }
0xb0: {  	_ =	task.clear_ibuf [dreg:s6], $0x4FFFF;
	_ =	strace $0x90000046  }
0xb1: {  	s29 =	simm.s32 $0x9;
	_ =	strace $0x80000048  }
0xb2: {  	_ =	swait.ge [sflag:s29], $0x1  }
0xb3: {  	[sflag:s29] =	ssyncadd.s32 $0xFFFFFFFF  }
0xb4: {  	_ =	strace $0x90000048  }
0xb5: {  	_ =	sfence  }
0xb6: {  	s30 =	sld [smem:$0x0];
	_ =	sdelay $0x2  }
0xb7: {  	s31 =	sshll.u32 s1, $0xD;
	s1 =	sshrl.u32 s1, $0x2  }
0xb8: {  	s3 =	sand.u32 $0x4000, s31;
	s1 =	sadd.s32 s1, s30  }
0xb9: {  	s0 =	sor.u32 s3, s0;
	s1 =	sshll.u32 s1, $0x11  }
0xba: {  	s0 =	sor.u32 s1, s0  }
0xbb: {  	s0 =	sadd.s32 $0x8F2B, s0  }
0xbc: {  	[sflag:s0] =	ssyncadd.remote.s32 $0x1  }
0xbd: {  	_ =	sfence.sel $0xFFFF  }
0xbe: {  	[dreg:$0x0] =	wrdreg $0xFFFFFFFF;
	(pc) =	sbr.abs _section_cstart, $3  }
0xbf: {  	[dreg:$0x1] =	wrdreg $0xFFFFFFFF  }
0xc0: {  	_ =	task.clear_ibuf [dreg:s6], $0x2FFFF;
	_ =	strace $0x9FFFFFFF  }
0xc1: {  	(tm) =	ssettm $0x7FFFFFFF  }
tec
execute0_lowered:
.L_overlay_start_1:
0x0: {  	(tag) =	ssettag $0x1  }
0x1: {  	s0 =	srdreg.scid  }
0x2: {  	s0 =	sand.u32 $0x1, s0  }
0x3: {  	s2 =	stileid.u32;
	s1 =	sshll.u32 s0, $0x4  }
0x4: {  	s3 =	sor.u32 s2, s1;
	s1 =	rddreg [dreg:$0x0];
	s2 =	simm.s32 $0x0  }
0x5: {  	s11 =	simm.s32 $0xA0;
	[smem:$0x7FF] =	sst s2  }
0x6: {  	s12 =	simm.s32 $0xF0;
	_ =	strace $0x80000047;
	[dreg:$0x8] =	wrdreg s11  }
0x7: {  	s13 =	simm.s32 $0x140;
	[dreg:$0x9] =	wrdreg s12  }
0x8: {  	s14 =	simm.s32 $0x190;
	[dreg:$0xa] =	wrdreg s13  }
0x9: {  	s15 =	simm.s32 $0x1E0;
	[dreg:$0xb] =	wrdreg s14  }
0xa: {  	s16 =	simm.s32 $0x230;
	[dreg:$0xc] =	wrdreg s15  }
0xb: {  	s17 =	simm.s32 $0x280;
	[dreg:$0xd] =	wrdreg s16  }
0xc: {  	s18 =	simm.s32 $0x2D0;
	[dreg:$0xe] =	wrdreg s17  }
0xd: {  	s19 =	simm.s32 $0x320;
	[dreg:$0xf] =	wrdreg s18  }
0xe: {  	s20 =	simm.s32 $0x370;
	[dreg:$0x10] =	wrdreg s19  }
0xf: {  	s21 =	simm.s32 $0x3C0;
	[dreg:$0x11] =	wrdreg s20  }
0x10: {  	s22 =	simm.s32 $0x410;
	[dreg:$0x12] =	wrdreg s21  }
0x11: {  	s23 =	simm.s32 $0x460;
	[dreg:$0x13] =	wrdreg s22  }
0x12: {  	s24 =	simm.s32 $0x4B0;
	[dreg:$0x14] =	wrdreg s23  }
0x13: {  	s25 =	simm.s32 $0x500;
	[dreg:$0x15] =	wrdreg s24  }
0x14: {  	s26 =	simm.s32 $0x550;
	[dreg:$0x16] =	wrdreg s25  }
0x15: {  	s28 =	simm.s32 $0x5A0;
	[dreg:$0x17] =	wrdreg s26  }
0x16: {  	s29 =	simm.s32 $0x5F0;
	[dreg:$0x18] =	wrdreg s28  }
0x17: {  	s30 =	simm.s32 $0x640;
	[dreg:$0x19] =	wrdreg s29  }
0x18: {  	s5 =	simm.s32 $0x6E0;
	[dreg:$0x1a] =	wrdreg s30  }
0x19: {  	s6 =	simm.s32 $0x730;
	[dreg:$0x1c] =	wrdreg s5  }
0x1a: {  	[dreg:$0x1d] =	wrdreg s6;
	s11 =	simm.s32 $0x8C0  }
0x1b: {  	s12 =	simm.s32 $0x910;
	[smem:$0x79D] =	sst s11  }
0x1c: {  	s13 =	simm.s32 $0x960;
	[smem:$0x79E] =	sst s12  }
0x1d: {  	s14 =	simm.s32 $0x9B0;
	[smem:$0x79F] =	sst s13  }
0x1e: {  	s15 =	simm.s32 $0xA00;
	[smem:$0x7A0] =	sst s14  }
0x1f: {  	s16 =	simm.s32 $0xA50;
	[smem:$0x7A1] =	sst s15  }
0x20: {  	s17 =	simm.s32 $0xAA0;
	[smem:$0x7A2] =	sst s16  }
0x21: {  	s18 =	simm.s32 $0xAF0;
	[smem:$0x7A3] =	sst s17  }
0x22: {  	s19 =	simm.s32 $0xB40;
	[smem:$0x7A4] =	sst s18  }
0x23: {  	s20 =	simm.s32 $0xB90;
	[smem:$0x7A5] =	sst s19  }
0x24: {  	s21 =	simm.s32 $0xBE0;
	[smem:$0x7A6] =	sst s20  }
0x25: {  	s22 =	simm.s32 $0xC30;
	[smem:$0x7A7] =	sst s21  }
0x26: {  	s23 =	simm.s32 $0xC80;
	[smem:$0x7A8] =	sst s22  }
0x27: {  	s24 =	simm.s32 $0xCD0;
	[smem:$0x7A9] =	sst s23  }
0x28: {  	s25 =	simm.s32 $0xD20;
	[smem:$0x7AA] =	sst s24  }
0x29: {  	s26 =	simm.s32 $0xD70;
	[smem:$0x7AB] =	sst s25  }
0x2a: {  	s28 =	simm.s32 $0xDC0;
	[smem:$0x7AC] =	sst s26  }
0x2b: {  	s29 =	simm.s32 $0xE10;
	[smem:$0x7AD] =	sst s28  }
0x2c: {  	s30 =	simm.s32 $0xE60;
	[smem:$0x7AE] =	sst s29  }
0x2d: {  	s5 =	simm.s32 $0xF00;
	[smem:$0x7AF] =	sst s30  }
0x2e: {  	s6 =	simm.s32 $0xF50;
	[smem:$0x7B1] =	sst s5  }
0x2f: {  	[smem:$0x7B2] =	sst s6;
	s11 =	simm.s32 $0x10E0  }
0x30: {  	s12 =	simm.s32 $0x1130;
	[smem:$0x7B7] =	sst s11  }
0x31: {  	s13 =	simm.s32 $0x1180;
	[smem:$0x7B8] =	sst s12  }
0x32: {  	s14 =	simm.s32 $0x11D0;
	[smem:$0x7B9] =	sst s13  }
0x33: {  	s15 =	simm.s32 $0x1220;
	[smem:$0x7BA] =	sst s14  }
0x34: {  	s16 =	simm.s32 $0x1270;
	[smem:$0x7BB] =	sst s15  }
0x35: {  	s17 =	simm.s32 $0x12C0;
	[smem:$0x7BC] =	sst s16  }
0x36: {  	s18 =	simm.s32 $0x1310;
	[smem:$0x7BD] =	sst s17  }
0x37: {  	s19 =	simm.s32 $0x1360;
	[smem:$0x7BE] =	sst s18  }
0x38: {  	s20 =	simm.s32 $0x13B0;
	[smem:$0x7BF] =	sst s19  }
0x39: {  	s21 =	simm.s32 $0x1400;
	[smem:$0x7C0] =	sst s20  }
0x3a: {  	s22 =	simm.s32 $0x1450;
	[smem:$0x7C1] =	sst s21  }
0x3b: {  	s23 =	simm.s32 $0x14A0;
	[smem:$0x7C2] =	sst s22  }
0x3c: {  	s24 =	simm.s32 $0x14F0;
	[smem:$0x7C3] =	sst s23  }
0x3d: {  	s25 =	simm.s32 $0x1540;
	[smem:$0x7C4] =	sst s24  }
0x3e: {  	s26 =	simm.s32 $0x1590;
	[smem:$0x7C5] =	sst s25  }
0x3f: {  	s28 =	simm.s32 $0x15E0;
	[smem:$0x7C6] =	sst s26  }
0x40: {  	s29 =	simm.s32 $0x1630;
	[smem:$0x7C7] =	sst s28  }
0x41: {  	s4 =	smul.u32 $0x4E2, s3;
	s30 =	simm.s32 $0x1680;
	[smem:$0x7C8] =	sst s29  }
0x42: {  	s3 =	smul.u32 $0x9C40, s3;
	s5 =	simm.s32 $0x1720;
	[smem:$0x7C9] =	sst s30  }
0x43: {  	s4 =	sadd.s32 s4, s1;
	s6 =	simm.s32 $0x1770;
	[smem:$0x7CB] =	sst s5  }
0x44: {  	s3 =	sadd.s32 s3, s1;
	s4 =	sadd.s32 $0x40600, s4;
	[smem:$0x7CC] =	sst s6  }
0x45: {  	s7 =	sadd.s32 $0x4A400, s3;
	[dreg:$0x2] =	wrdreg s4  }
0x46: {  	s8 =	sadd.s32 $0x4C340, s3;
	[dreg:$0x3] =	wrdreg s7  }
0x47: {  	s9 =	sadd.s32 $0x4E280, s3;
	[dreg:$0x4] =	wrdreg s8  }
0x48: {  	s10 =	sadd.s32 $0x501C0, s3;
	[dreg:$0x5] =	wrdreg s9  }
0x49: {  	s3 =	sadd.s32 $0x52100, s3;
	[dreg:$0x6] =	wrdreg s10  }
0x4a: {  	s11 =	simm.s32 $0x1900;
	[dreg:$0x7] =	wrdreg s3  }
0x4b: {  	s12 =	simm.s32 $0x1950;
	[smem:$0x7D1] =	sst s11  }
0x4c: {  	s13 =	simm.s32 $0x19A0;
	[smem:$0x7D2] =	sst s12  }
0x4d: {  	s14 =	simm.s32 $0x19F0;
	[smem:$0x7D3] =	sst s13  }
0x4e: {  	s15 =	simm.s32 $0x1A40;
	[smem:$0x7D4] =	sst s14  }
0x4f: {  	s16 =	simm.s32 $0x1A90;
	[smem:$0x7D5] =	sst s15  }
0x50: {  	s17 =	simm.s32 $0x1AE0;
	[smem:$0x7D6] =	sst s16  }
0x51: {  	s18 =	simm.s32 $0x1B30;
	[smem:$0x7D7] =	sst s17  }
0x52: {  	s19 =	simm.s32 $0x1B80;
	[smem:$0x7D8] =	sst s18  }
0x53: {  	s20 =	simm.s32 $0x1BD0;
	[smem:$0x7D9] =	sst s19  }
0x54: {  	s21 =	simm.s32 $0x1C20;
	[smem:$0x7DA] =	sst s20  }
0x55: {  	s22 =	simm.s32 $0x1C70;
	[smem:$0x7DB] =	sst s21  }
0x56: {  	s23 =	simm.s32 $0x1CC0;
	[smem:$0x7DC] =	sst s22  }
0x57: {  	s24 =	simm.s32 $0x1D10;
	[smem:$0x7DD] =	sst s23  }
0x58: {  	s25 =	simm.s32 $0x1D60;
	[smem:$0x7DE] =	sst s24  }
0x59: {  	s26 =	simm.s32 $0x1DB0;
	[smem:$0x7DF] =	sst s25  }
0x5a: {  	s28 =	simm.s32 $0x1E00;
	[smem:$0x7E0] =	sst s26  }
0x5b: {  	s29 =	simm.s32 $0x1E50;
	[smem:$0x7E1] =	sst s28  }
0x5c: {  	s30 =	simm.s32 $0x1EA0;
	[smem:$0x7E2] =	sst s29  }
0x5d: {  	s5 =	simm.s32 $0x1F40;
	[smem:$0x7E3] =	sst s30  }
0x5e: {  	s6 =	simm.s32 $0x1F90;
	[smem:$0x7E5] =	sst s5  }
0x5f: {  	s4 =	simm.s32 $0x690;
	[smem:$0x7E6] =	sst s6  }
0x60: {  	s7 =	simm.s32 $0x780;
	[dreg:$0x1b] =	wrdreg s4  }
0x61: {  	s8 =	simm.s32 $0x7D0;
	[dreg:$0x1e] =	wrdreg s7  }
0x62: {  	s9 =	simm.s32 $0x820;
	[dreg:$0x1f] =	wrdreg s8  }
0x63: {  	s10 =	simm.s32 $0x870;
	[smem:$0x79B] =	sst s9  }
0x64: {  	s11 =	simm.s32 $0x20D0;
	[smem:$0x79C] =	sst s10  }
0x65: {  	s12 =	simm.s32 $0x2120;
	[smem:$0x7EA] =	sst s11  }
0x66: {  	s13 =	simm.s32 $0x2170;
	[smem:$0x7EB] =	sst s12  }
0x67: {  	s14 =	simm.s32 $0x21C0;
	[smem:$0x7EC] =	sst s13  }
0x68: {  	s15 =	simm.s32 $0x2210;
	[smem:$0x7ED] =	sst s14  }
0x69: {  	s16 =	simm.s32 $0x2260;
	[smem:$0x7EE] =	sst s15  }
0x6a: {  	s17 =	simm.s32 $0x22B0;
	[smem:$0x7EF] =	sst s16  }
0x6b: {  	s18 =	simm.s32 $0x2300;
	[smem:$0x7F0] =	sst s17  }
0x6c: {  	s19 =	simm.s32 $0x2350;
	[smem:$0x7F1] =	sst s18  }
0x6d: {  	s20 =	simm.s32 $0x23A0;
	[smem:$0x7F2] =	sst s19  }
0x6e: {  	s21 =	simm.s32 $0x23F0;
	[smem:$0x7F3] =	sst s20  }
0x6f: {  	s22 =	simm.s32 $0x2440;
	[smem:$0x7F4] =	sst s21  }
0x70: {  	s23 =	simm.s32 $0x2490;
	[smem:$0x7F5] =	sst s22  }
0x71: {  	s24 =	simm.s32 $0x24E0;
	[smem:$0x7F6] =	sst s23  }
0x72: {  	s25 =	simm.s32 $0x2530;
	[smem:$0x7F7] =	sst s24  }
0x73: {  	s26 =	simm.s32 $0x2580;
	[smem:$0x7F8] =	sst s25  }
0x74: {  	s28 =	simm.s32 $0x25D0;
	[smem:$0x7F9] =	sst s26  }
0x75: {  	s29 =	simm.s32 $0x2620;
	[smem:$0x7FA] =	sst s28  }
0x76: {  	s30 =	simm.s32 $0x2670;
	[smem:$0x7FB] =	sst s29  }
0x77: {  	s4 =	simm.s32 $0xEB0;
	[smem:$0x7FC] =	sst s30  }
0x78: {  	s7 =	simm.s32 $0xFA0;
	[smem:$0x7B0] =	sst s4  }
0x79: {  	s8 =	simm.s32 $0xFF0;
	[smem:$0x7B3] =	sst s7  }
0x7a: {  	s9 =	simm.s32 $0x1040;
	[smem:$0x7B4] =	sst s8  }
0x7b: {  	s10 =	simm.s32 $0x1090;
	[smem:$0x7B5] =	sst s9  }
0x7c: {  	s31 =	simm.s32 $0x2710;
	[smem:$0x7B6] =	sst s10;
	s4 =	simm.s32 $0x16D0  }
0x7d: {  	p0 =	por $0x0, $0x0;
	s7 =	simm.s32 $0x17C0;
	[smem:$0x7CA] =	sst s4  }
0x7e: {  	s0 =	ssub.s32 $0x2, s0;
	s9 =	simm.s32 $0x1860;
	[smem:$0x7CD] =	sst s7  }
0x7f: {  	s8 =	simm.s32 $0x1810;
	[smem:$0x7CF] =	sst s9;
	s9 =	sshrl.u32 s0, $0x1  }
0x80: {  	s10 =	simm.s32 $0x18B0;
	[smem:$0x7CE] =	sst s8;
	s0 =	ssub.s32 s0, s9  }
0x81: {  	[smem:$0x7D0] =	sst s10;
	s4 =	simm.s32 $0x1EF0;
	s0 =	smax.u32 s0, $0x1  }
0x82: {  	s7 =	simm.s32 $0x1FE0;
	[smem:$0x7E4] =	sst s4;
	p1 =	sne.s32 s0, $0x1  }
.Ltmp0:
0x83: {  	s8 =	simm.s32 $0x2030;
	[smem:$0x7E7] =	sst s7;
	(pc) =	sbr.rel @!p1 .LBB2_3-.Ltmp0, $4  }
0x84: {  	s3 =	sadd.s32 $0x2CA00, s1;
	s10 =	simm.s32 $0x2080;
	[smem:$0x7E8] =	sst s8  }
0x85: {  	s6 =	simm.s32 $0x50;
	[smem:$0x7E9] =	sst s10;
	s7 =	simm.s32 $0x26C0  }
0x86: {  	s11 =	simm.s32 $0x1;
	s4 =	simm.s32 $0x2;
	[smem:$0x7FD] =	sst s7  }
0x87: {  	s8 =	simm.s32 $0xE510;
	s7 =	rddreg [dreg:$0x2];
	s0 =	sadd.s32 $0xFFFFFFFF, s0  }
0x88: {  	[tilespmem:s2], [sflag:$0x2] =	stream.linear.gather [hbm4b:s7+s2], $0x2710, $0x38;
	[tilespmem:$0x12110] =	vst v63  }
0x89: {  	_ =	swait.ge [sflag:s4], $0x2710  }
0x8a: {  	[sflag:s4] =	ssyncset.done $0x0  }
0x8b: {  	[sflag:s4] =	ssyncadd.s32 $0xFFFFD8F0  }
0x8c: {  	[tilespmem:s31], [sflag:$0x1] =	stream.indirect.gather [hbm4b:s3+s6], $0x20, s2, s6, $0xb8;
	[tilespmem:$0x12110] =	vst v63  }
0x8d: {  	s1 =	simm.s32 $0x3110;
	s18 =	rddreg [dreg:$0x8]  }
0x8e: {  	[tilespmem:s1], [sflag:$0x1] =	stream.indirect.gather [hbm4b:s3+s6], $0x20, s6, s6, $0xb8;
	[tilespmem:$0x12110] =	vst v63  }
0x8f: {  	s20 =	simm.s32 $0x3B10;
	[smem:$0x79A] =	sst s0  }
0x90: {  	[tilespmem:s20], [sflag:$0x1] =	stream.indirect.gather [hbm4b:s3+s6], $0x20, s18, s6, $0xb8;
	[tilespmem:$0x12110] =	vst v63  }
0x91: {  	s25 =	simm.s32 $0x4510;
	s19 =	rddreg [dreg:$0x9]  }
0x92: {  	[tilespmem:s25], [sflag:$0x1] =	stream.indirect.gather [hbm4b:s3+s6], $0x20, s19, s6, $0xb8;
	[tilespmem:$0x12110] =	vst v63  }
0x93: {  	s28 =	simm.s32 $0x4F10;
	s21 =	rddreg [dreg:$0xa]  }
0x94: {  	[tilespmem:s28], [sflag:$0x1] =	stream.indirect.gather [hbm4b:s3+s6], $0x20, s21, s6, $0xb8;
	[tilespmem:$0x12110] =	vst v63  }
0x95: {  	s30 =	simm.s32 $0x5910;
	s26 =	rddreg [dreg:$0xb]  }
0x96: {  	[tilespmem:s30], [sflag:$0x1] =	stream.indirect.gather [hbm4b:s3+s6], $0x20, s26, s6, $0xb8;
	[tilespmem:$0x12110] =	vst v63  }
0x97: {  	s5 =	simm.s32 $0x6310;
	s29 =	rddreg [dreg:$0xc]  }
0x98: {  	[tilespmem:s5], [sflag:$0x1] =	stream.indirect.gather [hbm4b:s3+s6], $0x20, s29, s6, $0xb8;
	[tilespmem:$0x12110] =	vst v63  }
0x99: {  	s10 =	simm.s32 $0x6D10;
	s2 =	rddreg [dreg:$0xd]  }
0x9a: {  	[tilespmem:s10], [sflag:$0x1] =	stream.indirect.gather [hbm4b:s3+s6], $0x20, s2, s6, $0xb8;
	[tilespmem:$0x12110] =	vst v63  }
0x9b: {  	s13 =	simm.s32 $0x7710;
	s9 =	rddreg [dreg:$0xe]  }
0x9c: {  	[tilespmem:s13], [sflag:$0x1] =	stream.indirect.gather [hbm4b:s3+s6], $0x20, s9, s6, $0xb8;
	[tilespmem:$0x12110] =	vst v63  }
0x9d: {  	s15 =	simm.s32 $0x8110;
	s12 =	rddreg [dreg:$0xf]  }
0x9e: {  	[tilespmem:s15], [sflag:$0x1] =	stream.indirect.gather [hbm4b:s3+s6], $0x20, s12, s6, $0xb8;
	[tilespmem:$0x12110] =	vst v63  }
0x9f: {  	s14 =	rddreg [dreg:$0x10];
	s25 =	simm.s32 $0x8B10  }
0xa0: {  	[tilespmem:s25], [sflag:$0x1] =	stream.indirect.gather [hbm4b:s3+s6], $0x20, s14, s6, $0xb8;
	[tilespmem:$0x12110] =	vst v63  }
0xa1: {  	s16 =	rddreg [dreg:$0x11];
	s28 =	simm.s32 $0x9510  }
0xa2: {  	[tilespmem:s28], [sflag:$0x1] =	stream.indirect.gather [hbm4b:s3+s6], $0x20, s16, s6, $0xb8;
	[tilespmem:$0x12110] =	vst v63  }
0xa3: {  	s26 =	rddreg [dreg:$0x12];
	s30 =	simm.s32 $0x9F10  }
0xa4: {  	[tilespmem:s30], [sflag:$0x1] =	stream.indirect.gather [hbm4b:s3+s6], $0x20, s26, s6, $0xb8;
	[tilespmem:$0x12110] =	vst v63  }
0xa5: {  	s29 =	rddreg [dreg:$0x13];
	s12 =	simm.s32 $0xA910  }
0xa6: {  	[tilespmem:s12], [sflag:$0x1] =	stream.indirect.gather [hbm4b:s3+s6], $0x20, s29, s6, $0xb8;
	[tilespmem:$0x12110] =	vst v63  }
0xa7: {  	s2 =	rddreg [dreg:$0x14];
	s15 =	simm.s32 $0xB310  }
0xa8: {  	[tilespmem:s15], [sflag:$0x1] =	stream.indirect.gather [hbm4b:s3+s6], $0x20, s2, s6, $0xb8;
	[tilespmem:$0x12110] =	vst v63  }
0xa9: {  	s14 =	rddreg [dreg:$0x15];
	s25 =	simm.s32 $0xBD10  }
0xaa: {  	[tilespmem:s25], [sflag:$0x1] =	stream.indirect.gather [hbm4b:s3+s6], $0x20, s14, s6, $0xb8;
	[tilespmem:$0x12110] =	vst v63  }
0xab: {  	s16 =	rddreg [dreg:$0x16];
	s28 =	simm.s32 $0xC710  }
0xac: {  	[tilespmem:s28], [sflag:$0x1] =	stream.indirect.gather [hbm4b:s3+s6], $0x20, s16, s6, $0xb8;
	[tilespmem:$0x12110] =	vst v63  }
0xad: {  	s26 =	rddreg [dreg:$0x17];
	s30 =	simm.s32 $0xD110  }
0xae: {  	[tilespmem:s30], [sflag:$0x1] =	stream.indirect.gather [hbm4b:s3+s6], $0x20, s26, s6, $0xb8;
	[tilespmem:$0x12110] =	vst v63  }
0xaf: {  	s29 =	rddreg [dreg:$0x18];
	s14 =	simm.s32 $0xDB10  }
0xb0: {  	[tilespmem:s14], [sflag:$0x1] =	stream.indirect.gather [hbm4b:s3+s6], $0x20, s29, s6, $0xb8;
	[tilespmem:$0x12110] =	vst v63  }
0xb1: {  	s2 =	rddreg [dreg:$0x19]  }
0xb2: {  	[tilespmem:s8], [sflag:$0x1] =	stream.indirect.gather [hbm4b:s3+s6], $0x20, s2, s6, $0xb8;
	[tilespmem:$0x12110] =	vst v63  }
0xb3: {  	s15 =	rddreg [dreg:$0x1a];
	s26 =	simm.s32 $0xEF10  }
0xb4: {  	[tilespmem:s26], [sflag:$0x1] =	stream.indirect.gather [hbm4b:s3+s6], $0x20, s15, s6, $0xb8;
	[tilespmem:$0x12110] =	vst v63  }
0xb5: {  	s25 =	rddreg [dreg:$0x1b];
	s30 =	simm.s32 $0xF910  }
0xb6: {  	[tilespmem:s30], [sflag:$0x1] =	stream.indirect.gather [hbm4b:s3+s6], $0x20, s25, s6, $0xb8;
	[tilespmem:$0x12110] =	vst v63  }
0xb7: {  	s28 =	rddreg [dreg:$0x1c];
	s14 =	simm.s32 $0x10310  }
0xb8: {  	[tilespmem:s14], [sflag:$0x1] =	stream.indirect.gather [hbm4b:s3+s6], $0x20, s28, s6, $0xb8;
	[tilespmem:$0x12110] =	vst v63  }
0xb9: {  	s8 =	rddreg [dreg:$0x1d];
	s25 =	simm.s32 $0x10D10  }
0xba: {  	[tilespmem:s25], [sflag:$0x1] =	stream.indirect.gather [hbm4b:s3+s6], $0x20, s8, s6, $0xb8;
	[tilespmem:$0x12110] =	vst v63  }
0xbb: {  	s15 =	rddreg [dreg:$0x1e];
	s26 =	simm.s32 $0x11710  }
0xbc: {  	[tilespmem:s26], [sflag:$0x1] =	stream.indirect.gather [hbm4b:s3+s6], $0x20, s15, s6, $0xb8;
	[tilespmem:$0x12110] =	vst v63  }
0xbd: {  	_ =	swait.ge [sflag:s11], $0xFA00  }
0xbe: {  	[sflag:s11] =	ssyncset.done $0x0  }
0xbf: {  	s29 =	simm.s32 $0x0;
	s28 =	rddreg [dreg:$0x3];
	[sflag:s11] =	ssyncadd.s32 $0xFFFF0600  }
0xc0: {  	[hbm4b:s28+s29] =	stream.linear.scatter [tilespmem:s31], [sflag:$0x2], $0xFA00, $0x38;
	[tilespmem:$0x12110] =	vst v63  }
0xc1: {  	_ =	swait.ge [sflag:s4], $0xFA00  }
0xc2: {  	s29 =	rddreg [dreg:$0x1f];
	[sflag:s4] =	ssyncset.done $0x0  }
0xc3: {  	s30 =	sld [smem:$0x79B];
	[sflag:s4] =	ssyncadd.s32 $0xFFFF0600  }
0xc4: {  	[tilespmem:s31], [sflag:$0x1] =	stream.indirect.gather [hbm4b:s3+s6], $0x20, s29, s6, $0xb8;
	[tilespmem:$0x12110] =	vst v63  }
0xc5: {  	s24 =	simm.s32 $0x3110;
	s1 =	sld [smem:$0x79C]  }
0xc6: {  	[tilespmem:s24], [sflag:$0x1] =	stream.indirect.gather [hbm4b:s3+s6], $0x20, s30, s6, $0xb8;
	[tilespmem:$0x12110] =	vst v63  }
0xc7: {  	s23 =	simm.s32 $0x3B10;
	s8 =	sld [smem:$0x79D]  }
0xc8: {  	[tilespmem:s23], [sflag:$0x1] =	stream.indirect.gather [hbm4b:s3+s6], $0x20, s1, s6, $0xb8;
	[tilespmem:$0x12110] =	vst v63  }
0xc9: {  	s22 =	simm.s32 $0x4510;
	s23 =	sld [smem:$0x79E]  }
0xca: {  	[tilespmem:s22], [sflag:$0x1] =	stream.indirect.gather [hbm4b:s3+s6], $0x20, s8, s6, $0xb8;
	[tilespmem:$0x12110] =	vst v63  }
0xcb: {  	s21 =	simm.s32 $0x4F10;
	s24 =	sld [smem:$0x79F]  }
0xcc: {  	[tilespmem:s21], [sflag:$0x1] =	stream.indirect.gather [hbm4b:s3+s6], $0x20, s23, s6, $0xb8;
	[tilespmem:$0x12110] =	vst v63  }
0xcd: {  	s20 =	simm.s32 $0x5910;
	s25 =	sld [smem:$0x7A0]  }
0xce: {  	[tilespmem:s20], [sflag:$0x1] =	stream.indirect.gather [hbm4b:s3+s6], $0x20, s24, s6, $0xb8;
	[tilespmem:$0x12110] =	vst v63  }
0xcf: {  	s19 =	simm.s32 $0x6310;
	s1 =	sld [smem:$0x7A1]  }
0xd0: {  	[tilespmem:s19], [sflag:$0x1] =	stream.indirect.gather [hbm4b:s3+s6], $0x20, s25, s6, $0xb8;
	[tilespmem:$0x12110] =	vst v63  }
0xd1: {  	s18 =	simm.s32 $0x6D10;
	s8 =	sld [smem:$0x7A2]  }
0xd2: {  	[tilespmem:s18], [sflag:$0x1] =	stream.indirect.gather [hbm4b:s3+s6], $0x20, s1, s6, $0xb8;
	[tilespmem:$0x12110] =	vst v63  }
0xd3: {  	s17 =	simm.s32 $0x7710;
	s18 =	sld [smem:$0x7A3]  }
0xd4: {  	[tilespmem:s17], [sflag:$0x1] =	stream.indirect.gather [hbm4b:s3+s6], $0x20, s8, s6, $0xb8;
	[tilespmem:$0x12110] =	vst v63  }
0xd5: {  	s5 =	simm.s32 $0x8110;
	s19 =	sld [smem:$0x7A4]  }
0xd6: {  	[tilespmem:s5], [sflag:$0x1] =	stream.indirect.gather [hbm4b:s3+s6], $0x20, s18, s6, $0xb8;
	[tilespmem:$0x12110] =	vst v63  }
0xd7: {  	s10 =	simm.s32 $0x8B10;
	s20 =	sld [smem:$0x7A5]  }
0xd8: {  	[tilespmem:s10], [sflag:$0x1] =	stream.indirect.gather [hbm4b:s3+s6], $0x20, s19, s6, $0xb8;
	[tilespmem:$0x12110] =	vst v63  }
0xd9: {  	s21 =	sld [smem:$0x7A6];
	s8 =	simm.s32 $0x9510  }
0xda: {  	[tilespmem:s8], [sflag:$0x1] =	stream.indirect.gather [hbm4b:s3+s6], $0x20, s20, s6, $0xb8;
	[tilespmem:$0x12110] =	vst v63  }
0xdb: {  	s13 =	simm.s32 $0x9F10;
	s1 =	sld [smem:$0x7A7]  }
0xdc: {  	[tilespmem:s13], [sflag:$0x1] =	stream.indirect.gather [hbm4b:s3+s6], $0x20, s21, s6, $0xb8;
	[tilespmem:$0x12110] =	vst v63  }
0xdd: {  	s9 =	simm.s32 $0xA910;
	s5 =	sld [smem:$0x7A8]  }
0xde: {  	[tilespmem:s9], [sflag:$0x1] =	stream.indirect.gather [hbm4b:s3+s6], $0x20, s1, s6, $0xb8;
	[tilespmem:$0x12110] =	vst v63  }
0xdf: {  	s12 =	simm.s32 $0xB310;
	s10 =	sld [smem:$0x7A9]  }
0xe0: {  	[tilespmem:s12], [sflag:$0x1] =	stream.indirect.gather [hbm4b:s3+s6], $0x20, s5, s6, $0xb8;
	[tilespmem:$0x12110] =	vst v63  }
0xe1: {  	s1 =	simm.s32 $0xBD10;
	s12 =	sld [smem:$0x7AA]  }
0xe2: {  	[tilespmem:s1], [sflag:$0x1] =	stream.indirect.gather [hbm4b:s3+s6], $0x20, s10, s6, $0xb8;
	[tilespmem:$0x12110] =	vst v63  }
0xe3: {  	s16 =	simm.s32 $0xC710;
	s13 =	sld [smem:$0x7AB]  }
0xe4: {  	[tilespmem:s16], [sflag:$0x1] =	stream.indirect.gather [hbm4b:s3+s6], $0x20, s12, s6, $0xb8;
	[tilespmem:$0x12110] =	vst v63  }
0xe5: {  	s21 =	sld [smem:$0x7AC];
	s9 =	simm.s32 $0xD110  }
0xe6: {  	[tilespmem:s9], [sflag:$0x1] =	stream.indirect.gather [hbm4b:s3+s6], $0x20, s13, s6, $0xb8;
	[tilespmem:$0x12110] =	vst v63  }
0xe7: {  	s5 =	sld [smem:$0x7AD];
	s10 =	simm.s32 $0xDB10  }
0xe8: {  	[tilespmem:s10], [sflag:$0x1] =	stream.indirect.gather [hbm4b:s3+s6], $0x20, s21, s6, $0xb8;
	[tilespmem:$0x12110] =	vst v63  }
0xe9: {  	s2 =	simm.s32 $0xE510;
	s12 =	sld [smem:$0x7AE]  }
0xea: {  	[tilespmem:s2], [sflag:$0x1] =	stream.indirect.gather [hbm4b:s3+s6], $0x20, s5, s6, $0xb8;
	[tilespmem:$0x12110] =	vst v63  }
0xeb: {  	s13 =	sld [smem:$0x7AF];
	s5 =	simm.s32 $0xEF10  }
0xec: {  	[tilespmem:s5], [sflag:$0x1] =	stream.indirect.gather [hbm4b:s3+s6], $0x20, s12, s6, $0xb8;
	[tilespmem:$0x12110] =	vst v63  }
0xed: {  	s2 =	simm.s32 $0xF910;
	s12 =	sld [smem:$0x7B0]  }
0xee: {  	[tilespmem:s2], [sflag:$0x1] =	stream.indirect.gather [hbm4b:s3+s6], $0x20, s13, s6, $0xb8;
	[tilespmem:$0x12110] =	vst v63  }
0xef: {  	s5 =	sld [smem:$0x7B1];
	s13 =	simm.s32 $0x10310  }
0xf0: {  	[tilespmem:s13], [sflag:$0x1] =	stream.indirect.gather [hbm4b:s3+s6], $0x20, s12, s6, $0xb8;
	[tilespmem:$0x12110] =	vst v63  }
0xf1: {  	s0 =	sld [smem:$0x7B2];
	s12 =	simm.s32 $0x10D10  }
0xf2: {  	[tilespmem:s12], [sflag:$0x1] =	stream.indirect.gather [hbm4b:s3+s6], $0x20, s5, s6, $0xb8;
	[tilespmem:$0x12110] =	vst v63  }
0xf3: {  	s5 =	simm.s32 $0x11710  }
0xf4: {  	[tilespmem:s5], [sflag:$0x1] =	stream.indirect.gather [hbm4b:s3+s6], $0x20, s0, s6, $0xb8;
	[tilespmem:$0x12110] =	vst v63  }
0xf5: {  	_ =	swait.ge [sflag:s11], $0xFA00  }
0xf6: {  	[sflag:s11] =	ssyncset.done $0x0  }
0xf7: {  	s15 =	simm.s32 $0x0;
	s7 =	rddreg [dreg:$0x4];
	[sflag:s11] =	ssyncadd.s32 $0xFFFF0600  }
0xf8: {  	[hbm4b:s7+s15] =	stream.linear.scatter [tilespmem:s31], [sflag:$0x2], $0xFA00, $0x38;
	[tilespmem:$0x12110] =	vst v63  }
0xf9: {  	_ =	swait.ge [sflag:s4], $0xFA00  }
0xfa: {  	s0 =	sld [smem:$0x7B3]  }
0xfb: {  	[sflag:s4] =	ssyncset.done $0x0  }
0xfc: {  	s7 =	sld [smem:$0x7B4];
	[sflag:s4] =	ssyncadd.s32 $0xFFFF0600  }
0xfd: {  	[tilespmem:s31], [sflag:$0x1] =	stream.indirect.gather [hbm4b:s3+s6], $0x20, s0, s6, $0xb8;
	[tilespmem:$0x12110] =	vst v63  }
0xfe: {  	s14 =	simm.s32 $0x3110;
	s0 =	sld [smem:$0x7B5]  }
0xff: {  	[tilespmem:s14], [sflag:$0x1] =	stream.indirect.gather [hbm4b:s3+s6], $0x20, s7, s6, $0xb8;
	[tilespmem:$0x12110] =	vst v63  }
0x100: {  	s30 =	simm.s32 $0x3B10;
	s14 =	sld [smem:$0x7B6]  }
0x101: {  	[tilespmem:s30], [sflag:$0x1] =	stream.indirect.gather [hbm4b:s3+s6], $0x20, s0, s6, $0xb8;
	[tilespmem:$0x12110] =	vst v63  }
0x102: {  	s29 =	simm.s32 $0x4510;
	s30 =	sld [smem:$0x7B7]  }
0x103: {  	[tilespmem:s29], [sflag:$0x1] =	stream.indirect.gather [hbm4b:s3+s6], $0x20, s14, s6, $0xb8;
	[tilespmem:$0x12110] =	vst v63  }
0x104: {  	s28 =	simm.s32 $0x4F10;
	s14 =	sld [smem:$0x7B8]  }
0x105: {  	[tilespmem:s28], [sflag:$0x1] =	stream.indirect.gather [hbm4b:s3+s6], $0x20, s30, s6, $0xb8;
	[tilespmem:$0x12110] =	vst v63  }
0x106: {  	s26 =	simm.s32 $0x5910;
	s0 =	sld [smem:$0x7B9]  }
0x107: {  	[tilespmem:s26], [sflag:$0x1] =	stream.indirect.gather [hbm4b:s3+s6], $0x20, s14, s6, $0xb8;
	[tilespmem:$0x12110] =	vst v63  }
0x108: {  	s25 =	simm.s32 $0x6310;
	s30 =	sld [smem:$0x7BA]  }
0x109: {  	[tilespmem:s25], [sflag:$0x1] =	stream.indirect.gather [hbm4b:s3+s6], $0x20, s0, s6, $0xb8;
	[tilespmem:$0x12110] =	vst v63  }
0x10a: {  	s24 =	simm.s32 $0x6D10;
	s26 =	sld [smem:$0x7BB]  }
0x10b: {  	[tilespmem:s24], [sflag:$0x1] =	stream.indirect.gather [hbm4b:s3+s6], $0x20, s30, s6, $0xb8;
	[tilespmem:$0x12110] =	vst v63  }
0x10c: {  	s23 =	simm.s32 $0x7710;
	s30 =	sld [smem:$0x7BC]  }
0x10d: {  	[tilespmem:s23], [sflag:$0x1] =	stream.indirect.gather [hbm4b:s3+s6], $0x20, s26, s6, $0xb8;
	[tilespmem:$0x12110] =	vst v63  }
0x10e: {  	s22 =	simm.s32 $0x8110;
	s25 =	sld [smem:$0x7BD]  }
0x10f: {  	[tilespmem:s22], [sflag:$0x1] =	stream.indirect.gather [hbm4b:s3+s6], $0x20, s30, s6, $0xb8;
	[tilespmem:$0x12110] =	vst v63  }
0x110: {  	s18 =	simm.s32 $0x8B10;
	s26 =	sld [smem:$0x7BE]  }
0x111: {  	[tilespmem:s18], [sflag:$0x1] =	stream.indirect.gather [hbm4b:s3+s6], $0x20, s25, s6, $0xb8;
	[tilespmem:$0x12110] =	vst v63  }
0x112: {  	s18 =	sld [smem:$0x7BF]  }
0x113: {  	[tilespmem:s8], [sflag:$0x1] =	stream.indirect.gather [hbm4b:s3+s6], $0x20, s26, s6, $0xb8;
	[tilespmem:$0x12110] =	vst v63  }
0x114: {  	s22 =	sld [smem:$0x7C0];
	s26 =	simm.s32 $0x9F10  }
0x115: {  	[tilespmem:s26], [sflag:$0x1] =	stream.indirect.gather [hbm4b:s3+s6], $0x20, s18, s6, $0xb8;
	[tilespmem:$0x12110] =	vst v63  }
0x116: {  	s17 =	simm.s32 $0xA910;
	s0 =	sld [smem:$0x7C1]  }
0x117: {  	[tilespmem:s17], [sflag:$0x1] =	stream.indirect.gather [hbm4b:s3+s6], $0x20, s22, s6, $0xb8;
	[tilespmem:$0x12110] =	vst v63  }
0x118: {  	s19 =	simm.s32 $0xB310;
	s22 =	sld [smem:$0x7C2]  }
0x119: {  	[tilespmem:s19], [sflag:$0x1] =	stream.indirect.gather [hbm4b:s3+s6], $0x20, s0, s6, $0xb8;
	[tilespmem:$0x12110] =	vst v63  }
0x11a: {  	s0 =	sld [smem:$0x7C3]  }
0x11b: {  	[tilespmem:s1], [sflag:$0x1] =	stream.indirect.gather [hbm4b:s3+s6], $0x20, s22, s6, $0xb8;
	[tilespmem:$0x12110] =	vst v63  }
0x11c: {  	s20 =	simm.s32 $0xC710;
	s17 =	sld [smem:$0x7C4]  }
0x11d: {  	[tilespmem:s20], [sflag:$0x1] =	stream.indirect.gather [hbm4b:s3+s6], $0x20, s0, s6, $0xb8;
	[tilespmem:$0x12110] =	vst v63  }
0x11e: {  	s20 =	sld [smem:$0x7C5]  }
0x11f: {  	[tilespmem:s9], [sflag:$0x1] =	stream.indirect.gather [hbm4b:s3+s6], $0x20, s17, s6, $0xb8;
	[tilespmem:$0x12110] =	vst v63  }
0x120: {  	s9 =	sld [smem:$0x7C6]  }
0x121: {  	[tilespmem:s10], [sflag:$0x1] =	stream.indirect.gather [hbm4b:s3+s6], $0x20, s20, s6, $0xb8;
	[tilespmem:$0x12110] =	vst v63  }
0x122: {  	s21 =	simm.s32 $0xE510;
	s17 =	sld [smem:$0x7C7]  }
0x123: {  	[tilespmem:s21], [sflag:$0x1] =	stream.indirect.gather [hbm4b:s3+s6], $0x20, s9, s6, $0xb8;
	[tilespmem:$0x12110] =	vst v63  }
0x124: {  	s16 =	simm.s32 $0xEF10;
	s20 =	sld [smem:$0x7C8]  }
0x125: {  	[tilespmem:s16], [sflag:$0x1] =	stream.indirect.gather [hbm4b:s3+s6], $0x20, s17, s6, $0xb8;
	[tilespmem:$0x12110] =	vst v63  }
0x126: {  	s21 =	sld [smem:$0x7C9]  }
0x127: {  	[tilespmem:s2], [sflag:$0x1] =	stream.indirect.gather [hbm4b:s3+s6], $0x20, s20, s6, $0xb8;
	[tilespmem:$0x12110] =	vst v63  }
0x128: {  	s20 =	sld [smem:$0x7CA]  }
0x129: {  	[tilespmem:s13], [sflag:$0x1] =	stream.indirect.gather [hbm4b:s3+s6], $0x20, s21, s6, $0xb8;
	[tilespmem:$0x12110] =	vst v63  }
0x12a: {  	s21 =	sld [smem:$0x7CB]  }
0x12b: {  	[tilespmem:s12], [sflag:$0x1] =	stream.indirect.gather [hbm4b:s3+s6], $0x20, s20, s6, $0xb8;
	[tilespmem:$0x12110] =	vst v63  }
0x12c: {  	_ = 	snop  }
0x12d: {  	[tilespmem:s5], [sflag:$0x1] =	stream.indirect.gather [hbm4b:s3+s6], $0x20, s21, s6, $0xb8;
	[tilespmem:$0x12110] =	vst v63  }
0x12e: {  	_ =	swait.ge [sflag:s11], $0xFA00  }
0x12f: {  	[sflag:s11] =	ssyncset.done $0x0  }
0x130: {  	s15 =	simm.s32 $0x0;
	s13 =	rddreg [dreg:$0x5];
	[sflag:s11] =	ssyncadd.s32 $0xFFFF0600  }
0x131: {  	[hbm4b:s13+s15] =	stream.linear.scatter [tilespmem:s31], [sflag:$0x2], $0xFA00, $0x38;
	[tilespmem:$0x12110] =	vst v63  }
0x132: {  	_ =	swait.ge [sflag:s4], $0xFA00  }
0x133: {  	s21 =	sld [smem:$0x7CC]  }
0x134: {  	[sflag:s4] =	ssyncset.done $0x0  }
0x135: {  	s5 =	sld [smem:$0x7CD];
	[sflag:s4] =	ssyncadd.s32 $0xFFFF0600  }
0x136: {  	[tilespmem:s31], [sflag:$0x1] =	stream.indirect.gather [hbm4b:s3+s6], $0x20, s21, s6, $0xb8;
	[tilespmem:$0x12110] =	vst v63  }
0x137: {  	s12 =	simm.s32 $0x3110;
	s0 =	sld [smem:$0x7CE]  }
0x138: {  	[tilespmem:s12], [sflag:$0x1] =	stream.indirect.gather [hbm4b:s3+s6], $0x20, s5, s6, $0xb8;
	[tilespmem:$0x12110] =	vst v63  }
0x139: {  	s15 =	sld [smem:$0x7CF];
	s21 =	simm.s32 $0x3B10  }
0x13a: {  	[tilespmem:s21], [sflag:$0x1] =	stream.indirect.gather [hbm4b:s3+s6], $0x20, s0, s6, $0xb8;
	[tilespmem:$0x12110] =	vst v63  }
0x13b: {  	s29 =	simm.s32 $0x4510;
	s5 =	sld [smem:$0x7D0]  }
0x13c: {  	[tilespmem:s29], [sflag:$0x1] =	stream.indirect.gather [hbm4b:s3+s6], $0x20, s15, s6, $0xb8;
	[tilespmem:$0x12110] =	vst v63  }
0x13d: {  	s28 =	simm.s32 $0x4F10;
	s12 =	sld [smem:$0x7D1]  }
0x13e: {  	[tilespmem:s28], [sflag:$0x1] =	stream.indirect.gather [hbm4b:s3+s6], $0x20, s5, s6, $0xb8;
	[tilespmem:$0x12110] =	vst v63  }
0x13f: {  	s14 =	simm.s32 $0x5910;
	s0 =	sld [smem:$0x7D2]  }
0x140: {  	[tilespmem:s14], [sflag:$0x1] =	stream.indirect.gather [hbm4b:s3+s6], $0x20, s12, s6, $0xb8;
	[tilespmem:$0x12110] =	vst v63  }
0x141: {  	s28 =	sld [smem:$0x7D3];
	s5 =	simm.s32 $0x6310  }
0x142: {  	[tilespmem:s5], [sflag:$0x1] =	stream.indirect.gather [hbm4b:s3+s6], $0x20, s0, s6, $0xb8;
	[tilespmem:$0x12110] =	vst v63  }
0x143: {  	s24 =	simm.s32 $0x6D10;
	s14 =	sld [smem:$0x7D4]  }
0x144: {  	[tilespmem:s24], [sflag:$0x1] =	stream.indirect.gather [hbm4b:s3+s6], $0x20, s28, s6, $0xb8;
	[tilespmem:$0x12110] =	vst v63  }
0x145: {  	s23 =	simm.s32 $0x7710;
	s28 =	sld [smem:$0x7D5]  }
0x146: {  	[tilespmem:s23], [sflag:$0x1] =	stream.indirect.gather [hbm4b:s3+s6], $0x20, s14, s6, $0xb8;
	[tilespmem:$0x12110] =	vst v63  }
0x147: {  	s30 =	simm.s32 $0x8110;
	s23 =	sld [smem:$0x7D6]  }
0x148: {  	[tilespmem:s30], [sflag:$0x1] =	stream.indirect.gather [hbm4b:s3+s6], $0x20, s28, s6, $0xb8;
	[tilespmem:$0x12110] =	vst v63  }
0x149: {  	s25 =	simm.s32 $0x8B10;
	s7 =	sld [smem:$0x7D7]  }
0x14a: {  	[tilespmem:s25], [sflag:$0x1] =	stream.indirect.gather [hbm4b:s3+s6], $0x20, s23, s6, $0xb8;
	[tilespmem:$0x12110] =	vst v63  }
0x14b: {  	s8 =	simm.s32 $0x9510;
	s30 =	sld [smem:$0x7D8]  }
0x14c: {  	[tilespmem:s8], [sflag:$0x1] =	stream.indirect.gather [hbm4b:s3+s6], $0x20, s7, s6, $0xb8;
	[tilespmem:$0x12110] =	vst v63  }
0x14d: {  	s18 =	simm.s32 $0x9F10;
	s25 =	sld [smem:$0x7D9]  }
0x14e: {  	[tilespmem:s18], [sflag:$0x1] =	stream.indirect.gather [hbm4b:s3+s6], $0x20, s30, s6, $0xb8;
	[tilespmem:$0x12110] =	vst v63  }
0x14f: {  	s26 =	simm.s32 $0xA910;
	s30 =	sld [smem:$0x7DA]  }
0x150: {  	[tilespmem:s26], [sflag:$0x1] =	stream.indirect.gather [hbm4b:s3+s6], $0x20, s25, s6, $0xb8;
	[tilespmem:$0x12110] =	vst v63  }
0x151: {  	s19 =	simm.s32 $0xB310;
	s26 =	sld [smem:$0x7DB]  }
0x152: {  	[tilespmem:s19], [sflag:$0x1] =	stream.indirect.gather [hbm4b:s3+s6], $0x20, s30, s6, $0xb8;
	[tilespmem:$0x12110] =	vst v63  }
0x153: {  	s22 =	simm.s32 $0xBD10;
	s30 =	sld [smem:$0x7DC]  }
0x154: {  	[tilespmem:s22], [sflag:$0x1] =	stream.indirect.gather [hbm4b:s3+s6], $0x20, s26, s6, $0xb8;
	[tilespmem:$0x12110] =	vst v63  }
0x155: {  	s1 =	simm.s32 $0xC710;
	s26 =	sld [smem:$0x7DD]  }
0x156: {  	[tilespmem:s1], [sflag:$0x1] =	stream.indirect.gather [hbm4b:s3+s6], $0x20, s30, s6, $0xb8;
	[tilespmem:$0x12110] =	vst v63  }
0x157: {  	s0 =	sld [smem:$0x7DE];
	s30 =	simm.s32 $0xD110  }
0x158: {  	[tilespmem:s30], [sflag:$0x1] =	stream.indirect.gather [hbm4b:s3+s6], $0x20, s26, s6, $0xb8;
	[tilespmem:$0x12110] =	vst v63  }
0x159: {  	s10 =	simm.s32 $0xDB10;
	s1 =	sld [smem:$0x7DF]  }
0x15a: {  	[tilespmem:s10], [sflag:$0x1] =	stream.indirect.gather [hbm4b:s3+s6], $0x20, s0, s6, $0xb8;
	[tilespmem:$0x12110] =	vst v63  }
0x15b: {  	s9 =	simm.s32 $0xE510;
	s30 =	sld [smem:$0x7E0]  }
0x15c: {  	[tilespmem:s9], [sflag:$0x1] =	stream.indirect.gather [hbm4b:s3+s6], $0x20, s1, s6, $0xb8;
	[tilespmem:$0x12110] =	vst v63  }
0x15d: {  	s16 =	simm.s32 $0xEF10;
	s1 =	sld [smem:$0x7E1]  }
0x15e: {  	[tilespmem:s16], [sflag:$0x1] =	stream.indirect.gather [hbm4b:s3+s6], $0x20, s30, s6, $0xb8;
	[tilespmem:$0x12110] =	vst v63  }
0x15f: {  	s17 =	simm.s32 $0xF910;
	s30 =	sld [smem:$0x7E2]  }
0x160: {  	[tilespmem:s17], [sflag:$0x1] =	stream.indirect.gather [hbm4b:s3+s6], $0x20, s1, s6, $0xb8;
	[tilespmem:$0x12110] =	vst v63  }
0x161: {  	s2 =	simm.s32 $0x10310;
	s1 =	sld [smem:$0x7E3]  }
0x162: {  	[tilespmem:s2], [sflag:$0x1] =	stream.indirect.gather [hbm4b:s3+s6], $0x20, s30, s6, $0xb8;
	[tilespmem:$0x12110] =	vst v63  }
0x163: {  	s20 =	simm.s32 $0x10D10;
	s30 =	sld [smem:$0x7E4]  }
0x164: {  	[tilespmem:s20], [sflag:$0x1] =	stream.indirect.gather [hbm4b:s3+s6], $0x20, s1, s6, $0xb8;
	[tilespmem:$0x12110] =	vst v63  }
0x165: {  	s1 =	simm.s32 $0x11710  }
0x166: {  	[tilespmem:s1], [sflag:$0x1] =	stream.indirect.gather [hbm4b:s3+s6], $0x20, s30, s6, $0xb8;
	[tilespmem:$0x12110] =	vst v63  }
0x167: {  	_ =	swait.ge [sflag:s11], $0xFA00  }
0x168: {  	[sflag:s11] =	ssyncset.done $0x0  }
0x169: {  	s13 =	simm.s32 $0x0;
	s7 =	rddreg [dreg:$0x6];
	[sflag:s11] =	ssyncadd.s32 $0xFFFF0600  }
0x16a: {  	[hbm4b:s7+s13] =	stream.linear.scatter [tilespmem:s31], [sflag:$0x2], $0xFA00, $0x38;
	[tilespmem:$0x12110] =	vst v63  }
0x16b: {  	_ =	swait.ge [sflag:s4], $0xFA00  }
0x16c: {  	s1 =	sld [smem:$0x7E5]  }
0x16d: {  	[sflag:s4] =	ssyncset.done $0x0  }
0x16e: {  	s7 =	sld [smem:$0x7E6];
	[sflag:s4] =	ssyncadd.s32 $0xFFFF0600  }
0x16f: {  	[tilespmem:s31], [sflag:$0x1] =	stream.indirect.gather [hbm4b:s3+s6], $0x20, s1, s6, $0xb8;
	[tilespmem:$0x12110] =	vst v63  }
0x170: {  	s0 =	sld [smem:$0x7E7];
	s1 =	simm.s32 $0x3110  }
0x171: {  	[tilespmem:s1], [sflag:$0x1] =	stream.indirect.gather [hbm4b:s3+s6], $0x20, s7, s6, $0xb8;
	[tilespmem:$0x12110] =	vst v63  }
0x172: {  	s21 =	simm.s32 $0x3B10;
	s1 =	sld [smem:$0x7E8]  }
0x173: {  	[tilespmem:s21], [sflag:$0x1] =	stream.indirect.gather [hbm4b:s3+s6], $0x20, s0, s6, $0xb8;
	[tilespmem:$0x12110] =	vst v63  }
0x174: {  	s29 =	simm.s32 $0x4510;
	s21 =	sld [smem:$0x7E9]  }
0x175: {  	[tilespmem:s29], [sflag:$0x1] =	stream.indirect.gather [hbm4b:s3+s6], $0x20, s1, s6, $0xb8;
	[tilespmem:$0x12110] =	vst v63  }
0x176: {  	s15 =	simm.s32 $0x4F10;
	s29 =	sld [smem:$0x7EA]  }
0x177: {  	[tilespmem:s15], [sflag:$0x1] =	stream.indirect.gather [hbm4b:s3+s6], $0x20, s21, s6, $0xb8;
	[tilespmem:$0x12110] =	vst v63  }
0x178: {  	s12 =	simm.s32 $0x5910;
	s1 =	sld [smem:$0x7EB]  }
0x179: {  	[tilespmem:s12], [sflag:$0x1] =	stream.indirect.gather [hbm4b:s3+s6], $0x20, s29, s6, $0xb8;
	[tilespmem:$0x12110] =	vst v63  }
0x17a: {  	s5 =	simm.s32 $0x6310;
	s15 =	sld [smem:$0x7EC]  }
0x17b: {  	[tilespmem:s5], [sflag:$0x1] =	stream.indirect.gather [hbm4b:s3+s6], $0x20, s1, s6, $0xb8;
	[tilespmem:$0x12110] =	vst v63  }
0x17c: {  	s24 =	simm.s32 $0x6D10;
	s21 =	sld [smem:$0x7ED]  }
0x17d: {  	[tilespmem:s24], [sflag:$0x1] =	stream.indirect.gather [hbm4b:s3+s6], $0x20, s15, s6, $0xb8;
	[tilespmem:$0x12110] =	vst v63  }
0x17e: {  	s14 =	simm.s32 $0x7710;
	s24 =	sld [smem:$0x7EE]  }
0x17f: {  	[tilespmem:s14], [sflag:$0x1] =	stream.indirect.gather [hbm4b:s3+s6], $0x20, s21, s6, $0xb8;
	[tilespmem:$0x12110] =	vst v63  }
0x180: {  	s28 =	simm.s32 $0x8110;
	s29 =	sld [smem:$0x7EF]  }
0x181: {  	[tilespmem:s28], [sflag:$0x1] =	stream.indirect.gather [hbm4b:s3+s6], $0x20, s24, s6, $0xb8;
	[tilespmem:$0x12110] =	vst v63  }
0x182: {  	s23 =	simm.s32 $0x8B10;
	s1 =	sld [smem:$0x7F0]  }
0x183: {  	[tilespmem:s23], [sflag:$0x1] =	stream.indirect.gather [hbm4b:s3+s6], $0x20, s29, s6, $0xb8;
	[tilespmem:$0x12110] =	vst v63  }
0x184: {  	s8 =	simm.s32 $0x9510;
	s5 =	sld [smem:$0x7F1]  }
0x185: {  	[tilespmem:s8], [sflag:$0x1] =	stream.indirect.gather [hbm4b:s3+s6], $0x20, s1, s6, $0xb8;
	[tilespmem:$0x12110] =	vst v63  }
0x186: {  	s18 =	simm.s32 $0x9F10;
	s8 =	sld [smem:$0x7F2]  }
0x187: {  	[tilespmem:s18], [sflag:$0x1] =	stream.indirect.gather [hbm4b:s3+s6], $0x20, s5, s6, $0xb8;
	[tilespmem:$0x12110] =	vst v63  }
0x188: {  	s25 =	simm.s32 $0xA910;
	s12 =	sld [smem:$0x7F3]  }
0x189: {  	[tilespmem:s25], [sflag:$0x1] =	stream.indirect.gather [hbm4b:s3+s6], $0x20, s8, s6, $0xb8;
	[tilespmem:$0x12110] =	vst v63  }
0x18a: {  	s19 =	simm.s32 $0xB310;
	s14 =	sld [smem:$0x7F4]  }
0x18b: {  	[tilespmem:s19], [sflag:$0x1] =	stream.indirect.gather [hbm4b:s3+s6], $0x20, s12, s6, $0xb8;
	[tilespmem:$0x12110] =	vst v63  }
0x18c: {  	s22 =	simm.s32 $0xBD10;
	s15 =	sld [smem:$0x7F5]  }
0x18d: {  	[tilespmem:s22], [sflag:$0x1] =	stream.indirect.gather [hbm4b:s3+s6], $0x20, s14, s6, $0xb8;
	[tilespmem:$0x12110] =	vst v63  }
0x18e: {  	s18 =	sld [smem:$0x7F6];
	s19 =	simm.s32 $0xC710  }
0x18f: {  	[tilespmem:s19], [sflag:$0x1] =	stream.indirect.gather [hbm4b:s3+s6], $0x20, s15, s6, $0xb8;
	[tilespmem:$0x12110] =	vst v63  }
0x190: {  	s26 =	simm.s32 $0xD110;
	s21 =	sld [smem:$0x7F7]  }
0x191: {  	[tilespmem:s26], [sflag:$0x1] =	stream.indirect.gather [hbm4b:s3+s6], $0x20, s18, s6, $0xb8;
	[tilespmem:$0x12110] =	vst v63  }
0x192: {  	s10 =	simm.s32 $0xDB10;
	s22 =	sld [smem:$0x7F8]  }
0x193: {  	[tilespmem:s10], [sflag:$0x1] =	stream.indirect.gather [hbm4b:s3+s6], $0x20, s21, s6, $0xb8;
	[tilespmem:$0x12110] =	vst v63  }
0x194: {  	s9 =	simm.s32 $0xE510;
	s23 =	sld [smem:$0x7F9]  }
0x195: {  	[tilespmem:s9], [sflag:$0x1] =	stream.indirect.gather [hbm4b:s3+s6], $0x20, s22, s6, $0xb8;
	[tilespmem:$0x12110] =	vst v63  }
0x196: {  	s16 =	simm.s32 $0xEF10;
	s24 =	sld [smem:$0x7FA]  }
0x197: {  	[tilespmem:s16], [sflag:$0x1] =	stream.indirect.gather [hbm4b:s3+s6], $0x20, s23, s6, $0xb8;
	[tilespmem:$0x12110] =	vst v63  }
0x198: {  	s17 =	simm.s32 $0xF910;
	s25 =	sld [smem:$0x7FB]  }
0x199: {  	[tilespmem:s17], [sflag:$0x1] =	stream.indirect.gather [hbm4b:s3+s6], $0x20, s24, s6, $0xb8;
	[tilespmem:$0x12110] =	vst v63  }
0x19a: {  	s2 =	simm.s32 $0x10310;
	s26 =	sld [smem:$0x7FC]  }
0x19b: {  	[tilespmem:s2], [sflag:$0x1] =	stream.indirect.gather [hbm4b:s3+s6], $0x20, s25, s6, $0xb8;
	[tilespmem:$0x12110] =	vst v63  }
0x19c: {  	s20 =	simm.s32 $0x10D10;
	s28 =	sld [smem:$0x7FD]  }
0x19d: {  	[tilespmem:s20], [sflag:$0x1] =	stream.indirect.gather [hbm4b:s3+s6], $0x20, s26, s6, $0xb8;
	[tilespmem:$0x12110] =	vst v63  }
0x19e: {  	s30 =	simm.s32 $0x11710  }
0x19f: {  	[tilespmem:s30], [sflag:$0x1] =	stream.indirect.gather [hbm4b:s3+s6], $0x20, s28, s6, $0xb8;
	[tilespmem:$0x12110] =	vst v63  }
0x1a0: {  	_ =	swait.ge [sflag:s11], $0xFA00  }
0x1a1: {  	s30 =	sld [smem:$0x79A];
	_ =	sdelay $0x2  }
0x1a2: {  	p1 =	sne.s32 s30, $0x1  }
.Ltmp1:
0x1a3: {  	[sflag:s11] =	ssyncset.done $0x0;
	(pc) =	sbr.rel @!p1 .LBB2_3-.Ltmp1, $4  }
0x1a4: {  	s13 =	simm.s32 $0x0;
	s29 =	rddreg [dreg:$0x7];
	[sflag:s11] =	ssyncadd.s32 $0xFFFF0600  }
0x1a5: {  	[hbm4b:s29+s13] =	stream.linear.scatter [tilespmem:s31], [sflag:$0x2], $0xFA00, $0x38;
	[tilespmem:$0x12110] =	vst v63  }
0x1a6: {  	p0 =	por $0x1, $0x1;
	s8 =	simm.s32 $0x0;
	_ =	swait.ge [sflag:s4], $0xFA00  }
0x1a7: {  	s0 =	sadd.s32 $0xFFFFFFFF, s30;
	s7 =	rddreg [dreg:$0x2];
	[sflag:s4] =	ssyncset.done $0x0  }
.LBB2_2:
0x1a8: {  	[sflag:s4] =	ssyncadd.s32 $0xFFFF0600  }
0x1a9: {  	[tilespmem:s8], [sflag:$0x2] =	stream.linear.gather [hbm4b:s7+s8], $0x2710, $0x38;
	[tilespmem:$0x12110] =	vst v63  }
0x1aa: {  	_ =	swait.ge [sflag:s4], $0x2710  }
0x1ab: {  	[sflag:s4] =	ssyncset.done $0x0  }
0x1ac: {  	[sflag:s4] =	ssyncadd.s32 $0xFFFFD8F0  }
0x1ad: {  	[tilespmem:s31], [sflag:$0x1] =	stream.indirect.gather [hbm4b:s3+s6], $0x20, s8, s6, $0xb8;
	[tilespmem:$0x12110] =	vst v63  }
0x1ae: {  	s1 =	simm.s32 $0x3110  }
0x1af: {  	[tilespmem:s1], [sflag:$0x1] =	stream.indirect.gather [hbm4b:s3+s6], $0x20, s6, s6, $0xb8;
	[tilespmem:$0x12110] =	vst v63  }
0x1b0: {  	s19 =	simm.s32 $0x3B10;
	s17 =	rddreg [dreg:$0x8]  }
0x1b1: {  	[tilespmem:s19], [sflag:$0x1] =	stream.indirect.gather [hbm4b:s3+s6], $0x20, s17, s6, $0xb8;
	[tilespmem:$0x12110] =	vst v63  }
0x1b2: {  	s21 =	simm.s32 $0x4510;
	s18 =	rddreg [dreg:$0x9]  }
0x1b3: {  	[tilespmem:s21], [sflag:$0x1] =	stream.indirect.gather [hbm4b:s3+s6], $0x20, s18, s6, $0xb8;
	[tilespmem:$0x12110] =	vst v63  }
0x1b4: {  	s23 =	simm.s32 $0x4F10;
	s20 =	rddreg [dreg:$0xa]  }
0x1b5: {  	[tilespmem:s23], [sflag:$0x1] =	stream.indirect.gather [hbm4b:s3+s6], $0x20, s20, s6, $0xb8;
	[tilespmem:$0x12110] =	vst v63  }
0x1b6: {  	s25 =	simm.s32 $0x5910;
	s22 =	rddreg [dreg:$0xb]  }
0x1b7: {  	[tilespmem:s25], [sflag:$0x1] =	stream.indirect.gather [hbm4b:s3+s6], $0x20, s22, s6, $0xb8;
	[tilespmem:$0x12110] =	vst v63  }
0x1b8: {  	s28 =	simm.s32 $0x6310;
	s24 =	rddreg [dreg:$0xc]  }
0x1b9: {  	[tilespmem:s28], [sflag:$0x1] =	stream.indirect.gather [hbm4b:s3+s6], $0x20, s24, s6, $0xb8;
	[tilespmem:$0x12110] =	vst v63  }
0x1ba: {  	s30 =	simm.s32 $0x6D10;
	s26 =	rddreg [dreg:$0xd]  }
0x1bb: {  	[tilespmem:s30], [sflag:$0x1] =	stream.indirect.gather [hbm4b:s3+s6], $0x20, s26, s6, $0xb8;
	[tilespmem:$0x12110] =	vst v63  }
0x1bc: {  	s5 =	simm.s32 $0x7710;
	s29 =	rddreg [dreg:$0xe]  }
0x1bd: {  	[tilespmem:s5], [sflag:$0x1] =	stream.indirect.gather [hbm4b:s3+s6], $0x20, s29, s6, $0xb8;
	[tilespmem:$0x12110] =	vst v63  }
0x1be: {  	s15 =	simm.s32 $0x8110;
	s2 =	rddreg [dreg:$0xf]  }
0x1bf: {  	[tilespmem:s15], [sflag:$0x1] =	stream.indirect.gather [hbm4b:s3+s6], $0x20, s2, s6, $0xb8;
	[tilespmem:$0x12110] =	vst v63  }
0x1c0: {  	s14 =	rddreg [dreg:$0x10];
	s17 =	simm.s32 $0x8B10  }
0x1c1: {  	[tilespmem:s17], [sflag:$0x1] =	stream.indirect.gather [hbm4b:s3+s6], $0x20, s14, s6, $0xb8;
	[tilespmem:$0x12110] =	vst v63  }
0x1c2: {  	s16 =	rddreg [dreg:$0x11];
	s19 =	simm.s32 $0x9510  }
0x1c3: {  	[tilespmem:s19], [sflag:$0x1] =	stream.indirect.gather [hbm4b:s3+s6], $0x20, s16, s6, $0xb8;
	[tilespmem:$0x12110] =	vst v63  }
0x1c4: {  	s18 =	rddreg [dreg:$0x12];
	s21 =	simm.s32 $0x9F10  }
0x1c5: {  	[tilespmem:s21], [sflag:$0x1] =	stream.indirect.gather [hbm4b:s3+s6], $0x20, s18, s6, $0xb8;
	[tilespmem:$0x12110] =	vst v63  }
0x1c6: {  	s20 =	rddreg [dreg:$0x13];
	s25 =	simm.s32 $0xA910  }
0x1c7: {  	[tilespmem:s25], [sflag:$0x1] =	stream.indirect.gather [hbm4b:s3+s6], $0x20, s20, s6, $0xb8;
	[tilespmem:$0x12110] =	vst v63  }
0x1c8: {  	s22 =	rddreg [dreg:$0x14];
	s28 =	simm.s32 $0xB310  }
0x1c9: {  	[tilespmem:s28], [sflag:$0x1] =	stream.indirect.gather [hbm4b:s3+s6], $0x20, s22, s6, $0xb8;
	[tilespmem:$0x12110] =	vst v63  }
0x1ca: {  	s26 =	rddreg [dreg:$0x15];
	s30 =	simm.s32 $0xBD10  }
0x1cb: {  	[tilespmem:s30], [sflag:$0x1] =	stream.indirect.gather [hbm4b:s3+s6], $0x20, s26, s6, $0xb8;
	[tilespmem:$0x12110] =	vst v63  }
0x1cc: {  	s29 =	rddreg [dreg:$0x16];
	s14 =	simm.s32 $0xC710  }
0x1cd: {  	[tilespmem:s14], [sflag:$0x1] =	stream.indirect.gather [hbm4b:s3+s6], $0x20, s29, s6, $0xb8;
	[tilespmem:$0x12110] =	vst v63  }
0x1ce: {  	s2 =	rddreg [dreg:$0x17];
	s16 =	simm.s32 $0xD110  }
0x1cf: {  	[tilespmem:s16], [sflag:$0x1] =	stream.indirect.gather [hbm4b:s3+s6], $0x20, s2, s6, $0xb8;
	[tilespmem:$0x12110] =	vst v63  }
0x1d0: {  	s15 =	rddreg [dreg:$0x18];
	s18 =	simm.s32 $0xDB10  }
0x1d1: {  	[tilespmem:s18], [sflag:$0x1] =	stream.indirect.gather [hbm4b:s3+s6], $0x20, s15, s6, $0xb8;
	[tilespmem:$0x12110] =	vst v63  }
0x1d2: {  	s17 =	rddreg [dreg:$0x19];
	s20 =	simm.s32 $0xE510  }
0x1d3: {  	[tilespmem:s20], [sflag:$0x1] =	stream.indirect.gather [hbm4b:s3+s6], $0x20, s17, s6, $0xb8;
	[tilespmem:$0x12110] =	vst v63  }
0x1d4: {  	s19 =	rddreg [dreg:$0x1a];
	s22 =	simm.s32 $0xEF10  }
0x1d5: {  	[tilespmem:s22], [sflag:$0x1] =	stream.indirect.gather [hbm4b:s3+s6], $0x20, s19, s6, $0xb8;
	[tilespmem:$0x12110] =	vst v63  }
0x1d6: {  	s21 =	rddreg [dreg:$0x1b];
	s26 =	simm.s32 $0xF910  }
0x1d7: {  	[tilespmem:s26], [sflag:$0x1] =	stream.indirect.gather [hbm4b:s3+s6], $0x20, s21, s6, $0xb8;
	[tilespmem:$0x12110] =	vst v63  }
0x1d8: {  	s25 =	rddreg [dreg:$0x1c];
	s2 =	simm.s32 $0x10310  }
0x1d9: {  	[tilespmem:s2], [sflag:$0x1] =	stream.indirect.gather [hbm4b:s3+s6], $0x20, s25, s6, $0xb8;
	[tilespmem:$0x12110] =	vst v63  }
0x1da: {  	s28 =	rddreg [dreg:$0x1d];
	s30 =	simm.s32 $0x10D10  }
0x1db: {  	[tilespmem:s30], [sflag:$0x1] =	stream.indirect.gather [hbm4b:s3+s6], $0x20, s28, s6, $0xb8;
	[tilespmem:$0x12110] =	vst v63  }
0x1dc: {  	s29 =	rddreg [dreg:$0x1e];
	s2 =	simm.s32 $0x11710  }
0x1dd: {  	[tilespmem:s2], [sflag:$0x1] =	stream.indirect.gather [hbm4b:s3+s6], $0x20, s29, s6, $0xb8;
	[tilespmem:$0x12110] =	vst v63  }
0x1de: {  	_ =	swait.ge [sflag:s11], $0xFA00  }
0x1df: {  	s1 =	simm.s32 $0x2710;
	[sflag:s11] =	ssyncset.done $0x0  }
0x1e0: {  	s8 =	rddreg [dreg:$0x3];
	[sflag:s11] =	ssyncadd.s32 $0xFFFF0600;
	s11 =	simm.s32 $0x0  }
0x1e1: {  	[hbm4b:s8+s11] =	stream.linear.scatter [tilespmem:s1], [sflag:$0x2], $0xFA00, $0x38;
	[tilespmem:$0x12110] =	vst v63  }
0x1e2: {  	_ =	swait.ge [sflag:s4], $0xFA00  }
0x1e3: {  	s14 =	rddreg [dreg:$0x1f];
	[sflag:s4] =	ssyncset.done $0x0  }
0x1e4: {  	s15 =	sld [smem:$0x79B];
	[sflag:s4] =	ssyncadd.s32 $0xFFFF0600  }
0x1e5: {  	[tilespmem:s1], [sflag:$0x1] =	stream.indirect.gather [hbm4b:s3+s6], $0x20, s14, s6, $0xb8;
	[tilespmem:$0x12110] =	vst v63  }
0x1e6: {  	s9 =	simm.s32 $0x3110;
	s16 =	sld [smem:$0x79C]  }
0x1e7: {  	[tilespmem:s9], [sflag:$0x1] =	stream.indirect.gather [hbm4b:s3+s6], $0x20, s15, s6, $0xb8;
	[tilespmem:$0x12110] =	vst v63  }
0x1e8: {  	s12 =	simm.s32 $0x3B10;
	s18 =	sld [smem:$0x79D]  }
0x1e9: {  	[tilespmem:s12], [sflag:$0x1] =	stream.indirect.gather [hbm4b:s3+s6], $0x20, s16, s6, $0xb8;
	[tilespmem:$0x12110] =	vst v63  }
0x1ea: {  	s10 =	simm.s32 $0x4510;
	s19 =	sld [smem:$0x79E]  }
0x1eb: {  	[tilespmem:s10], [sflag:$0x1] =	stream.indirect.gather [hbm4b:s3+s6], $0x20, s18, s6, $0xb8;
	[tilespmem:$0x12110] =	vst v63  }
0x1ec: {  	s13 =	simm.s32 $0x4F10;
	s20 =	sld [smem:$0x79F]  }
0x1ed: {  	[tilespmem:s13], [sflag:$0x1] =	stream.indirect.gather [hbm4b:s3+s6], $0x20, s19, s6, $0xb8;
	[tilespmem:$0x12110] =	vst v63  }
0x1ee: {  	s21 =	sld [smem:$0x7A0];
	s15 =	simm.s32 $0x5910  }
0x1ef: {  	[tilespmem:s15], [sflag:$0x1] =	stream.indirect.gather [hbm4b:s3+s6], $0x20, s20, s6, $0xb8;
	[tilespmem:$0x12110] =	vst v63  }
0x1f0: {  	s22 =	sld [smem:$0x7A1];
	s16 =	simm.s32 $0x6310  }
0x1f1: {  	[tilespmem:s16], [sflag:$0x1] =	stream.indirect.gather [hbm4b:s3+s6], $0x20, s21, s6, $0xb8;
	[tilespmem:$0x12110] =	vst v63  }
0x1f2: {  	s28 =	sld [smem:$0x7A2];
	s18 =	simm.s32 $0x6D10  }
0x1f3: {  	[tilespmem:s18], [sflag:$0x1] =	stream.indirect.gather [hbm4b:s3+s6], $0x20, s22, s6, $0xb8;
	[tilespmem:$0x12110] =	vst v63  }
0x1f4: {  	s29 =	sld [smem:$0x7A3];
	s19 =	simm.s32 $0x7710  }
0x1f5: {  	[tilespmem:s19], [sflag:$0x1] =	stream.indirect.gather [hbm4b:s3+s6], $0x20, s28, s6, $0xb8;
	[tilespmem:$0x12110] =	vst v63  }
0x1f6: {  	s30 =	sld [smem:$0x7A4];
	s20 =	simm.s32 $0x8110  }
0x1f7: {  	[tilespmem:s20], [sflag:$0x1] =	stream.indirect.gather [hbm4b:s3+s6], $0x20, s29, s6, $0xb8;
	[tilespmem:$0x12110] =	vst v63  }
0x1f8: {  	s4 =	sld [smem:$0x7A5];
	s21 =	simm.s32 $0x8B10  }
0x1f9: {  	[tilespmem:s21], [sflag:$0x1] =	stream.indirect.gather [hbm4b:s3+s6], $0x20, s30, s6, $0xb8;
	[tilespmem:$0x12110] =	vst v63  }
0x1fa: {  	s10 =	sld [smem:$0x7A6];
	s22 =	simm.s32 $0x9510  }
0x1fb: {  	[tilespmem:s22], [sflag:$0x1] =	stream.indirect.gather [hbm4b:s3+s6], $0x20, s4, s6, $0xb8;
	[tilespmem:$0x12110] =	vst v63  }
0x1fc: {  	s23 =	simm.s32 $0x9F10;
	s11 =	sld [smem:$0x7A7]  }
0x1fd: {  	[tilespmem:s23], [sflag:$0x1] =	stream.indirect.gather [hbm4b:s3+s6], $0x20, s10, s6, $0xb8;
	[tilespmem:$0x12110] =	vst v63  }
0x1fe: {  	s24 =	simm.s32 $0xA910;
	s12 =	sld [smem:$0x7A8]  }
0x1ff: {  	[tilespmem:s24], [sflag:$0x1] =	stream.indirect.gather [hbm4b:s3+s6], $0x20, s11, s6, $0xb8;
	[tilespmem:$0x12110] =	vst v63  }
0x200: {  	s13 =	sld [smem:$0x7A9];
	s29 =	simm.s32 $0xB310  }
0x201: {  	[tilespmem:s29], [sflag:$0x1] =	stream.indirect.gather [hbm4b:s3+s6], $0x20, s12, s6, $0xb8;
	[tilespmem:$0x12110] =	vst v63  }
0x202: {  	s5 =	simm.s32 $0xBD10;
	s23 =	sld [smem:$0x7AA]  }
0x203: {  	[tilespmem:s5], [sflag:$0x1] =	stream.indirect.gather [hbm4b:s3+s6], $0x20, s13, s6, $0xb8;
	[tilespmem:$0x12110] =	vst v63  }
0x204: {  	s30 =	simm.s32 $0xC710;
	s24 =	sld [smem:$0x7AB]  }
0x205: {  	[tilespmem:s30], [sflag:$0x1] =	stream.indirect.gather [hbm4b:s3+s6], $0x20, s23, s6, $0xb8;
	[tilespmem:$0x12110] =	vst v63  }
0x206: {  	s5 =	sld [smem:$0x7AC];
	s23 =	simm.s32 $0xD110  }
0x207: {  	[tilespmem:s23], [sflag:$0x1] =	stream.indirect.gather [hbm4b:s3+s6], $0x20, s24, s6, $0xb8;
	[tilespmem:$0x12110] =	vst v63  }
0x208: {  	s10 =	sld [smem:$0x7AD];
	s24 =	simm.s32 $0xDB10  }
0x209: {  	[tilespmem:s24], [sflag:$0x1] =	stream.indirect.gather [hbm4b:s3+s6], $0x20, s5, s6, $0xb8;
	[tilespmem:$0x12110] =	vst v63  }
0x20a: {  	s7 =	sld [smem:$0x7AE];
	s12 =	simm.s32 $0xE510  }
0x20b: {  	[tilespmem:s12], [sflag:$0x1] =	stream.indirect.gather [hbm4b:s3+s6], $0x20, s10, s6, $0xb8;
	[tilespmem:$0x12110] =	vst v63  }
0x20c: {  	s5 =	simm.s32 $0xEF10;
	s10 =	sld [smem:$0x7AF]  }
0x20d: {  	[tilespmem:s5], [sflag:$0x1] =	stream.indirect.gather [hbm4b:s3+s6], $0x20, s7, s6, $0xb8;
	[tilespmem:$0x12110] =	vst v63  }
0x20e: {  	s17 =	simm.s32 $0xF910;
	s7 =	sld [smem:$0x7B0]  }
0x20f: {  	[tilespmem:s17], [sflag:$0x1] =	stream.indirect.gather [hbm4b:s3+s6], $0x20, s10, s6, $0xb8;
	[tilespmem:$0x12110] =	vst v63  }
0x210: {  	s12 =	sld [smem:$0x7B1];
	s17 =	simm.s32 $0x10310  }
0x211: {  	[tilespmem:s17], [sflag:$0x1] =	stream.indirect.gather [hbm4b:s3+s6], $0x20, s7, s6, $0xb8;
	[tilespmem:$0x12110] =	vst v63  }
0x212: {  	s26 =	simm.s32 $0x10D10;
	s7 =	sld [smem:$0x7B2]  }
0x213: {  	[tilespmem:s26], [sflag:$0x1] =	stream.indirect.gather [hbm4b:s3+s6], $0x20, s12, s6, $0xb8;
	[tilespmem:$0x12110] =	vst v63  }
0x214: {  	s2 =	simm.s32 $0x11710;
	s4 =	simm.s32 $0x1  }
0x215: {  	[tilespmem:s2], [sflag:$0x1] =	stream.indirect.gather [hbm4b:s3+s6], $0x20, s7, s6, $0xb8;
	[tilespmem:$0x12110] =	vst v63  }
0x216: {  	_ =	swait.ge [sflag:s4], $0xFA00  }
0x217: {  	s26 =	simm.s32 $0x0;
	[sflag:s4] =	ssyncset.done $0x0  }
0x218: {  	s8 =	rddreg [dreg:$0x4];
	[sflag:s4] =	ssyncadd.s32 $0xFFFF0600;
	s4 =	simm.s32 $0x2  }
0x219: {  	[hbm4b:s8+s26] =	stream.linear.scatter [tilespmem:s1], [sflag:$0x2], $0xFA00, $0x38;
	[tilespmem:$0x12110] =	vst v63  }
0x21a: {  	_ =	swait.ge [sflag:s4], $0xFA00  }
0x21b: {  	s26 =	sld [smem:$0x7B3]  }
0x21c: {  	[sflag:s4] =	ssyncset.done $0x0  }
0x21d: {  	s8 =	sld [smem:$0x7B4];
	[sflag:s4] =	ssyncadd.s32 $0xFFFF0600  }
0x21e: {  	[tilespmem:s1], [sflag:$0x1] =	stream.indirect.gather [hbm4b:s3+s6], $0x20, s26, s6, $0xb8;
	[tilespmem:$0x12110] =	vst v63  }
0x21f: {  	s31 =	simm.s32 $0x3110;
	s26 =	sld [smem:$0x7B5]  }
0x220: {  	[tilespmem:s31], [sflag:$0x1] =	stream.indirect.gather [hbm4b:s3+s6], $0x20, s8, s6, $0xb8;
	[tilespmem:$0x12110] =	vst v63  }
0x221: {  	s9 =	simm.s32 $0x3B10;
	s8 =	sld [smem:$0x7B6]  }
0x222: {  	[tilespmem:s9], [sflag:$0x1] =	stream.indirect.gather [hbm4b:s3+s6], $0x20, s26, s6, $0xb8;
	[tilespmem:$0x12110] =	vst v63  }
0x223: {  	s14 =	simm.s32 $0x4510;
	s26 =	sld [smem:$0x7B7]  }
0x224: {  	[tilespmem:s14], [sflag:$0x1] =	stream.indirect.gather [hbm4b:s3+s6], $0x20, s8, s6, $0xb8;
	[tilespmem:$0x12110] =	vst v63  }
0x225: {  	s25 =	simm.s32 $0x4F10;
	s9 =	sld [smem:$0x7B8]  }
0x226: {  	[tilespmem:s25], [sflag:$0x1] =	stream.indirect.gather [hbm4b:s3+s6], $0x20, s26, s6, $0xb8;
	[tilespmem:$0x12110] =	vst v63  }
0x227: {  	s26 =	sld [smem:$0x7B9]  }
0x228: {  	[tilespmem:s15], [sflag:$0x1] =	stream.indirect.gather [hbm4b:s3+s6], $0x20, s9, s6, $0xb8;
	[tilespmem:$0x12110] =	vst v63  }
0x229: {  	s9 =	sld [smem:$0x7BA]  }
0x22a: {  	[tilespmem:s16], [sflag:$0x1] =	stream.indirect.gather [hbm4b:s3+s6], $0x20, s26, s6, $0xb8;
	[tilespmem:$0x12110] =	vst v63  }
0x22b: {  	s26 =	sld [smem:$0x7BB]  }
0x22c: {  	[tilespmem:s18], [sflag:$0x1] =	stream.indirect.gather [hbm4b:s3+s6], $0x20, s9, s6, $0xb8;
	[tilespmem:$0x12110] =	vst v63  }
0x22d: {  	s9 =	sld [smem:$0x7BC]  }
0x22e: {  	[tilespmem:s19], [sflag:$0x1] =	stream.indirect.gather [hbm4b:s3+s6], $0x20, s26, s6, $0xb8;
	[tilespmem:$0x12110] =	vst v63  }
0x22f: {  	s26 =	sld [smem:$0x7BD]  }
0x230: {  	[tilespmem:s20], [sflag:$0x1] =	stream.indirect.gather [hbm4b:s3+s6], $0x20, s9, s6, $0xb8;
	[tilespmem:$0x12110] =	vst v63  }
0x231: {  	s9 =	sld [smem:$0x7BE]  }
0x232: {  	[tilespmem:s21], [sflag:$0x1] =	stream.indirect.gather [hbm4b:s3+s6], $0x20, s26, s6, $0xb8;
	[tilespmem:$0x12110] =	vst v63  }
0x233: {  	s26 =	sld [smem:$0x7BF]  }
0x234: {  	[tilespmem:s22], [sflag:$0x1] =	stream.indirect.gather [hbm4b:s3+s6], $0x20, s9, s6, $0xb8;
	[tilespmem:$0x12110] =	vst v63  }
0x235: {  	s28 =	simm.s32 $0x9F10;
	s9 =	sld [smem:$0x7C0]  }
0x236: {  	[tilespmem:s28], [sflag:$0x1] =	stream.indirect.gather [hbm4b:s3+s6], $0x20, s26, s6, $0xb8;
	[tilespmem:$0x12110] =	vst v63  }
0x237: {  	s11 =	simm.s32 $0xA910;
	s28 =	sld [smem:$0x7C1]  }
0x238: {  	[tilespmem:s11], [sflag:$0x1] =	stream.indirect.gather [hbm4b:s3+s6], $0x20, s9, s6, $0xb8;
	[tilespmem:$0x12110] =	vst v63  }
0x239: {  	s8 =	sld [smem:$0x7C2]  }
0x23a: {  	[tilespmem:s29], [sflag:$0x1] =	stream.indirect.gather [hbm4b:s3+s6], $0x20, s28, s6, $0xb8;
	[tilespmem:$0x12110] =	vst v63  }
0x23b: {  	s13 =	simm.s32 $0xBD10;
	s9 =	sld [smem:$0x7C3]  }
0x23c: {  	[tilespmem:s13], [sflag:$0x1] =	stream.indirect.gather [hbm4b:s3+s6], $0x20, s8, s6, $0xb8;
	[tilespmem:$0x12110] =	vst v63  }
0x23d: {  	s29 =	sld [smem:$0x7C4]  }
0x23e: {  	[tilespmem:s30], [sflag:$0x1] =	stream.indirect.gather [hbm4b:s3+s6], $0x20, s9, s6, $0xb8;
	[tilespmem:$0x12110] =	vst v63  }
0x23f: {  	s9 =	sld [smem:$0x7C5]  }
0x240: {  	[tilespmem:s23], [sflag:$0x1] =	stream.indirect.gather [hbm4b:s3+s6], $0x20, s29, s6, $0xb8;
	[tilespmem:$0x12110] =	vst v63  }
0x241: {  	s23 =	sld [smem:$0x7C6]  }
0x242: {  	[tilespmem:s24], [sflag:$0x1] =	stream.indirect.gather [hbm4b:s3+s6], $0x20, s9, s6, $0xb8;
	[tilespmem:$0x12110] =	vst v63  }
0x243: {  	s30 =	simm.s32 $0xE510;
	s29 =	sld [smem:$0x7C7]  }
0x244: {  	[tilespmem:s30], [sflag:$0x1] =	stream.indirect.gather [hbm4b:s3+s6], $0x20, s23, s6, $0xb8;
	[tilespmem:$0x12110] =	vst v63  }
0x245: {  	s9 =	sld [smem:$0x7C8]  }
0x246: {  	[tilespmem:s5], [sflag:$0x1] =	stream.indirect.gather [hbm4b:s3+s6], $0x20, s29, s6, $0xb8;
	[tilespmem:$0x12110] =	vst v63  }
0x247: {  	s10 =	simm.s32 $0xF910;
	s29 =	sld [smem:$0x7C9]  }
0x248: {  	[tilespmem:s10], [sflag:$0x1] =	stream.indirect.gather [hbm4b:s3+s6], $0x20, s9, s6, $0xb8;
	[tilespmem:$0x12110] =	vst v63  }
0x249: {  	s30 =	sld [smem:$0x7CA]  }
0x24a: {  	[tilespmem:s17], [sflag:$0x1] =	stream.indirect.gather [hbm4b:s3+s6], $0x20, s29, s6, $0xb8;
	[tilespmem:$0x12110] =	vst v63  }
0x24b: {  	s12 =	simm.s32 $0x10D10;
	s5 =	sld [smem:$0x7CB]  }
0x24c: {  	[tilespmem:s12], [sflag:$0x1] =	stream.indirect.gather [hbm4b:s3+s6], $0x20, s30, s6, $0xb8;
	[tilespmem:$0x12110] =	vst v63  }
0x24d: {  	s2 =	simm.s32 $0x11710;
	s11 =	simm.s32 $0x1  }
0x24e: {  	[tilespmem:s2], [sflag:$0x1] =	stream.indirect.gather [hbm4b:s3+s6], $0x20, s5, s6, $0xb8;
	[tilespmem:$0x12110] =	vst v63  }
0x24f: {  	_ =	swait.ge [sflag:s11], $0xFA00  }
0x250: {  	[sflag:s11] =	ssyncset.done $0x0  }
0x251: {  	s12 =	simm.s32 $0x0;
	s8 =	rddreg [dreg:$0x5];
	[sflag:s11] =	ssyncadd.s32 $0xFFFF0600  }
0x252: {  	[hbm4b:s8+s12] =	stream.linear.scatter [tilespmem:s1], [sflag:$0x2], $0xFA00, $0x38;
	[tilespmem:$0x12110] =	vst v63  }
0x253: {  	_ =	swait.ge [sflag:s4], $0xFA00  }
0x254: {  	s30 =	sld [smem:$0x7CC]  }
0x255: {  	[sflag:s4] =	ssyncset.done $0x0  }
0x256: {  	s2 =	sld [smem:$0x7CD];
	[sflag:s4] =	ssyncadd.s32 $0xFFFF0600  }
0x257: {  	[tilespmem:s1], [sflag:$0x1] =	stream.indirect.gather [hbm4b:s3+s6], $0x20, s30, s6, $0xb8;
	[tilespmem:$0x12110] =	vst v63  }
0x258: {  	s5 =	simm.s32 $0x3110;
	s7 =	sld [smem:$0x7CE]  }
0x259: {  	[tilespmem:s5], [sflag:$0x1] =	stream.indirect.gather [hbm4b:s3+s6], $0x20, s2, s6, $0xb8;
	[tilespmem:$0x12110] =	vst v63  }
0x25a: {  	s12 =	sld [smem:$0x7CF];
	s30 =	simm.s32 $0x3B10  }
0x25b: {  	[tilespmem:s30], [sflag:$0x1] =	stream.indirect.gather [hbm4b:s3+s6], $0x20, s7, s6, $0xb8;
	[tilespmem:$0x12110] =	vst v63  }
0x25c: {  	s14 =	simm.s32 $0x4510;
	s5 =	sld [smem:$0x7D0]  }
0x25d: {  	[tilespmem:s14], [sflag:$0x1] =	stream.indirect.gather [hbm4b:s3+s6], $0x20, s12, s6, $0xb8;
	[tilespmem:$0x12110] =	vst v63  }
0x25e: {  	s25 =	simm.s32 $0x4F10;
	s14 =	sld [smem:$0x7D1]  }
0x25f: {  	[tilespmem:s25], [sflag:$0x1] =	stream.indirect.gather [hbm4b:s3+s6], $0x20, s5, s6, $0xb8;
	[tilespmem:$0x12110] =	vst v63  }
0x260: {  	s15 =	simm.s32 $0x5910;
	s30 =	sld [smem:$0x7D2]  }
0x261: {  	[tilespmem:s15], [sflag:$0x1] =	stream.indirect.gather [hbm4b:s3+s6], $0x20, s14, s6, $0xb8;
	[tilespmem:$0x12110] =	vst v63  }
0x262: {  	s16 =	simm.s32 $0x6310;
	s2 =	sld [smem:$0x7D3]  }
0x263: {  	[tilespmem:s16], [sflag:$0x1] =	stream.indirect.gather [hbm4b:s3+s6], $0x20, s30, s6, $0xb8;
	[tilespmem:$0x12110] =	vst v63  }
0x264: {  	s18 =	simm.s32 $0x6D10;
	s25 =	sld [smem:$0x7D4]  }
0x265: {  	[tilespmem:s18], [sflag:$0x1] =	stream.indirect.gather [hbm4b:s3+s6], $0x20, s2, s6, $0xb8;
	[tilespmem:$0x12110] =	vst v63  }
0x266: {  	s19 =	simm.s32 $0x7710;
	s30 =	sld [smem:$0x7D5]  }
0x267: {  	[tilespmem:s19], [sflag:$0x1] =	stream.indirect.gather [hbm4b:s3+s6], $0x20, s25, s6, $0xb8;
	[tilespmem:$0x12110] =	vst v63  }
0x268: {  	s20 =	simm.s32 $0x8110;
	s2 =	sld [smem:$0x7D6]  }
0x269: {  	[tilespmem:s20], [sflag:$0x1] =	stream.indirect.gather [hbm4b:s3+s6], $0x20, s30, s6, $0xb8;
	[tilespmem:$0x12110] =	vst v63  }
0x26a: {  	s21 =	simm.s32 $0x8B10;
	s25 =	sld [smem:$0x7D7]  }
0x26b: {  	[tilespmem:s21], [sflag:$0x1] =	stream.indirect.gather [hbm4b:s3+s6], $0x20, s2, s6, $0xb8;
	[tilespmem:$0x12110] =	vst v63  }
0x26c: {  	s22 =	simm.s32 $0x9510;
	s30 =	sld [smem:$0x7D8]  }
0x26d: {  	[tilespmem:s22], [sflag:$0x1] =	stream.indirect.gather [hbm4b:s3+s6], $0x20, s25, s6, $0xb8;
	[tilespmem:$0x12110] =	vst v63  }
0x26e: {  	s26 =	simm.s32 $0x9F10;
	s2 =	sld [smem:$0x7D9]  }
0x26f: {  	[tilespmem:s26], [sflag:$0x1] =	stream.indirect.gather [hbm4b:s3+s6], $0x20, s30, s6, $0xb8;
	[tilespmem:$0x12110] =	vst v63  }
0x270: {  	s25 =	simm.s32 $0xA910;
	s30 =	sld [smem:$0x7DA]  }
0x271: {  	[tilespmem:s25], [sflag:$0x1] =	stream.indirect.gather [hbm4b:s3+s6], $0x20, s2, s6, $0xb8;
	[tilespmem:$0x12110] =	vst v63  }
0x272: {  	s28 =	simm.s32 $0xB310;
	s26 =	sld [smem:$0x7DB]  }
0x273: {  	[tilespmem:s28], [sflag:$0x1] =	stream.indirect.gather [hbm4b:s3+s6], $0x20, s30, s6, $0xb8;
	[tilespmem:$0x12110] =	vst v63  }
0x274: {  	s31 =	simm.s32 $0xBD10;
	s28 =	sld [smem:$0x7DC]  }
0x275: {  	[tilespmem:s31], [sflag:$0x1] =	stream.indirect.gather [hbm4b:s3+s6], $0x20, s26, s6, $0xb8;
	[tilespmem:$0x12110] =	vst v63  }
0x276: {  	s13 =	simm.s32 $0xC710;
	s2 =	sld [smem:$0x7DD]  }
0x277: {  	[tilespmem:s13], [sflag:$0x1] =	stream.indirect.gather [hbm4b:s3+s6], $0x20, s28, s6, $0xb8;
	[tilespmem:$0x12110] =	vst v63  }
0x278: {  	s13 =	sld [smem:$0x7DE];
	s28 =	simm.s32 $0xD110  }
0x279: {  	[tilespmem:s28], [sflag:$0x1] =	stream.indirect.gather [hbm4b:s3+s6], $0x20, s2, s6, $0xb8;
	[tilespmem:$0x12110] =	vst v63  }
0x27a: {  	s24 =	simm.s32 $0xDB10;
	s2 =	sld [smem:$0x7DF]  }
0x27b: {  	[tilespmem:s24], [sflag:$0x1] =	stream.indirect.gather [hbm4b:s3+s6], $0x20, s13, s6, $0xb8;
	[tilespmem:$0x12110] =	vst v63  }
0x27c: {  	s13 =	sld [smem:$0x7E0];
	s24 =	simm.s32 $0xE510  }
0x27d: {  	[tilespmem:s24], [sflag:$0x1] =	stream.indirect.gather [hbm4b:s3+s6], $0x20, s2, s6, $0xb8;
	[tilespmem:$0x12110] =	vst v63  }
0x27e: {  	s23 =	simm.s32 $0xEF10;
	s2 =	sld [smem:$0x7E1]  }
0x27f: {  	[tilespmem:s23], [sflag:$0x1] =	stream.indirect.gather [hbm4b:s3+s6], $0x20, s13, s6, $0xb8;
	[tilespmem:$0x12110] =	vst v63  }
0x280: {  	s9 =	simm.s32 $0xF910;
	s24 =	sld [smem:$0x7E2]  }
0x281: {  	[tilespmem:s9], [sflag:$0x1] =	stream.indirect.gather [hbm4b:s3+s6], $0x20, s2, s6, $0xb8;
	[tilespmem:$0x12110] =	vst v63  }
0x282: {  	s10 =	simm.s32 $0x10310;
	s9 =	sld [smem:$0x7E3]  }
0x283: {  	[tilespmem:s10], [sflag:$0x1] =	stream.indirect.gather [hbm4b:s3+s6], $0x20, s24, s6, $0xb8;
	[tilespmem:$0x12110] =	vst v63  }
0x284: {  	s29 =	simm.s32 $0x10D10;
	s10 =	sld [smem:$0x7E4]  }
0x285: {  	[tilespmem:s29], [sflag:$0x1] =	stream.indirect.gather [hbm4b:s3+s6], $0x20, s9, s6, $0xb8;
	[tilespmem:$0x12110] =	vst v63  }
0x286: {  	s17 =	simm.s32 $0x11710  }
0x287: {  	[tilespmem:s17], [sflag:$0x1] =	stream.indirect.gather [hbm4b:s3+s6], $0x20, s10, s6, $0xb8;
	[tilespmem:$0x12110] =	vst v63  }
0x288: {  	_ =	swait.ge [sflag:s11], $0xFA00  }
0x289: {  	[sflag:s11] =	ssyncset.done $0x0  }
0x28a: {  	s29 =	simm.s32 $0x0;
	s17 =	rddreg [dreg:$0x6];
	[sflag:s11] =	ssyncadd.s32 $0xFFFF0600  }
0x28b: {  	[hbm4b:s17+s29] =	stream.linear.scatter [tilespmem:s1], [sflag:$0x2], $0xFA00, $0x38;
	[tilespmem:$0x12110] =	vst v63  }
0x28c: {  	_ =	swait.ge [sflag:s4], $0xFA00  }
0x28d: {  	s8 =	sld [smem:$0x7E5]  }
0x28e: {  	[sflag:s4] =	ssyncset.done $0x0  }
0x28f: {  	s17 =	sld [smem:$0x7E6];
	[sflag:s4] =	ssyncadd.s32 $0xFFFF0600  }
0x290: {  	[tilespmem:s1], [sflag:$0x1] =	stream.indirect.gather [hbm4b:s3+s6], $0x20, s8, s6, $0xb8;
	[tilespmem:$0x12110] =	vst v63  }
0x291: {  	s29 =	simm.s32 $0x3110;
	s7 =	sld [smem:$0x7E7]  }
0x292: {  	[tilespmem:s29], [sflag:$0x1] =	stream.indirect.gather [hbm4b:s3+s6], $0x20, s17, s6, $0xb8;
	[tilespmem:$0x12110] =	vst v63  }
0x293: {  	s8 =	sld [smem:$0x7E8];
	s17 =	simm.s32 $0x3B10  }
0x294: {  	[tilespmem:s17], [sflag:$0x1] =	stream.indirect.gather [hbm4b:s3+s6], $0x20, s7, s6, $0xb8;
	[tilespmem:$0x12110] =	vst v63  }
0x295: {  	s12 =	simm.s32 $0x4510;
	s29 =	sld [smem:$0x7E9]  }
0x296: {  	[tilespmem:s12], [sflag:$0x1] =	stream.indirect.gather [hbm4b:s3+s6], $0x20, s8, s6, $0xb8;
	[tilespmem:$0x12110] =	vst v63  }
0x297: {  	s5 =	simm.s32 $0x4F10;
	s1 =	sld [smem:$0x7EA]  }
0x298: {  	[tilespmem:s5], [sflag:$0x1] =	stream.indirect.gather [hbm4b:s3+s6], $0x20, s29, s6, $0xb8;
	[tilespmem:$0x12110] =	vst v63  }
0x299: {  	s14 =	simm.s32 $0x5910;
	s12 =	sld [smem:$0x7EB]  }
0x29a: {  	[tilespmem:s14], [sflag:$0x1] =	stream.indirect.gather [hbm4b:s3+s6], $0x20, s1, s6, $0xb8;
	[tilespmem:$0x12110] =	vst v63  }
0x29b: {  	s15 =	simm.s32 $0x6310;
	s14 =	sld [smem:$0x7EC]  }
0x29c: {  	[tilespmem:s15], [sflag:$0x1] =	stream.indirect.gather [hbm4b:s3+s6], $0x20, s12, s6, $0xb8;
	[tilespmem:$0x12110] =	vst v63  }
0x29d: {  	s16 =	simm.s32 $0x6D10;
	s17 =	sld [smem:$0x7ED]  }
0x29e: {  	[tilespmem:s16], [sflag:$0x1] =	stream.indirect.gather [hbm4b:s3+s6], $0x20, s14, s6, $0xb8;
	[tilespmem:$0x12110] =	vst v63  }
0x29f: {  	s18 =	simm.s32 $0x7710;
	s29 =	sld [smem:$0x7EE]  }
0x2a0: {  	[tilespmem:s18], [sflag:$0x1] =	stream.indirect.gather [hbm4b:s3+s6], $0x20, s17, s6, $0xb8;
	[tilespmem:$0x12110] =	vst v63  }
0x2a1: {  	s19 =	simm.s32 $0x8110;
	s1 =	sld [smem:$0x7EF]  }
0x2a2: {  	[tilespmem:s19], [sflag:$0x1] =	stream.indirect.gather [hbm4b:s3+s6], $0x20, s29, s6, $0xb8;
	[tilespmem:$0x12110] =	vst v63  }
0x2a3: {  	s20 =	simm.s32 $0x8B10;
	s5 =	sld [smem:$0x7F0]  }
0x2a4: {  	[tilespmem:s20], [sflag:$0x1] =	stream.indirect.gather [hbm4b:s3+s6], $0x20, s1, s6, $0xb8;
	[tilespmem:$0x12110] =	vst v63  }
0x2a5: {  	s21 =	simm.s32 $0x9510;
	s12 =	sld [smem:$0x7F1]  }
0x2a6: {  	[tilespmem:s21], [sflag:$0x1] =	stream.indirect.gather [hbm4b:s3+s6], $0x20, s5, s6, $0xb8;
	[tilespmem:$0x12110] =	vst v63  }
0x2a7: {  	s22 =	simm.s32 $0x9F10;
	s14 =	sld [smem:$0x7F2]  }
0x2a8: {  	[tilespmem:s22], [sflag:$0x1] =	stream.indirect.gather [hbm4b:s3+s6], $0x20, s12, s6, $0xb8;
	[tilespmem:$0x12110] =	vst v63  }
0x2a9: {  	s15 =	sld [smem:$0x7F3];
	s16 =	simm.s32 $0xA910  }
0x2aa: {  	[tilespmem:s16], [sflag:$0x1] =	stream.indirect.gather [hbm4b:s3+s6], $0x20, s14, s6, $0xb8;
	[tilespmem:$0x12110] =	vst v63  }
0x2ab: {  	s25 =	simm.s32 $0xB310;
	s17 =	sld [smem:$0x7F4]  }
0x2ac: {  	[tilespmem:s25], [sflag:$0x1] =	stream.indirect.gather [hbm4b:s3+s6], $0x20, s15, s6, $0xb8;
	[tilespmem:$0x12110] =	vst v63  }
0x2ad: {  	s30 =	simm.s32 $0xBD10;
	s18 =	sld [smem:$0x7F5]  }
0x2ae: {  	[tilespmem:s30], [sflag:$0x1] =	stream.indirect.gather [hbm4b:s3+s6], $0x20, s17, s6, $0xb8;
	[tilespmem:$0x12110] =	vst v63  }
0x2af: {  	s26 =	simm.s32 $0xC710;
	s19 =	sld [smem:$0x7F6]  }
0x2b0: {  	[tilespmem:s26], [sflag:$0x1] =	stream.indirect.gather [hbm4b:s3+s6], $0x20, s18, s6, $0xb8;
	[tilespmem:$0x12110] =	vst v63  }
0x2b1: {  	s31 =	simm.s32 $0xD110;
	s20 =	sld [smem:$0x7F7]  }
0x2b2: {  	[tilespmem:s31], [sflag:$0x1] =	stream.indirect.gather [hbm4b:s3+s6], $0x20, s19, s6, $0xb8;
	[tilespmem:$0x12110] =	vst v63  }
0x2b3: {  	s28 =	simm.s32 $0xDB10;
	s21 =	sld [smem:$0x7F8]  }
0x2b4: {  	[tilespmem:s28], [sflag:$0x1] =	stream.indirect.gather [hbm4b:s3+s6], $0x20, s20, s6, $0xb8;
	[tilespmem:$0x12110] =	vst v63  }
0x2b5: {  	s9 =	simm.s32 $0xE510;
	s22 =	sld [smem:$0x7F9]  }
0x2b6: {  	[tilespmem:s9], [sflag:$0x1] =	stream.indirect.gather [hbm4b:s3+s6], $0x20, s21, s6, $0xb8;
	[tilespmem:$0x12110] =	vst v63  }
0x2b7: {  	s13 =	simm.s32 $0xEF10;
	s25 =	sld [smem:$0x7FA]  }
0x2b8: {  	[tilespmem:s13], [sflag:$0x1] =	stream.indirect.gather [hbm4b:s3+s6], $0x20, s22, s6, $0xb8;
	[tilespmem:$0x12110] =	vst v63  }
0x2b9: {  	s2 =	simm.s32 $0xF910;
	s26 =	sld [smem:$0x7FB]  }
0x2ba: {  	[tilespmem:s2], [sflag:$0x1] =	stream.indirect.gather [hbm4b:s3+s6], $0x20, s25, s6, $0xb8;
	[tilespmem:$0x12110] =	vst v63  }
0x2bb: {  	s23 =	simm.s32 $0x10310;
	s28 =	sld [smem:$0x7FC]  }
0x2bc: {  	[tilespmem:s23], [sflag:$0x1] =	stream.indirect.gather [hbm4b:s3+s6], $0x20, s26, s6, $0xb8;
	[tilespmem:$0x12110] =	vst v63  }
0x2bd: {  	s24 =	simm.s32 $0x10D10;
	s29 =	sld [smem:$0x7FD]  }
0x2be: {  	[tilespmem:s24], [sflag:$0x1] =	stream.indirect.gather [hbm4b:s3+s6], $0x20, s28, s6, $0xb8;
	[tilespmem:$0x12110] =	vst v63  }
0x2bf: {  	s10 =	simm.s32 $0x11710  }
0x2c0: {  	[tilespmem:s10], [sflag:$0x1] =	stream.indirect.gather [hbm4b:s3+s6], $0x20, s29, s6, $0xb8;
	[tilespmem:$0x12110] =	vst v63  }
0x2c1: {  	p1 =	sne.s32 s0, $0x1;
	_ =	swait.ge [sflag:s11], $0xFA00  }
.Ltmp2:
0x2c2: {  	s8 =	simm.s32 $0x0;
	[sflag:s11] =	ssyncset.done $0x0;
	(pc) =	sbr.rel @p1 .LBB2_2-.Ltmp2, $4  }
0x2c3: {  	s31 =	simm.s32 $0x2710;
	s30 =	rddreg [dreg:$0x7];
	[sflag:s11] =	ssyncadd.s32 $0xFFFF0600  }
0x2c4: {  	[hbm4b:s30+s8] =	stream.linear.scatter [tilespmem:s31], [sflag:$0x2], $0xFA00, $0x38;
	[tilespmem:$0x12110] =	vst v63  }
0x2c5: {  	_ =	swait.ge [sflag:s4], $0xFA00  }
0x2c6: {  	s0 =	sadd.s32 $0xFFFFFFFF, s0;
	s7 =	rddreg [dreg:$0x2];
	[sflag:s4] =	ssyncset.done $0x0  }
.LBB2_3:
0x2c7: {  	[sflag:s4] =	ssyncadd.s32 @p0 $0xFFFF0600;
	s24 =	simm.s32 $0x0  }
0x2c8: {  	[tilespmem:s24], [sflag:$0x2] =	stream.linear.gather [hbm4b:s7+s24], $0x2710, $0x38;
	[tilespmem:$0x12110] =	vst v63  }
0x2c9: {  	_ =	swait.ge [sflag:s4], $0x2710  }
0x2ca: {  	[sflag:s4] =	ssyncset.done $0x0  }
0x2cb: {  	[sflag:s4] =	ssyncadd.s32 $0xFFFFD8F0  }
0x2cc: {  	[tilespmem:s31], [sflag:$0x1] =	stream.indirect.gather [hbm4b:s3+s6], $0x20, s24, s6, $0xb8;
	[tilespmem:$0x12110] =	vst v63  }
0x2cd: {  	s1 =	simm.s32 $0x3110  }
0x2ce: {  	[tilespmem:s1], [sflag:$0x1] =	stream.indirect.gather [hbm4b:s3+s6], $0x20, s6, s6, $0xb8;
	[tilespmem:$0x12110] =	vst v63  }
0x2cf: {  	s21 =	simm.s32 $0x3B10;
	s0 =	rddreg [dreg:$0x8]  }
0x2d0: {  	[tilespmem:s21], [sflag:$0x1] =	stream.indirect.gather [hbm4b:s3+s6], $0x20, s0, s6, $0xb8;
	[tilespmem:$0x12110] =	vst v63  }
0x2d1: {  	s23 =	simm.s32 $0x4510;
	s20 =	rddreg [dreg:$0x9]  }
0x2d2: {  	[tilespmem:s23], [sflag:$0x1] =	stream.indirect.gather [hbm4b:s3+s6], $0x20, s20, s6, $0xb8;
	[tilespmem:$0x12110] =	vst v63  }
0x2d3: {  	s26 =	simm.s32 $0x4F10;
	s22 =	rddreg [dreg:$0xa]  }
0x2d4: {  	[tilespmem:s26], [sflag:$0x1] =	stream.indirect.gather [hbm4b:s3+s6], $0x20, s22, s6, $0xb8;
	[tilespmem:$0x12110] =	vst v63  }
0x2d5: {  	s29 =	simm.s32 $0x5910;
	s25 =	rddreg [dreg:$0xb]  }
0x2d6: {  	[tilespmem:s29], [sflag:$0x1] =	stream.indirect.gather [hbm4b:s3+s6], $0x20, s25, s6, $0xb8;
	[tilespmem:$0x12110] =	vst v63  }
0x2d7: {  	s28 =	rddreg [dreg:$0xc];
	s31 =	simm.s32 $0x6310  }
0x2d8: {  	[tilespmem:s31], [sflag:$0x1] =	stream.indirect.gather [hbm4b:s3+s6], $0x20, s28, s6, $0xb8;
	[tilespmem:$0x12110] =	vst v63  }
0x2d9: {  	s5 =	simm.s32 $0x6D10;
	s30 =	rddreg [dreg:$0xd]  }
0x2da: {  	[tilespmem:s5], [sflag:$0x1] =	stream.indirect.gather [hbm4b:s3+s6], $0x20, s30, s6, $0xb8;
	[tilespmem:$0x12110] =	vst v63  }
0x2db: {  	s12 =	simm.s32 $0x7710;
	s2 =	rddreg [dreg:$0xe]  }
0x2dc: {  	[tilespmem:s12], [sflag:$0x1] =	stream.indirect.gather [hbm4b:s3+s6], $0x20, s2, s6, $0xb8;
	[tilespmem:$0x12110] =	vst v63  }
0x2dd: {  	s14 =	simm.s32 $0x8110;
	s10 =	rddreg [dreg:$0xf]  }
0x2de: {  	[tilespmem:s14], [sflag:$0x1] =	stream.indirect.gather [hbm4b:s3+s6], $0x20, s10, s6, $0xb8;
	[tilespmem:$0x12110] =	vst v63  }
0x2df: {  	s16 =	simm.s32 $0x8B10;
	s13 =	rddreg [dreg:$0x10]  }
0x2e0: {  	[tilespmem:s16], [sflag:$0x1] =	stream.indirect.gather [hbm4b:s3+s6], $0x20, s13, s6, $0xb8;
	[tilespmem:$0x12110] =	vst v63  }
0x2e1: {  	s18 =	simm.s32 $0x9510;
	s15 =	rddreg [dreg:$0x11]  }
0x2e2: {  	[tilespmem:s18], [sflag:$0x1] =	stream.indirect.gather [hbm4b:s3+s6], $0x20, s15, s6, $0xb8;
	[tilespmem:$0x12110] =	vst v63  }
0x2e3: {  	s17 =	rddreg [dreg:$0x12];
	s20 =	simm.s32 $0x9F10  }
0x2e4: {  	[tilespmem:s20], [sflag:$0x1] =	stream.indirect.gather [hbm4b:s3+s6], $0x20, s17, s6, $0xb8;
	[tilespmem:$0x12110] =	vst v63  }
0x2e5: {  	s19 =	rddreg [dreg:$0x13];
	s22 =	simm.s32 $0xA910  }
0x2e6: {  	[tilespmem:s22], [sflag:$0x1] =	stream.indirect.gather [hbm4b:s3+s6], $0x20, s19, s6, $0xb8;
	[tilespmem:$0x12110] =	vst v63  }
0x2e7: {  	s21 =	rddreg [dreg:$0x14];
	s25 =	simm.s32 $0xB310  }
0x2e8: {  	[tilespmem:s25], [sflag:$0x1] =	stream.indirect.gather [hbm4b:s3+s6], $0x20, s21, s6, $0xb8;
	[tilespmem:$0x12110] =	vst v63  }
0x2e9: {  	s23 =	rddreg [dreg:$0x15];
	s28 =	simm.s32 $0xBD10  }
0x2ea: {  	[tilespmem:s28], [sflag:$0x1] =	stream.indirect.gather [hbm4b:s3+s6], $0x20, s23, s6, $0xb8;
	[tilespmem:$0x12110] =	vst v63  }
0x2eb: {  	s26 =	rddreg [dreg:$0x16];
	s30 =	simm.s32 $0xC710  }
0x2ec: {  	[tilespmem:s30], [sflag:$0x1] =	stream.indirect.gather [hbm4b:s3+s6], $0x20, s26, s6, $0xb8;
	[tilespmem:$0x12110] =	vst v63  }
0x2ed: {  	s29 =	rddreg [dreg:$0x17];
	s2 =	simm.s32 $0xD110  }
0x2ee: {  	[tilespmem:s2], [sflag:$0x1] =	stream.indirect.gather [hbm4b:s3+s6], $0x20, s29, s6, $0xb8;
	[tilespmem:$0x12110] =	vst v63  }
0x2ef: {  	s31 =	rddreg [dreg:$0x18];
	s10 =	simm.s32 $0xDB10  }
0x2f0: {  	[tilespmem:s10], [sflag:$0x1] =	stream.indirect.gather [hbm4b:s3+s6], $0x20, s31, s6, $0xb8;
	[tilespmem:$0x12110] =	vst v63  }
0x2f1: {  	s5 =	rddreg [dreg:$0x19];
	s2 =	simm.s32 $0xE510  }
0x2f2: {  	[tilespmem:s2], [sflag:$0x1] =	stream.indirect.gather [hbm4b:s3+s6], $0x20, s5, s6, $0xb8;
	[tilespmem:$0x12110] =	vst v63  }
0x2f3: {  	s12 =	rddreg [dreg:$0x1a];
	s14 =	simm.s32 $0xEF10  }
0x2f4: {  	[tilespmem:s14], [sflag:$0x1] =	stream.indirect.gather [hbm4b:s3+s6], $0x20, s12, s6, $0xb8;
	[tilespmem:$0x12110] =	vst v63  }
0x2f5: {  	s13 =	rddreg [dreg:$0x1b];
	s16 =	simm.s32 $0xF910  }
0x2f6: {  	[tilespmem:s16], [sflag:$0x1] =	stream.indirect.gather [hbm4b:s3+s6], $0x20, s13, s6, $0xb8;
	[tilespmem:$0x12110] =	vst v63  }
0x2f7: {  	s15 =	rddreg [dreg:$0x1c];
	s19 =	simm.s32 $0x10310  }
0x2f8: {  	[tilespmem:s19], [sflag:$0x1] =	stream.indirect.gather [hbm4b:s3+s6], $0x20, s15, s6, $0xb8;
	[tilespmem:$0x12110] =	vst v63  }
0x2f9: {  	s18 =	rddreg [dreg:$0x1d];
	s22 =	simm.s32 $0x10D10  }
0x2fa: {  	[tilespmem:s22], [sflag:$0x1] =	stream.indirect.gather [hbm4b:s3+s6], $0x20, s18, s6, $0xb8;
	[tilespmem:$0x12110] =	vst v63  }
0x2fb: {  	s21 =	rddreg [dreg:$0x1e];
	s23 =	simm.s32 $0x11710  }
0x2fc: {  	[tilespmem:s23], [sflag:$0x1] =	stream.indirect.gather [hbm4b:s3+s6], $0x20, s21, s6, $0xb8;
	[tilespmem:$0x12110] =	vst v63  }
0x2fd: {  	_ =	swait.ge [sflag:s11], $0xFA00  }
0x2fe: {  	[sflag:s11] =	ssyncset.done $0x0  }
0x2ff: {  	s17 =	simm.s32 $0x2710;
	s26 =	rddreg [dreg:$0x3];
	[sflag:s11] =	ssyncadd.s32 $0xFFFF0600  }
0x300: {  	[hbm4b:s26+s24] =	stream.linear.scatter [tilespmem:s17], [sflag:$0x2], $0xFA00, $0x38;
	[tilespmem:$0x12110] =	vst v63  }
0x301: {  	_ =	swait.ge [sflag:s4], $0xFA00  }
0x302: {  	s30 =	rddreg [dreg:$0x1f];
	[sflag:s4] =	ssyncset.done $0x0  }
0x303: {  	s31 =	sld [smem:$0x79B];
	[sflag:s4] =	ssyncadd.s32 $0xFFFF0600  }
0x304: {  	[tilespmem:s17], [sflag:$0x1] =	stream.indirect.gather [hbm4b:s3+s6], $0x20, s30, s6, $0xb8;
	[tilespmem:$0x12110] =	vst v63  }
0x305: {  	s5 =	simm.s32 $0x3110;
	s1 =	sld [smem:$0x79C]  }
0x306: {  	[tilespmem:s5], [sflag:$0x1] =	stream.indirect.gather [hbm4b:s3+s6], $0x20, s31, s6, $0xb8;
	[tilespmem:$0x12110] =	vst v63  }
0x307: {  	s2 =	simm.s32 $0x3B10;
	s10 =	sld [smem:$0x79D]  }
0x308: {  	[tilespmem:s2], [sflag:$0x1] =	stream.indirect.gather [hbm4b:s3+s6], $0x20, s1, s6, $0xb8;
	[tilespmem:$0x12110] =	vst v63  }
0x309: {  	s8 =	simm.s32 $0x4510;
	s12 =	sld [smem:$0x79E]  }
0x30a: {  	[tilespmem:s8], [sflag:$0x1] =	stream.indirect.gather [hbm4b:s3+s6], $0x20, s10, s6, $0xb8;
	[tilespmem:$0x12110] =	vst v63  }
0x30b: {  	s9 =	simm.s32 $0x4F10;
	s13 =	sld [smem:$0x79F]  }
0x30c: {  	[tilespmem:s9], [sflag:$0x1] =	stream.indirect.gather [hbm4b:s3+s6], $0x20, s12, s6, $0xb8;
	[tilespmem:$0x12110] =	vst v63  }
0x30d: {  	s14 =	sld [smem:$0x7A0];
	s8 =	simm.s32 $0x5910  }
0x30e: {  	[tilespmem:s8], [sflag:$0x1] =	stream.indirect.gather [hbm4b:s3+s6], $0x20, s13, s6, $0xb8;
	[tilespmem:$0x12110] =	vst v63  }
0x30f: {  	s15 =	sld [smem:$0x7A1];
	s9 =	simm.s32 $0x6310  }
0x310: {  	[tilespmem:s9], [sflag:$0x1] =	stream.indirect.gather [hbm4b:s3+s6], $0x20, s14, s6, $0xb8;
	[tilespmem:$0x12110] =	vst v63  }
0x311: {  	s16 =	sld [smem:$0x7A2];
	s10 =	simm.s32 $0x6D10  }
0x312: {  	[tilespmem:s10], [sflag:$0x1] =	stream.indirect.gather [hbm4b:s3+s6], $0x20, s15, s6, $0xb8;
	[tilespmem:$0x12110] =	vst v63  }
0x313: {  	s18 =	sld [smem:$0x7A3];
	s12 =	simm.s32 $0x7710  }
0x314: {  	[tilespmem:s12], [sflag:$0x1] =	stream.indirect.gather [hbm4b:s3+s6], $0x20, s16, s6, $0xb8;
	[tilespmem:$0x12110] =	vst v63  }
0x315: {  	s19 =	sld [smem:$0x7A4];
	s13 =	simm.s32 $0x8110  }
0x316: {  	[tilespmem:s13], [sflag:$0x1] =	stream.indirect.gather [hbm4b:s3+s6], $0x20, s18, s6, $0xb8;
	[tilespmem:$0x12110] =	vst v63  }
0x317: {  	s21 =	sld [smem:$0x7A5];
	s14 =	simm.s32 $0x8B10  }
0x318: {  	[tilespmem:s14], [sflag:$0x1] =	stream.indirect.gather [hbm4b:s3+s6], $0x20, s19, s6, $0xb8;
	[tilespmem:$0x12110] =	vst v63  }
0x319: {  	s22 =	sld [smem:$0x7A6];
	s15 =	simm.s32 $0x9510  }
0x31a: {  	[tilespmem:s15], [sflag:$0x1] =	stream.indirect.gather [hbm4b:s3+s6], $0x20, s21, s6, $0xb8;
	[tilespmem:$0x12110] =	vst v63  }
0x31b: {  	s23 =	sld [smem:$0x7A7];
	s16 =	simm.s32 $0x9F10  }
0x31c: {  	[tilespmem:s16], [sflag:$0x1] =	stream.indirect.gather [hbm4b:s3+s6], $0x20, s22, s6, $0xb8;
	[tilespmem:$0x12110] =	vst v63  }
0x31d: {  	s26 =	sld [smem:$0x7A8];
	s18 =	simm.s32 $0xA910  }
0x31e: {  	[tilespmem:s18], [sflag:$0x1] =	stream.indirect.gather [hbm4b:s3+s6], $0x20, s23, s6, $0xb8;
	[tilespmem:$0x12110] =	vst v63  }
0x31f: {  	s1 =	sld [smem:$0x7A9];
	s19 =	simm.s32 $0xB310  }
0x320: {  	[tilespmem:s19], [sflag:$0x1] =	stream.indirect.gather [hbm4b:s3+s6], $0x20, s26, s6, $0xb8;
	[tilespmem:$0x12110] =	vst v63  }
0x321: {  	s25 =	simm.s32 $0xBD10;
	s21 =	sld [smem:$0x7AA]  }
0x322: {  	[tilespmem:s25], [sflag:$0x1] =	stream.indirect.gather [hbm4b:s3+s6], $0x20, s1, s6, $0xb8;
	[tilespmem:$0x12110] =	vst v63  }
0x323: {  	s22 =	sld [smem:$0x7AB];
	s1 =	simm.s32 $0xC710  }
0x324: {  	[tilespmem:s1], [sflag:$0x1] =	stream.indirect.gather [hbm4b:s3+s6], $0x20, s21, s6, $0xb8;
	[tilespmem:$0x12110] =	vst v63  }
0x325: {  	s23 =	sld [smem:$0x7AC];
	s21 =	simm.s32 $0xD110  }
0x326: {  	[tilespmem:s21], [sflag:$0x1] =	stream.indirect.gather [hbm4b:s3+s6], $0x20, s22, s6, $0xb8;
	[tilespmem:$0x12110] =	vst v63  }
0x327: {  	s25 =	sld [smem:$0x7AD];
	s22 =	simm.s32 $0xDB10  }
0x328: {  	[tilespmem:s22], [sflag:$0x1] =	stream.indirect.gather [hbm4b:s3+s6], $0x20, s23, s6, $0xb8;
	[tilespmem:$0x12110] =	vst v63  }
0x329: {  	s28 =	simm.s32 $0xE510;
	s23 =	sld [smem:$0x7AE]  }
0x32a: {  	[tilespmem:s28], [sflag:$0x1] =	stream.indirect.gather [hbm4b:s3+s6], $0x20, s25, s6, $0xb8;
	[tilespmem:$0x12110] =	vst v63  }
0x32b: {  	s20 =	simm.s32 $0xEF10;
	s7 =	sld [smem:$0x7AF]  }
0x32c: {  	[tilespmem:s20], [sflag:$0x1] =	stream.indirect.gather [hbm4b:s3+s6], $0x20, s23, s6, $0xb8;
	[tilespmem:$0x12110] =	vst v63  }
0x32d: {  	s25 =	sld [smem:$0x7B0];
	s23 =	simm.s32 $0xF910  }
0x32e: {  	[tilespmem:s23], [sflag:$0x1] =	stream.indirect.gather [hbm4b:s3+s6], $0x20, s7, s6, $0xb8;
	[tilespmem:$0x12110] =	vst v63  }
0x32f: {  	s20 =	simm.s32 $0x10310;
	s7 =	sld [smem:$0x7B1]  }
0x330: {  	[tilespmem:s20], [sflag:$0x1] =	stream.indirect.gather [hbm4b:s3+s6], $0x20, s25, s6, $0xb8;
	[tilespmem:$0x12110] =	vst v63  }
0x331: {  	s0 =	sld [smem:$0x7B2];
	s25 =	simm.s32 $0x10D10  }
0x332: {  	[tilespmem:s25], [sflag:$0x1] =	stream.indirect.gather [hbm4b:s3+s6], $0x20, s7, s6, $0xb8;
	[tilespmem:$0x12110] =	vst v63  }
0x333: {  	s29 =	simm.s32 $0x11710  }
0x334: {  	[tilespmem:s29], [sflag:$0x1] =	stream.indirect.gather [hbm4b:s3+s6], $0x20, s0, s6, $0xb8;
	[tilespmem:$0x12110] =	vst v63  }
0x335: {  	_ =	swait.ge [sflag:s11], $0xFA00  }
0x336: {  	[sflag:s11] =	ssyncset.done $0x0  }
0x337: {  	s7 =	rddreg [dreg:$0x4];
	[sflag:s11] =	ssyncadd.s32 $0xFFFF0600  }
0x338: {  	[hbm4b:s7+s24] =	stream.linear.scatter [tilespmem:s17], [sflag:$0x2], $0xFA00, $0x38;
	[tilespmem:$0x12110] =	vst v63  }
0x339: {  	_ =	swait.ge [sflag:s4], $0xFA00  }
0x33a: {  	s0 =	sld [smem:$0x7B3]  }
0x33b: {  	[sflag:s4] =	ssyncset.done $0x0  }
0x33c: {  	s7 =	sld [smem:$0x7B4];
	[sflag:s4] =	ssyncadd.s32 $0xFFFF0600  }
0x33d: {  	[tilespmem:s17], [sflag:$0x1] =	stream.indirect.gather [hbm4b:s3+s6], $0x20, s0, s6, $0xb8;
	[tilespmem:$0x12110] =	vst v63  }
0x33e: {  	s0 =	sld [smem:$0x7B5]  }
0x33f: {  	[tilespmem:s5], [sflag:$0x1] =	stream.indirect.gather [hbm4b:s3+s6], $0x20, s7, s6, $0xb8;
	[tilespmem:$0x12110] =	vst v63  }
0x340: {  	s7 =	sld [smem:$0x7B6]  }
0x341: {  	[tilespmem:s2], [sflag:$0x1] =	stream.indirect.gather [hbm4b:s3+s6], $0x20, s0, s6, $0xb8;
	[tilespmem:$0x12110] =	vst v63  }
0x342: {  	s31 =	simm.s32 $0x4510;
	s0 =	sld [smem:$0x7B7]  }
0x343: {  	[tilespmem:s31], [sflag:$0x1] =	stream.indirect.gather [hbm4b:s3+s6], $0x20, s7, s6, $0xb8;
	[tilespmem:$0x12110] =	vst v63  }
0x344: {  	s30 =	simm.s32 $0x4F10;
	s7 =	sld [smem:$0x7B8]  }
0x345: {  	[tilespmem:s30], [sflag:$0x1] =	stream.indirect.gather [hbm4b:s3+s6], $0x20, s0, s6, $0xb8;
	[tilespmem:$0x12110] =	vst v63  }
0x346: {  	s0 =	sld [smem:$0x7B9]  }
0x347: {  	[tilespmem:s8], [sflag:$0x1] =	stream.indirect.gather [hbm4b:s3+s6], $0x20, s7, s6, $0xb8;
	[tilespmem:$0x12110] =	vst v63  }
0x348: {  	s7 =	sld [smem:$0x7BA]  }
0x349: {  	[tilespmem:s9], [sflag:$0x1] =	stream.indirect.gather [hbm4b:s3+s6], $0x20, s0, s6, $0xb8;
	[tilespmem:$0x12110] =	vst v63  }
0x34a: {  	s0 =	sld [smem:$0x7BB]  }
0x34b: {  	[tilespmem:s10], [sflag:$0x1] =	stream.indirect.gather [hbm4b:s3+s6], $0x20, s7, s6, $0xb8;
	[tilespmem:$0x12110] =	vst v63  }
0x34c: {  	s7 =	sld [smem:$0x7BC]  }
0x34d: {  	[tilespmem:s12], [sflag:$0x1] =	stream.indirect.gather [hbm4b:s3+s6], $0x20, s0, s6, $0xb8;
	[tilespmem:$0x12110] =	vst v63  }
0x34e: {  	s0 =	sld [smem:$0x7BD]  }
0x34f: {  	[tilespmem:s13], [sflag:$0x1] =	stream.indirect.gather [hbm4b:s3+s6], $0x20, s7, s6, $0xb8;
	[tilespmem:$0x12110] =	vst v63  }
0x350: {  	s7 =	sld [smem:$0x7BE]  }
0x351: {  	[tilespmem:s14], [sflag:$0x1] =	stream.indirect.gather [hbm4b:s3+s6], $0x20, s0, s6, $0xb8;
	[tilespmem:$0x12110] =	vst v63  }
0x352: {  	s0 =	sld [smem:$0x7BF]  }
0x353: {  	[tilespmem:s15], [sflag:$0x1] =	stream.indirect.gather [hbm4b:s3+s6], $0x20, s7, s6, $0xb8;
	[tilespmem:$0x12110] =	vst v63  }
0x354: {  	s7 =	sld [smem:$0x7C0]  }
0x355: {  	[tilespmem:s16], [sflag:$0x1] =	stream.indirect.gather [hbm4b:s3+s6], $0x20, s0, s6, $0xb8;
	[tilespmem:$0x12110] =	vst v63  }
0x356: {  	s0 =	sld [smem:$0x7C1]  }
0x357: {  	[tilespmem:s18], [sflag:$0x1] =	stream.indirect.gather [hbm4b:s3+s6], $0x20, s7, s6, $0xb8;
	[tilespmem:$0x12110] =	vst v63  }
0x358: {  	s7 =	sld [smem:$0x7C2]  }
0x359: {  	[tilespmem:s19], [sflag:$0x1] =	stream.indirect.gather [hbm4b:s3+s6], $0x20, s0, s6, $0xb8;
	[tilespmem:$0x12110] =	vst v63  }
0x35a: {  	s26 =	simm.s32 $0xBD10;
	s0 =	sld [smem:$0x7C3]  }
0x35b: {  	[tilespmem:s26], [sflag:$0x1] =	stream.indirect.gather [hbm4b:s3+s6], $0x20, s7, s6, $0xb8;
	[tilespmem:$0x12110] =	vst v63  }
0x35c: {  	s7 =	sld [smem:$0x7C4]  }
0x35d: {  	[tilespmem:s1], [sflag:$0x1] =	stream.indirect.gather [hbm4b:s3+s6], $0x20, s0, s6, $0xb8;
	[tilespmem:$0x12110] =	vst v63  }
0x35e: {  	s1 =	sld [smem:$0x7C5]  }
0x35f: {  	[tilespmem:s21], [sflag:$0x1] =	stream.indirect.gather [hbm4b:s3+s6], $0x20, s7, s6, $0xb8;
	[tilespmem:$0x12110] =	vst v63  }
0x360: {  	s7 =	sld [smem:$0x7C6]  }
0x361: {  	[tilespmem:s22], [sflag:$0x1] =	stream.indirect.gather [hbm4b:s3+s6], $0x20, s1, s6, $0xb8;
	[tilespmem:$0x12110] =	vst v63  }
0x362: {  	s28 =	simm.s32 $0xE510;
	s1 =	sld [smem:$0x7C7]  }
0x363: {  	[tilespmem:s28], [sflag:$0x1] =	stream.indirect.gather [hbm4b:s3+s6], $0x20, s7, s6, $0xb8;
	[tilespmem:$0x12110] =	vst v63  }
0x364: {  	s7 =	sld [smem:$0x7C8];
	s28 =	simm.s32 $0xEF10  }
0x365: {  	[tilespmem:s28], [sflag:$0x1] =	stream.indirect.gather [hbm4b:s3+s6], $0x20, s1, s6, $0xb8;
	[tilespmem:$0x12110] =	vst v63  }
0x366: {  	s0 =	sld [smem:$0x7C9]  }
0x367: {  	[tilespmem:s23], [sflag:$0x1] =	stream.indirect.gather [hbm4b:s3+s6], $0x20, s7, s6, $0xb8;
	[tilespmem:$0x12110] =	vst v63  }
0x368: {  	s1 =	sld [smem:$0x7CA]  }
0x369: {  	[tilespmem:s20], [sflag:$0x1] =	stream.indirect.gather [hbm4b:s3+s6], $0x20, s0, s6, $0xb8;
	[tilespmem:$0x12110] =	vst v63  }
0x36a: {  	s25 =	simm.s32 $0x10D10;
	s20 =	sld [smem:$0x7CB]  }
0x36b: {  	[tilespmem:s25], [sflag:$0x1] =	stream.indirect.gather [hbm4b:s3+s6], $0x20, s1, s6, $0xb8;
	[tilespmem:$0x12110] =	vst v63  }
0x36c: {  	s29 =	simm.s32 $0x11710  }
0x36d: {  	[tilespmem:s29], [sflag:$0x1] =	stream.indirect.gather [hbm4b:s3+s6], $0x20, s20, s6, $0xb8;
	[tilespmem:$0x12110] =	vst v63  }
0x36e: {  	_ =	swait.ge [sflag:s11], $0xFA00  }
0x36f: {  	[sflag:s11] =	ssyncset.done $0x0  }
0x370: {  	s1 =	rddreg [dreg:$0x5];
	[sflag:s11] =	ssyncadd.s32 $0xFFFF0600  }
0x371: {  	[hbm4b:s1+s24] =	stream.linear.scatter [tilespmem:s17], [sflag:$0x2], $0xFA00, $0x38;
	[tilespmem:$0x12110] =	vst v63  }
0x372: {  	_ =	swait.ge [sflag:s4], $0xFA00  }
0x373: {  	s7 =	sld [smem:$0x7CC]  }
0x374: {  	[sflag:s4] =	ssyncset.done $0x0  }
0x375: {  	s20 =	sld [smem:$0x7CD];
	[sflag:s4] =	ssyncadd.s32 $0xFFFF0600  }
0x376: {  	[tilespmem:s17], [sflag:$0x1] =	stream.indirect.gather [hbm4b:s3+s6], $0x20, s7, s6, $0xb8;
	[tilespmem:$0x12110] =	vst v63  }
0x377: {  	s5 =	simm.s32 $0x3110;
	s29 =	sld [smem:$0x7CE]  }
0x378: {  	[tilespmem:s5], [sflag:$0x1] =	stream.indirect.gather [hbm4b:s3+s6], $0x20, s20, s6, $0xb8;
	[tilespmem:$0x12110] =	vst v63  }
0x379: {  	s2 =	simm.s32 $0x3B10;
	s1 =	sld [smem:$0x7CF]  }
0x37a: {  	[tilespmem:s2], [sflag:$0x1] =	stream.indirect.gather [hbm4b:s3+s6], $0x20, s29, s6, $0xb8;
	[tilespmem:$0x12110] =	vst v63  }
0x37b: {  	s31 =	simm.s32 $0x4510;
	s2 =	sld [smem:$0x7D0]  }
0x37c: {  	[tilespmem:s31], [sflag:$0x1] =	stream.indirect.gather [hbm4b:s3+s6], $0x20, s1, s6, $0xb8;
	[tilespmem:$0x12110] =	vst v63  }
0x37d: {  	s30 =	simm.s32 $0x4F10;
	s20 =	sld [smem:$0x7D1]  }
0x37e: {  	[tilespmem:s30], [sflag:$0x1] =	stream.indirect.gather [hbm4b:s3+s6], $0x20, s2, s6, $0xb8;
	[tilespmem:$0x12110] =	vst v63  }
0x37f: {  	s8 =	simm.s32 $0x5910;
	s31 =	sld [smem:$0x7D2]  }
0x380: {  	[tilespmem:s8], [sflag:$0x1] =	stream.indirect.gather [hbm4b:s3+s6], $0x20, s20, s6, $0xb8;
	[tilespmem:$0x12110] =	vst v63  }
0x381: {  	s9 =	simm.s32 $0x6310;
	s1 =	sld [smem:$0x7D3]  }
0x382: {  	[tilespmem:s9], [sflag:$0x1] =	stream.indirect.gather [hbm4b:s3+s6], $0x20, s31, s6, $0xb8;
	[tilespmem:$0x12110] =	vst v63  }
0x383: {  	s10 =	simm.s32 $0x6D10;
	s2 =	sld [smem:$0x7D4]  }
0x384: {  	[tilespmem:s10], [sflag:$0x1] =	stream.indirect.gather [hbm4b:s3+s6], $0x20, s1, s6, $0xb8;
	[tilespmem:$0x12110] =	vst v63  }
0x385: {  	s12 =	simm.s32 $0x7710;
	s20 =	sld [smem:$0x7D5]  }
0x386: {  	[tilespmem:s12], [sflag:$0x1] =	stream.indirect.gather [hbm4b:s3+s6], $0x20, s2, s6, $0xb8;
	[tilespmem:$0x12110] =	vst v63  }
0x387: {  	s13 =	simm.s32 $0x8110;
	s31 =	sld [smem:$0x7D6]  }
0x388: {  	[tilespmem:s13], [sflag:$0x1] =	stream.indirect.gather [hbm4b:s3+s6], $0x20, s20, s6, $0xb8;
	[tilespmem:$0x12110] =	vst v63  }
0x389: {  	s14 =	simm.s32 $0x8B10;
	s1 =	sld [smem:$0x7D7]  }
0x38a: {  	[tilespmem:s14], [sflag:$0x1] =	stream.indirect.gather [hbm4b:s3+s6], $0x20, s31, s6, $0xb8;
	[tilespmem:$0x12110] =	vst v63  }
0x38b: {  	s15 =	simm.s32 $0x9510;
	s2 =	sld [smem:$0x7D8]  }
0x38c: {  	[tilespmem:s15], [sflag:$0x1] =	stream.indirect.gather [hbm4b:s3+s6], $0x20, s1, s6, $0xb8;
	[tilespmem:$0x12110] =	vst v63  }
0x38d: {  	s16 =	simm.s32 $0x9F10;
	s20 =	sld [smem:$0x7D9]  }
0x38e: {  	[tilespmem:s16], [sflag:$0x1] =	stream.indirect.gather [hbm4b:s3+s6], $0x20, s2, s6, $0xb8;
	[tilespmem:$0x12110] =	vst v63  }
0x38f: {  	s18 =	simm.s32 $0xA910;
	s31 =	sld [smem:$0x7DA]  }
0x390: {  	[tilespmem:s18], [sflag:$0x1] =	stream.indirect.gather [hbm4b:s3+s6], $0x20, s20, s6, $0xb8;
	[tilespmem:$0x12110] =	vst v63  }
0x391: {  	s19 =	simm.s32 $0xB310;
	s1 =	sld [smem:$0x7DB]  }
0x392: {  	[tilespmem:s19], [sflag:$0x1] =	stream.indirect.gather [hbm4b:s3+s6], $0x20, s31, s6, $0xb8;
	[tilespmem:$0x12110] =	vst v63  }
0x393: {  	s2 =	sld [smem:$0x7DC];
	s20 =	simm.s32 $0xBD10  }
0x394: {  	[tilespmem:s20], [sflag:$0x1] =	stream.indirect.gather [hbm4b:s3+s6], $0x20, s1, s6, $0xb8;
	[tilespmem:$0x12110] =	vst v63  }
0x395: {  	s26 =	simm.s32 $0xC710;
	s1 =	sld [smem:$0x7DD]  }
0x396: {  	[tilespmem:s26], [sflag:$0x1] =	stream.indirect.gather [hbm4b:s3+s6], $0x20, s2, s6, $0xb8;
	[tilespmem:$0x12110] =	vst v63  }
0x397: {  	s21 =	simm.s32 $0xD110;
	s2 =	sld [smem:$0x7DE]  }
0x398: {  	[tilespmem:s21], [sflag:$0x1] =	stream.indirect.gather [hbm4b:s3+s6], $0x20, s1, s6, $0xb8;
	[tilespmem:$0x12110] =	vst v63  }
0x399: {  	s22 =	simm.s32 $0xDB10;
	s31 =	sld [smem:$0x7DF]  }
0x39a: {  	[tilespmem:s22], [sflag:$0x1] =	stream.indirect.gather [hbm4b:s3+s6], $0x20, s2, s6, $0xb8;
	[tilespmem:$0x12110] =	vst v63  }
0x39b: {  	s1 =	simm.s32 $0xE510;
	s2 =	sld [smem:$0x7E0]  }
0x39c: {  	[tilespmem:s1], [sflag:$0x1] =	stream.indirect.gather [hbm4b:s3+s6], $0x20, s31, s6, $0xb8;
	[tilespmem:$0x12110] =	vst v63  }
0x39d: {  	s28 =	simm.s32 $0xEF10;
	s31 =	sld [smem:$0x7E1]  }
0x39e: {  	[tilespmem:s28], [sflag:$0x1] =	stream.indirect.gather [hbm4b:s3+s6], $0x20, s2, s6, $0xb8;
	[tilespmem:$0x12110] =	vst v63  }
0x39f: {  	s23 =	simm.s32 $0xF910;
	s0 =	sld [smem:$0x7E2]  }
0x3a0: {  	[tilespmem:s23], [sflag:$0x1] =	stream.indirect.gather [hbm4b:s3+s6], $0x20, s31, s6, $0xb8;
	[tilespmem:$0x12110] =	vst v63  }
0x3a1: {  	s7 =	sld [smem:$0x7E3];
	s2 =	simm.s32 $0x10310  }
0x3a2: {  	[tilespmem:s2], [sflag:$0x1] =	stream.indirect.gather [hbm4b:s3+s6], $0x20, s0, s6, $0xb8;
	[tilespmem:$0x12110] =	vst v63  }
0x3a3: {  	s25 =	simm.s32 $0x10D10;
	s0 =	sld [smem:$0x7E4]  }
0x3a4: {  	[tilespmem:s25], [sflag:$0x1] =	stream.indirect.gather [hbm4b:s3+s6], $0x20, s7, s6, $0xb8;
	[tilespmem:$0x12110] =	vst v63  }
0x3a5: {  	s2 =	simm.s32 $0x11710  }
0x3a6: {  	[tilespmem:s2], [sflag:$0x1] =	stream.indirect.gather [hbm4b:s3+s6], $0x20, s0, s6, $0xb8;
	[tilespmem:$0x12110] =	vst v63  }
0x3a7: {  	_ =	swait.ge [sflag:s11], $0xFA00  }
0x3a8: {  	[sflag:s11] =	ssyncset.done $0x0  }
0x3a9: {  	s7 =	rddreg [dreg:$0x6];
	[sflag:s11] =	ssyncadd.s32 $0xFFFF0600  }
0x3aa: {  	[hbm4b:s7+s24] =	stream.linear.scatter [tilespmem:s17], [sflag:$0x2], $0xFA00, $0x38;
	[tilespmem:$0x12110] =	vst v63  }
0x3ab: {  	_ =	swait.ge [sflag:s4], $0xFA00  }
0x3ac: {  	s0 =	sld [smem:$0x7E5]  }
0x3ad: {  	[sflag:s4] =	ssyncset.done $0x0  }
0x3ae: {  	s7 =	sld [smem:$0x7E6];
	[sflag:s4] =	ssyncadd.s32 $0xFFFF0600  }
0x3af: {  	[tilespmem:s17], [sflag:$0x1] =	stream.indirect.gather [hbm4b:s3+s6], $0x20, s0, s6, $0xb8;
	[tilespmem:$0x12110] =	vst v63  }
0x3b0: {  	s5 =	simm.s32 $0x3110;
	s0 =	sld [smem:$0x7E7]  }
0x3b1: {  	[tilespmem:s5], [sflag:$0x1] =	stream.indirect.gather [hbm4b:s3+s6], $0x20, s7, s6, $0xb8;
	[tilespmem:$0x12110] =	vst v63  }
0x3b2: {  	s7 =	sld [smem:$0x7E8];
	s5 =	simm.s32 $0x3B10  }
0x3b3: {  	[tilespmem:s5], [sflag:$0x1] =	stream.indirect.gather [hbm4b:s3+s6], $0x20, s0, s6, $0xb8;
	[tilespmem:$0x12110] =	vst v63  }
0x3b4: {  	s29 =	simm.s32 $0x4510;
	s0 =	sld [smem:$0x7E9]  }
0x3b5: {  	[tilespmem:s29], [sflag:$0x1] =	stream.indirect.gather [hbm4b:s3+s6], $0x20, s7, s6, $0xb8;
	[tilespmem:$0x12110] =	vst v63  }
0x3b6: {  	s30 =	simm.s32 $0x4F10;
	s5 =	sld [smem:$0x7EA]  }
0x3b7: {  	[tilespmem:s30], [sflag:$0x1] =	stream.indirect.gather [hbm4b:s3+s6], $0x20, s0, s6, $0xb8;
	[tilespmem:$0x12110] =	vst v63  }
0x3b8: {  	s8 =	simm.s32 $0x5910;
	s29 =	sld [smem:$0x7EB]  }
0x3b9: {  	[tilespmem:s8], [sflag:$0x1] =	stream.indirect.gather [hbm4b:s3+s6], $0x20, s5, s6, $0xb8;
	[tilespmem:$0x12110] =	vst v63  }
0x3ba: {  	s9 =	simm.s32 $0x6310;
	s30 =	sld [smem:$0x7EC]  }
0x3bb: {  	[tilespmem:s9], [sflag:$0x1] =	stream.indirect.gather [hbm4b:s3+s6], $0x20, s29, s6, $0xb8;
	[tilespmem:$0x12110] =	vst v63  }
0x3bc: {  	s10 =	simm.s32 $0x6D10;
	s5 =	sld [smem:$0x7ED]  }
0x3bd: {  	[tilespmem:s10], [sflag:$0x1] =	stream.indirect.gather [hbm4b:s3+s6], $0x20, s30, s6, $0xb8;
	[tilespmem:$0x12110] =	vst v63  }
0x3be: {  	s12 =	simm.s32 $0x7710;
	s8 =	sld [smem:$0x7EE]  }
0x3bf: {  	[tilespmem:s12], [sflag:$0x1] =	stream.indirect.gather [hbm4b:s3+s6], $0x20, s5, s6, $0xb8;
	[tilespmem:$0x12110] =	vst v63  }
0x3c0: {  	s13 =	simm.s32 $0x8110;
	s9 =	sld [smem:$0x7EF]  }
0x3c1: {  	[tilespmem:s13], [sflag:$0x1] =	stream.indirect.gather [hbm4b:s3+s6], $0x20, s8, s6, $0xb8;
	[tilespmem:$0x12110] =	vst v63  }
0x3c2: {  	s14 =	simm.s32 $0x8B10;
	s10 =	sld [smem:$0x7F0]  }
0x3c3: {  	[tilespmem:s14], [sflag:$0x1] =	stream.indirect.gather [hbm4b:s3+s6], $0x20, s9, s6, $0xb8;
	[tilespmem:$0x12110] =	vst v63  }
0x3c4: {  	s15 =	simm.s32 $0x9510;
	s12 =	sld [smem:$0x7F1]  }
0x3c5: {  	[tilespmem:s15], [sflag:$0x1] =	stream.indirect.gather [hbm4b:s3+s6], $0x20, s10, s6, $0xb8;
	[tilespmem:$0x12110] =	vst v63  }
0x3c6: {  	s16 =	simm.s32 $0x9F10;
	s13 =	sld [smem:$0x7F2]  }
0x3c7: {  	[tilespmem:s16], [sflag:$0x1] =	stream.indirect.gather [hbm4b:s3+s6], $0x20, s12, s6, $0xb8;
	[tilespmem:$0x12110] =	vst v63  }
0x3c8: {  	s18 =	simm.s32 $0xA910;
	s14 =	sld [smem:$0x7F3]  }
0x3c9: {  	[tilespmem:s18], [sflag:$0x1] =	stream.indirect.gather [hbm4b:s3+s6], $0x20, s13, s6, $0xb8;
	[tilespmem:$0x12110] =	vst v63  }
0x3ca: {  	s19 =	simm.s32 $0xB310;
	s15 =	sld [smem:$0x7F4]  }
0x3cb: {  	[tilespmem:s19], [sflag:$0x1] =	stream.indirect.gather [hbm4b:s3+s6], $0x20, s14, s6, $0xb8;
	[tilespmem:$0x12110] =	vst v63  }
0x3cc: {  	s20 =	simm.s32 $0xBD10;
	s16 =	sld [smem:$0x7F5]  }
0x3cd: {  	[tilespmem:s20], [sflag:$0x1] =	stream.indirect.gather [hbm4b:s3+s6], $0x20, s15, s6, $0xb8;
	[tilespmem:$0x12110] =	vst v63  }
0x3ce: {  	s26 =	simm.s32 $0xC710;
	s18 =	sld [smem:$0x7F6]  }
0x3cf: {  	[tilespmem:s26], [sflag:$0x1] =	stream.indirect.gather [hbm4b:s3+s6], $0x20, s16, s6, $0xb8;
	[tilespmem:$0x12110] =	vst v63  }
0x3d0: {  	s21 =	simm.s32 $0xD110;
	s19 =	sld [smem:$0x7F7]  }
0x3d1: {  	[tilespmem:s21], [sflag:$0x1] =	stream.indirect.gather [hbm4b:s3+s6], $0x20, s18, s6, $0xb8;
	[tilespmem:$0x12110] =	vst v63  }
0x3d2: {  	s22 =	simm.s32 $0xDB10;
	s20 =	sld [smem:$0x7F8]  }
0x3d3: {  	[tilespmem:s22], [sflag:$0x1] =	stream.indirect.gather [hbm4b:s3+s6], $0x20, s19, s6, $0xb8;
	[tilespmem:$0x12110] =	vst v63  }
0x3d4: {  	s21 =	sld [smem:$0x7F9]  }
0x3d5: {  	[tilespmem:s1], [sflag:$0x1] =	stream.indirect.gather [hbm4b:s3+s6], $0x20, s20, s6, $0xb8;
	[tilespmem:$0x12110] =	vst v63  }
0x3d6: {  	s28 =	simm.s32 $0xEF10;
	s22 =	sld [smem:$0x7FA]  }
0x3d7: {  	[tilespmem:s28], [sflag:$0x1] =	stream.indirect.gather [hbm4b:s3+s6], $0x20, s21, s6, $0xb8;
	[tilespmem:$0x12110] =	vst v63  }
0x3d8: {  	s23 =	simm.s32 $0xF910;
	s26 =	sld [smem:$0x7FB]  }
0x3d9: {  	[tilespmem:s23], [sflag:$0x1] =	stream.indirect.gather [hbm4b:s3+s6], $0x20, s22, s6, $0xb8;
	[tilespmem:$0x12110] =	vst v63  }
0x3da: {  	s31 =	simm.s32 $0x10310;
	s28 =	sld [smem:$0x7FC]  }
0x3db: {  	[tilespmem:s31], [sflag:$0x1] =	stream.indirect.gather [hbm4b:s3+s6], $0x20, s26, s6, $0xb8;
	[tilespmem:$0x12110] =	vst v63  }
0x3dc: {  	s25 =	simm.s32 $0x10D10;
	s29 =	sld [smem:$0x7FD]  }
0x3dd: {  	[tilespmem:s25], [sflag:$0x1] =	stream.indirect.gather [hbm4b:s3+s6], $0x20, s28, s6, $0xb8;
	[tilespmem:$0x12110] =	vst v63  }
0x3de: {  	_ = 	snop  }
0x3df: {  	[tilespmem:s2], [sflag:$0x1] =	stream.indirect.gather [hbm4b:s3+s6], $0x20, s29, s6, $0xb8;
	[tilespmem:$0x12110] =	vst v63  }
0x3e0: {  	_ =	swait.ge [sflag:s11], $0xFA00  }
0x3e1: {  	[sflag:s11] =	ssyncset.done $0x0  }
0x3e2: {  	s30 =	rddreg [dreg:$0x7];
	[sflag:s11] =	ssyncadd.s32 $0xFFFF0600  }
0x3e3: {  	[hbm4b:s30+s24] =	stream.linear.scatter [tilespmem:s17], [sflag:$0x2], $0xFA00, $0x38;
	[tilespmem:$0x12110] =	vst v63  }
0x3e4: {  	_ =	swait.ge [sflag:s4], $0xFA00  }
0x3e5: {  	[sflag:s4] =	ssyncset.done $0x0  }
0x3e6: {  	[sflag:s4] =	ssyncadd.s32 $0xFFFF0600  }
0x3e7: {  	_ =	sfence.sel $0x180000  }
0x3e8: {  	[bflag:$0x0] =	sbarrier.arrive $0xFFFF  }
0x3e9: {  	_ =	strace $0x90000047  }
0x3ea: {  	s31 =	stileid.u32;
	[bflag:$0x2] =	sbarrier.arrive $0xFFFF  }
0x3eb: {  	p0 =	sne.s32 s31, $0x0;
	s0 =	rddreg [dreg:$0x1]  }
0x3ec: {  	s0 =	sadd.s32 @!p0 $0x100000, s0  }
0x3ed: {  	[sflag:s0] =	ssyncadd.tile.s32 @!p0 $0x1;
	_ =	shalt  }
.Lfunc_end2:
_tile_overlayer_lowered:
.L_overlay_start_2:
0x3ee: {  	(tag) =	ssettag $0x2  }
0x3ef: {  	s0 =	rddreg [dreg:$0x0];
	s2 =	stileid.u32  }
0x3f0: {  	s1 =	rddreg [dreg:$0x1];
	p0 =	sne.s32 s2, $0x0  }
0x3f1: {  	s3 =	rddreg [dreg:$0x2];
	[bflag:$0x3] =	sbarrier.arrive $0xFFFF;
	s2 =	simm.s32 @!p0 $0x1C02  }
0x3f2: {  	[timem:s3], [sflag:s2] =	dma.local @!p0 [hbm:s0], s1  }
0x3f3: {  	s0 =	simm.s32 @!p0 $0x2  }
0x3f4: {  	_ =	swait.ge @!p0 [sflag:s0], s1  }
0x3f5: {  	s1 =	ssub.s32 @!p0 $0x0, s1;
	[sflag:s0] =	ssyncset.done @!p0 $0x0  }
0x3f6: {  	[sflag:s0] =	ssyncadd.s32 @!p0 s1  }
0x3f7: {  	[bflag:$0x3] =	sbarrier.arrive $0xFFFF  }
0x3f8: {  	_ =	shalt  }

</sc_bundles>
